<compile_context>
chip_gen: v7x
topology: tpu7x:2x2x1
jax: 0.10.2.dev20260603
libtpu: 0.0.44.dev20260713+nightly
codegen_flags: <defaults>
</compile_context>

<pallas_src>
import functools

import jax
import jax.numpy as jnp
from jax import lax
from jax.experimental import pallas as pl
from jax.experimental.pallas import tpu as pltpu
from jax.experimental.pallas import tpu_sc as plsc

NUM_NODES = 10000
EMBED = 256
HALF = 128
E = 160000

M_BLK = 400
N_SUB = 16
EDGES_PER_TILE = E // N_SUB
BATCH = 512
N_BATCH = 20
PAD = N_BATCH * BATCH - EDGES_PER_TILE
ACC_ROWS = NUM_NODES + 8
SLAB = 624
ZCH = 104
BF = jnp.bfloat16



def _k1a_body(nid_ref, wemb_ref, bemb_ref, h0_ref):
    h0_ref[...] = jnp.dot(nid_ref[...].astype(BF), wemb_ref[...].astype(BF),
                          preferred_element_type=jnp.float32) + bemb_ref[...]


def _k1a(node_ids, w_emb, b_emb2d):
    grid = (NUM_NODES // M_BLK,)
    return pl.pallas_call(
        _k1a_body,
        grid=grid,
        in_specs=[
            pl.BlockSpec((M_BLK, NUM_NODES), lambda i: (i, 0)),
            pl.BlockSpec((NUM_NODES, EMBED), lambda i: (0, 0)),
            pl.BlockSpec((1, EMBED), lambda i: (0, 0)),
        ],
        out_specs=pl.BlockSpec((M_BLK, EMBED), lambda i: (i, 0)),
        out_shape=jax.ShapeDtypeStruct((NUM_NODES, EMBED), jnp.float32),
    )(node_ids, w_emb, b_emb2d)


def _k1b_body(h0_ref, w1_ref, dinv_ref, y0_ref, y1_ref):
    y = jnp.dot(h0_ref[...], w1_ref[...],
                preferred_element_type=jnp.float32) * dinv_ref[...]
    y0_ref[...] = y[:, :HALF].astype(BF)
    y1_ref[...] = y[:, HALF:].astype(BF)


def _k1b(h0, w1, dinv2d):
    blk = 1000
    grid = (NUM_NODES // blk,)
    yh = jax.ShapeDtypeStruct((NUM_NODES, HALF), BF)
    return pl.pallas_call(
        _k1b_body,
        grid=grid,
        in_specs=[
            pl.BlockSpec((blk, EMBED), lambda i: (i, 0)),
            pl.BlockSpec((EMBED, EMBED), lambda i: (0, 0)),
            pl.BlockSpec((blk, 1), lambda i: (i, 0)),
        ],
        out_specs=[
            pl.BlockSpec((blk, HALF), lambda i: (i, 0)),
            pl.BlockSpec((blk, HALF), lambda i: (i, 0)),
        ],
        out_shape=[yh, yh],
    )(h0, w1, dinv2d)


def _k3_body(a0_ref, a1_ref, y0_ref, y1_ref, dinv_ref, b1_ref, w2_ref,
             o0_ref, o1_ref):
    d = dinv_ref[...]
    h1a = (a0_ref[...].astype(jnp.float32) + y0_ref[...].astype(jnp.float32)) * d
    h1b = (a1_ref[...].astype(jnp.float32) + y1_ref[...].astype(jnp.float32)) * d
    h1 = jax.nn.relu(jnp.concatenate([h1a, h1b], axis=1) + b1_ref[...])
    y2 = jnp.dot(h1, w2_ref[...], preferred_element_type=jnp.float32) * d
    o0_ref[...] = y2[:, :HALF].astype(BF)
    o1_ref[...] = y2[:, HALF:].astype(BF)


def _k3(aggs, ys, dinv2d, b1_2d, w2):
    blk = 1000
    grid = (NUM_NODES // blk,)
    half_in = pl.BlockSpec((blk, HALF), lambda i: (i, 0))
    yh = jax.ShapeDtypeStruct((NUM_NODES, HALF), BF)
    return pl.pallas_call(
        _k3_body,
        grid=grid,
        in_specs=[half_in, half_in, half_in, half_in,
                  pl.BlockSpec((blk, 1), lambda i: (i, 0)),
                  pl.BlockSpec((1, EMBED), lambda i: (0, 0)),
                  pl.BlockSpec((EMBED, EMBED), lambda i: (0, 0))],
        out_specs=[half_in, half_in],
        out_shape=[yh, yh],
    )(*aggs, *ys, dinv2d, b1_2d, w2)


def _k5_body(a0_ref, a1_ref, y0_ref, y1_ref, dinv_ref, b2_ref, h0_ref,
             out_ref):
    d = dinv_ref[...]
    oa = (a0_ref[...].astype(jnp.float32) + y0_ref[...].astype(jnp.float32)) * d
    ob = (a1_ref[...].astype(jnp.float32) + y1_ref[...].astype(jnp.float32)) * d
    out_ref[...] = jnp.concatenate([oa, ob], axis=1) + b2_ref[...] + h0_ref[...]


def _k5(aggs, ys, dinv2d, b2_2d, h0):
    blk = 1000
    grid = (NUM_NODES // blk,)
    half_in = pl.BlockSpec((blk, HALF), lambda i: (i, 0))
    return pl.pallas_call(
        _k5_body,
        grid=grid,
        in_specs=[half_in, half_in, half_in, half_in,
                  pl.BlockSpec((blk, 1), lambda i: (i, 0)),
                  pl.BlockSpec((1, EMBED), lambda i: (0, 0)),
                  pl.BlockSpec((blk, EMBED), lambda i: (i, 0))],
        out_specs=pl.BlockSpec((blk, EMBED), lambda i: (i, 0)),
        out_shape=jax.ShapeDtypeStruct((NUM_NODES, EMBED), jnp.float32),
    )(*aggs, *ys, dinv2d, b2_2d, h0)



def _sc_agg_body(y0_hbm, y1_hbm, src_hbm, dst_hbm, out0_hbm, out1_hbm,
                 idx_v, rr_v, g0, g1, s0, s1, agg_sh):
    c = lax.axis_index("c")
    s = lax.axis_index("s")
    base = s * SLAB

    pltpu.sync_copy(src_hbm.at[s], idx_v.at[0])
    pltpu.sync_copy(dst_hbm.at[s], idx_v.at[1])

    def _zero_row(i, carry):
        for j in range(HALF // 32):
            rr_v[0, i, pl.ds(j * 32, 32)] = jnp.zeros((32,), BF)
        return carry
    lax.fori_loop(0, ZCH, _zero_row, 0)
    for i in range(SLAB // ZCH):
        pltpu.sync_copy(rr_v.at[0, pl.ds(0, ZCH), :],
                        agg_sh.at[pl.ds(base + i * ZCH, ZCH), :])

    @pl.when(s == N_SUB - 1)
    def _zero_tail():
        pltpu.sync_copy(rr_v.at[0, pl.ds(0, 24), :],
                        agg_sh.at[pl.ds(N_SUB * SLAB, 24), :])

    plsc.subcore_barrier()

    def _run(y_ref):
        rbuf = rr_v.at[0]
        rbuf1 = rr_v.at[1]

        def gather(b, r, sem):
            pltpu.async_copy(y_ref.at[idx_v.at[0, b]], r, sem)

        def scatter(b, r, sem):
            pltpu.async_copy(r, agg_sh.at[idx_v.at[1, b]], sem, add=True)

        def wait_gather(r, sem):
            pltpu.make_async_copy(y_ref.at[idx_v.at[0, 0]], r, sem).wait()

        def wait_scatter(r, sem):
            pltpu.make_async_copy(r, agg_sh.at[idx_v.at[1, 0]], sem).wait()

        gather(0, rbuf, g0)
        gather(1, rbuf1, g1)

        def body(p, carry):
            b = 2 * p
            wait_gather(rbuf, g0)
            scatter(b, rbuf, s0)
            wait_gather(rbuf1, g1)
            scatter(b + 1, rbuf1, s1)

            @pl.when(b + 2 < N_BATCH)
            def _next0():
                wait_scatter(rbuf, s0)
                gather(b + 2, rbuf, g0)

            @pl.when(b + 3 < N_BATCH)
            def _next1():
                wait_scatter(rbuf1, s1)
                gather(b + 3, rbuf1, g1)
            return carry
        lax.fori_loop(0, N_BATCH // 2, body, 0)
        if N_BATCH % 2:
            wait_gather(rbuf, g0)
            scatter(N_BATCH - 1, rbuf, s0)
        wait_scatter(rbuf, s0)
        wait_scatter(rbuf1, s1)

    pl.when(c == 0)(lambda: _run(y0_hbm))
    pl.when(c == 1)(lambda: _run(y1_hbm))
    plsc.subcore_barrier()

    def _writeback(out_ref):
        pltpu.sync_copy(agg_sh.at[pl.ds(base, SLAB), :],
                        out_ref.at[pl.ds(base, SLAB), :])

        @pl.when(s == N_SUB - 1)
        def _tail():
            pltpu.sync_copy(agg_sh.at[pl.ds(N_SUB * SLAB, 16), :],
                            out_ref.at[pl.ds(N_SUB * SLAB, 16), :])

    pl.when(c == 0)(lambda: _writeback(out0_hbm))
    pl.when(c == 1)(lambda: _writeback(out1_hbm))


def _sc_agg(ys, src3, dst3):
    mesh = plsc.VectorSubcoreMesh(core_axis_name="c", subcore_axis_name="s")
    yh = jax.ShapeDtypeStruct((NUM_NODES, HALF), BF)
    return pl.kernel(
        _sc_agg_body,
        out_type=[yh, yh],
        mesh=mesh,
        compiler_params=pltpu.CompilerParams(use_tc_tiling_on_sc=False),
        scratch_types=[
            pltpu.VMEM((2, N_BATCH, BATCH), jnp.int32),
            pltpu.VMEM((2, BATCH, HALF), BF),
            pltpu.SemaphoreType.DMA,
            pltpu.SemaphoreType.DMA,
            pltpu.SemaphoreType.DMA,
            pltpu.SemaphoreType.DMA,
            pltpu.VMEM_SHARED((ACC_ROWS, HALF), BF),
        ],
    )(*ys, src3, dst3)


def kernel(node_ids, edge_index, W_emb, b_emb, W1, b1, W2, b2):
    src = edge_index[0]
    dst = edge_index[1]
    pad_src = (jnp.arange(PAD, dtype=jnp.int32) * 89) % NUM_NODES
    pad_dst = NUM_NODES + (jnp.arange(PAD, dtype=jnp.int32) % 8)
    src3 = jnp.concatenate(
        [src.reshape(N_SUB, EDGES_PER_TILE),
         jnp.broadcast_to(pad_src, (N_SUB, PAD))], axis=1
    ).reshape(N_SUB, N_BATCH, BATCH)
    dst3 = jnp.concatenate(
        [dst.reshape(N_SUB, EDGES_PER_TILE),
         jnp.broadcast_to(pad_dst, (N_SUB, PAD))], axis=1
    ).reshape(N_SUB, N_BATCH, BATCH)

    deg = jnp.ones((NUM_NODES,), jnp.float32).at[dst].add(1.0)
    dinv2d = lax.rsqrt(deg)[:, None]

    h0 = _k1a(node_ids, W_emb, b_emb[None, :])
    y1_0, y1_1 = _k1b(h0, W1, dinv2d)
    a1 = _sc_agg((y1_0, y1_1), src3, dst3)
    y2 = _k3(a1, (y1_0, y1_1), dinv2d, b1[None, :], W2)
    a2 = _sc_agg(y2, src3, dst3)
    return _k5(a2, y2, dinv2d, b2[None, :], h0)

# --- scband reference (transcript-rebuilt; emitter-appended) ---
"""Pipeline reference for scband-gcn-41867341201800 (READ-ONLY COPY).

The authoritative reference and input builder live on the scoring server;
editing this copy changes nothing except your own understanding.
"""

import jax, jax.numpy as jnp
import numpy as np

NUM_NODES = 10000
EMBED = 256
HIDDEN = 256
OUT = 256
E = 160000


def setup_inputs(seed: int = 0) -> dict:
    key = jax.random.key(seed)
    ks = jax.random.split(key, 10)
    node_ids = jax.random.normal(ks[0], (NUM_NODES, NUM_NODES), dtype=jnp.float32)
    edge_index = jax.random.randint(ks[1], (2, E), 0, NUM_NODES, dtype=jnp.int32)
    W_emb = jax.random.normal(ks[2], (NUM_NODES, EMBED), dtype=jnp.float32) * 0.01
    b_emb = jnp.zeros((EMBED,), dtype=jnp.float32)
    W1 = jax.random.normal(ks[3], (EMBED, HIDDEN), dtype=jnp.float32) * 0.05
    b1 = jnp.zeros((HIDDEN,), dtype=jnp.float32)
    W2 = jax.random.normal(ks[4], (HIDDEN, OUT), dtype=jnp.float32) * 0.05
    b2 = jnp.zeros((OUT,), dtype=jnp.float32)
    return {"node_ids": node_ids, "edge_index": edge_index, "W_emb": W_emb, "b_emb": b_emb,
            "W1": W1, "b1": b1, "W2": W2, "b2": b2}


def gcn_conv(x, edge_index, W, b):
    # Faithful GCNConv: x @ W, add self-loops, symmetric deg normalization, scatter-add, bias
    n = x.shape[0]
    x = x @ W
    loop = jnp.arange(n, dtype=edge_index.dtype)
    src = jnp.concatenate([edge_index[0], loop])
    dst = jnp.concatenate([edge_index[1], loop])
    deg = jnp.zeros((n,), dtype=x.dtype).at[dst].add(1.0)
    dinv = jnp.where(deg > 0, jax.lax.rsqrt(jnp.maximum(deg, 1e-12)), 0.0)
    norm = dinv[src] * dinv[dst]
    msg = x[src] * norm[:, None]
    out = jnp.zeros_like(x).at[dst].add(msg)
    return out + b


def reference(node_ids, edge_index, W_emb, b_emb, W1, b1, W2, b2):
    # node_emb linear
    h0 = node_ids @ W_emb + b_emb
    h = gcn_conv(h0, edge_index, W1, b1)
    h = jax.nn.relu(h)  # dropout is identity in eval mode
    h = gcn_conv(h, edge_index, W2, b2)
    return h + h0

if __name__ == "__main__":
    import jax
    _d = setup_inputs()
    print(jax.jit(kernel)(*tuple(_d.values())))

</pallas_src>

<mosaic_0001>
#map = affine_map<(d0, d1) -> (0, 0)>
#map1 = affine_map<(d0, d1) -> (0, 0, 0)>
module attributes {stable_mosaic.version = 14 : i64} {
  func.func @_sc_agg_body(%arg0: i32, %arg1: i32, %arg2: memref<10000x128xbf16, #tpu.memory_space<hbm>>, %arg3: memref<10000x128xbf16, #tpu.memory_space<hbm>>, %arg4: memref<16x20x512xi32, #tpu.memory_space<hbm>>, %arg5: memref<16x20x512xi32, #tpu.memory_space<hbm>>, %arg6: memref<10000x128xbf16, #tpu.memory_space<hbm>>, %arg7: memref<10000x128xbf16, #tpu.memory_space<hbm>>, %arg8: memref<2x20x512xi32, #tpu.memory_space<vmem>>, %arg9: memref<2x512x128xbf16, #tpu.memory_space<vmem>>, %arg10: memref<!tpu.dma_semaphore, #tpu.memory_space<semaphore_mem>>, %arg11: memref<!tpu.dma_semaphore, #tpu.memory_space<semaphore_mem>>, %arg12: memref<!tpu.dma_semaphore, #tpu.memory_space<semaphore_mem>>, %arg13: memref<!tpu.dma_semaphore, #tpu.memory_space<semaphore_mem>>, %arg14: memref<10008x128xbf16, #tpu.memory_space<vmem_shared>>) attributes {dimension_semantics = [#tpu.dimension_semantics<core_parallel>, #tpu.dimension_semantics<subcore_parallel>], iteration_bounds = array<i64: 2, 16>, scalar_prefetch = 0 : i64, scratch_operands = 7 : i64, tpu.core_type = #tpu.core_type<sc_vector_subcore>, window_params = [{transform_indices = #map}, {transform_indices = #map}, {transform_indices = #map1}, {transform_indices = #map1}, {transform_indices = #map}, {transform_indices = #map}]} {
    %mul3A = arith.constant 624 : i32
    %mul3A_0 = arith.muli %arg1, %mul3A : i32
    %run_scoped3A = arith.constant 0 : i32
    "tpu.region"() ({
      %run_scoped3A_47 = tpu.sem_alloc : memref<!tpu.dma_semaphore, #tpu.memory_space<semaphore_mem>>
      %dma_start3A = arith.constant 0 : i32
      %dma_start3A_48 = arith.constant 0 : i32
      %dma_start3A_49 = tpu.memref_slice %arg8[%run_scoped3A, %dma_start3A, %dma_start3A_48] : memref<2x20x512xi32, #tpu.memory_space<vmem>> -> memref<1x20x512xi32, #tpu.memory_space<vmem>>
      %dma_start3A_50 = tpu.memref_squeeze %dma_start3A_49 : memref<1x20x512xi32, #tpu.memory_space<vmem>> -> memref<20x512xi32, #tpu.memory_space<vmem>>
      %dma_start3A_51 = arith.constant 0 : i32
      %dma_start3A_52 = arith.constant 0 : i32
      %dma_start3A_53 = tpu.memref_slice %arg4[%arg1, %dma_start3A_51, %dma_start3A_52] : memref<16x20x512xi32, #tpu.memory_space<hbm>> -> memref<1x20x512xi32, #tpu.memory_space<hbm>>
      %dma_start3A_54 = tpu.memref_squeeze %dma_start3A_53 : memref<1x20x512xi32, #tpu.memory_space<hbm>> -> memref<20x512xi32, #tpu.memory_space<hbm>>
      %dma_start3A_55 = arith.constant 0 : i32
      %dma_start3A_56 = arith.constant 0 : i32
      %dma_start3A_57 = tpu.memref_slice %arg8[%run_scoped3A, %dma_start3A_55, %dma_start3A_56] : memref<2x20x512xi32, #tpu.memory_space<vmem>> -> memref<1x20x512xi32, #tpu.memory_space<vmem>>
      %dma_start3A_58 = tpu.memref_squeeze %dma_start3A_57 : memref<1x20x512xi32, #tpu.memory_space<vmem>> -> memref<20x512xi32, #tpu.memory_space<vmem>>
      %dma_start3A_59 = arith.constant 0 : i32
      %dma_start3A_60 = arith.constant 0 : i32
      %dma_start3A_61 = tpu.memref_slice %arg4[%arg1, %dma_start3A_59, %dma_start3A_60] : memref<16x20x512xi32, #tpu.memory_space<hbm>> -> memref<1x20x512xi32, #tpu.memory_space<hbm>>
      %dma_start3A_62 = tpu.memref_squeeze %dma_start3A_61 : memref<1x20x512xi32, #tpu.memory_space<hbm>> -> memref<20x512xi32, #tpu.memory_space<hbm>>
      tpu.enqueue_dma source(%dma_start3A_62 : memref<20x512xi32, #tpu.memory_space<hbm>>) target(%dma_start3A_58 : memref<20x512xi32, #tpu.memory_space<vmem>>) target_semaphore(%run_scoped3A_47 : memref<!tpu.dma_semaphore, #tpu.memory_space<semaphore_mem>>)
      %dma_wait3A = arith.constant 0 : i32
      %dma_wait3A_63 = arith.constant 0 : i32
      %dma_wait3A_64 = tpu.memref_slice %arg8[%run_scoped3A, %dma_wait3A, %dma_wait3A_63] : memref<2x20x512xi32, #tpu.memory_space<vmem>> -> memref<1x20x512xi32, #tpu.memory_space<vmem>>
      %dma_wait3A_65 = tpu.memref_squeeze %dma_wait3A_64 : memref<1x20x512xi32, #tpu.memory_space<vmem>> -> memref<20x512xi32, #tpu.memory_space<vmem>>
      %dma_wait3A_66 = arith.constant 0 : i32
      %dma_wait3A_67 = arith.constant 0 : i32
      %dma_wait3A_68 = tpu.memref_slice %arg4[%arg1, %dma_wait3A_66, %dma_wait3A_67] : memref<16x20x512xi32, #tpu.memory_space<hbm>> -> memref<1x20x512xi32, #tpu.memory_space<hbm>>
      %dma_wait3A_69 = tpu.memref_squeeze %dma_wait3A_68 : memref<1x20x512xi32, #tpu.memory_space<hbm>> -> memref<20x512xi32, #tpu.memory_space<hbm>>
      %dma_wait3A_70 = arith.constant 0 : i32
      %dma_wait3A_71 = arith.constant 0 : i32
      %dma_wait3A_72 = tpu.memref_slice %arg8[%run_scoped3A, %dma_wait3A_70, %dma_wait3A_71] : memref<2x20x512xi32, #tpu.memory_space<vmem>> -> memref<1x20x512xi32, #tpu.memory_space<vmem>>
      %dma_wait3A_73 = tpu.memref_squeeze %dma_wait3A_72 : memref<1x20x512xi32, #tpu.memory_space<vmem>> -> memref<20x512xi32, #tpu.memory_space<vmem>>
      %dma_wait3A_74 = arith.constant 0 : i32
      %dma_wait3A_75 = arith.constant 0 : i32
      %dma_wait3A_76 = tpu.memref_slice %arg4[%arg1, %dma_wait3A_74, %dma_wait3A_75] : memref<16x20x512xi32, #tpu.memory_space<hbm>> -> memref<1x20x512xi32, #tpu.memory_space<hbm>>
      %dma_wait3A_77 = tpu.memref_squeeze %dma_wait3A_76 : memref<1x20x512xi32, #tpu.memory_space<hbm>> -> memref<20x512xi32, #tpu.memory_space<hbm>>
      tpu.wait_dma2 semaphore(%run_scoped3A_47 : memref<!tpu.dma_semaphore, #tpu.memory_space<semaphore_mem>>) src(%dma_wait3A_77 : memref<20x512xi32, #tpu.memory_space<hbm>>) dst(%dma_wait3A_73 : memref<20x512xi32, #tpu.memory_space<vmem>>)
      tpu.yield
    }) : () -> ()
    %run_scoped3A_1 = arith.constant 1 : i32
    "tpu.region"() ({
      %run_scoped3A_47 = tpu.sem_alloc : memref<!tpu.dma_semaphore, #tpu.memory_space<semaphore_mem>>
      %dma_start3A = arith.constant 0 : i32
      %dma_start3A_48 = arith.constant 0 : i32
      %dma_start3A_49 = tpu.memref_slice %arg8[%run_scoped3A_1, %dma_start3A, %dma_start3A_48] : memref<2x20x512xi32, #tpu.memory_space<vmem>> -> memref<1x20x512xi32, #tpu.memory_space<vmem>>
      %dma_start3A_50 = tpu.memref_squeeze %dma_start3A_49 : memref<1x20x512xi32, #tpu.memory_space<vmem>> -> memref<20x512xi32, #tpu.memory_space<vmem>>
      %dma_start3A_51 = arith.constant 0 : i32
      %dma_start3A_52 = arith.constant 0 : i32
      %dma_start3A_53 = tpu.memref_slice %arg5[%arg1, %dma_start3A_51, %dma_start3A_52] : memref<16x20x512xi32, #tpu.memory_space<hbm>> -> memref<1x20x512xi32, #tpu.memory_space<hbm>>
      %dma_start3A_54 = tpu.memref_squeeze %dma_start3A_53 : memref<1x20x512xi32, #tpu.memory_space<hbm>> -> memref<20x512xi32, #tpu.memory_space<hbm>>
      %dma_start3A_55 = arith.constant 0 : i32
      %dma_start3A_56 = arith.constant 0 : i32
      %dma_start3A_57 = tpu.memref_slice %arg8[%run_scoped3A_1, %dma_start3A_55, %dma_start3A_56] : memref<2x20x512xi32, #tpu.memory_space<vmem>> -> memref<1x20x512xi32, #tpu.memory_space<vmem>>
      %dma_start3A_58 = tpu.memref_squeeze %dma_start3A_57 : memref<1x20x512xi32, #tpu.memory_space<vmem>> -> memref<20x512xi32, #tpu.memory_space<vmem>>
      %dma_start3A_59 = arith.constant 0 : i32
      %dma_start3A_60 = arith.constant 0 : i32
      %dma_start3A_61 = tpu.memref_slice %arg5[%arg1, %dma_start3A_59, %dma_start3A_60] : memref<16x20x512xi32, #tpu.memory_space<hbm>> -> memref<1x20x512xi32, #tpu.memory_space<hbm>>
      %dma_start3A_62 = tpu.memref_squeeze %dma_start3A_61 : memref<1x20x512xi32, #tpu.memory_space<hbm>> -> memref<20x512xi32, #tpu.memory_space<hbm>>
      tpu.enqueue_dma source(%dma_start3A_62 : memref<20x512xi32, #tpu.memory_space<hbm>>) target(%dma_start3A_58 : memref<20x512xi32, #tpu.memory_space<vmem>>) target_semaphore(%run_scoped3A_47 : memref<!tpu.dma_semaphore, #tpu.memory_space<semaphore_mem>>)
      %dma_wait3A = arith.constant 0 : i32
      %dma_wait3A_63 = arith.constant 0 : i32
      %dma_wait3A_64 = tpu.memref_slice %arg8[%run_scoped3A_1, %dma_wait3A, %dma_wait3A_63] : memref<2x20x512xi32, #tpu.memory_space<vmem>> -> memref<1x20x512xi32, #tpu.memory_space<vmem>>
      %dma_wait3A_65 = tpu.memref_squeeze %dma_wait3A_64 : memref<1x20x512xi32, #tpu.memory_space<vmem>> -> memref<20x512xi32, #tpu.memory_space<vmem>>
      %dma_wait3A_66 = arith.constant 0 : i32
      %dma_wait3A_67 = arith.constant 0 : i32
      %dma_wait3A_68 = tpu.memref_slice %arg5[%arg1, %dma_wait3A_66, %dma_wait3A_67] : memref<16x20x512xi32, #tpu.memory_space<hbm>> -> memref<1x20x512xi32, #tpu.memory_space<hbm>>
      %dma_wait3A_69 = tpu.memref_squeeze %dma_wait3A_68 : memref<1x20x512xi32, #tpu.memory_space<hbm>> -> memref<20x512xi32, #tpu.memory_space<hbm>>
      %dma_wait3A_70 = arith.constant 0 : i32
      %dma_wait3A_71 = arith.constant 0 : i32
      %dma_wait3A_72 = tpu.memref_slice %arg8[%run_scoped3A_1, %dma_wait3A_70, %dma_wait3A_71] : memref<2x20x512xi32, #tpu.memory_space<vmem>> -> memref<1x20x512xi32, #tpu.memory_space<vmem>>
      %dma_wait3A_73 = tpu.memref_squeeze %dma_wait3A_72 : memref<1x20x512xi32, #tpu.memory_space<vmem>> -> memref<20x512xi32, #tpu.memory_space<vmem>>
      %dma_wait3A_74 = arith.constant 0 : i32
      %dma_wait3A_75 = arith.constant 0 : i32
      %dma_wait3A_76 = tpu.memref_slice %arg5[%arg1, %dma_wait3A_74, %dma_wait3A_75] : memref<16x20x512xi32, #tpu.memory_space<hbm>> -> memref<1x20x512xi32, #tpu.memory_space<hbm>>
      %dma_wait3A_77 = tpu.memref_squeeze %dma_wait3A_76 : memref<1x20x512xi32, #tpu.memory_space<hbm>> -> memref<20x512xi32, #tpu.memory_space<hbm>>
      tpu.wait_dma2 semaphore(%run_scoped3A_47 : memref<!tpu.dma_semaphore, #tpu.memory_space<semaphore_mem>>) src(%dma_wait3A_77 : memref<20x512xi32, #tpu.memory_space<hbm>>) dst(%dma_wait3A_73 : memref<20x512xi32, #tpu.memory_space<vmem>>)
      tpu.yield
    }) : () -> ()
    %scan3A = arith.constant 0 : i32
    %scan3A_2 = arith.constant 0 : i32
    %scan3A_3 = arith.constant 104 : i32
    %scan3A_4 = arith.addi %scan3A_2, %scan3A_3 : i32
    %scan3A_5 = arith.constant 1 : i32
    scf.for %scan3A_47 = %scan3A_2 to %scan3A_4 step %scan3A_5  : i32 {
      %broadcast_in_dim3A = arith.constant 0.000000e+00 : bf16
      %broadcast_in_dim3A_48 = vector.broadcast %broadcast_in_dim3A : bf16 to vector<32xbf16>
      %swap3A = arith.constant 0 : i32
      %swap3A_49 = arith.index_cast %swap3A : i32 to index
      %swap3A_50 = arith.index_cast %scan3A_47 : i32 to index
      %swap3A_51 = arith.constant 0 : index
      %swap3A_52 = tpu.vector_load %arg9[%swap3A_49, %swap3A_50, %swap3A_51] {strides = array<i32>} : memref<2x512x128xbf16, #tpu.memory_space<vmem>>, vector<1x1x32xbf16>,
      %swap3A_53 = vector.shape_cast %swap3A_52 : vector<1x1x32xbf16> to vector<32xbf16>
      %swap3A_54 = vector.shape_cast %broadcast_in_dim3A_48 : vector<32xbf16> to vector<1x1x32xbf16>
      tpu.vector_store %arg9[%swap3A_49, %swap3A_50, %swap3A_51], %swap3A_54 {strides = array<i32>} : memref<2x512x128xbf16, #tpu.memory_space<vmem>>, vector<1x1x32xbf16>,
      %broadcast_in_dim3A_55 = arith.constant 0.000000e+00 : bf16
      %broadcast_in_dim3A_56 = vector.broadcast %broadcast_in_dim3A_55 : bf16 to vector<32xbf16>
      %swap3A_57 = arith.constant 0 : i32
      %swap3A_58 = arith.index_cast %swap3A_57 : i32 to index
      %swap3A_59 = arith.index_cast %scan3A_47 : i32 to index
      %swap3A_60 = arith.constant 32 : index
      %swap3A_61 = tpu.vector_load %arg9[%swap3A_58, %swap3A_59, %swap3A_60] {strides = array<i32>} : memref<2x512x128xbf16, #tpu.memory_space<vmem>>, vector<1x1x32xbf16>,
      %swap3A_62 = vector.shape_cast %swap3A_61 : vector<1x1x32xbf16> to vector<32xbf16>
      %swap3A_63 = vector.shape_cast %broadcast_in_dim3A_56 : vector<32xbf16> to vector<1x1x32xbf16>
      tpu.vector_store %arg9[%swap3A_58, %swap3A_59, %swap3A_60], %swap3A_63 {strides = array<i32>} : memref<2x512x128xbf16, #tpu.memory_space<vmem>>, vector<1x1x32xbf16>,
      %broadcast_in_dim3A_64 = arith.constant 0.000000e+00 : bf16
      %broadcast_in_dim3A_65 = vector.broadcast %broadcast_in_dim3A_64 : bf16 to vector<32xbf16>
      %swap3A_66 = arith.constant 0 : i32
      %swap3A_67 = arith.index_cast %swap3A_66 : i32 to index
      %swap3A_68 = arith.index_cast %scan3A_47 : i32 to index
      %swap3A_69 = arith.constant 64 : index
      %swap3A_70 = tpu.vector_load %arg9[%swap3A_67, %swap3A_68, %swap3A_69] {strides = array<i32>} : memref<2x512x128xbf16, #tpu.memory_space<vmem>>, vector<1x1x32xbf16>,
      %swap3A_71 = vector.shape_cast %swap3A_70 : vector<1x1x32xbf16> to vector<32xbf16>
      %swap3A_72 = vector.shape_cast %broadcast_in_dim3A_65 : vector<32xbf16> to vector<1x1x32xbf16>
      tpu.vector_store %arg9[%swap3A_67, %swap3A_68, %swap3A_69], %swap3A_72 {strides = array<i32>} : memref<2x512x128xbf16, #tpu.memory_space<vmem>>, vector<1x1x32xbf16>,
      %broadcast_in_dim3A_73 = arith.constant 0.000000e+00 : bf16
      %broadcast_in_dim3A_74 = vector.broadcast %broadcast_in_dim3A_73 : bf16 to vector<32xbf16>
      %swap3A_75 = arith.constant 0 : i32
      %swap3A_76 = arith.index_cast %swap3A_75 : i32 to index
      %swap3A_77 = arith.index_cast %scan3A_47 : i32 to index
      %swap3A_78 = arith.constant 96 : index
      %swap3A_79 = tpu.vector_load %arg9[%swap3A_76, %swap3A_77, %swap3A_78] {strides = array<i32>} : memref<2x512x128xbf16, #tpu.memory_space<vmem>>, vector<1x1x32xbf16>,
      %swap3A_80 = vector.shape_cast %swap3A_79 : vector<1x1x32xbf16> to vector<32xbf16>
      %swap3A_81 = vector.shape_cast %broadcast_in_dim3A_74 : vector<32xbf16> to vector<1x1x32xbf16>
      tpu.vector_store %arg9[%swap3A_76, %swap3A_77, %swap3A_78], %swap3A_81 {strides = array<i32>} : memref<2x512x128xbf16, #tpu.memory_space<vmem>>, vector<1x1x32xbf16>,
    }
    %scan3A_6 = arith.constant 104 : i32
    %add3A = arith.constant 0 : i32
    %add3A_7 = arith.addi %mul3A_0, %add3A : i32
    %run_scoped3A_8 = arith.constant 0 : i32
    "tpu.region"() ({
      %run_scoped3A_47 = tpu.sem_alloc : memref<!tpu.dma_semaphore, #tpu.memory_space<semaphore_mem>>
      %dma_start3A = arith.constant 0 : i32
      %dma_start3A_48 = arith.constant 0 : i32
      %dma_start3A_49 = tpu.memref_slice %arg9[%run_scoped3A_8, %dma_start3A, %dma_start3A_48] : memref<2x512x128xbf16, #tpu.memory_space<vmem>> -> memref<1x104x128xbf16, #tpu.memory_space<vmem>>
      %dma_start3A_50 = tpu.memref_squeeze %dma_start3A_49 : memref<1x104x128xbf16, #tpu.memory_space<vmem>> -> memref<104x128xbf16, #tpu.memory_space<vmem>>
      %dma_start3A_51 = arith.constant 0 : i32
      %dma_start3A_52 = tpu.memref_slice %arg14[%add3A_7, %dma_start3A_51] : memref<10008x128xbf16, #tpu.memory_space<vmem_shared>> -> memref<104x128xbf16, #tpu.memory_space<vmem_shared>>
      %dma_start3A_53 = arith.constant 0 : i32
      %dma_start3A_54 = tpu.memref_slice %arg14[%add3A_7, %dma_start3A_53] : memref<10008x128xbf16, #tpu.memory_space<vmem_shared>> -> memref<104x128xbf16, #tpu.memory_space<vmem_shared>>
      %dma_start3A_55 = arith.constant 0 : i32
      %dma_start3A_56 = arith.constant 0 : i32
      %dma_start3A_57 = tpu.memref_slice %arg9[%run_scoped3A_8, %dma_start3A_55, %dma_start3A_56] : memref<2x512x128xbf16, #tpu.memory_space<vmem>> -> memref<1x104x128xbf16, #tpu.memory_space<vmem>>
      %dma_start3A_58 = tpu.memref_squeeze %dma_start3A_57 : memref<1x104x128xbf16, #tpu.memory_space<vmem>> -> memref<104x128xbf16, #tpu.memory_space<vmem>>
      tpu.enqueue_dma source(%dma_start3A_58 : memref<104x128xbf16, #tpu.memory_space<vmem>>) target(%dma_start3A_54 : memref<104x128xbf16, #tpu.memory_space<vmem_shared>>) target_semaphore(%run_scoped3A_47 : memref<!tpu.dma_semaphore, #tpu.memory_space<semaphore_mem>>)
      %dma_wait3A = arith.constant 0 : i32
      %dma_wait3A_59 = arith.constant 0 : i32
      %dma_wait3A_60 = tpu.memref_slice %arg9[%run_scoped3A_8, %dma_wait3A, %dma_wait3A_59] : memref<2x512x128xbf16, #tpu.memory_space<vmem>> -> memref<1x104x128xbf16, #tpu.memory_space<vmem>>
      %dma_wait3A_61 = tpu.memref_squeeze %dma_wait3A_60 : memref<1x104x128xbf16, #tpu.memory_space<vmem>> -> memref<104x128xbf16, #tpu.memory_space<vmem>>
      %dma_wait3A_62 = arith.constant 0 : i32
      %dma_wait3A_63 = tpu.memref_slice %arg14[%add3A_7, %dma_wait3A_62] : memref<10008x128xbf16, #tpu.memory_space<vmem_shared>> -> memref<104x128xbf16, #tpu.memory_space<vmem_shared>>
      %dma_wait3A_64 = arith.constant 0 : i32
      %dma_wait3A_65 = tpu.memref_slice %arg14[%add3A_7, %dma_wait3A_64] : memref<10008x128xbf16, #tpu.memory_space<vmem_shared>> -> memref<104x128xbf16, #tpu.memory_space<vmem_shared>>
      %dma_wait3A_66 = arith.constant 0 : i32
      %dma_wait3A_67 = arith.constant 0 : i32
      %dma_wait3A_68 = tpu.memref_slice %arg9[%run_scoped3A_8, %dma_wait3A_66, %dma_wait3A_67] : memref<2x512x128xbf16, #tpu.memory_space<vmem>> -> memref<1x104x128xbf16, #tpu.memory_space<vmem>>
      %dma_wait3A_69 = tpu.memref_squeeze %dma_wait3A_68 : memref<1x104x128xbf16, #tpu.memory_space<vmem>> -> memref<104x128xbf16, #tpu.memory_space<vmem>>
      tpu.wait_dma2 semaphore(%run_scoped3A_47 : memref<!tpu.dma_semaphore, #tpu.memory_space<semaphore_mem>>) src(%dma_wait3A_69 : memref<104x128xbf16, #tpu.memory_space<vmem>>) dst(%dma_wait3A_65 : memref<104x128xbf16, #tpu.memory_space<vmem_shared>>)
      tpu.yield
    }) : () -> ()
    %add3A_9 = arith.constant 104 : i32
    %add3A_10 = arith.addi %mul3A_0, %add3A_9 : i32
    %run_scoped3A_11 = arith.constant 0 : i32
    "tpu.region"() ({
      %run_scoped3A_47 = tpu.sem_alloc : memref<!tpu.dma_semaphore, #tpu.memory_space<semaphore_mem>>
      %dma_start3A = arith.constant 0 : i32
      %dma_start3A_48 = arith.constant 0 : i32
      %dma_start3A_49 = tpu.memref_slice %arg9[%run_scoped3A_11, %dma_start3A, %dma_start3A_48] : memref<2x512x128xbf16, #tpu.memory_space<vmem>> -> memref<1x104x128xbf16, #tpu.memory_space<vmem>>
      %dma_start3A_50 = tpu.memref_squeeze %dma_start3A_49 : memref<1x104x128xbf16, #tpu.memory_space<vmem>> -> memref<104x128xbf16, #tpu.memory_space<vmem>>
      %dma_start3A_51 = arith.constant 0 : i32
      %dma_start3A_52 = tpu.memref_slice %arg14[%add3A_10, %dma_start3A_51] : memref<10008x128xbf16, #tpu.memory_space<vmem_shared>> -> memref<104x128xbf16, #tpu.memory_space<vmem_shared>>
      %dma_start3A_53 = arith.constant 0 : i32
      %dma_start3A_54 = tpu.memref_slice %arg14[%add3A_10, %dma_start3A_53] : memref<10008x128xbf16, #tpu.memory_space<vmem_shared>> -> memref<104x128xbf16, #tpu.memory_space<vmem_shared>>
      %dma_start3A_55 = arith.constant 0 : i32
      %dma_start3A_56 = arith.constant 0 : i32
      %dma_start3A_57 = tpu.memref_slice %arg9[%run_scoped3A_11, %dma_start3A_55, %dma_start3A_56] : memref<2x512x128xbf16, #tpu.memory_space<vmem>> -> memref<1x104x128xbf16, #tpu.memory_space<vmem>>
      %dma_start3A_58 = tpu.memref_squeeze %dma_start3A_57 : memref<1x104x128xbf16, #tpu.memory_space<vmem>> -> memref<104x128xbf16, #tpu.memory_space<vmem>>
      tpu.enqueue_dma source(%dma_start3A_58 : memref<104x128xbf16, #tpu.memory_space<vmem>>) target(%dma_start3A_54 : memref<104x128xbf16, #tpu.memory_space<vmem_shared>>) target_semaphore(%run_scoped3A_47 : memref<!tpu.dma_semaphore, #tpu.memory_space<semaphore_mem>>)
      %dma_wait3A = arith.constant 0 : i32
      %dma_wait3A_59 = arith.constant 0 : i32
      %dma_wait3A_60 = tpu.memref_slice %arg9[%run_scoped3A_11, %dma_wait3A, %dma_wait3A_59] : memref<2x512x128xbf16, #tpu.memory_space<vmem>> -> memref<1x104x128xbf16, #tpu.memory_space<vmem>>
      %dma_wait3A_61 = tpu.memref_squeeze %dma_wait3A_60 : memref<1x104x128xbf16, #tpu.memory_space<vmem>> -> memref<104x128xbf16, #tpu.memory_space<vmem>>
      %dma_wait3A_62 = arith.constant 0 : i32
      %dma_wait3A_63 = tpu.memref_slice %arg14[%add3A_10, %dma_wait3A_62] : memref<10008x128xbf16, #tpu.memory_space<vmem_shared>> -> memref<104x128xbf16, #tpu.memory_space<vmem_shared>>
      %dma_wait3A_64 = arith.constant 0 : i32
      %dma_wait3A_65 = tpu.memref_slice %arg14[%add3A_10, %dma_wait3A_64] : memref<10008x128xbf16, #tpu.memory_space<vmem_shared>> -> memref<104x128xbf16, #tpu.memory_space<vmem_shared>>
      %dma_wait3A_66 = arith.constant 0 : i32
      %dma_wait3A_67 = arith.constant 0 : i32
      %dma_wait3A_68 = tpu.memref_slice %arg9[%run_scoped3A_11, %dma_wait3A_66, %dma_wait3A_67] : memref<2x512x128xbf16, #tpu.memory_space<vmem>> -> memref<1x104x128xbf16, #tpu.memory_space<vmem>>
      %dma_wait3A_69 = tpu.memref_squeeze %dma_wait3A_68 : memref<1x104x128xbf16, #tpu.memory_space<vmem>> -> memref<104x128xbf16, #tpu.memory_space<vmem>>
      tpu.wait_dma2 semaphore(%run_scoped3A_47 : memref<!tpu.dma_semaphore, #tpu.memory_space<semaphore_mem>>) src(%dma_wait3A_69 : memref<104x128xbf16, #tpu.memory_space<vmem>>) dst(%dma_wait3A_65 : memref<104x128xbf16, #tpu.memory_space<vmem_shared>>)
      tpu.yield
    }) : () -> ()
    %add3A_12 = arith.constant 208 : i32
    %add3A_13 = arith.addi %mul3A_0, %add3A_12 : i32
    %run_scoped3A_14 = arith.constant 0 : i32
    "tpu.region"() ({
      %run_scoped3A_47 = tpu.sem_alloc : memref<!tpu.dma_semaphore, #tpu.memory_space<semaphore_mem>>
      %dma_start3A = arith.constant 0 : i32
      %dma_start3A_48 = arith.constant 0 : i32
      %dma_start3A_49 = tpu.memref_slice %arg9[%run_scoped3A_14, %dma_start3A, %dma_start3A_48] : memref<2x512x128xbf16, #tpu.memory_space<vmem>> -> memref<1x104x128xbf16, #tpu.memory_space<vmem>>
      %dma_start3A_50 = tpu.memref_squeeze %dma_start3A_49 : memref<1x104x128xbf16, #tpu.memory_space<vmem>> -> memref<104x128xbf16, #tpu.memory_space<vmem>>
      %dma_start3A_51 = arith.constant 0 : i32
      %dma_start3A_52 = tpu.memref_slice %arg14[%add3A_13, %dma_start3A_51] : memref<10008x128xbf16, #tpu.memory_space<vmem_shared>> -> memref<104x128xbf16, #tpu.memory_space<vmem_shared>>
      %dma_start3A_53 = arith.constant 0 : i32
      %dma_start3A_54 = tpu.memref_slice %arg14[%add3A_13, %dma_start3A_53] : memref<10008x128xbf16, #tpu.memory_space<vmem_shared>> -> memref<104x128xbf16, #tpu.memory_space<vmem_shared>>
      %dma_start3A_55 = arith.constant 0 : i32
      %dma_start3A_56 = arith.constant 0 : i32
      %dma_start3A_57 = tpu.memref_slice %arg9[%run_scoped3A_14, %dma_start3A_55, %dma_start3A_56] : memref<2x512x128xbf16, #tpu.memory_space<vmem>> -> memref<1x104x128xbf16, #tpu.memory_space<vmem>>
      %dma_start3A_58 = tpu.memref_squeeze %dma_start3A_57 : memref<1x104x128xbf16, #tpu.memory_space<vmem>> -> memref<104x128xbf16, #tpu.memory_space<vmem>>
      tpu.enqueue_dma source(%dma_start3A_58 : memref<104x128xbf16, #tpu.memory_space<vmem>>) target(%dma_start3A_54 : memref<104x128xbf16, #tpu.memory_space<vmem_shared>>) target_semaphore(%run_scoped3A_47 : memref<!tpu.dma_semaphore, #tpu.memory_space<semaphore_mem>>)
      %dma_wait3A = arith.constant 0 : i32
      %dma_wait3A_59 = arith.constant 0 : i32
      %dma_wait3A_60 = tpu.memref_slice %arg9[%run_scoped3A_14, %dma_wait3A, %dma_wait3A_59] : memref<2x512x128xbf16, #tpu.memory_space<vmem>> -> memref<1x104x128xbf16, #tpu.memory_space<vmem>>
      %dma_wait3A_61 = tpu.memref_squeeze %dma_wait3A_60 : memref<1x104x128xbf16, #tpu.memory_space<vmem>> -> memref<104x128xbf16, #tpu.memory_space<vmem>>
      %dma_wait3A_62 = arith.constant 0 : i32
      %dma_wait3A_63 = tpu.memref_slice %arg14[%add3A_13, %dma_wait3A_62] : memref<10008x128xbf16, #tpu.memory_space<vmem_shared>> -> memref<104x128xbf16, #tpu.memory_space<vmem_shared>>
      %dma_wait3A_64 = arith.constant 0 : i32
      %dma_wait3A_65 = tpu.memref_slice %arg14[%add3A_13, %dma_wait3A_64] : memref<10008x128xbf16, #tpu.memory_space<vmem_shared>> -> memref<104x128xbf16, #tpu.memory_space<vmem_shared>>
      %dma_wait3A_66 = arith.constant 0 : i32
      %dma_wait3A_67 = arith.constant 0 : i32
      %dma_wait3A_68 = tpu.memref_slice %arg9[%run_scoped3A_14, %dma_wait3A_66, %dma_wait3A_67] : memref<2x512x128xbf16, #tpu.memory_space<vmem>> -> memref<1x104x128xbf16, #tpu.memory_space<vmem>>
      %dma_wait3A_69 = tpu.memref_squeeze %dma_wait3A_68 : memref<1x104x128xbf16, #tpu.memory_space<vmem>> -> memref<104x128xbf16, #tpu.memory_space<vmem>>
      tpu.wait_dma2 semaphore(%run_scoped3A_47 : memref<!tpu.dma_semaphore, #tpu.memory_space<semaphore_mem>>) src(%dma_wait3A_69 : memref<104x128xbf16, #tpu.memory_space<vmem>>) dst(%dma_wait3A_65 : memref<104x128xbf16, #tpu.memory_space<vmem_shared>>)
      tpu.yield
    }) : () -> ()
    %add3A_15 = arith.constant 312 : i32
    %add3A_16 = arith.addi %mul3A_0, %add3A_15 : i32
    %run_scoped3A_17 = arith.constant 0 : i32
    "tpu.region"() ({
      %run_scoped3A_47 = tpu.sem_alloc : memref<!tpu.dma_semaphore, #tpu.memory_space<semaphore_mem>>
      %dma_start3A = arith.constant 0 : i32
      %dma_start3A_48 = arith.constant 0 : i32
      %dma_start3A_49 = tpu.memref_slice %arg9[%run_scoped3A_17, %dma_start3A, %dma_start3A_48] : memref<2x512x128xbf16, #tpu.memory_space<vmem>> -> memref<1x104x128xbf16, #tpu.memory_space<vmem>>
      %dma_start3A_50 = tpu.memref_squeeze %dma_start3A_49 : memref<1x104x128xbf16, #tpu.memory_space<vmem>> -> memref<104x128xbf16, #tpu.memory_space<vmem>>
      %dma_start3A_51 = arith.constant 0 : i32
      %dma_start3A_52 = tpu.memref_slice %arg14[%add3A_16, %dma_start3A_51] : memref<10008x128xbf16, #tpu.memory_space<vmem_shared>> -> memref<104x128xbf16, #tpu.memory_space<vmem_shared>>
      %dma_start3A_53 = arith.constant 0 : i32
      %dma_start3A_54 = tpu.memref_slice %arg14[%add3A_16, %dma_start3A_53] : memref<10008x128xbf16, #tpu.memory_space<vmem_shared>> -> memref<104x128xbf16, #tpu.memory_space<vmem_shared>>
      %dma_start3A_55 = arith.constant 0 : i32
      %dma_start3A_56 = arith.constant 0 : i32
      %dma_start3A_57 = tpu.memref_slice %arg9[%run_scoped3A_17, %dma_start3A_55, %dma_start3A_56] : memref<2x512x128xbf16, #tpu.memory_space<vmem>> -> memref<1x104x128xbf16, #tpu.memory_space<vmem>>
      %dma_start3A_58 = tpu.memref_squeeze %dma_start3A_57 : memref<1x104x128xbf16, #tpu.memory_space<vmem>> -> memref<104x128xbf16, #tpu.memory_space<vmem>>
      tpu.enqueue_dma source(%dma_start3A_58 : memref<104x128xbf16, #tpu.memory_space<vmem>>) target(%dma_start3A_54 : memref<104x128xbf16, #tpu.memory_space<vmem_shared>>) target_semaphore(%run_scoped3A_47 : memref<!tpu.dma_semaphore, #tpu.memory_space<semaphore_mem>>)
      %dma_wait3A = arith.constant 0 : i32
      %dma_wait3A_59 = arith.constant 0 : i32
      %dma_wait3A_60 = tpu.memref_slice %arg9[%run_scoped3A_17, %dma_wait3A, %dma_wait3A_59] : memref<2x512x128xbf16, #tpu.memory_space<vmem>> -> memref<1x104x128xbf16, #tpu.memory_space<vmem>>
      %dma_wait3A_61 = tpu.memref_squeeze %dma_wait3A_60 : memref<1x104x128xbf16, #tpu.memory_space<vmem>> -> memref<104x128xbf16, #tpu.memory_space<vmem>>
      %dma_wait3A_62 = arith.constant 0 : i32
      %dma_wait3A_63 = tpu.memref_slice %arg14[%add3A_16, %dma_wait3A_62] : memref<10008x128xbf16, #tpu.memory_space<vmem_shared>> -> memref<104x128xbf16, #tpu.memory_space<vmem_shared>>
      %dma_wait3A_64 = arith.constant 0 : i32
      %dma_wait3A_65 = tpu.memref_slice %arg14[%add3A_16, %dma_wait3A_64] : memref<10008x128xbf16, #tpu.memory_space<vmem_shared>> -> memref<104x128xbf16, #tpu.memory_space<vmem_shared>>
      %dma_wait3A_66 = arith.constant 0 : i32
      %dma_wait3A_67 = arith.constant 0 : i32
      %dma_wait3A_68 = tpu.memref_slice %arg9[%run_scoped3A_17, %dma_wait3A_66, %dma_wait3A_67] : memref<2x512x128xbf16, #tpu.memory_space<vmem>> -> memref<1x104x128xbf16, #tpu.memory_space<vmem>>
      %dma_wait3A_69 = tpu.memref_squeeze %dma_wait3A_68 : memref<1x104x128xbf16, #tpu.memory_space<vmem>> -> memref<104x128xbf16, #tpu.memory_space<vmem>>
      tpu.wait_dma2 semaphore(%run_scoped3A_47 : memref<!tpu.dma_semaphore, #tpu.memory_space<semaphore_mem>>) src(%dma_wait3A_69 : memref<104x128xbf16, #tpu.memory_space<vmem>>) dst(%dma_wait3A_65 : memref<104x128xbf16, #tpu.memory_space<vmem_shared>>)
      tpu.yield
    }) : () -> ()
    %add3A_18 = arith.constant 416 : i32
    %add3A_19 = arith.addi %mul3A_0, %add3A_18 : i32
    %run_scoped3A_20 = arith.constant 0 : i32
    "tpu.region"() ({
      %run_scoped3A_47 = tpu.sem_alloc : memref<!tpu.dma_semaphore, #tpu.memory_space<semaphore_mem>>
      %dma_start3A = arith.constant 0 : i32
      %dma_start3A_48 = arith.constant 0 : i32
      %dma_start3A_49 = tpu.memref_slice %arg9[%run_scoped3A_20, %dma_start3A, %dma_start3A_48] : memref<2x512x128xbf16, #tpu.memory_space<vmem>> -> memref<1x104x128xbf16, #tpu.memory_space<vmem>>
      %dma_start3A_50 = tpu.memref_squeeze %dma_start3A_49 : memref<1x104x128xbf16, #tpu.memory_space<vmem>> -> memref<104x128xbf16, #tpu.memory_space<vmem>>
      %dma_start3A_51 = arith.constant 0 : i32
      %dma_start3A_52 = tpu.memref_slice %arg14[%add3A_19, %dma_start3A_51] : memref<10008x128xbf16, #tpu.memory_space<vmem_shared>> -> memref<104x128xbf16, #tpu.memory_space<vmem_shared>>
      %dma_start3A_53 = arith.constant 0 : i32
      %dma_start3A_54 = tpu.memref_slice %arg14[%add3A_19, %dma_start3A_53] : memref<10008x128xbf16, #tpu.memory_space<vmem_shared>> -> memref<104x128xbf16, #tpu.memory_space<vmem_shared>>
      %dma_start3A_55 = arith.constant 0 : i32
      %dma_start3A_56 = arith.constant 0 : i32
      %dma_start3A_57 = tpu.memref_slice %arg9[%run_scoped3A_20, %dma_start3A_55, %dma_start3A_56] : memref<2x512x128xbf16, #tpu.memory_space<vmem>> -> memref<1x104x128xbf16, #tpu.memory_space<vmem>>
      %dma_start3A_58 = tpu.memref_squeeze %dma_start3A_57 : memref<1x104x128xbf16, #tpu.memory_space<vmem>> -> memref<104x128xbf16, #tpu.memory_space<vmem>>
      tpu.enqueue_dma source(%dma_start3A_58 : memref<104x128xbf16, #tpu.memory_space<vmem>>) target(%dma_start3A_54 : memref<104x128xbf16, #tpu.memory_space<vmem_shared>>) target_semaphore(%run_scoped3A_47 : memref<!tpu.dma_semaphore, #tpu.memory_space<semaphore_mem>>)
      %dma_wait3A = arith.constant 0 : i32
      %dma_wait3A_59 = arith.constant 0 : i32
      %dma_wait3A_60 = tpu.memref_slice %arg9[%run_scoped3A_20, %dma_wait3A, %dma_wait3A_59] : memref<2x512x128xbf16, #tpu.memory_space<vmem>> -> memref<1x104x128xbf16, #tpu.memory_space<vmem>>
      %dma_wait3A_61 = tpu.memref_squeeze %dma_wait3A_60 : memref<1x104x128xbf16, #tpu.memory_space<vmem>> -> memref<104x128xbf16, #tpu.memory_space<vmem>>
      %dma_wait3A_62 = arith.constant 0 : i32
      %dma_wait3A_63 = tpu.memref_slice %arg14[%add3A_19, %dma_wait3A_62] : memref<10008x128xbf16, #tpu.memory_space<vmem_shared>> -> memref<104x128xbf16, #tpu.memory_space<vmem_shared>>
      %dma_wait3A_64 = arith.constant 0 : i32
      %dma_wait3A_65 = tpu.memref_slice %arg14[%add3A_19, %dma_wait3A_64] : memref<10008x128xbf16, #tpu.memory_space<vmem_shared>> -> memref<104x128xbf16, #tpu.memory_space<vmem_shared>>
      %dma_wait3A_66 = arith.constant 0 : i32
      %dma_wait3A_67 = arith.constant 0 : i32
      %dma_wait3A_68 = tpu.memref_slice %arg9[%run_scoped3A_20, %dma_wait3A_66, %dma_wait3A_67] : memref<2x512x128xbf16, #tpu.memory_space<vmem>> -> memref<1x104x128xbf16, #tpu.memory_space<vmem>>
      %dma_wait3A_69 = tpu.memref_squeeze %dma_wait3A_68 : memref<1x104x128xbf16, #tpu.memory_space<vmem>> -> memref<104x128xbf16, #tpu.memory_space<vmem>>
      tpu.wait_dma2 semaphore(%run_scoped3A_47 : memref<!tpu.dma_semaphore, #tpu.memory_space<semaphore_mem>>) src(%dma_wait3A_69 : memref<104x128xbf16, #tpu.memory_space<vmem>>) dst(%dma_wait3A_65 : memref<104x128xbf16, #tpu.memory_space<vmem_shared>>)
      tpu.yield
    }) : () -> ()
    %add3A_21 = arith.constant 520 : i32
    %add3A_22 = arith.addi %mul3A_0, %add3A_21 : i32
    %run_scoped3A_23 = arith.constant 0 : i32
    "tpu.region"() ({
      %run_scoped3A_47 = tpu.sem_alloc : memref<!tpu.dma_semaphore, #tpu.memory_space<semaphore_mem>>
      %dma_start3A = arith.constant 0 : i32
      %dma_start3A_48 = arith.constant 0 : i32
      %dma_start3A_49 = tpu.memref_slice %arg9[%run_scoped3A_23, %dma_start3A, %dma_start3A_48] : memref<2x512x128xbf16, #tpu.memory_space<vmem>> -> memref<1x104x128xbf16, #tpu.memory_space<vmem>>
      %dma_start3A_50 = tpu.memref_squeeze %dma_start3A_49 : memref<1x104x128xbf16, #tpu.memory_space<vmem>> -> memref<104x128xbf16, #tpu.memory_space<vmem>>
      %dma_start3A_51 = arith.constant 0 : i32
      %dma_start3A_52 = tpu.memref_slice %arg14[%add3A_22, %dma_start3A_51] : memref<10008x128xbf16, #tpu.memory_space<vmem_shared>> -> memref<104x128xbf16, #tpu.memory_space<vmem_shared>>
      %dma_start3A_53 = arith.constant 0 : i32
      %dma_start3A_54 = tpu.memref_slice %arg14[%add3A_22, %dma_start3A_53] : memref<10008x128xbf16, #tpu.memory_space<vmem_shared>> -> memref<104x128xbf16, #tpu.memory_space<vmem_shared>>
      %dma_start3A_55 = arith.constant 0 : i32
      %dma_start3A_56 = arith.constant 0 : i32
      %dma_start3A_57 = tpu.memref_slice %arg9[%run_scoped3A_23, %dma_start3A_55, %dma_start3A_56] : memref<2x512x128xbf16, #tpu.memory_space<vmem>> -> memref<1x104x128xbf16, #tpu.memory_space<vmem>>
      %dma_start3A_58 = tpu.memref_squeeze %dma_start3A_57 : memref<1x104x128xbf16, #tpu.memory_space<vmem>> -> memref<104x128xbf16, #tpu.memory_space<vmem>>
      tpu.enqueue_dma source(%dma_start3A_58 : memref<104x128xbf16, #tpu.memory_space<vmem>>) target(%dma_start3A_54 : memref<104x128xbf16, #tpu.memory_space<vmem_shared>>) target_semaphore(%run_scoped3A_47 : memref<!tpu.dma_semaphore, #tpu.memory_space<semaphore_mem>>)
      %dma_wait3A = arith.constant 0 : i32
      %dma_wait3A_59 = arith.constant 0 : i32
      %dma_wait3A_60 = tpu.memref_slice %arg9[%run_scoped3A_23, %dma_wait3A, %dma_wait3A_59] : memref<2x512x128xbf16, #tpu.memory_space<vmem>> -> memref<1x104x128xbf16, #tpu.memory_space<vmem>>
      %dma_wait3A_61 = tpu.memref_squeeze %dma_wait3A_60 : memref<1x104x128xbf16, #tpu.memory_space<vmem>> -> memref<104x128xbf16, #tpu.memory_space<vmem>>
      %dma_wait3A_62 = arith.constant 0 : i32
      %dma_wait3A_63 = tpu.memref_slice %arg14[%add3A_22, %dma_wait3A_62] : memref<10008x128xbf16, #tpu.memory_space<vmem_shared>> -> memref<104x128xbf16, #tpu.memory_space<vmem_shared>>
      %dma_wait3A_64 = arith.constant 0 : i32
      %dma_wait3A_65 = tpu.memref_slice %arg14[%add3A_22, %dma_wait3A_64] : memref<10008x128xbf16, #tpu.memory_space<vmem_shared>> -> memref<104x128xbf16, #tpu.memory_space<vmem_shared>>
      %dma_wait3A_66 = arith.constant 0 : i32
      %dma_wait3A_67 = arith.constant 0 : i32
      %dma_wait3A_68 = tpu.memref_slice %arg9[%run_scoped3A_23, %dma_wait3A_66, %dma_wait3A_67] : memref<2x512x128xbf16, #tpu.memory_space<vmem>> -> memref<1x104x128xbf16, #tpu.memory_space<vmem>>
      %dma_wait3A_69 = tpu.memref_squeeze %dma_wait3A_68 : memref<1x104x128xbf16, #tpu.memory_space<vmem>> -> memref<104x128xbf16, #tpu.memory_space<vmem>>
      tpu.wait_dma2 semaphore(%run_scoped3A_47 : memref<!tpu.dma_semaphore, #tpu.memory_space<semaphore_mem>>) src(%dma_wait3A_69 : memref<104x128xbf16, #tpu.memory_space<vmem>>) dst(%dma_wait3A_65 : memref<104x128xbf16, #tpu.memory_space<vmem_shared>>)
      tpu.yield
    }) : () -> ()
    %eq3A = arith.constant 15 : i32
    %eq3A_24 = arith.cmpi eq, %arg1, %eq3A : i32
    %convert_element_type3A = arith.extui %eq3A_24 : i1 to i32
    %cond3A = arith.constant 0 : i32
    %cond3A_25 = arith.cmpi ne, %convert_element_type3A, %cond3A : i32
    scf.if %cond3A_25 {
      %run_scoped3A_47 = arith.constant 0 : i32
      "tpu.region"() ({
        %run_scoped3A_48 = tpu.sem_alloc : memref<!tpu.dma_semaphore, #tpu.memory_space<semaphore_mem>>
        %dma_start3A = arith.constant 0 : i32
        %dma_start3A_49 = arith.constant 0 : i32
        %dma_start3A_50 = tpu.memref_slice %arg9[%run_scoped3A_47, %dma_start3A, %dma_start3A_49] : memref<2x512x128xbf16, #tpu.memory_space<vmem>> -> memref<1x24x128xbf16, #tpu.memory_space<vmem>>
        %dma_start3A_51 = tpu.memref_squeeze %dma_start3A_50 : memref<1x24x128xbf16, #tpu.memory_space<vmem>> -> memref<24x128xbf16, #tpu.memory_space<vmem>>
        %dma_start3A_52 = arith.constant 9984 : i32
        %dma_start3A_53 = arith.constant 0 : i32
        %dma_start3A_54 = tpu.memref_slice %arg14[%dma_start3A_52, %dma_start3A_53] : memref<10008x128xbf16, #tpu.memory_space<vmem_shared>> -> memref<24x128xbf16, #tpu.memory_space<vmem_shared>>
        %dma_start3A_55 = arith.constant 9984 : i32
        %dma_start3A_56 = arith.constant 0 : i32
        %dma_start3A_57 = tpu.memref_slice %arg14[%dma_start3A_55, %dma_start3A_56] : memref<10008x128xbf16, #tpu.memory_space<vmem_shared>> -> memref<24x128xbf16, #tpu.memory_space<vmem_shared>>
        %dma_start3A_58 = arith.constant 0 : i32
        %dma_start3A_59 = arith.constant 0 : i32
        %dma_start3A_60 = tpu.memref_slice %arg9[%run_scoped3A_47, %dma_start3A_58, %dma_start3A_59] : memref<2x512x128xbf16, #tpu.memory_space<vmem>> -> memref<1x24x128xbf16, #tpu.memory_space<vmem>>
        %dma_start3A_61 = tpu.memref_squeeze %dma_start3A_60 : memref<1x24x128xbf16, #tpu.memory_space<vmem>> -> memref<24x128xbf16, #tpu.memory_space<vmem>>
        tpu.enqueue_dma source(%dma_start3A_61 : memref<24x128xbf16, #tpu.memory_space<vmem>>) target(%dma_start3A_57 : memref<24x128xbf16, #tpu.memory_space<vmem_shared>>) target_semaphore(%run_scoped3A_48 : memref<!tpu.dma_semaphore, #tpu.memory_space<semaphore_mem>>)
        %dma_wait3A = arith.constant 0 : i32
        %dma_wait3A_62 = arith.constant 0 : i32
        %dma_wait3A_63 = tpu.memref_slice %arg9[%run_scoped3A_47, %dma_wait3A, %dma_wait3A_62] : memref<2x512x128xbf16, #tpu.memory_space<vmem>> -> memref<1x24x128xbf16, #tpu.memory_space<vmem>>
        %dma_wait3A_64 = tpu.memref_squeeze %dma_wait3A_63 : memref<1x24x128xbf16, #tpu.memory_space<vmem>> -> memref<24x128xbf16, #tpu.memory_space<vmem>>
        %dma_wait3A_65 = arith.constant 9984 : i32
        %dma_wait3A_66 = arith.constant 0 : i32
        %dma_wait3A_67 = tpu.memref_slice %arg14[%dma_wait3A_65, %dma_wait3A_66] : memref<10008x128xbf16, #tpu.memory_space<vmem_shared>> -> memref<24x128xbf16, #tpu.memory_space<vmem_shared>>
        %dma_wait3A_68 = arith.constant 9984 : i32
        %dma_wait3A_69 = arith.constant 0 : i32
        %dma_wait3A_70 = tpu.memref_slice %arg14[%dma_wait3A_68, %dma_wait3A_69] : memref<10008x128xbf16, #tpu.memory_space<vmem_shared>> -> memref<24x128xbf16, #tpu.memory_space<vmem_shared>>
        %dma_wait3A_71 = arith.constant 0 : i32
        %dma_wait3A_72 = arith.constant 0 : i32
        %dma_wait3A_73 = tpu.memref_slice %arg9[%run_scoped3A_47, %dma_wait3A_71, %dma_wait3A_72] : memref<2x512x128xbf16, #tpu.memory_space<vmem>> -> memref<1x24x128xbf16, #tpu.memory_space<vmem>>
        %dma_wait3A_74 = tpu.memref_squeeze %dma_wait3A_73 : memref<1x24x128xbf16, #tpu.memory_space<vmem>> -> memref<24x128xbf16, #tpu.memory_space<vmem>>
        tpu.wait_dma2 semaphore(%run_scoped3A_48 : memref<!tpu.dma_semaphore, #tpu.memory_space<semaphore_mem>>) src(%dma_wait3A_74 : memref<24x128xbf16, #tpu.memory_space<vmem>>) dst(%dma_wait3A_70 : memref<24x128xbf16, #tpu.memory_space<vmem_shared>>)
        tpu.yield
      }) : () -> ()
    } else {
    }
    %barrier3A = arith.constant 0 : index
    tpu.barrier barrier_id(%barrier3A)
    %eq3A_26 = arith.constant 0 : i32
    %eq3A_27 = arith.cmpi eq, %arg0, %eq3A_26 : i32
    %convert_element_type3A_28 = arith.extui %eq3A_27 : i1 to i32
    %cond3A_29 = arith.constant 0 : i32
    %cond3A_30 = arith.cmpi ne, %convert_element_type3A_28, %cond3A_29 : i32
    scf.if %cond3A_30 {
      %dma_start3A = arith.constant 0 : i32
      %dma_start3A_47 = arith.constant 0 : i32
      %dma_start3A_48 = arith.constant 0 : i32
      %dma_start3A_49 = arith.constant 0 : i32
      %dma_start3A_50 = arith.constant 0 : i32
      %dma_start3A_51 = tpu.memref_slice %arg9[%dma_start3A_48, %dma_start3A_49, %dma_start3A_50] : memref<2x512x128xbf16, #tpu.memory_space<vmem>> -> memref<1x512x128xbf16, #tpu.memory_space<vmem>>
      %dma_start3A_52 = tpu.memref_squeeze %dma_start3A_51 : memref<1x512x128xbf16, #tpu.memory_space<vmem>> -> memref<512x128xbf16, #tpu.memory_space<vmem>>
      %dma_start3A_53 = arith.constant 0 : i32
      %dma_start3A_54 = tpu.memref_slice %arg8[%dma_start3A, %dma_start3A_47, %dma_start3A_53] : memref<2x20x512xi32, #tpu.memory_space<vmem>> -> memref<1x1x512xi32, #tpu.memory_space<vmem>>
      %dma_start3A_55 = tpu.memref_squeeze %dma_start3A_54 : memref<1x1x512xi32, #tpu.memory_space<vmem>> -> memref<512xi32, #tpu.memory_space<vmem>>
      %dma_start3A_56 = arith.constant 0 : i32
      %dma_start3A_57 = arith.constant 0 : i32
      %dma_start3A_58 = tpu.memref_slice %arg2[%dma_start3A_56, %dma_start3A_57] : memref<10000x128xbf16, #tpu.memory_space<hbm>> -> memref<10000x128xbf16, #tpu.memory_space<hbm>>
      tpu.enqueue_indirect_dma source(%dma_start3A_58 : memref<10000x128xbf16, #tpu.memory_space<hbm>>) target(%dma_start3A_52 : memref<512x128xbf16, #tpu.memory_space<vmem>>) offsets(%dma_start3A_55 : memref<512xi32, #tpu.memory_space<vmem>>) semaphore(%arg10 : memref<!tpu.dma_semaphore, #tpu.memory_space<semaphore_mem>>)
      %dma_start3A_59 = arith.constant 0 : i32
      %dma_start3A_60 = arith.constant 1 : i32
      %dma_start3A_61 = arith.constant 1 : i32
      %dma_start3A_62 = arith.constant 0 : i32
      %dma_start3A_63 = arith.constant 0 : i32
      %dma_start3A_64 = tpu.memref_slice %arg9[%dma_start3A_61, %dma_start3A_62, %dma_start3A_63] : memref<2x512x128xbf16, #tpu.memory_space<vmem>> -> memref<1x512x128xbf16, #tpu.memory_space<vmem>>
      %dma_start3A_65 = tpu.memref_squeeze %dma_start3A_64 : memref<1x512x128xbf16, #tpu.memory_space<vmem>> -> memref<512x128xbf16, #tpu.memory_space<vmem>>
      %dma_start3A_66 = arith.constant 0 : i32
      %dma_start3A_67 = tpu.memref_slice %arg8[%dma_start3A_59, %dma_start3A_60, %dma_start3A_66] : memref<2x20x512xi32, #tpu.memory_space<vmem>> -> memref<1x1x512xi32, #tpu.memory_space<vmem>>
      %dma_start3A_68 = tpu.memref_squeeze %dma_start3A_67 : memref<1x1x512xi32, #tpu.memory_space<vmem>> -> memref<512xi32, #tpu.memory_space<vmem>>
      %dma_start3A_69 = arith.constant 0 : i32
      %dma_start3A_70 = arith.constant 0 : i32
      %dma_start3A_71 = tpu.memref_slice %arg2[%dma_start3A_69, %dma_start3A_70] : memref<10000x128xbf16, #tpu.memory_space<hbm>> -> memref<10000x128xbf16, #tpu.memory_space<hbm>>
      tpu.enqueue_indirect_dma source(%dma_start3A_71 : memref<10000x128xbf16, #tpu.memory_space<hbm>>) target(%dma_start3A_65 : memref<512x128xbf16, #tpu.memory_space<vmem>>) offsets(%dma_start3A_68 : memref<512xi32, #tpu.memory_space<vmem>>) semaphore(%arg11 : memref<!tpu.dma_semaphore, #tpu.memory_space<semaphore_mem>>)
      %scan3A_72 = arith.constant 0 : i32
      %scan3A_73 = arith.constant 0 : i32
      %scan3A_74 = arith.constant 1 : i32
      %scan3A_75 = arith.constant 0 : i32
      %scan3A_76 = arith.constant 10 : i32
      %scan3A_77 = arith.addi %scan3A_75, %scan3A_76 : i32
      %scan3A_78 = arith.constant 1 : i32
      scf.for %scan3A_105 = %scan3A_75 to %scan3A_77 step %scan3A_78  : i32 {
        %mul3A_106 = arith.constant 2 : i32
        %mul3A_107 = arith.muli %mul3A_106, %scan3A_105 : i32
        %dma_wait3A_108 = arith.constant 0 : i32
        %dma_wait3A_109 = arith.constant 0 : i32
        %dma_wait3A_110 = arith.constant 0 : i32
        %dma_wait3A_111 = arith.constant 0 : i32
        %dma_wait3A_112 = tpu.memref_slice %arg9[%scan3A_73, %dma_wait3A_110, %dma_wait3A_111] : memref<2x512x128xbf16, #tpu.memory_space<vmem>> -> memref<1x512x128xbf16, #tpu.memory_space<vmem>>
        %dma_wait3A_113 = tpu.memref_squeeze %dma_wait3A_112 : memref<1x512x128xbf16, #tpu.memory_space<vmem>> -> memref<512x128xbf16, #tpu.memory_space<vmem>>
        %dma_wait3A_114 = arith.constant 0 : i32
        %dma_wait3A_115 = tpu.memref_slice %arg8[%dma_wait3A_108, %dma_wait3A_109, %dma_wait3A_114] : memref<2x20x512xi32, #tpu.memory_space<vmem>> -> memref<1x1x512xi32, #tpu.memory_space<vmem>>
        %dma_wait3A_116 = tpu.memref_squeeze %dma_wait3A_115 : memref<1x1x512xi32, #tpu.memory_space<vmem>> -> memref<512xi32, #tpu.memory_space<vmem>>
        %dma_wait3A_117 = arith.constant 0 : i32
        %dma_wait3A_118 = arith.constant 0 : i32
        %dma_wait3A_119 = tpu.memref_slice %arg2[%dma_wait3A_117, %dma_wait3A_118] : memref<10000x128xbf16, #tpu.memory_space<hbm>> -> memref<10000x128xbf16, #tpu.memory_space<hbm>>
        tpu.wait_indirect_dma semaphore(%arg10 : memref<!tpu.dma_semaphore, #tpu.memory_space<semaphore_mem>>) src(%dma_wait3A_119 : memref<10000x128xbf16, #tpu.memory_space<hbm>>) dst(%dma_wait3A_113 : memref<512x128xbf16, #tpu.memory_space<vmem>>)
        %dma_start3A_120 = arith.constant 1 : i32
        %dma_start3A_121 = arith.constant 0 : i32
        %dma_start3A_122 = arith.constant 0 : i32
        %dma_start3A_123 = tpu.memref_slice %arg9[%scan3A_73, %dma_start3A_121, %dma_start3A_122] : memref<2x512x128xbf16, #tpu.memory_space<vmem>> -> memref<1x512x128xbf16, #tpu.memory_space<vmem>>
        %dma_start3A_124 = tpu.memref_squeeze %dma_start3A_123 : memref<1x512x128xbf16, #tpu.memory_space<vmem>> -> memref<512x128xbf16, #tpu.memory_space<vmem>>
        %dma_start3A_125 = arith.constant 0 : i32
        %dma_start3A_126 = tpu.memref_slice %arg8[%dma_start3A_120, %mul3A_107, %dma_start3A_125] : memref<2x20x512xi32, #tpu.memory_space<vmem>> -> memref<1x1x512xi32, #tpu.memory_space<vmem>>
        %dma_start3A_127 = tpu.memref_squeeze %dma_start3A_126 : memref<1x1x512xi32, #tpu.memory_space<vmem>> -> memref<512xi32, #tpu.memory_space<vmem>>
        %dma_start3A_128 = arith.constant 0 : i32
        %dma_start3A_129 = arith.constant 0 : i32
        %dma_start3A_130 = tpu.memref_slice %arg14[%dma_start3A_128, %dma_start3A_129] : memref<10008x128xbf16, #tpu.memory_space<vmem_shared>> -> memref<10008x128xbf16, #tpu.memory_space<vmem_shared>>
        tpu.enqueue_indirect_dma source(%dma_start3A_124 : memref<512x128xbf16, #tpu.memory_space<vmem>>) target(%dma_start3A_130 : memref<10008x128xbf16, #tpu.memory_space<vmem_shared>>) offsets(%dma_start3A_127 : memref<512xi32, #tpu.memory_space<vmem>>) semaphore(%arg12 : memref<!tpu.dma_semaphore, #tpu.memory_space<semaphore_mem>>) {add = true}
        %dma_wait3A_131 = arith.constant 0 : i32
        %dma_wait3A_132 = arith.constant 0 : i32
        %dma_wait3A_133 = arith.constant 0 : i32
        %dma_wait3A_134 = arith.constant 0 : i32
        %dma_wait3A_135 = tpu.memref_slice %arg9[%scan3A_74, %dma_wait3A_133, %dma_wait3A_134] : memref<2x512x128xbf16, #tpu.memory_space<vmem>> -> memref<1x512x128xbf16, #tpu.memory_space<vmem>>
        %dma_wait3A_136 = tpu.memref_squeeze %dma_wait3A_135 : memref<1x512x128xbf16, #tpu.memory_space<vmem>> -> memref<512x128xbf16, #tpu.memory_space<vmem>>
        %dma_wait3A_137 = arith.constant 0 : i32
        %dma_wait3A_138 = tpu.memref_slice %arg8[%dma_wait3A_131, %dma_wait3A_132, %dma_wait3A_137] : memref<2x20x512xi32, #tpu.memory_space<vmem>> -> memref<1x1x512xi32, #tpu.memory_space<vmem>>
        %dma_wait3A_139 = tpu.memref_squeeze %dma_wait3A_138 : memref<1x1x512xi32, #tpu.memory_space<vmem>> -> memref<512xi32, #tpu.memory_space<vmem>>
        %dma_wait3A_140 = arith.constant 0 : i32
        %dma_wait3A_141 = arith.constant 0 : i32
        %dma_wait3A_142 = tpu.memref_slice %arg2[%dma_wait3A_140, %dma_wait3A_141] : memref<10000x128xbf16, #tpu.memory_space<hbm>> -> memref<10000x128xbf16, #tpu.memory_space<hbm>>
        tpu.wait_indirect_dma semaphore(%arg11 : memref<!tpu.dma_semaphore, #tpu.memory_space<semaphore_mem>>) src(%dma_wait3A_142 : memref<10000x128xbf16, #tpu.memory_space<hbm>>) dst(%dma_wait3A_136 : memref<512x128xbf16, #tpu.memory_space<vmem>>)
        %add3A_143 = arith.constant 1 : i32
        %add3A_144 = arith.addi %mul3A_107, %add3A_143 : i32
        %dma_start3A_145 = arith.constant 1 : i32
        %dma_start3A_146 = arith.constant 0 : i32
        %dma_start3A_147 = arith.constant 0 : i32
        %dma_start3A_148 = tpu.memref_slice %arg9[%scan3A_74, %dma_start3A_146, %dma_start3A_147] : memref<2x512x128xbf16, #tpu.memory_space<vmem>> -> memref<1x512x128xbf16, #tpu.memory_space<vmem>>
        %dma_start3A_149 = tpu.memref_squeeze %dma_start3A_148 : memref<1x512x128xbf16, #tpu.memory_space<vmem>> -> memref<512x128xbf16, #tpu.memory_space<vmem>>
        %dma_start3A_150 = arith.constant 0 : i32
        %dma_start3A_151 = tpu.memref_slice %arg8[%dma_start3A_145, %add3A_144, %dma_start3A_150] : memref<2x20x512xi32, #tpu.memory_space<vmem>> -> memref<1x1x512xi32, #tpu.memory_space<vmem>>
        %dma_start3A_152 = tpu.memref_squeeze %dma_start3A_151 : memref<1x1x512xi32, #tpu.memory_space<vmem>> -> memref<512xi32, #tpu.memory_space<vmem>>
        %dma_start3A_153 = arith.constant 0 : i32
        %dma_start3A_154 = arith.constant 0 : i32
        %dma_start3A_155 = tpu.memref_slice %arg14[%dma_start3A_153, %dma_start3A_154] : memref<10008x128xbf16, #tpu.memory_space<vmem_shared>> -> memref<10008x128xbf16, #tpu.memory_space<vmem_shared>>
        tpu.enqueue_indirect_dma source(%dma_start3A_149 : memref<512x128xbf16, #tpu.memory_space<vmem>>) target(%dma_start3A_155 : memref<10008x128xbf16, #tpu.memory_space<vmem_shared>>) offsets(%dma_start3A_152 : memref<512xi32, #tpu.memory_space<vmem>>) semaphore(%arg13 : memref<!tpu.dma_semaphore, #tpu.memory_space<semaphore_mem>>) {add = true}
        %add3A_156 = arith.constant 2 : i32
        %add3A_157 = arith.addi %mul3A_107, %add3A_156 : i32
        %lt3A = arith.constant 20 : i32
        %lt3A_158 = arith.cmpi slt, %add3A_157, %lt3A : i32
        %convert_element_type3A_159 = arith.extui %lt3A_158 : i1 to i32
        %cond3A_160 = arith.constant 0 : i32
        %cond3A_161 = arith.cmpi ne, %convert_element_type3A_159, %cond3A_160 : i32
        scf.if %cond3A_161 {
          %dma_wait3A_169 = arith.constant 1 : i32
          %dma_wait3A_170 = arith.constant 0 : i32
          %dma_wait3A_171 = arith.constant 0 : i32
          %dma_wait3A_172 = arith.constant 0 : i32
          %dma_wait3A_173 = tpu.memref_slice %arg9[%scan3A_73, %dma_wait3A_171, %dma_wait3A_172] : memref<2x512x128xbf16, #tpu.memory_space<vmem>> -> memref<1x512x128xbf16, #tpu.memory_space<vmem>>
          %dma_wait3A_174 = tpu.memref_squeeze %dma_wait3A_173 : memref<1x512x128xbf16, #tpu.memory_space<vmem>> -> memref<512x128xbf16, #tpu.memory_space<vmem>>
          %dma_wait3A_175 = arith.constant 0 : i32
          %dma_wait3A_176 = tpu.memref_slice %arg8[%dma_wait3A_169, %dma_wait3A_170, %dma_wait3A_175] : memref<2x20x512xi32, #tpu.memory_space<vmem>> -> memref<1x1x512xi32, #tpu.memory_space<vmem>>
          %dma_wait3A_177 = tpu.memref_squeeze %dma_wait3A_176 : memref<1x1x512xi32, #tpu.memory_space<vmem>> -> memref<512xi32, #tpu.memory_space<vmem>>
          %dma_wait3A_178 = arith.constant 0 : i32
          %dma_wait3A_179 = arith.constant 0 : i32
          %dma_wait3A_180 = tpu.memref_slice %arg14[%dma_wait3A_178, %dma_wait3A_179] : memref<10008x128xbf16, #tpu.memory_space<vmem_shared>> -> memref<10008x128xbf16, #tpu.memory_space<vmem_shared>>
          tpu.wait_indirect_dma semaphore(%arg12 : memref<!tpu.dma_semaphore, #tpu.memory_space<semaphore_mem>>) src(%dma_wait3A_174 : memref<512x128xbf16, #tpu.memory_space<vmem>>) dst(%dma_wait3A_180 : memref<10008x128xbf16, #tpu.memory_space<vmem_shared>>)
          %add3A_181 = arith.constant 2 : i32
          %add3A_182 = arith.addi %mul3A_107, %add3A_181 : i32
          %dma_start3A_183 = arith.constant 0 : i32
          %dma_start3A_184 = arith.constant 0 : i32
          %dma_start3A_185 = arith.constant 0 : i32
          %dma_start3A_186 = tpu.memref_slice %arg9[%scan3A_73, %dma_start3A_184, %dma_start3A_185] : memref<2x512x128xbf16, #tpu.memory_space<vmem>> -> memref<1x512x128xbf16, #tpu.memory_space<vmem>>
          %dma_start3A_187 = tpu.memref_squeeze %dma_start3A_186 : memref<1x512x128xbf16, #tpu.memory_space<vmem>> -> memref<512x128xbf16, #tpu.memory_space<vmem>>
          %dma_start3A_188 = arith.constant 0 : i32
          %dma_start3A_189 = tpu.memref_slice %arg8[%dma_start3A_183, %add3A_182, %dma_start3A_188] : memref<2x20x512xi32, #tpu.memory_space<vmem>> -> memref<1x1x512xi32, #tpu.memory_space<vmem>>
          %dma_start3A_190 = tpu.memref_squeeze %dma_start3A_189 : memref<1x1x512xi32, #tpu.memory_space<vmem>> -> memref<512xi32, #tpu.memory_space<vmem>>
          %dma_start3A_191 = arith.constant 0 : i32
          %dma_start3A_192 = arith.constant 0 : i32
          %dma_start3A_193 = tpu.memref_slice %arg2[%dma_start3A_191, %dma_start3A_192] : memref<10000x128xbf16, #tpu.memory_space<hbm>> -> memref<10000x128xbf16, #tpu.memory_space<hbm>>
          tpu.enqueue_indirect_dma source(%dma_start3A_193 : memref<10000x128xbf16, #tpu.memory_space<hbm>>) target(%dma_start3A_187 : memref<512x128xbf16, #tpu.memory_space<vmem>>) offsets(%dma_start3A_190 : memref<512xi32, #tpu.memory_space<vmem>>) semaphore(%arg10 : memref<!tpu.dma_semaphore, #tpu.memory_space<semaphore_mem>>)
        } else {
        }
        %add3A_162 = arith.constant 3 : i32
        %add3A_163 = arith.addi %mul3A_107, %add3A_162 : i32
        %lt3A_164 = arith.constant 20 : i32
        %lt3A_165 = arith.cmpi slt, %add3A_163, %lt3A_164 : i32
        %convert_element_type3A_166 = arith.extui %lt3A_165 : i1 to i32
        %cond3A_167 = arith.constant 0 : i32
        %cond3A_168 = arith.cmpi ne, %convert_element_type3A_166, %cond3A_167 : i32
        scf.if %cond3A_168 {
          %dma_wait3A_169 = arith.constant 1 : i32
          %dma_wait3A_170 = arith.constant 0 : i32
          %dma_wait3A_171 = arith.constant 0 : i32
          %dma_wait3A_172 = arith.constant 0 : i32
          %dma_wait3A_173 = tpu.memref_slice %arg9[%scan3A_74, %dma_wait3A_171, %dma_wait3A_172] : memref<2x512x128xbf16, #tpu.memory_space<vmem>> -> memref<1x512x128xbf16, #tpu.memory_space<vmem>>
          %dma_wait3A_174 = tpu.memref_squeeze %dma_wait3A_173 : memref<1x512x128xbf16, #tpu.memory_space<vmem>> -> memref<512x128xbf16, #tpu.memory_space<vmem>>
          %dma_wait3A_175 = arith.constant 0 : i32
          %dma_wait3A_176 = tpu.memref_slice %arg8[%dma_wait3A_169, %dma_wait3A_170, %dma_wait3A_175] : memref<2x20x512xi32, #tpu.memory_space<vmem>> -> memref<1x1x512xi32, #tpu.memory_space<vmem>>
          %dma_wait3A_177 = tpu.memref_squeeze %dma_wait3A_176 : memref<1x1x512xi32, #tpu.memory_space<vmem>> -> memref<512xi32, #tpu.memory_space<vmem>>
          %dma_wait3A_178 = arith.constant 0 : i32
          %dma_wait3A_179 = arith.constant 0 : i32
          %dma_wait3A_180 = tpu.memref_slice %arg14[%dma_wait3A_178, %dma_wait3A_179] : memref<10008x128xbf16, #tpu.memory_space<vmem_shared>> -> memref<10008x128xbf16, #tpu.memory_space<vmem_shared>>
          tpu.wait_indirect_dma semaphore(%arg13 : memref<!tpu.dma_semaphore, #tpu.memory_space<semaphore_mem>>) src(%dma_wait3A_174 : memref<512x128xbf16, #tpu.memory_space<vmem>>) dst(%dma_wait3A_180 : memref<10008x128xbf16, #tpu.memory_space<vmem_shared>>)
          %add3A_181 = arith.constant 3 : i32
          %add3A_182 = arith.addi %mul3A_107, %add3A_181 : i32
          %dma_start3A_183 = arith.constant 0 : i32
          %dma_start3A_184 = arith.constant 0 : i32
          %dma_start3A_185 = arith.constant 0 : i32
          %dma_start3A_186 = tpu.memref_slice %arg9[%scan3A_74, %dma_start3A_184, %dma_start3A_185] : memref<2x512x128xbf16, #tpu.memory_space<vmem>> -> memref<1x512x128xbf16, #tpu.memory_space<vmem>>
          %dma_start3A_187 = tpu.memref_squeeze %dma_start3A_186 : memref<1x512x128xbf16, #tpu.memory_space<vmem>> -> memref<512x128xbf16, #tpu.memory_space<vmem>>
          %dma_start3A_188 = arith.constant 0 : i32
          %dma_start3A_189 = tpu.memref_slice %arg8[%dma_start3A_183, %add3A_182, %dma_start3A_188] : memref<2x20x512xi32, #tpu.memory_space<vmem>> -> memref<1x1x512xi32, #tpu.memory_space<vmem>>
          %dma_start3A_190 = tpu.memref_squeeze %dma_start3A_189 : memref<1x1x512xi32, #tpu.memory_space<vmem>> -> memref<512xi32, #tpu.memory_space<vmem>>
          %dma_start3A_191 = arith.constant 0 : i32
          %dma_start3A_192 = arith.constant 0 : i32
          %dma_start3A_193 = tpu.memref_slice %arg2[%dma_start3A_191, %dma_start3A_192] : memref<10000x128xbf16, #tpu.memory_space<hbm>> -> memref<10000x128xbf16, #tpu.memory_space<hbm>>
          tpu.enqueue_indirect_dma source(%dma_start3A_193 : memref<10000x128xbf16, #tpu.memory_space<hbm>>) target(%dma_start3A_187 : memref<512x128xbf16, #tpu.memory_space<vmem>>) offsets(%dma_start3A_190 : memref<512xi32, #tpu.memory_space<vmem>>) semaphore(%arg11 : memref<!tpu.dma_semaphore, #tpu.memory_space<semaphore_mem>>)
        } else {
        }
      }
      %scan3A_79 = arith.constant 10 : i32
      %dma_wait3A = arith.constant 0 : i32
      %dma_wait3A_80 = arith.constant 1 : i32
      %dma_wait3A_81 = arith.constant 0 : i32
      %dma_wait3A_82 = arith.constant 0 : i32
      %dma_wait3A_83 = arith.constant 0 : i32
      %dma_wait3A_84 = tpu.memref_slice %arg9[%dma_wait3A, %dma_wait3A_82, %dma_wait3A_83] : memref<2x512x128xbf16, #tpu.memory_space<vmem>> -> memref<1x512x128xbf16, #tpu.memory_space<vmem>>
      %dma_wait3A_85 = tpu.memref_squeeze %dma_wait3A_84 : memref<1x512x128xbf16, #tpu.memory_space<vmem>> -> memref<512x128xbf16, #tpu.memory_space<vmem>>
      %dma_wait3A_86 = arith.constant 0 : i32
      %dma_wait3A_87 = tpu.memref_slice %arg8[%dma_wait3A_80, %dma_wait3A_81, %dma_wait3A_86] : memref<2x20x512xi32, #tpu.memory_space<vmem>> -> memref<1x1x512xi32, #tpu.memory_space<vmem>>
      %dma_wait3A_88 = tpu.memref_squeeze %dma_wait3A_87 : memref<1x1x512xi32, #tpu.memory_space<vmem>> -> memref<512xi32, #tpu.memory_space<vmem>>
      %dma_wait3A_89 = arith.constant 0 : i32
      %dma_wait3A_90 = arith.constant 0 : i32
      %dma_wait3A_91 = tpu.memref_slice %arg14[%dma_wait3A_89, %dma_wait3A_90] : memref<10008x128xbf16, #tpu.memory_space<vmem_shared>> -> memref<10008x128xbf16, #tpu.memory_space<vmem_shared>>
      tpu.wait_indirect_dma semaphore(%arg12 : memref<!tpu.dma_semaphore, #tpu.memory_space<semaphore_mem>>) src(%dma_wait3A_85 : memref<512x128xbf16, #tpu.memory_space<vmem>>) dst(%dma_wait3A_91 : memref<10008x128xbf16, #tpu.memory_space<vmem_shared>>)
      %dma_wait3A_92 = arith.constant 1 : i32
      %dma_wait3A_93 = arith.constant 1 : i32
      %dma_wait3A_94 = arith.constant 0 : i32
      %dma_wait3A_95 = arith.constant 0 : i32
      %dma_wait3A_96 = arith.constant 0 : i32
      %dma_wait3A_97 = tpu.memref_slice %arg9[%dma_wait3A_92, %dma_wait3A_95, %dma_wait3A_96] : memref<2x512x128xbf16, #tpu.memory_space<vmem>> -> memref<1x512x128xbf16, #tpu.memory_space<vmem>>
      %dma_wait3A_98 = tpu.memref_squeeze %dma_wait3A_97 : memref<1x512x128xbf16, #tpu.memory_space<vmem>> -> memref<512x128xbf16, #tpu.memory_space<vmem>>
      %dma_wait3A_99 = arith.constant 0 : i32
      %dma_wait3A_100 = tpu.memref_slice %arg8[%dma_wait3A_93, %dma_wait3A_94, %dma_wait3A_99] : memref<2x20x512xi32, #tpu.memory_space<vmem>> -> memref<1x1x512xi32, #tpu.memory_space<vmem>>
      %dma_wait3A_101 = tpu.memref_squeeze %dma_wait3A_100 : memref<1x1x512xi32, #tpu.memory_space<vmem>> -> memref<512xi32, #tpu.memory_space<vmem>>
      %dma_wait3A_102 = arith.constant 0 : i32
      %dma_wait3A_103 = arith.constant 0 : i32
      %dma_wait3A_104 = tpu.memref_slice %arg14[%dma_wait3A_102, %dma_wait3A_103] : memref<10008x128xbf16, #tpu.memory_space<vmem_shared>> -> memref<10008x128xbf16, #tpu.memory_space<vmem_shared>>
      tpu.wait_indirect_dma semaphore(%arg13 : memref<!tpu.dma_semaphore, #tpu.memory_space<semaphore_mem>>) src(%dma_wait3A_98 : memref<512x128xbf16, #tpu.memory_space<vmem>>) dst(%dma_wait3A_104 : memref<10008x128xbf16, #tpu.memory_space<vmem_shared>>)
    } else {
    }
    %eq3A_31 = arith.constant 1 : i32
    %eq3A_32 = arith.cmpi eq, %arg0, %eq3A_31 : i32
    %convert_element_type3A_33 = arith.extui %eq3A_32 : i1 to i32
    %cond3A_34 = arith.constant 0 : i32
    %cond3A_35 = arith.cmpi ne, %convert_element_type3A_33, %cond3A_34 : i32
    scf.if %cond3A_35 {
      %dma_start3A = arith.constant 0 : i32
      %dma_start3A_47 = arith.constant 0 : i32
      %dma_start3A_48 = arith.constant 0 : i32
      %dma_start3A_49 = arith.constant 0 : i32
      %dma_start3A_50 = arith.constant 0 : i32
      %dma_start3A_51 = tpu.memref_slice %arg9[%dma_start3A_48, %dma_start3A_49, %dma_start3A_50] : memref<2x512x128xbf16, #tpu.memory_space<vmem>> -> memref<1x512x128xbf16, #tpu.memory_space<vmem>>
      %dma_start3A_52 = tpu.memref_squeeze %dma_start3A_51 : memref<1x512x128xbf16, #tpu.memory_space<vmem>> -> memref<512x128xbf16, #tpu.memory_space<vmem>>
      %dma_start3A_53 = arith.constant 0 : i32
      %dma_start3A_54 = tpu.memref_slice %arg8[%dma_start3A, %dma_start3A_47, %dma_start3A_53] : memref<2x20x512xi32, #tpu.memory_space<vmem>> -> memref<1x1x512xi32, #tpu.memory_space<vmem>>
      %dma_start3A_55 = tpu.memref_squeeze %dma_start3A_54 : memref<1x1x512xi32, #tpu.memory_space<vmem>> -> memref<512xi32, #tpu.memory_space<vmem>>
      %dma_start3A_56 = arith.constant 0 : i32
      %dma_start3A_57 = arith.constant 0 : i32
      %dma_start3A_58 = tpu.memref_slice %arg3[%dma_start3A_56, %dma_start3A_57] : memref<10000x128xbf16, #tpu.memory_space<hbm>> -> memref<10000x128xbf16, #tpu.memory_space<hbm>>
      tpu.enqueue_indirect_dma source(%dma_start3A_58 : memref<10000x128xbf16, #tpu.memory_space<hbm>>) target(%dma_start3A_52 : memref<512x128xbf16, #tpu.memory_space<vmem>>) offsets(%dma_start3A_55 : memref<512xi32, #tpu.memory_space<vmem>>) semaphore(%arg10 : memref<!tpu.dma_semaphore, #tpu.memory_space<semaphore_mem>>)
      %dma_start3A_59 = arith.constant 0 : i32
      %dma_start3A_60 = arith.constant 1 : i32
      %dma_start3A_61 = arith.constant 1 : i32
      %dma_start3A_62 = arith.constant 0 : i32
      %dma_start3A_63 = arith.constant 0 : i32
      %dma_start3A_64 = tpu.memref_slice %arg9[%dma_start3A_61, %dma_start3A_62, %dma_start3A_63] : memref<2x512x128xbf16, #tpu.memory_space<vmem>> -> memref<1x512x128xbf16, #tpu.memory_space<vmem>>
      %dma_start3A_65 = tpu.memref_squeeze %dma_start3A_64 : memref<1x512x128xbf16, #tpu.memory_space<vmem>> -> memref<512x128xbf16, #tpu.memory_space<vmem>>
      %dma_start3A_66 = arith.constant 0 : i32
      %dma_start3A_67 = tpu.memref_slice %arg8[%dma_start3A_59, %dma_start3A_60, %dma_start3A_66] : memref<2x20x512xi32, #tpu.memory_space<vmem>> -> memref<1x1x512xi32, #tpu.memory_space<vmem>>
      %dma_start3A_68 = tpu.memref_squeeze %dma_start3A_67 : memref<1x1x512xi32, #tpu.memory_space<vmem>> -> memref<512xi32, #tpu.memory_space<vmem>>
      %dma_start3A_69 = arith.constant 0 : i32
      %dma_start3A_70 = arith.constant 0 : i32
      %dma_start3A_71 = tpu.memref_slice %arg3[%dma_start3A_69, %dma_start3A_70] : memref<10000x128xbf16, #tpu.memory_space<hbm>> -> memref<10000x128xbf16, #tpu.memory_space<hbm>>
      tpu.enqueue_indirect_dma source(%dma_start3A_71 : memref<10000x128xbf16, #tpu.memory_space<hbm>>) target(%dma_start3A_65 : memref<512x128xbf16, #tpu.memory_space<vmem>>) offsets(%dma_start3A_68 : memref<512xi32, #tpu.memory_space<vmem>>) semaphore(%arg11 : memref<!tpu.dma_semaphore, #tpu.memory_space<semaphore_mem>>)
      %scan3A_72 = arith.constant 0 : i32
      %scan3A_73 = arith.constant 0 : i32
      %scan3A_74 = arith.constant 1 : i32
      %scan3A_75 = arith.constant 0 : i32
      %scan3A_76 = arith.constant 10 : i32
      %scan3A_77 = arith.addi %scan3A_75, %scan3A_76 : i32
      %scan3A_78 = arith.constant 1 : i32
      scf.for %scan3A_105 = %scan3A_75 to %scan3A_77 step %scan3A_78  : i32 {
        %mul3A_106 = arith.constant 2 : i32
        %mul3A_107 = arith.muli %mul3A_106, %scan3A_105 : i32
        %dma_wait3A_108 = arith.constant 0 : i32
        %dma_wait3A_109 = arith.constant 0 : i32
        %dma_wait3A_110 = arith.constant 0 : i32
        %dma_wait3A_111 = arith.constant 0 : i32
        %dma_wait3A_112 = tpu.memref_slice %arg9[%scan3A_73, %dma_wait3A_110, %dma_wait3A_111] : memref<2x512x128xbf16, #tpu.memory_space<vmem>> -> memref<1x512x128xbf16, #tpu.memory_space<vmem>>
        %dma_wait3A_113 = tpu.memref_squeeze %dma_wait3A_112 : memref<1x512x128xbf16, #tpu.memory_space<vmem>> -> memref<512x128xbf16, #tpu.memory_space<vmem>>
        %dma_wait3A_114 = arith.constant 0 : i32
        %dma_wait3A_115 = tpu.memref_slice %arg8[%dma_wait3A_108, %dma_wait3A_109, %dma_wait3A_114] : memref<2x20x512xi32, #tpu.memory_space<vmem>> -> memref<1x1x512xi32, #tpu.memory_space<vmem>>
        %dma_wait3A_116 = tpu.memref_squeeze %dma_wait3A_115 : memref<1x1x512xi32, #tpu.memory_space<vmem>> -> memref<512xi32, #tpu.memory_space<vmem>>
        %dma_wait3A_117 = arith.constant 0 : i32
        %dma_wait3A_118 = arith.constant 0 : i32
        %dma_wait3A_119 = tpu.memref_slice %arg3[%dma_wait3A_117, %dma_wait3A_118] : memref<10000x128xbf16, #tpu.memory_space<hbm>> -> memref<10000x128xbf16, #tpu.memory_space<hbm>>
        tpu.wait_indirect_dma semaphore(%arg10 : memref<!tpu.dma_semaphore, #tpu.memory_space<semaphore_mem>>) src(%dma_wait3A_119 : memref<10000x128xbf16, #tpu.memory_space<hbm>>) dst(%dma_wait3A_113 : memref<512x128xbf16, #tpu.memory_space<vmem>>)
        %dma_start3A_120 = arith.constant 1 : i32
        %dma_start3A_121 = arith.constant 0 : i32
        %dma_start3A_122 = arith.constant 0 : i32
        %dma_start3A_123 = tpu.memref_slice %arg9[%scan3A_73, %dma_start3A_121, %dma_start3A_122] : memref<2x512x128xbf16, #tpu.memory_space<vmem>> -> memref<1x512x128xbf16, #tpu.memory_space<vmem>>
        %dma_start3A_124 = tpu.memref_squeeze %dma_start3A_123 : memref<1x512x128xbf16, #tpu.memory_space<vmem>> -> memref<512x128xbf16, #tpu.memory_space<vmem>>
        %dma_start3A_125 = arith.constant 0 : i32
        %dma_start3A_126 = tpu.memref_slice %arg8[%dma_start3A_120, %mul3A_107, %dma_start3A_125] : memref<2x20x512xi32, #tpu.memory_space<vmem>> -> memref<1x1x512xi32, #tpu.memory_space<vmem>>
        %dma_start3A_127 = tpu.memref_squeeze %dma_start3A_126 : memref<1x1x512xi32, #tpu.memory_space<vmem>> -> memref<512xi32, #tpu.memory_space<vmem>>
        %dma_start3A_128 = arith.constant 0 : i32
        %dma_start3A_129 = arith.constant 0 : i32
        %dma_start3A_130 = tpu.memref_slice %arg14[%dma_start3A_128, %dma_start3A_129] : memref<10008x128xbf16, #tpu.memory_space<vmem_shared>> -> memref<10008x128xbf16, #tpu.memory_space<vmem_shared>>
        tpu.enqueue_indirect_dma source(%dma_start3A_124 : memref<512x128xbf16, #tpu.memory_space<vmem>>) target(%dma_start3A_130 : memref<10008x128xbf16, #tpu.memory_space<vmem_shared>>) offsets(%dma_start3A_127 : memref<512xi32, #tpu.memory_space<vmem>>) semaphore(%arg12 : memref<!tpu.dma_semaphore, #tpu.memory_space<semaphore_mem>>) {add = true}
        %dma_wait3A_131 = arith.constant 0 : i32
        %dma_wait3A_132 = arith.constant 0 : i32
        %dma_wait3A_133 = arith.constant 0 : i32
        %dma_wait3A_134 = arith.constant 0 : i32
        %dma_wait3A_135 = tpu.memref_slice %arg9[%scan3A_74, %dma_wait3A_133, %dma_wait3A_134] : memref<2x512x128xbf16, #tpu.memory_space<vmem>> -> memref<1x512x128xbf16, #tpu.memory_space<vmem>>
        %dma_wait3A_136 = tpu.memref_squeeze %dma_wait3A_135 : memref<1x512x128xbf16, #tpu.memory_space<vmem>> -> memref<512x128xbf16, #tpu.memory_space<vmem>>
        %dma_wait3A_137 = arith.constant 0 : i32
        %dma_wait3A_138 = tpu.memref_slice %arg8[%dma_wait3A_131, %dma_wait3A_132, %dma_wait3A_137] : memref<2x20x512xi32, #tpu.memory_space<vmem>> -> memref<1x1x512xi32, #tpu.memory_space<vmem>>
        %dma_wait3A_139 = tpu.memref_squeeze %dma_wait3A_138 : memref<1x1x512xi32, #tpu.memory_space<vmem>> -> memref<512xi32, #tpu.memory_space<vmem>>
        %dma_wait3A_140 = arith.constant 0 : i32
        %dma_wait3A_141 = arith.constant 0 : i32
        %dma_wait3A_142 = tpu.memref_slice %arg3[%dma_wait3A_140, %dma_wait3A_141] : memref<10000x128xbf16, #tpu.memory_space<hbm>> -> memref<10000x128xbf16, #tpu.memory_space<hbm>>
        tpu.wait_indirect_dma semaphore(%arg11 : memref<!tpu.dma_semaphore, #tpu.memory_space<semaphore_mem>>) src(%dma_wait3A_142 : memref<10000x128xbf16, #tpu.memory_space<hbm>>) dst(%dma_wait3A_136 : memref<512x128xbf16, #tpu.memory_space<vmem>>)
        %add3A_143 = arith.constant 1 : i32
        %add3A_144 = arith.addi %mul3A_107, %add3A_143 : i32
        %dma_start3A_145 = arith.constant 1 : i32
        %dma_start3A_146 = arith.constant 0 : i32
        %dma_start3A_147 = arith.constant 0 : i32
        %dma_start3A_148 = tpu.memref_slice %arg9[%scan3A_74, %dma_start3A_146, %dma_start3A_147] : memref<2x512x128xbf16, #tpu.memory_space<vmem>> -> memref<1x512x128xbf16, #tpu.memory_space<vmem>>
        %dma_start3A_149 = tpu.memref_squeeze %dma_start3A_148 : memref<1x512x128xbf16, #tpu.memory_space<vmem>> -> memref<512x128xbf16, #tpu.memory_space<vmem>>
        %dma_start3A_150 = arith.constant 0 : i32
        %dma_start3A_151 = tpu.memref_slice %arg8[%dma_start3A_145, %add3A_144, %dma_start3A_150] : memref<2x20x512xi32, #tpu.memory_space<vmem>> -> memref<1x1x512xi32, #tpu.memory_space<vmem>>
        %dma_start3A_152 = tpu.memref_squeeze %dma_start3A_151 : memref<1x1x512xi32, #tpu.memory_space<vmem>> -> memref<512xi32, #tpu.memory_space<vmem>>
        %dma_start3A_153 = arith.constant 0 : i32
        %dma_start3A_154 = arith.constant 0 : i32
        %dma_start3A_155 = tpu.memref_slice %arg14[%dma_start3A_153, %dma_start3A_154] : memref<10008x128xbf16, #tpu.memory_space<vmem_shared>> -> memref<10008x128xbf16, #tpu.memory_space<vmem_shared>>
        tpu.enqueue_indirect_dma source(%dma_start3A_149 : memref<512x128xbf16, #tpu.memory_space<vmem>>) target(%dma_start3A_155 : memref<10008x128xbf16, #tpu.memory_space<vmem_shared>>) offsets(%dma_start3A_152 : memref<512xi32, #tpu.memory_space<vmem>>) semaphore(%arg13 : memref<!tpu.dma_semaphore, #tpu.memory_space<semaphore_mem>>) {add = true}
        %add3A_156 = arith.constant 2 : i32
        %add3A_157 = arith.addi %mul3A_107, %add3A_156 : i32
        %lt3A = arith.constant 20 : i32
        %lt3A_158 = arith.cmpi slt, %add3A_157, %lt3A : i32
        %convert_element_type3A_159 = arith.extui %lt3A_158 : i1 to i32
        %cond3A_160 = arith.constant 0 : i32
        %cond3A_161 = arith.cmpi ne, %convert_element_type3A_159, %cond3A_160 : i32
        scf.if %cond3A_161 {
          %dma_wait3A_169 = arith.constant 1 : i32
          %dma_wait3A_170 = arith.constant 0 : i32
          %dma_wait3A_171 = arith.constant 0 : i32
          %dma_wait3A_172 = arith.constant 0 : i32
          %dma_wait3A_173 = tpu.memref_slice %arg9[%scan3A_73, %dma_wait3A_171, %dma_wait3A_172] : memref<2x512x128xbf16, #tpu.memory_space<vmem>> -> memref<1x512x128xbf16, #tpu.memory_space<vmem>>
          %dma_wait3A_174 = tpu.memref_squeeze %dma_wait3A_173 : memref<1x512x128xbf16, #tpu.memory_space<vmem>> -> memref<512x128xbf16, #tpu.memory_space<vmem>>
          %dma_wait3A_175 = arith.constant 0 : i32
          %dma_wait3A_176 = tpu.memref_slice %arg8[%dma_wait3A_169, %dma_wait3A_170, %dma_wait3A_175] : memref<2x20x512xi32, #tpu.memory_space<vmem>> -> memref<1x1x512xi32, #tpu.memory_space<vmem>>
          %dma_wait3A_177 = tpu.memref_squeeze %dma_wait3A_176 : memref<1x1x512xi32, #tpu.memory_space<vmem>> -> memref<512xi32, #tpu.memory_space<vmem>>
          %dma_wait3A_178 = arith.constant 0 : i32
          %dma_wait3A_179 = arith.constant 0 : i32
          %dma_wait3A_180 = tpu.memref_slice %arg14[%dma_wait3A_178, %dma_wait3A_179] : memref<10008x128xbf16, #tpu.memory_space<vmem_shared>> -> memref<10008x128xbf16, #tpu.memory_space<vmem_shared>>
          tpu.wait_indirect_dma semaphore(%arg12 : memref<!tpu.dma_semaphore, #tpu.memory_space<semaphore_mem>>) src(%dma_wait3A_174 : memref<512x128xbf16, #tpu.memory_space<vmem>>) dst(%dma_wait3A_180 : memref<10008x128xbf16, #tpu.memory_space<vmem_shared>>)
          %add3A_181 = arith.constant 2 : i32
          %add3A_182 = arith.addi %mul3A_107, %add3A_181 : i32
          %dma_start3A_183 = arith.constant 0 : i32
          %dma_start3A_184 = arith.constant 0 : i32
          %dma_start3A_185 = arith.constant 0 : i32
          %dma_start3A_186 = tpu.memref_slice %arg9[%scan3A_73, %dma_start3A_184, %dma_start3A_185] : memref<2x512x128xbf16, #tpu.memory_space<vmem>> -> memref<1x512x128xbf16, #tpu.memory_space<vmem>>
          %dma_start3A_187 = tpu.memref_squeeze %dma_start3A_186 : memref<1x512x128xbf16, #tpu.memory_space<vmem>> -> memref<512x128xbf16, #tpu.memory_space<vmem>>
          %dma_start3A_188 = arith.constant 0 : i32
          %dma_start3A_189 = tpu.memref_slice %arg8[%dma_start3A_183, %add3A_182, %dma_start3A_188] : memref<2x20x512xi32, #tpu.memory_space<vmem>> -> memref<1x1x512xi32, #tpu.memory_space<vmem>>
          %dma_start3A_190 = tpu.memref_squeeze %dma_start3A_189 : memref<1x1x512xi32, #tpu.memory_space<vmem>> -> memref<512xi32, #tpu.memory_space<vmem>>
          %dma_start3A_191 = arith.constant 0 : i32
          %dma_start3A_192 = arith.constant 0 : i32
          %dma_start3A_193 = tpu.memref_slice %arg3[%dma_start3A_191, %dma_start3A_192] : memref<10000x128xbf16, #tpu.memory_space<hbm>> -> memref<10000x128xbf16, #tpu.memory_space<hbm>>
          tpu.enqueue_indirect_dma source(%dma_start3A_193 : memref<10000x128xbf16, #tpu.memory_space<hbm>>) target(%dma_start3A_187 : memref<512x128xbf16, #tpu.memory_space<vmem>>) offsets(%dma_start3A_190 : memref<512xi32, #tpu.memory_space<vmem>>) semaphore(%arg10 : memref<!tpu.dma_semaphore, #tpu.memory_space<semaphore_mem>>)
        } else {
        }
        %add3A_162 = arith.constant 3 : i32
        %add3A_163 = arith.addi %mul3A_107, %add3A_162 : i32
        %lt3A_164 = arith.constant 20 : i32
        %lt3A_165 = arith.cmpi slt, %add3A_163, %lt3A_164 : i32
        %convert_element_type3A_166 = arith.extui %lt3A_165 : i1 to i32
        %cond3A_167 = arith.constant 0 : i32
        %cond3A_168 = arith.cmpi ne, %convert_element_type3A_166, %cond3A_167 : i32
        scf.if %cond3A_168 {
          %dma_wait3A_169 = arith.constant 1 : i32
          %dma_wait3A_170 = arith.constant 0 : i32
          %dma_wait3A_171 = arith.constant 0 : i32
          %dma_wait3A_172 = arith.constant 0 : i32
          %dma_wait3A_173 = tpu.memref_slice %arg9[%scan3A_74, %dma_wait3A_171, %dma_wait3A_172] : memref<2x512x128xbf16, #tpu.memory_space<vmem>> -> memref<1x512x128xbf16, #tpu.memory_space<vmem>>
          %dma_wait3A_174 = tpu.memref_squeeze %dma_wait3A_173 : memref<1x512x128xbf16, #tpu.memory_space<vmem>> -> memref<512x128xbf16, #tpu.memory_space<vmem>>
          %dma_wait3A_175 = arith.constant 0 : i32
          %dma_wait3A_176 = tpu.memref_slice %arg8[%dma_wait3A_169, %dma_wait3A_170, %dma_wait3A_175] : memref<2x20x512xi32, #tpu.memory_space<vmem>> -> memref<1x1x512xi32, #tpu.memory_space<vmem>>
          %dma_wait3A_177 = tpu.memref_squeeze %dma_wait3A_176 : memref<1x1x512xi32, #tpu.memory_space<vmem>> -> memref<512xi32, #tpu.memory_space<vmem>>
          %dma_wait3A_178 = arith.constant 0 : i32
          %dma_wait3A_179 = arith.constant 0 : i32
          %dma_wait3A_180 = tpu.memref_slice %arg14[%dma_wait3A_178, %dma_wait3A_179] : memref<10008x128xbf16, #tpu.memory_space<vmem_shared>> -> memref<10008x128xbf16, #tpu.memory_space<vmem_shared>>
          tpu.wait_indirect_dma semaphore(%arg13 : memref<!tpu.dma_semaphore, #tpu.memory_space<semaphore_mem>>) src(%dma_wait3A_174 : memref<512x128xbf16, #tpu.memory_space<vmem>>) dst(%dma_wait3A_180 : memref<10008x128xbf16, #tpu.memory_space<vmem_shared>>)
          %add3A_181 = arith.constant 3 : i32
          %add3A_182 = arith.addi %mul3A_107, %add3A_181 : i32
          %dma_start3A_183 = arith.constant 0 : i32
          %dma_start3A_184 = arith.constant 0 : i32
          %dma_start3A_185 = arith.constant 0 : i32
          %dma_start3A_186 = tpu.memref_slice %arg9[%scan3A_74, %dma_start3A_184, %dma_start3A_185] : memref<2x512x128xbf16, #tpu.memory_space<vmem>> -> memref<1x512x128xbf16, #tpu.memory_space<vmem>>
          %dma_start3A_187 = tpu.memref_squeeze %dma_start3A_186 : memref<1x512x128xbf16, #tpu.memory_space<vmem>> -> memref<512x128xbf16, #tpu.memory_space<vmem>>
          %dma_start3A_188 = arith.constant 0 : i32
          %dma_start3A_189 = tpu.memref_slice %arg8[%dma_start3A_183, %add3A_182, %dma_start3A_188] : memref<2x20x512xi32, #tpu.memory_space<vmem>> -> memref<1x1x512xi32, #tpu.memory_space<vmem>>
          %dma_start3A_190 = tpu.memref_squeeze %dma_start3A_189 : memref<1x1x512xi32, #tpu.memory_space<vmem>> -> memref<512xi32, #tpu.memory_space<vmem>>
          %dma_start3A_191 = arith.constant 0 : i32
          %dma_start3A_192 = arith.constant 0 : i32
          %dma_start3A_193 = tpu.memref_slice %arg3[%dma_start3A_191, %dma_start3A_192] : memref<10000x128xbf16, #tpu.memory_space<hbm>> -> memref<10000x128xbf16, #tpu.memory_space<hbm>>
          tpu.enqueue_indirect_dma source(%dma_start3A_193 : memref<10000x128xbf16, #tpu.memory_space<hbm>>) target(%dma_start3A_187 : memref<512x128xbf16, #tpu.memory_space<vmem>>) offsets(%dma_start3A_190 : memref<512xi32, #tpu.memory_space<vmem>>) semaphore(%arg11 : memref<!tpu.dma_semaphore, #tpu.memory_space<semaphore_mem>>)
        } else {
        }
      }
      %scan3A_79 = arith.constant 10 : i32
      %dma_wait3A = arith.constant 0 : i32
      %dma_wait3A_80 = arith.constant 1 : i32
      %dma_wait3A_81 = arith.constant 0 : i32
      %dma_wait3A_82 = arith.constant 0 : i32
      %dma_wait3A_83 = arith.constant 0 : i32
      %dma_wait3A_84 = tpu.memref_slice %arg9[%dma_wait3A, %dma_wait3A_82, %dma_wait3A_83] : memref<2x512x128xbf16, #tpu.memory_space<vmem>> -> memref<1x512x128xbf16, #tpu.memory_space<vmem>>
      %dma_wait3A_85 = tpu.memref_squeeze %dma_wait3A_84 : memref<1x512x128xbf16, #tpu.memory_space<vmem>> -> memref<512x128xbf16, #tpu.memory_space<vmem>>
      %dma_wait3A_86 = arith.constant 0 : i32
      %dma_wait3A_87 = tpu.memref_slice %arg8[%dma_wait3A_80, %dma_wait3A_81, %dma_wait3A_86] : memref<2x20x512xi32, #tpu.memory_space<vmem>> -> memref<1x1x512xi32, #tpu.memory_space<vmem>>
      %dma_wait3A_88 = tpu.memref_squeeze %dma_wait3A_87 : memref<1x1x512xi32, #tpu.memory_space<vmem>> -> memref<512xi32, #tpu.memory_space<vmem>>
      %dma_wait3A_89 = arith.constant 0 : i32
      %dma_wait3A_90 = arith.constant 0 : i32
      %dma_wait3A_91 = tpu.memref_slice %arg14[%dma_wait3A_89, %dma_wait3A_90] : memref<10008x128xbf16, #tpu.memory_space<vmem_shared>> -> memref<10008x128xbf16, #tpu.memory_space<vmem_shared>>
      tpu.wait_indirect_dma semaphore(%arg12 : memref<!tpu.dma_semaphore, #tpu.memory_space<semaphore_mem>>) src(%dma_wait3A_85 : memref<512x128xbf16, #tpu.memory_space<vmem>>) dst(%dma_wait3A_91 : memref<10008x128xbf16, #tpu.memory_space<vmem_shared>>)
      %dma_wait3A_92 = arith.constant 1 : i32
      %dma_wait3A_93 = arith.constant 1 : i32
      %dma_wait3A_94 = arith.constant 0 : i32
      %dma_wait3A_95 = arith.constant 0 : i32
      %dma_wait3A_96 = arith.constant 0 : i32
      %dma_wait3A_97 = tpu.memref_slice %arg9[%dma_wait3A_92, %dma_wait3A_95, %dma_wait3A_96] : memref<2x512x128xbf16, #tpu.memory_space<vmem>> -> memref<1x512x128xbf16, #tpu.memory_space<vmem>>
      %dma_wait3A_98 = tpu.memref_squeeze %dma_wait3A_97 : memref<1x512x128xbf16, #tpu.memory_space<vmem>> -> memref<512x128xbf16, #tpu.memory_space<vmem>>
      %dma_wait3A_99 = arith.constant 0 : i32
      %dma_wait3A_100 = tpu.memref_slice %arg8[%dma_wait3A_93, %dma_wait3A_94, %dma_wait3A_99] : memref<2x20x512xi32, #tpu.memory_space<vmem>> -> memref<1x1x512xi32, #tpu.memory_space<vmem>>
      %dma_wait3A_101 = tpu.memref_squeeze %dma_wait3A_100 : memref<1x1x512xi32, #tpu.memory_space<vmem>> -> memref<512xi32, #tpu.memory_space<vmem>>
      %dma_wait3A_102 = arith.constant 0 : i32
      %dma_wait3A_103 = arith.constant 0 : i32
      %dma_wait3A_104 = tpu.memref_slice %arg14[%dma_wait3A_102, %dma_wait3A_103] : memref<10008x128xbf16, #tpu.memory_space<vmem_shared>> -> memref<10008x128xbf16, #tpu.memory_space<vmem_shared>>
      tpu.wait_indirect_dma semaphore(%arg13 : memref<!tpu.dma_semaphore, #tpu.memory_space<semaphore_mem>>) src(%dma_wait3A_98 : memref<512x128xbf16, #tpu.memory_space<vmem>>) dst(%dma_wait3A_104 : memref<10008x128xbf16, #tpu.memory_space<vmem_shared>>)
    } else {
    }
    %barrier3A_36 = arith.constant 0 : index
    tpu.barrier barrier_id(%barrier3A_36)
    %eq3A_37 = arith.constant 0 : i32
    %eq3A_38 = arith.cmpi eq, %arg0, %eq3A_37 : i32
    %convert_element_type3A_39 = arith.extui %eq3A_38 : i1 to i32
    %cond3A_40 = arith.constant 0 : i32
    %cond3A_41 = arith.cmpi ne, %convert_element_type3A_39, %cond3A_40 : i32
    scf.if %cond3A_41 {
      "tpu.region"() ({
        %run_scoped3A_52 = tpu.sem_alloc : memref<!tpu.dma_semaphore, #tpu.memory_space<semaphore_mem>>
        %dma_start3A = arith.constant 0 : i32
        %dma_start3A_53 = tpu.memref_slice %arg6[%mul3A_0, %dma_start3A] : memref<10000x128xbf16, #tpu.memory_space<hbm>> -> memref<624x128xbf16, #tpu.memory_space<hbm>>
        %dma_start3A_54 = arith.constant 0 : i32
        %dma_start3A_55 = tpu.memref_slice %arg14[%mul3A_0, %dma_start3A_54] : memref<10008x128xbf16, #tpu.memory_space<vmem_shared>> -> memref<624x128xbf16, #tpu.memory_space<vmem_shared>>
        tpu.enqueue_dma source(%dma_start3A_55 : memref<624x128xbf16, #tpu.memory_space<vmem_shared>>) target(%dma_start3A_53 : memref<624x128xbf16, #tpu.memory_space<hbm>>) target_semaphore(%run_scoped3A_52 : memref<!tpu.dma_semaphore, #tpu.memory_space<semaphore_mem>>)
        %dma_wait3A = arith.constant 0 : i32
        %dma_wait3A_56 = tpu.memref_slice %arg6[%mul3A_0, %dma_wait3A] : memref<10000x128xbf16, #tpu.memory_space<hbm>> -> memref<624x128xbf16, #tpu.memory_space<hbm>>
        %dma_wait3A_57 = arith.constant 0 : i32
        %dma_wait3A_58 = tpu.memref_slice %arg14[%mul3A_0, %dma_wait3A_57] : memref<10008x128xbf16, #tpu.memory_space<vmem_shared>> -> memref<624x128xbf16, #tpu.memory_space<vmem_shared>>
        tpu.wait_dma2 semaphore(%run_scoped3A_52 : memref<!tpu.dma_semaphore, #tpu.memory_space<semaphore_mem>>) src(%dma_wait3A_58 : memref<624x128xbf16, #tpu.memory_space<vmem_shared>>) dst(%dma_wait3A_56 : memref<624x128xbf16, #tpu.memory_space<hbm>>)
        tpu.yield
      }) : () -> ()
      %eq3A_47 = arith.constant 15 : i32
      %eq3A_48 = arith.cmpi eq, %arg1, %eq3A_47 : i32
      %convert_element_type3A_49 = arith.extui %eq3A_48 : i1 to i32
      %cond3A_50 = arith.constant 0 : i32
      %cond3A_51 = arith.cmpi ne, %convert_element_type3A_49, %cond3A_50 : i32
      scf.if %cond3A_51 {
        "tpu.region"() ({
          %run_scoped3A_52 = tpu.sem_alloc : memref<!tpu.dma_semaphore, #tpu.memory_space<semaphore_mem>>
          %dma_start3A = arith.constant 9984 : i32
          %dma_start3A_53 = arith.constant 0 : i32
          %dma_start3A_54 = tpu.memref_slice %arg6[%dma_start3A, %dma_start3A_53] : memref<10000x128xbf16, #tpu.memory_space<hbm>> -> memref<16x128xbf16, #tpu.memory_space<hbm>>
          %dma_start3A_55 = arith.constant 9984 : i32
          %dma_start3A_56 = arith.constant 0 : i32
          %dma_start3A_57 = tpu.memref_slice %arg14[%dma_start3A_55, %dma_start3A_56] : memref<10008x128xbf16, #tpu.memory_space<vmem_shared>> -> memref<16x128xbf16, #tpu.memory_space<vmem_shared>>
          tpu.enqueue_dma source(%dma_start3A_57 : memref<16x128xbf16, #tpu.memory_space<vmem_shared>>) target(%dma_start3A_54 : memref<16x128xbf16, #tpu.memory_space<hbm>>) target_semaphore(%run_scoped3A_52 : memref<!tpu.dma_semaphore, #tpu.memory_space<semaphore_mem>>)
          %dma_wait3A = arith.constant 9984 : i32
          %dma_wait3A_58 = arith.constant 0 : i32
          %dma_wait3A_59 = tpu.memref_slice %arg6[%dma_wait3A, %dma_wait3A_58] : memref<10000x128xbf16, #tpu.memory_space<hbm>> -> memref<16x128xbf16, #tpu.memory_space<hbm>>
          %dma_wait3A_60 = arith.constant 9984 : i32
          %dma_wait3A_61 = arith.constant 0 : i32
          %dma_wait3A_62 = tpu.memref_slice %arg14[%dma_wait3A_60, %dma_wait3A_61] : memref<10008x128xbf16, #tpu.memory_space<vmem_shared>> -> memref<16x128xbf16, #tpu.memory_space<vmem_shared>>
          tpu.wait_dma2 semaphore(%run_scoped3A_52 : memref<!tpu.dma_semaphore, #tpu.memory_space<semaphore_mem>>) src(%dma_wait3A_62 : memref<16x128xbf16, #tpu.memory_space<vmem_shared>>) dst(%dma_wait3A_59 : memref<16x128xbf16, #tpu.memory_space<hbm>>)
          tpu.yield
        }) : () -> ()
      } else {
      }
    } else {
    }
    %eq3A_42 = arith.constant 1 : i32
    %eq3A_43 = arith.cmpi eq, %arg0, %eq3A_42 : i32
    %convert_element_type3A_44 = arith.extui %eq3A_43 : i1 to i32
    %cond3A_45 = arith.constant 0 : i32
    %cond3A_46 = arith.cmpi ne, %convert_element_type3A_44, %cond3A_45 : i32
    scf.if %cond3A_46 {
      "tpu.region"() ({
        %run_scoped3A_52 = tpu.sem_alloc : memref<!tpu.dma_semaphore, #tpu.memory_space<semaphore_mem>>
        %dma_start3A = arith.constant 0 : i32
        %dma_start3A_53 = tpu.memref_slice %arg7[%mul3A_0, %dma_start3A] : memref<10000x128xbf16, #tpu.memory_space<hbm>> -> memref<624x128xbf16, #tpu.memory_space<hbm>>
        %dma_start3A_54 = arith.constant 0 : i32
        %dma_start3A_55 = tpu.memref_slice %arg14[%mul3A_0, %dma_start3A_54] : memref<10008x128xbf16, #tpu.memory_space<vmem_shared>> -> memref<624x128xbf16, #tpu.memory_space<vmem_shared>>
        tpu.enqueue_dma source(%dma_start3A_55 : memref<624x128xbf16, #tpu.memory_space<vmem_shared>>) target(%dma_start3A_53 : memref<624x128xbf16, #tpu.memory_space<hbm>>) target_semaphore(%run_scoped3A_52 : memref<!tpu.dma_semaphore, #tpu.memory_space<semaphore_mem>>)
        %dma_wait3A = arith.constant 0 : i32
        %dma_wait3A_56 = tpu.memref_slice %arg7[%mul3A_0, %dma_wait3A] : memref<10000x128xbf16, #tpu.memory_space<hbm>> -> memref<624x128xbf16, #tpu.memory_space<hbm>>
        %dma_wait3A_57 = arith.constant 0 : i32
        %dma_wait3A_58 = tpu.memref_slice %arg14[%mul3A_0, %dma_wait3A_57] : memref<10008x128xbf16, #tpu.memory_space<vmem_shared>> -> memref<624x128xbf16, #tpu.memory_space<vmem_shared>>
        tpu.wait_dma2 semaphore(%run_scoped3A_52 : memref<!tpu.dma_semaphore, #tpu.memory_space<semaphore_mem>>) src(%dma_wait3A_58 : memref<624x128xbf16, #tpu.memory_space<vmem_shared>>) dst(%dma_wait3A_56 : memref<624x128xbf16, #tpu.memory_space<hbm>>)
        tpu.yield
      }) : () -> ()
      %eq3A_47 = arith.constant 15 : i32
      %eq3A_48 = arith.cmpi eq, %arg1, %eq3A_47 : i32
      %convert_element_type3A_49 = arith.extui %eq3A_48 : i1 to i32
      %cond3A_50 = arith.constant 0 : i32
      %cond3A_51 = arith.cmpi ne, %convert_element_type3A_49, %cond3A_50 : i32
      scf.if %cond3A_51 {
        "tpu.region"() ({
          %run_scoped3A_52 = tpu.sem_alloc : memref<!tpu.dma_semaphore, #tpu.memory_space<semaphore_mem>>
          %dma_start3A = arith.constant 9984 : i32
          %dma_start3A_53 = arith.constant 0 : i32
          %dma_start3A_54 = tpu.memref_slice %arg7[%dma_start3A, %dma_start3A_53] : memref<10000x128xbf16, #tpu.memory_space<hbm>> -> memref<16x128xbf16, #tpu.memory_space<hbm>>
          %dma_start3A_55 = arith.constant 9984 : i32
          %dma_start3A_56 = arith.constant 0 : i32
          %dma_start3A_57 = tpu.memref_slice %arg14[%dma_start3A_55, %dma_start3A_56] : memref<10008x128xbf16, #tpu.memory_space<vmem_shared>> -> memref<16x128xbf16, #tpu.memory_space<vmem_shared>>
          tpu.enqueue_dma source(%dma_start3A_57 : memref<16x128xbf16, #tpu.memory_space<vmem_shared>>) target(%dma_start3A_54 : memref<16x128xbf16, #tpu.memory_space<hbm>>) target_semaphore(%run_scoped3A_52 : memref<!tpu.dma_semaphore, #tpu.memory_space<semaphore_mem>>)
          %dma_wait3A = arith.constant 9984 : i32
          %dma_wait3A_58 = arith.constant 0 : i32
          %dma_wait3A_59 = tpu.memref_slice %arg7[%dma_wait3A, %dma_wait3A_58] : memref<10000x128xbf16, #tpu.memory_space<hbm>> -> memref<16x128xbf16, #tpu.memory_space<hbm>>
          %dma_wait3A_60 = arith.constant 9984 : i32
          %dma_wait3A_61 = arith.constant 0 : i32
          %dma_wait3A_62 = tpu.memref_slice %arg14[%dma_wait3A_60, %dma_wait3A_61] : memref<10008x128xbf16, #tpu.memory_space<vmem_shared>> -> memref<16x128xbf16, #tpu.memory_space<vmem_shared>>
          tpu.wait_dma2 semaphore(%run_scoped3A_52 : memref<!tpu.dma_semaphore, #tpu.memory_space<semaphore_mem>>) src(%dma_wait3A_62 : memref<16x128xbf16, #tpu.memory_space<vmem_shared>>) dst(%dma_wait3A_59 : memref<16x128xbf16, #tpu.memory_space<hbm>>)
          tpu.yield
        }) : () -> ()
      } else {
      }
    } else {
    }
    return
  }
}

#map = affine_map<(d0, d1) -> (0, 0)>
#map1 = affine_map<(d0, d1) -> (0, 0, 0)>
module attributes {stable_mosaic.version = 14 : i64} {
  func.func @_sc_agg_body(%arg0: i32, %arg1: i32, %arg2: memref<10000x128xbf16, #tpu.memory_space<hbm>>, %arg3: memref<10000x128xbf16, #tpu.memory_space<hbm>>, %arg4: memref<16x20x512xi32, #tpu.memory_space<hbm>>, %arg5: memref<16x20x512xi32, #tpu.memory_space<hbm>>, %arg6: memref<10000x128xbf16, #tpu.memory_space<hbm>>, %arg7: memref<10000x128xbf16, #tpu.memory_space<hbm>>, %arg8: memref<2x20x512xi32, #tpu.memory_space<vmem>>, %arg9: memref<2x512x128xbf16, #tpu.memory_space<vmem>>, %arg10: memref<!tpu.dma_semaphore, #tpu.memory_space<semaphore_mem>>, %arg11: memref<!tpu.dma_semaphore, #tpu.memory_space<semaphore_mem>>, %arg12: memref<!tpu.dma_semaphore, #tpu.memory_space<semaphore_mem>>, %arg13: memref<!tpu.dma_semaphore, #tpu.memory_space<semaphore_mem>>, %arg14: memref<10008x128xbf16, #tpu.memory_space<vmem_shared>>) attributes {dimension_semantics = [#tpu.dimension_semantics<core_parallel>, #tpu.dimension_semantics<subcore_parallel>], iteration_bounds = array<i64: 2, 16>, scalar_prefetch = 0 : i64, scratch_operands = 7 : i64, tpu.core_type = #tpu.core_type<sc_vector_subcore>, window_params = [{transform_indices = #map}, {transform_indices = #map}, {transform_indices = #map1}, {transform_indices = #map1}, {transform_indices = #map}, {transform_indices = #map}]} {
    %mul3A = arith.constant 624 : i32
    %mul3A_0 = arith.muli %arg1, %mul3A : i32
    %run_scoped3A = arith.constant 0 : i32
    "tpu.region"() ({
      %run_scoped3A_47 = tpu.sem_alloc : memref<!tpu.dma_semaphore, #tpu.memory_space<semaphore_mem>>
      %dma_start3A = arith.constant 0 : i32
      %dma_start3A_48 = arith.constant 0 : i32
      %dma_start3A_49 = tpu.memref_slice %arg8[%run_scoped3A, %dma_start3A, %dma_start3A_48] : memref<2x20x512xi32, #tpu.memory_space<vmem>> -> memref<1x20x512xi32, #tpu.memory_space<vmem>>
      %dma_start3A_50 = tpu.memref_squeeze %dma_start3A_49 : memref<1x20x512xi32, #tpu.memory_space<vmem>> -> memref<20x512xi32, #tpu.memory_space<vmem>>
      %dma_start3A_51 = arith.constant 0 : i32
      %dma_start3A_52 = arith.constant 0 : i32
      %dma_start3A_53 = tpu.memref_slice %arg4[%arg1, %dma_start3A_51, %dma_start3A_52] : memref<16x20x512xi32, #tpu.memory_space<hbm>> -> memref<1x20x512xi32, #tpu.memory_space<hbm>>
      %dma_start3A_54 = tpu.memref_squeeze %dma_start3A_53 : memref<1x20x512xi32, #tpu.memory_space<hbm>> -> memref<20x512xi32, #tpu.memory_space<hbm>>
      %dma_start3A_55 = arith.constant 0 : i32
      %dma_start3A_56 = arith.constant 0 : i32
      %dma_start3A_57 = tpu.memref_slice %arg8[%run_scoped3A, %dma_start3A_55, %dma_start3A_56] : memref<2x20x512xi32, #tpu.memory_space<vmem>> -> memref<1x20x512xi32, #tpu.memory_space<vmem>>
      %dma_start3A_58 = tpu.memref_squeeze %dma_start3A_57 : memref<1x20x512xi32, #tpu.memory_space<vmem>> -> memref<20x512xi32, #tpu.memory_space<vmem>>
      %dma_start3A_59 = arith.constant 0 : i32
      %dma_start3A_60 = arith.constant 0 : i32
      %dma_start3A_61 = tpu.memref_slice %arg4[%arg1, %dma_start3A_59, %dma_start3A_60] : memref<16x20x512xi32, #tpu.memory_space<hbm>> -> memref<1x20x512xi32, #tpu.memory_space<hbm>>
      %dma_start3A_62 = tpu.memref_squeeze %dma_start3A_61 : memref<1x20x512xi32, #tpu.memory_space<hbm>> -> memref<20x512xi32, #tpu.memory_space<hbm>>
      tpu.enqueue_dma source(%dma_start3A_62 : memref<20x512xi32, #tpu.memory_space<hbm>>) target(%dma_start3A_58 : memref<20x512xi32, #tpu.memory_space<vmem>>) target_semaphore(%run_scoped3A_47 : memref<!tpu.dma_semaphore, #tpu.memory_space<semaphore_mem>>)
      %dma_wait3A = arith.constant 0 : i32
      %dma_wait3A_63 = arith.constant 0 : i32
      %dma_wait3A_64 = tpu.memref_slice %arg8[%run_scoped3A, %dma_wait3A, %dma_wait3A_63] : memref<2x20x512xi32, #tpu.memory_space<vmem>> -> memref<1x20x512xi32, #tpu.memory_space<vmem>>
      %dma_wait3A_65 = tpu.memref_squeeze %dma_wait3A_64 : memref<1x20x512xi32, #tpu.memory_space<vmem>> -> memref<20x512xi32, #tpu.memory_space<vmem>>
      %dma_wait3A_66 = arith.constant 0 : i32
      %dma_wait3A_67 = arith.constant 0 : i32
      %dma_wait3A_68 = tpu.memref_slice %arg4[%arg1, %dma_wait3A_66, %dma_wait3A_67] : memref<16x20x512xi32, #tpu.memory_space<hbm>> -> memref<1x20x512xi32, #tpu.memory_space<hbm>>
      %dma_wait3A_69 = tpu.memref_squeeze %dma_wait3A_68 : memref<1x20x512xi32, #tpu.memory_space<hbm>> -> memref<20x512xi32, #tpu.memory_space<hbm>>
      %dma_wait3A_70 = arith.constant 0 : i32
      %dma_wait3A_71 = arith.constant 0 : i32
      %dma_wait3A_72 = tpu.memref_slice %arg8[%run_scoped3A, %dma_wait3A_70, %dma_wait3A_71] : memref<2x20x512xi32, #tpu.memory_space<vmem>> -> memref<1x20x512xi32, #tpu.memory_space<vmem>>
      %dma_wait3A_73 = tpu.memref_squeeze %dma_wait3A_72 : memref<1x20x512xi32, #tpu.memory_space<vmem>> -> memref<20x512xi32, #tpu.memory_space<vmem>>
      %dma_wait3A_74 = arith.constant 0 : i32
      %dma_wait3A_75 = arith.constant 0 : i32
      %dma_wait3A_76 = tpu.memref_slice %arg4[%arg1, %dma_wait3A_74, %dma_wait3A_75] : memref<16x20x512xi32, #tpu.memory_space<hbm>> -> memref<1x20x512xi32, #tpu.memory_space<hbm>>
      %dma_wait3A_77 = tpu.memref_squeeze %dma_wait3A_76 : memref<1x20x512xi32, #tpu.memory_space<hbm>> -> memref<20x512xi32, #tpu.memory_space<hbm>>
      tpu.wait_dma2 semaphore(%run_scoped3A_47 : memref<!tpu.dma_semaphore, #tpu.memory_space<semaphore_mem>>) src(%dma_wait3A_77 : memref<20x512xi32, #tpu.memory_space<hbm>>) dst(%dma_wait3A_73 : memref<20x512xi32, #tpu.memory_space<vmem>>)
      tpu.yield
    }) : () -> ()
    %run_scoped3A_1 = arith.constant 1 : i32
    "tpu.region"() ({
      %run_scoped3A_47 = tpu.sem_alloc : memref<!tpu.dma_semaphore, #tpu.memory_space<semaphore_mem>>
      %dma_start3A = arith.constant 0 : i32
      %dma_start3A_48 = arith.constant 0 : i32
      %dma_start3A_49 = tpu.memref_slice %arg8[%run_scoped3A_1, %dma_start3A, %dma_start3A_48] : memref<2x20x512xi32, #tpu.memory_space<vmem>> -> memref<1x20x512xi32, #tpu.memory_space<vmem>>
      %dma_start3A_50 = tpu.memref_squeeze %dma_start3A_49 : memref<1x20x512xi32, #tpu.memory_space<vmem>> -> memref<20x512xi32, #tpu.memory_space<vmem>>
      %dma_start3A_51 = arith.constant 0 : i32
      %dma_start3A_52 = arith.constant 0 : i32
      %dma_start3A_53 = tpu.memref_slice %arg5[%arg1, %dma_start3A_51, %dma_start3A_52] : memref<16x20x512xi32, #tpu.memory_space<hbm>> -> memref<1x20x512xi32, #tpu.memory_space<hbm>>
      %dma_start3A_54 = tpu.memref_squeeze %dma_start3A_53 : memref<1x20x512xi32, #tpu.memory_space<hbm>> -> memref<20x512xi32, #tpu.memory_space<hbm>>
      %dma_start3A_55 = arith.constant 0 : i32
      %dma_start3A_56 = arith.constant 0 : i32
      %dma_start3A_57 = tpu.memref_slice %arg8[%run_scoped3A_1, %dma_start3A_55, %dma_start3A_56] : memref<2x20x512xi32, #tpu.memory_space<vmem>> -> memref<1x20x512xi32, #tpu.memory_space<vmem>>
      %dma_start3A_58 = tpu.memref_squeeze %dma_start3A_57 : memref<1x20x512xi32, #tpu.memory_space<vmem>> -> memref<20x512xi32, #tpu.memory_space<vmem>>
      %dma_start3A_59 = arith.constant 0 : i32
      %dma_start3A_60 = arith.constant 0 : i32
      %dma_start3A_61 = tpu.memref_slice %arg5[%arg1, %dma_start3A_59, %dma_start3A_60] : memref<16x20x512xi32, #tpu.memory_space<hbm>> -> memref<1x20x512xi32, #tpu.memory_space<hbm>>
      %dma_start3A_62 = tpu.memref_squeeze %dma_start3A_61 : memref<1x20x512xi32, #tpu.memory_space<hbm>> -> memref<20x512xi32, #tpu.memory_space<hbm>>
      tpu.enqueue_dma source(%dma_start3A_62 : memref<20x512xi32, #tpu.memory_space<hbm>>) target(%dma_start3A_58 : memref<20x512xi32, #tpu.memory_space<vmem>>) target_semaphore(%run_scoped3A_47 : memref<!tpu.dma_semaphore, #tpu.memory_space<semaphore_mem>>)
      %dma_wait3A = arith.constant 0 : i32
      %dma_wait3A_63 = arith.constant 0 : i32
      %dma_wait3A_64 = tpu.memref_slice %arg8[%run_scoped3A_1, %dma_wait3A, %dma_wait3A_63] : memref<2x20x512xi32, #tpu.memory_space<vmem>> -> memref<1x20x512xi32, #tpu.memory_space<vmem>>
      %dma_wait3A_65 = tpu.memref_squeeze %dma_wait3A_64 : memref<1x20x512xi32, #tpu.memory_space<vmem>> -> memref<20x512xi32, #tpu.memory_space<vmem>>
      %dma_wait3A_66 = arith.constant 0 : i32
      %dma_wait3A_67 = arith.constant 0 : i32
      %dma_wait3A_68 = tpu.memref_slice %arg5[%arg1, %dma_wait3A_66, %dma_wait3A_67] : memref<16x20x512xi32, #tpu.memory_space<hbm>> -> memref<1x20x512xi32, #tpu.memory_space<hbm>>
      %dma_wait3A_69 = tpu.memref_squeeze %dma_wait3A_68 : memref<1x20x512xi32, #tpu.memory_space<hbm>> -> memref<20x512xi32, #tpu.memory_space<hbm>>
      %dma_wait3A_70 = arith.constant 0 : i32
      %dma_wait3A_71 = arith.constant 0 : i32
      %dma_wait3A_72 = tpu.memref_slice %arg8[%run_scoped3A_1, %dma_wait3A_70, %dma_wait3A_71] : memref<2x20x512xi32, #tpu.memory_space<vmem>> -> memref<1x20x512xi32, #tpu.memory_space<vmem>>
      %dma_wait3A_73 = tpu.memref_squeeze %dma_wait3A_72 : memref<1x20x512xi32, #tpu.memory_space<vmem>> -> memref<20x512xi32, #tpu.memory_space<vmem>>
      %dma_wait3A_74 = arith.constant 0 : i32
      %dma_wait3A_75 = arith.constant 0 : i32
      %dma_wait3A_76 = tpu.memref_slice %arg5[%arg1, %dma_wait3A_74, %dma_wait3A_75] : memref<16x20x512xi32, #tpu.memory_space<hbm>> -> memref<1x20x512xi32, #tpu.memory_space<hbm>>
      %dma_wait3A_77 = tpu.memref_squeeze %dma_wait3A_76 : memref<1x20x512xi32, #tpu.memory_space<hbm>> -> memref<20x512xi32, #tpu.memory_space<hbm>>
      tpu.wait_dma2 semaphore(%run_scoped3A_47 : memref<!tpu.dma_semaphore, #tpu.memory_space<semaphore_mem>>) src(%dma_wait3A_77 : memref<20x512xi32, #tpu.memory_space<hbm>>) dst(%dma_wait3A_73 : memref<20x512xi32, #tpu.memory_space<vmem>>)
      tpu.yield
    }) : () -> ()
    %scan3A = arith.constant 0 : i32
    %scan3A_2 = arith.constant 0 : i32
    %scan3A_3 = arith.constant 104 : i32
    %scan3A_4 = arith.addi %scan3A_2, %scan3A_3 : i32
    %scan3A_5 = arith.constant 1 : i32
    scf.for %scan3A_47 = %scan3A_2 to %scan3A_4 step %scan3A_5  : i32 {
      %broadcast_in_dim3A = arith.constant 0.000000e+00 : bf16
      %broadcast_in_dim3A_48 = vector.broadcast %broadcast_in_dim3A : bf16 to vector<32xbf16>
      %swap3A = arith.constant 0 : i32
      %swap3A_49 = arith.index_cast %swap3A : i32 to index
      %swap3A_50 = arith.index_cast %scan3A_47 : i32 to index
      %swap3A_51 = arith.constant 0 : index
      %swap3A_52 = tpu.vector_load %arg9[%swap3A_49, %swap3A_50, %swap3A_51] {strides = array<i32>} : memref<2x512x128xbf16, #tpu.memory_space<vmem>>, vector<1x1x32xbf16>,
      %swap3A_53 = vector.shape_cast %swap3A_52 : vector<1x1x32xbf16> to vector<32xbf16>
      %swap3A_54 = vector.shape_cast %broadcast_in_dim3A_48 : vector<32xbf16> to vector<1x1x32xbf16>
      tpu.vector_store %arg9[%swap3A_49, %swap3A_50, %swap3A_51], %swap3A_54 {strides = array<i32>} : memref<2x512x128xbf16, #tpu.memory_space<vmem>>, vector<1x1x32xbf16>,
      %broadcast_in_dim3A_55 = arith.constant 0.000000e+00 : bf16
      %broadcast_in_dim3A_56 = vector.broadcast %broadcast_in_dim3A_55 : bf16 to vector<32xbf16>
      %swap3A_57 = arith.constant 0 : i32
      %swap3A_58 = arith.index_cast %swap3A_57 : i32 to index
      %swap3A_59 = arith.index_cast %scan3A_47 : i32 to index
      %swap3A_60 = arith.constant 32 : index
      %swap3A_61 = tpu.vector_load %arg9[%swap3A_58, %swap3A_59, %swap3A_60] {strides = array<i32>} : memref<2x512x128xbf16, #tpu.memory_space<vmem>>, vector<1x1x32xbf16>,
      %swap3A_62 = vector.shape_cast %swap3A_61 : vector<1x1x32xbf16> to vector<32xbf16>
      %swap3A_63 = vector.shape_cast %broadcast_in_dim3A_56 : vector<32xbf16> to vector<1x1x32xbf16>
      tpu.vector_store %arg9[%swap3A_58, %swap3A_59, %swap3A_60], %swap3A_63 {strides = array<i32>} : memref<2x512x128xbf16, #tpu.memory_space<vmem>>, vector<1x1x32xbf16>,
      %broadcast_in_dim3A_64 = arith.constant 0.000000e+00 : bf16
      %broadcast_in_dim3A_65 = vector.broadcast %broadcast_in_dim3A_64 : bf16 to vector<32xbf16>
      %swap3A_66 = arith.constant 0 : i32
      %swap3A_67 = arith.index_cast %swap3A_66 : i32 to index
      %swap3A_68 = arith.index_cast %scan3A_47 : i32 to index
      %swap3A_69 = arith.constant 64 : index
      %swap3A_70 = tpu.vector_load %arg9[%swap3A_67, %swap3A_68, %swap3A_69] {strides = array<i32>} : memref<2x512x128xbf16, #tpu.memory_space<vmem>>, vector<1x1x32xbf16>,
      %swap3A_71 = vector.shape_cast %swap3A_70 : vector<1x1x32xbf16> to vector<32xbf16>
      %swap3A_72 = vector.shape_cast %broadcast_in_dim3A_65 : vector<32xbf16> to vector<1x1x32xbf16>
      tpu.vector_store %arg9[%swap3A_67, %swap3A_68, %swap3A_69], %swap3A_72 {strides = array<i32>} : memref<2x512x128xbf16, #tpu.memory_space<vmem>>, vector<1x1x32xbf16>,
      %broadcast_in_dim3A_73 = arith.constant 0.000000e+00 : bf16
      %broadcast_in_dim3A_74 = vector.broadcast %broadcast_in_dim3A_73 : bf16 to vector<32xbf16>
      %swap3A_75 = arith.constant 0 : i32
      %swap3A_76 = arith.index_cast %swap3A_75 : i32 to index
      %swap3A_77 = arith.index_cast %scan3A_47 : i32 to index
      %swap3A_78 = arith.constant 96 : index
      %swap3A_79 = tpu.vector_load %arg9[%swap3A_76, %swap3A_77, %swap3A_78] {strides = array<i32>} : memref<2x512x128xbf16, #tpu.memory_space<vmem>>, vector<1x1x32xbf16>,
      %swap3A_80 = vector.shape_cast %swap3A_79 : vector<1x1x32xbf16> to vector<32xbf16>
      %swap3A_81 = vector.shape_cast %broadcast_in_dim3A_74 : vector<32xbf16> to vector<1x1x32xbf16>
      tpu.vector_store %arg9[%swap3A_76, %swap3A_77, %swap3A_78], %swap3A_81 {strides = array<i32>} : memref<2x512x128xbf16, #tpu.memory_space<vmem>>, vector<1x1x32xbf16>,
    }
    %scan3A_6 = arith.constant 104 : i32
    %add3A = arith.constant 0 : i32
    %add3A_7 = arith.addi %mul3A_0, %add3A : i32
    %run_scoped3A_8 = arith.constant 0 : i32
    "tpu.region"() ({
      %run_scoped3A_47 = tpu.sem_alloc : memref<!tpu.dma_semaphore, #tpu.memory_space<semaphore_mem>>
      %dma_start3A = arith.constant 0 : i32
      %dma_start3A_48 = arith.constant 0 : i32
      %dma_start3A_49 = tpu.memref_slice %arg9[%run_scoped3A_8, %dma_start3A, %dma_start3A_48] : memref<2x512x128xbf16, #tpu.memory_space<vmem>> -> memref<1x104x128xbf16, #tpu.memory_space<vmem>>
      %dma_start3A_50 = tpu.memref_squeeze %dma_start3A_49 : memref<1x104x128xbf16, #tpu.memory_space<vmem>> -> memref<104x128xbf16, #tpu.memory_space<vmem>>
      %dma_start3A_51 = arith.constant 0 : i32
      %dma_start3A_52 = tpu.memref_slice %arg14[%add3A_7, %dma_start3A_51] : memref<10008x128xbf16, #tpu.memory_space<vmem_shared>> -> memref<104x128xbf16, #tpu.memory_space<vmem_shared>>
      %dma_start3A_53 = arith.constant 0 : i32
      %dma_start3A_54 = tpu.memref_slice %arg14[%add3A_7, %dma_start3A_53] : memref<10008x128xbf16, #tpu.memory_space<vmem_shared>> -> memref<104x128xbf16, #tpu.memory_space<vmem_shared>>
      %dma_start3A_55 = arith.constant 0 : i32
      %dma_start3A_56 = arith.constant 0 : i32
      %dma_start3A_57 = tpu.memref_slice %arg9[%run_scoped3A_8, %dma_start3A_55, %dma_start3A_56] : memref<2x512x128xbf16, #tpu.memory_space<vmem>> -> memref<1x104x128xbf16, #tpu.memory_space<vmem>>
      %dma_start3A_58 = tpu.memref_squeeze %dma_start3A_57 : memref<1x104x128xbf16, #tpu.memory_space<vmem>> -> memref<104x128xbf16, #tpu.memory_space<vmem>>
      tpu.enqueue_dma source(%dma_start3A_58 : memref<104x128xbf16, #tpu.memory_space<vmem>>) target(%dma_start3A_54 : memref<104x128xbf16, #tpu.memory_space<vmem_shared>>) target_semaphore(%run_scoped3A_47 : memref<!tpu.dma_semaphore, #tpu.memory_space<semaphore_mem>>)
      %dma_wait3A = arith.constant 0 : i32
      %dma_wait3A_59 = arith.constant 0 : i32
      %dma_wait3A_60 = tpu.memref_slice %arg9[%run_scoped3A_8, %dma_wait3A, %dma_wait3A_59] : memref<2x512x128xbf16, #tpu.memory_space<vmem>> -> memref<1x104x128xbf16, #tpu.memory_space<vmem>>
      %dma_wait3A_61 = tpu.memref_squeeze %dma_wait3A_60 : memref<1x104x128xbf16, #tpu.memory_space<vmem>> -> memref<104x128xbf16, #tpu.memory_space<vmem>>
      %dma_wait3A_62 = arith.constant 0 : i32
      %dma_wait3A_63 = tpu.memref_slice %arg14[%add3A_7, %dma_wait3A_62] : memref<10008x128xbf16, #tpu.memory_space<vmem_shared>> -> memref<104x128xbf16, #tpu.memory_space<vmem_shared>>
      %dma_wait3A_64 = arith.constant 0 : i32
      %dma_wait3A_65 = tpu.memref_slice %arg14[%add3A_7, %dma_wait3A_64] : memref<10008x128xbf16, #tpu.memory_space<vmem_shared>> -> memref<104x128xbf16, #tpu.memory_space<vmem_shared>>
      %dma_wait3A_66 = arith.constant 0 : i32
      %dma_wait3A_67 = arith.constant 0 : i32
      %dma_wait3A_68 = tpu.memref_slice %arg9[%run_scoped3A_8, %dma_wait3A_66, %dma_wait3A_67] : memref<2x512x128xbf16, #tpu.memory_space<vmem>> -> memref<1x104x128xbf16, #tpu.memory_space<vmem>>
      %dma_wait3A_69 = tpu.memref_squeeze %dma_wait3A_68 : memref<1x104x128xbf16, #tpu.memory_space<vmem>> -> memref<104x128xbf16, #tpu.memory_space<vmem>>
      tpu.wait_dma2 semaphore(%run_scoped3A_47 : memref<!tpu.dma_semaphore, #tpu.memory_space<semaphore_mem>>) src(%dma_wait3A_69 : memref<104x128xbf16, #tpu.memory_space<vmem>>) dst(%dma_wait3A_65 : memref<104x128xbf16, #tpu.memory_space<vmem_shared>>)
      tpu.yield
    }) : () -> ()
    %add3A_9 = arith.constant 104 : i32
    %add3A_10 = arith.addi %mul3A_0, %add3A_9 : i32
    %run_scoped3A_11 = arith.constant 0 : i32
    "tpu.region"() ({
      %run_scoped3A_47 = tpu.sem_alloc : memref<!tpu.dma_semaphore, #tpu.memory_space<semaphore_mem>>
      %dma_start3A = arith.constant 0 : i32
      %dma_start3A_48 = arith.constant 0 : i32
      %dma_start3A_49 = tpu.memref_slice %arg9[%run_scoped3A_11, %dma_start3A, %dma_start3A_48] : memref<2x512x128xbf16, #tpu.memory_space<vmem>> -> memref<1x104x128xbf16, #tpu.memory_space<vmem>>
      %dma_start3A_50 = tpu.memref_squeeze %dma_start3A_49 : memref<1x104x128xbf16, #tpu.memory_space<vmem>> -> memref<104x128xbf16, #tpu.memory_space<vmem>>
      %dma_start3A_51 = arith.constant 0 : i32
      %dma_start3A_52 = tpu.memref_slice %arg14[%add3A_10, %dma_start3A_51] : memref<10008x128xbf16, #tpu.memory_space<vmem_shared>> -> memref<104x128xbf16, #tpu.memory_space<vmem_shared>>
      %dma_start3A_53 = arith.constant 0 : i32
      %dma_start3A_54 = tpu.memref_slice %arg14[%add3A_10, %dma_start3A_53] : memref<10008x128xbf16, #tpu.memory_space<vmem_shared>> -> memref<104x128xbf16, #tpu.memory_space<vmem_shared>>
      %dma_start3A_55 = arith.constant 0 : i32
      %dma_start3A_56 = arith.constant 0 : i32
      %dma_start3A_57 = tpu.memref_slice %arg9[%run_scoped3A_11, %dma_start3A_55, %dma_start3A_56] : memref<2x512x128xbf16, #tpu.memory_space<vmem>> -> memref<1x104x128xbf16, #tpu.memory_space<vmem>>
      %dma_start3A_58 = tpu.memref_squeeze %dma_start3A_57 : memref<1x104x128xbf16, #tpu.memory_space<vmem>> -> memref<104x128xbf16, #tpu.memory_space<vmem>>
      tpu.enqueue_dma source(%dma_start3A_58 : memref<104x128xbf16, #tpu.memory_space<vmem>>) target(%dma_start3A_54 : memref<104x128xbf16, #tpu.memory_space<vmem_shared>>) target_semaphore(%run_scoped3A_47 : memref<!tpu.dma_semaphore, #tpu.memory_space<semaphore_mem>>)
      %dma_wait3A = arith.constant 0 : i32
      %dma_wait3A_59 = arith.constant 0 : i32
      %dma_wait3A_60 = tpu.memref_slice %arg9[%run_scoped3A_11, %dma_wait3A, %dma_wait3A_59] : memref<2x512x128xbf16, #tpu.memory_space<vmem>> -> memref<1x104x128xbf16, #tpu.memory_space<vmem>>
      %dma_wait3A_61 = tpu.memref_squeeze %dma_wait3A_60 : memref<1x104x128xbf16, #tpu.memory_space<vmem>> -> memref<104x128xbf16, #tpu.memory_space<vmem>>
      %dma_wait3A_62 = arith.constant 0 : i32
      %dma_wait3A_63 = tpu.memref_slice %arg14[%add3A_10, %dma_wait3A_62] : memref<10008x128xbf16, #tpu.memory_space<vmem_shared>> -> memref<104x128xbf16, #tpu.memory_space<vmem_shared>>
      %dma_wait3A_64 = arith.constant 0 : i32
      %dma_wait3A_65 = tpu.memref_slice %arg14[%add3A_10, %dma_wait3A_64] : memref<10008x128xbf16, #tpu.memory_space<vmem_shared>> -> memref<104x128xbf16, #tpu.memory_space<vmem_shared>>
      %dma_wait3A_66 = arith.constant 0 : i32
      %dma_wait3A_67 = arith.constant 0 : i32
      %dma_wait3A_68 = tpu.memref_slice %arg9[%run_scoped3A_11, %dma_wait3A_66, %dma_wait3A_67] : memref<2x512x128xbf16, #tpu.memory_space<vmem>> -> memref<1x104x128xbf16, #tpu.memory_space<vmem>>
      %dma_wait3A_69 = tpu.memref_squeeze %dma_wait3A_68 : memref<1x104x128xbf16, #tpu.memory_space<vmem>> -> memref<104x128xbf16, #tpu.memory_space<vmem>>
      tpu.wait_dma2 semaphore(%run_scoped3A_47 : memref<!tpu.dma_semaphore, #tpu.memory_space<semaphore_mem>>) src(%dma_wait3A_69 : memref<104x128xbf16, #tpu.memory_space<vmem>>) dst(%dma_wait3A_65 : memref<104x128xbf16, #tpu.memory_space<vmem_shared>>)
      tpu.yield
    }) : () -> ()
    %add3A_12 = arith.constant 208 : i32
    %add3A_13 = arith.addi %mul3A_0, %add3A_12 : i32
    %run_scoped3A_14 = arith.constant 0 : i32
    "tpu.region"() ({
      %run_scoped3A_47 = tpu.sem_alloc : memref<!tpu.dma_semaphore, #tpu.memory_space<semaphore_mem>>
      %dma_start3A = arith.constant 0 : i32
      %dma_start3A_48 = arith.constant 0 : i32
      %dma_start3A_49 = tpu.memref_slice %arg9[%run_scoped3A_14, %dma_start3A, %dma_start3A_48] : memref<2x512x128xbf16, #tpu.memory_space<vmem>> -> memref<1x104x128xbf16, #tpu.memory_space<vmem>>
      %dma_start3A_50 = tpu.memref_squeeze %dma_start3A_49 : memref<1x104x128xbf16, #tpu.memory_space<vmem>> -> memref<104x128xbf16, #tpu.memory_space<vmem>>
      %dma_start3A_51 = arith.constant 0 : i32
      %dma_start3A_52 = tpu.memref_slice %arg14[%add3A_13, %dma_start3A_51] : memref<10008x128xbf16, #tpu.memory_space<vmem_shared>> -> memref<104x128xbf16, #tpu.memory_space<vmem_shared>>
      %dma_start3A_53 = arith.constant 0 : i32
      %dma_start3A_54 = tpu.memref_slice %arg14[%add3A_13, %dma_start3A_53] : memref<10008x128xbf16, #tpu.memory_space<vmem_shared>> -> memref<104x128xbf16, #tpu.memory_space<vmem_shared>>
      %dma_start3A_55 = arith.constant 0 : i32
      %dma_start3A_56 = arith.constant 0 : i32
      %dma_start3A_57 = tpu.memref_slice %arg9[%run_scoped3A_14, %dma_start3A_55, %dma_start3A_56] : memref<2x512x128xbf16, #tpu.memory_space<vmem>> -> memref<1x104x128xbf16, #tpu.memory_space<vmem>>
      %dma_start3A_58 = tpu.memref_squeeze %dma_start3A_57 : memref<1x104x128xbf16, #tpu.memory_space<vmem>> -> memref<104x128xbf16, #tpu.memory_space<vmem>>
      tpu.enqueue_dma source(%dma_start3A_58 : memref<104x128xbf16, #tpu.memory_space<vmem>>) target(%dma_start3A_54 : memref<104x128xbf16, #tpu.memory_space<vmem_shared>>) target_semaphore(%run_scoped3A_47 : memref<!tpu.dma_semaphore, #tpu.memory_space<semaphore_mem>>)
      %dma_wait3A = arith.constant 0 : i32
      %dma_wait3A_59 = arith.constant 0 : i32
      %dma_wait3A_60 = tpu.memref_slice %arg9[%run_scoped3A_14, %dma_wait3A, %dma_wait3A_59] : memref<2x512x128xbf16, #tpu.memory_space<vmem>> -> memref<1x104x128xbf16, #tpu.memory_space<vmem>>
      %dma_wait3A_61 = tpu.memref_squeeze %dma_wait3A_60 : memref<1x104x128xbf16, #tpu.memory_space<vmem>> -> memref<104x128xbf16, #tpu.memory_space<vmem>>
      %dma_wait3A_62 = arith.constant 0 : i32
      %dma_wait3A_63 = tpu.memref_slice %arg14[%add3A_13, %dma_wait3A_62] : memref<10008x128xbf16, #tpu.memory_space<vmem_shared>> -> memref<104x128xbf16, #tpu.memory_space<vmem_shared>>
      %dma_wait3A_64 = arith.constant 0 : i32
      %dma_wait3A_65 = tpu.memref_slice %arg14[%add3A_13, %dma_wait3A_64] : memref<10008x128xbf16, #tpu.memory_space<vmem_shared>> -> memref<104x128xbf16, #tpu.memory_space<vmem_shared>>
      %dma_wait3A_66 = arith.constant 0 : i32
      %dma_wait3A_67 = arith.constant 0 : i32
      %dma_wait3A_68 = tpu.memref_slice %arg9[%run_scoped3A_14, %dma_wait3A_66, %dma_wait3A_67] : memref<2x512x128xbf16, #tpu.memory_space<vmem>> -> memref<1x104x128xbf16, #tpu.memory_space<vmem>>
      %dma_wait3A_69 = tpu.memref_squeeze %dma_wait3A_68 : memref<1x104x128xbf16, #tpu.memory_space<vmem>> -> memref<104x128xbf16, #tpu.memory_space<vmem>>
      tpu.wait_dma2 semaphore(%run_scoped3A_47 : memref<!tpu.dma_semaphore, #tpu.memory_space<semaphore_mem>>) src(%dma_wait3A_69 : memref<104x128xbf16, #tpu.memory_space<vmem>>) dst(%dma_wait3A_65 : memref<104x128xbf16, #tpu.memory_space<vmem_shared>>)
      tpu.yield
    }) : () -> ()
    %add3A_15 = arith.constant 312 : i32
    %add3A_16 = arith.addi %mul3A_0, %add3A_15 : i32
    %run_scoped3A_17 = arith.constant 0 : i32
    "tpu.region"() ({
      %run_scoped3A_47 = tpu.sem_alloc : memref<!tpu.dma_semaphore, #tpu.memory_space<semaphore_mem>>
      %dma_start3A = arith.constant 0 : i32
      %dma_start3A_48 = arith.constant 0 : i32
      %dma_start3A_49 = tpu.memref_slice %arg9[%run_scoped3A_17, %dma_start3A, %dma_start3A_48] : memref<2x512x128xbf16, #tpu.memory_space<vmem>> -> memref<1x104x128xbf16, #tpu.memory_space<vmem>>
      %dma_start3A_50 = tpu.memref_squeeze %dma_start3A_49 : memref<1x104x128xbf16, #tpu.memory_space<vmem>> -> memref<104x128xbf16, #tpu.memory_space<vmem>>
      %dma_start3A_51 = arith.constant 0 : i32
      %dma_start3A_52 = tpu.memref_slice %arg14[%add3A_16, %dma_start3A_51] : memref<10008x128xbf16, #tpu.memory_space<vmem_shared>> -> memref<104x128xbf16, #tpu.memory_space<vmem_shared>>
      %dma_start3A_53 = arith.constant 0 : i32
      %dma_start3A_54 = tpu.memref_slice %arg14[%add3A_16, %dma_start3A_53] : memref<10008x128xbf16, #tpu.memory_space<vmem_shared>> -> memref<104x128xbf16, #tpu.memory_space<vmem_shared>>
      %dma_start3A_55 = arith.constant 0 : i32
      %dma_start3A_56 = arith.constant 0 : i32
      %dma_start3A_57 = tpu.memref_slice %arg9[%run_scoped3A_17, %dma_start3A_55, %dma_start3A_56] : memref<2x512x128xbf16, #tpu.memory_space<vmem>> -> memref<1x104x128xbf16, #tpu.memory_space<vmem>>
      %dma_start3A_58 = tpu.memref_squeeze %dma_start3A_57 : memref<1x104x128xbf16, #tpu.memory_space<vmem>> -> memref<104x128xbf16, #tpu.memory_space<vmem>>
      tpu.enqueue_dma source(%dma_start3A_58 : memref<104x128xbf16, #tpu.memory_space<vmem>>) target(%dma_start3A_54 : memref<104x128xbf16, #tpu.memory_space<vmem_shared>>) target_semaphore(%run_scoped3A_47 : memref<!tpu.dma_semaphore, #tpu.memory_space<semaphore_mem>>)
      %dma_wait3A = arith.constant 0 : i32
      %dma_wait3A_59 = arith.constant 0 : i32
      %dma_wait3A_60 = tpu.memref_slice %arg9[%run_scoped3A_17, %dma_wait3A, %dma_wait3A_59] : memref<2x512x128xbf16, #tpu.memory_space<vmem>> -> memref<1x104x128xbf16, #tpu.memory_space<vmem>>
      %dma_wait3A_61 = tpu.memref_squeeze %dma_wait3A_60 : memref<1x104x128xbf16, #tpu.memory_space<vmem>> -> memref<104x128xbf16, #tpu.memory_space<vmem>>
      %dma_wait3A_62 = arith.constant 0 : i32
      %dma_wait3A_63 = tpu.memref_slice %arg14[%add3A_16, %dma_wait3A_62] : memref<10008x128xbf16, #tpu.memory_space<vmem_shared>> -> memref<104x128xbf16, #tpu.memory_space<vmem_shared>>
      %dma_wait3A_64 = arith.constant 0 : i32
      %dma_wait3A_65 = tpu.memref_slice %arg14[%add3A_16, %dma_wait3A_64] : memref<10008x128xbf16, #tpu.memory_space<vmem_shared>> -> memref<104x128xbf16, #tpu.memory_space<vmem_shared>>
      %dma_wait3A_66 = arith.constant 0 : i32
      %dma_wait3A_67 = arith.constant 0 : i32
      %dma_wait3A_68 = tpu.memref_slice %arg9[%run_scoped3A_17, %dma_wait3A_66, %dma_wait3A_67] : memref<2x512x128xbf16, #tpu.memory_space<vmem>> -> memref<1x104x128xbf16, #tpu.memory_space<vmem>>
      %dma_wait3A_69 = tpu.memref_squeeze %dma_wait3A_68 : memref<1x104x128xbf16, #tpu.memory_space<vmem>> -> memref<104x128xbf16, #tpu.memory_space<vmem>>
      tpu.wait_dma2 semaphore(%run_scoped3A_47 : memref<!tpu.dma_semaphore, #tpu.memory_space<semaphore_mem>>) src(%dma_wait3A_69 : memref<104x128xbf16, #tpu.memory_space<vmem>>) dst(%dma_wait3A_65 : memref<104x128xbf16, #tpu.memory_space<vmem_shared>>)
      tpu.yield
    }) : () -> ()
    %add3A_18 = arith.constant 416 : i32
    %add3A_19 = arith.addi %mul3A_0, %add3A_18 : i32
    %run_scoped3A_20 = arith.constant 0 : i32
    "tpu.region"() ({
      %run_scoped3A_47 = tpu.sem_alloc : memref<!tpu.dma_semaphore, #tpu.memory_space<semaphore_mem>>
      %dma_start3A = arith.constant 0 : i32
      %dma_start3A_48 = arith.constant 0 : i32
      %dma_start3A_49 = tpu.memref_slice %arg9[%run_scoped3A_20, %dma_start3A, %dma_start3A_48] : memref<2x512x128xbf16, #tpu.memory_space<vmem>> -> memref<1x104x128xbf16, #tpu.memory_space<vmem>>
      %dma_start3A_50 = tpu.memref_squeeze %dma_start3A_49 : memref<1x104x128xbf16, #tpu.memory_space<vmem>> -> memref<104x128xbf16, #tpu.memory_space<vmem>>
      %dma_start3A_51 = arith.constant 0 : i32
      %dma_start3A_52 = tpu.memref_slice %arg14[%add3A_19, %dma_start3A_51] : memref<10008x128xbf16, #tpu.memory_space<vmem_shared>> -> memref<104x128xbf16, #tpu.memory_space<vmem_shared>>
      %dma_start3A_53 = arith.constant 0 : i32
      %dma_start3A_54 = tpu.memref_slice %arg14[%add3A_19, %dma_start3A_53] : memref<10008x128xbf16, #tpu.memory_space<vmem_shared>> -> memref<104x128xbf16, #tpu.memory_space<vmem_shared>>
      %dma_start3A_55 = arith.constant 0 : i32
      %dma_start3A_56 = arith.constant 0 : i32
      %dma_start3A_57 = tpu.memref_slice %arg9[%run_scoped3A_20, %dma_start3A_55, %dma_start3A_56] : memref<2x512x128xbf16, #tpu.memory_space<vmem>> -> memref<1x104x128xbf16, #tpu.memory_space<vmem>>
      %dma_start3A_58 = tpu.memref_squeeze %dma_start3A_57 : memref<1x104x128xbf16, #tpu.memory_space<vmem>> -> memref<104x128xbf16, #tpu.memory_space<vmem>>
      tpu.enqueue_dma source(%dma_start3A_58 : memref<104x128xbf16, #tpu.memory_space<vmem>>) target(%dma_start3A_54 : memref<104x128xbf16, #tpu.memory_space<vmem_shared>>) target_semaphore(%run_scoped3A_47 : memref<!tpu.dma_semaphore, #tpu.memory_space<semaphore_mem>>)
      %dma_wait3A = arith.constant 0 : i32
      %dma_wait3A_59 = arith.constant 0 : i32
      %dma_wait3A_60 = tpu.memref_slice %arg9[%run_scoped3A_20, %dma_wait3A, %dma_wait3A_59] : memref<2x512x128xbf16, #tpu.memory_space<vmem>> -> memref<1x104x128xbf16, #tpu.memory_space<vmem>>
      %dma_wait3A_61 = tpu.memref_squeeze %dma_wait3A_60 : memref<1x104x128xbf16, #tpu.memory_space<vmem>> -> memref<104x128xbf16, #tpu.memory_space<vmem>>
      %dma_wait3A_62 = arith.constant 0 : i32
      %dma_wait3A_63 = tpu.memref_slice %arg14[%add3A_19, %dma_wait3A_62] : memref<10008x128xbf16, #tpu.memory_space<vmem_shared>> -> memref<104x128xbf16, #tpu.memory_space<vmem_shared>>
      %dma_wait3A_64 = arith.constant 0 : i32
      %dma_wait3A_65 = tpu.memref_slice %arg14[%add3A_19, %dma_wait3A_64] : memref<10008x128xbf16, #tpu.memory_space<vmem_shared>> -> memref<104x128xbf16, #tpu.memory_space<vmem_shared>>
      %dma_wait3A_66 = arith.constant 0 : i32
      %dma_wait3A_67 = arith.constant 0 : i32
      %dma_wait3A_68 = tpu.memref_slice %arg9[%run_scoped3A_20, %dma_wait3A_66, %dma_wait3A_67] : memref<2x512x128xbf16, #tpu.memory_space<vmem>> -> memref<1x104x128xbf16, #tpu.memory_space<vmem>>
      %dma_wait3A_69 = tpu.memref_squeeze %dma_wait3A_68 : memref<1x104x128xbf16, #tpu.memory_space<vmem>> -> memref<104x128xbf16, #tpu.memory_space<vmem>>
      tpu.wait_dma2 semaphore(%run_scoped3A_47 : memref<!tpu.dma_semaphore, #tpu.memory_space<semaphore_mem>>) src(%dma_wait3A_69 : memref<104x128xbf16, #tpu.memory_space<vmem>>) dst(%dma_wait3A_65 : memref<104x128xbf16, #tpu.memory_space<vmem_shared>>)
      tpu.yield
    }) : () -> ()
    %add3A_21 = arith.constant 520 : i32
    %add3A_22 = arith.addi %mul3A_0, %add3A_21 : i32
    %run_scoped3A_23 = arith.constant 0 : i32
    "tpu.region"() ({
      %run_scoped3A_47 = tpu.sem_alloc : memref<!tpu.dma_semaphore, #tpu.memory_space<semaphore_mem>>
      %dma_start3A = arith.constant 0 : i32
      %dma_start3A_48 = arith.constant 0 : i32
      %dma_start3A_49 = tpu.memref_slice %arg9[%run_scoped3A_23, %dma_start3A, %dma_start3A_48] : memref<2x512x128xbf16, #tpu.memory_space<vmem>> -> memref<1x104x128xbf16, #tpu.memory_space<vmem>>
      %dma_start3A_50 = tpu.memref_squeeze %dma_start3A_49 : memref<1x104x128xbf16, #tpu.memory_space<vmem>> -> memref<104x128xbf16, #tpu.memory_space<vmem>>
      %dma_start3A_51 = arith.constant 0 : i32
      %dma_start3A_52 = tpu.memref_slice %arg14[%add3A_22, %dma_start3A_51] : memref<10008x128xbf16, #tpu.memory_space<vmem_shared>> -> memref<104x128xbf16, #tpu.memory_space<vmem_shared>>
      %dma_start3A_53 = arith.constant 0 : i32
      %dma_start3A_54 = tpu.memref_slice %arg14[%add3A_22, %dma_start3A_53] : memref<10008x128xbf16, #tpu.memory_space<vmem_shared>> -> memref<104x128xbf16, #tpu.memory_space<vmem_shared>>
      %dma_start3A_55 = arith.constant 0 : i32
      %dma_start3A_56 = arith.constant 0 : i32
      %dma_start3A_57 = tpu.memref_slice %arg9[%run_scoped3A_23, %dma_start3A_55, %dma_start3A_56] : memref<2x512x128xbf16, #tpu.memory_space<vmem>> -> memref<1x104x128xbf16, #tpu.memory_space<vmem>>
      %dma_start3A_58 = tpu.memref_squeeze %dma_start3A_57 : memref<1x104x128xbf16, #tpu.memory_space<vmem>> -> memref<104x128xbf16, #tpu.memory_space<vmem>>
      tpu.enqueue_dma source(%dma_start3A_58 : memref<104x128xbf16, #tpu.memory_space<vmem>>) target(%dma_start3A_54 : memref<104x128xbf16, #tpu.memory_space<vmem_shared>>) target_semaphore(%run_scoped3A_47 : memref<!tpu.dma_semaphore, #tpu.memory_space<semaphore_mem>>)
      %dma_wait3A = arith.constant 0 : i32
      %dma_wait3A_59 = arith.constant 0 : i32
      %dma_wait3A_60 = tpu.memref_slice %arg9[%run_scoped3A_23, %dma_wait3A, %dma_wait3A_59] : memref<2x512x128xbf16, #tpu.memory_space<vmem>> -> memref<1x104x128xbf16, #tpu.memory_space<vmem>>
      %dma_wait3A_61 = tpu.memref_squeeze %dma_wait3A_60 : memref<1x104x128xbf16, #tpu.memory_space<vmem>> -> memref<104x128xbf16, #tpu.memory_space<vmem>>
      %dma_wait3A_62 = arith.constant 0 : i32
      %dma_wait3A_63 = tpu.memref_slice %arg14[%add3A_22, %dma_wait3A_62] : memref<10008x128xbf16, #tpu.memory_space<vmem_shared>> -> memref<104x128xbf16, #tpu.memory_space<vmem_shared>>
      %dma_wait3A_64 = arith.constant 0 : i32
      %dma_wait3A_65 = tpu.memref_slice %arg14[%add3A_22, %dma_wait3A_64] : memref<10008x128xbf16, #tpu.memory_space<vmem_shared>> -> memref<104x128xbf16, #tpu.memory_space<vmem_shared>>
      %dma_wait3A_66 = arith.constant 0 : i32
      %dma_wait3A_67 = arith.constant 0 : i32
      %dma_wait3A_68 = tpu.memref_slice %arg9[%run_scoped3A_23, %dma_wait3A_66, %dma_wait3A_67] : memref<2x512x128xbf16, #tpu.memory_space<vmem>> -> memref<1x104x128xbf16, #tpu.memory_space<vmem>>
      %dma_wait3A_69 = tpu.memref_squeeze %dma_wait3A_68 : memref<1x104x128xbf16, #tpu.memory_space<vmem>> -> memref<104x128xbf16, #tpu.memory_space<vmem>>
      tpu.wait_dma2 semaphore(%run_scoped3A_47 : memref<!tpu.dma_semaphore, #tpu.memory_space<semaphore_mem>>) src(%dma_wait3A_69 : memref<104x128xbf16, #tpu.memory_space<vmem>>) dst(%dma_wait3A_65 : memref<104x128xbf16, #tpu.memory_space<vmem_shared>>)
      tpu.yield
    }) : () -> ()
    %eq3A = arith.constant 15 : i32
    %eq3A_24 = arith.cmpi eq, %arg1, %eq3A : i32
    %convert_element_type3A = arith.extui %eq3A_24 : i1 to i32
    %cond3A = arith.constant 0 : i32
    %cond3A_25 = arith.cmpi ne, %convert_element_type3A, %cond3A : i32
    scf.if %cond3A_25 {
      %run_scoped3A_47 = arith.constant 0 : i32
      "tpu.region"() ({
        %run_scoped3A_48 = tpu.sem_alloc : memref<!tpu.dma_semaphore, #tpu.memory_space<semaphore_mem>>
        %dma_start3A = arith.constant 0 : i32
        %dma_start3A_49 = arith.constant 0 : i32
        %dma_start3A_50 = tpu.memref_slice %arg9[%run_scoped3A_47, %dma_start3A, %dma_start3A_49] : memref<2x512x128xbf16, #tpu.memory_space<vmem>> -> memref<1x24x128xbf16, #tpu.memory_space<vmem>>
        %dma_start3A_51 = tpu.memref_squeeze %dma_start3A_50 : memref<1x24x128xbf16, #tpu.memory_space<vmem>> -> memref<24x128xbf16, #tpu.memory_space<vmem>>
        %dma_start3A_52 = arith.constant 9984 : i32
        %dma_start3A_53 = arith.constant 0 : i32
        %dma_start3A_54 = tpu.memref_slice %arg14[%dma_start3A_52, %dma_start3A_53] : memref<10008x128xbf16, #tpu.memory_space<vmem_shared>> -> memref<24x128xbf16, #tpu.memory_space<vmem_shared>>
        %dma_start3A_55 = arith.constant 9984 : i32
        %dma_start3A_56 = arith.constant 0 : i32
        %dma_start3A_57 = tpu.memref_slice %arg14[%dma_start3A_55, %dma_start3A_56] : memref<10008x128xbf16, #tpu.memory_space<vmem_shared>> -> memref<24x128xbf16, #tpu.memory_space<vmem_shared>>
        %dma_start3A_58 = arith.constant 0 : i32
        %dma_start3A_59 = arith.constant 0 : i32
        %dma_start3A_60 = tpu.memref_slice %arg9[%run_scoped3A_47, %dma_start3A_58, %dma_start3A_59] : memref<2x512x128xbf16, #tpu.memory_space<vmem>> -> memref<1x24x128xbf16, #tpu.memory_space<vmem>>
        %dma_start3A_61 = tpu.memref_squeeze %dma_start3A_60 : memref<1x24x128xbf16, #tpu.memory_space<vmem>> -> memref<24x128xbf16, #tpu.memory_space<vmem>>
        tpu.enqueue_dma source(%dma_start3A_61 : memref<24x128xbf16, #tpu.memory_space<vmem>>) target(%dma_start3A_57 : memref<24x128xbf16, #tpu.memory_space<vmem_shared>>) target_semaphore(%run_scoped3A_48 : memref<!tpu.dma_semaphore, #tpu.memory_space<semaphore_mem>>)
        %dma_wait3A = arith.constant 0 : i32
        %dma_wait3A_62 = arith.constant 0 : i32
        %dma_wait3A_63 = tpu.memref_slice %arg9[%run_scoped3A_47, %dma_wait3A, %dma_wait3A_62] : memref<2x512x128xbf16, #tpu.memory_space<vmem>> -> memref<1x24x128xbf16, #tpu.memory_space<vmem>>
        %dma_wait3A_64 = tpu.memref_squeeze %dma_wait3A_63 : memref<1x24x128xbf16, #tpu.memory_space<vmem>> -> memref<24x128xbf16, #tpu.memory_space<vmem>>
        %dma_wait3A_65 = arith.constant 9984 : i32
        %dma_wait3A_66 = arith.constant 0 : i32
        %dma_wait3A_67 = tpu.memref_slice %arg14[%dma_wait3A_65, %dma_wait3A_66] : memref<10008x128xbf16, #tpu.memory_space<vmem_shared>> -> memref<24x128xbf16, #tpu.memory_space<vmem_shared>>
        %dma_wait3A_68 = arith.constant 9984 : i32
        %dma_wait3A_69 = arith.constant 0 : i32
        %dma_wait3A_70 = tpu.memref_slice %arg14[%dma_wait3A_68, %dma_wait3A_69] : memref<10008x128xbf16, #tpu.memory_space<vmem_shared>> -> memref<24x128xbf16, #tpu.memory_space<vmem_shared>>
        %dma_wait3A_71 = arith.constant 0 : i32
        %dma_wait3A_72 = arith.constant 0 : i32
        %dma_wait3A_73 = tpu.memref_slice %arg9[%run_scoped3A_47, %dma_wait3A_71, %dma_wait3A_72] : memref<2x512x128xbf16, #tpu.memory_space<vmem>> -> memref<1x24x128xbf16, #tpu.memory_space<vmem>>
        %dma_wait3A_74 = tpu.memref_squeeze %dma_wait3A_73 : memref<1x24x128xbf16, #tpu.memory_space<vmem>> -> memref<24x128xbf16, #tpu.memory_space<vmem>>
        tpu.wait_dma2 semaphore(%run_scoped3A_48 : memref<!tpu.dma_semaphore, #tpu.memory_space<semaphore_mem>>) src(%dma_wait3A_74 : memref<24x128xbf16, #tpu.memory_space<vmem>>) dst(%dma_wait3A_70 : memref<24x128xbf16, #tpu.memory_space<vmem_shared>>)
        tpu.yield
      }) : () -> ()
    } else {
    }
    %barrier3A = arith.constant 0 : index
    tpu.barrier barrier_id(%barrier3A)
    %eq3A_26 = arith.constant 0 : i32
    %eq3A_27 = arith.cmpi eq, %arg0, %eq3A_26 : i32
    %convert_element_type3A_28 = arith.extui %eq3A_27 : i1 to i32
    %cond3A_29 = arith.constant 0 : i32
    %cond3A_30 = arith.cmpi ne, %convert_element_type3A_28, %cond3A_29 : i32
    scf.if %cond3A_30 {
      %dma_start3A = arith.constant 0 : i32
      %dma_start3A_47 = arith.constant 0 : i32
      %dma_start3A_48 = arith.constant 0 : i32
      %dma_start3A_49 = arith.constant 0 : i32
      %dma_start3A_50 = arith.constant 0 : i32
      %dma_start3A_51 = tpu.memref_slice %arg9[%dma_start3A_48, %dma_start3A_49, %dma_start3A_50] : memref<2x512x128xbf16, #tpu.memory_space<vmem>> -> memref<1x512x128xbf16, #tpu.memory_space<vmem>>
      %dma_start3A_52 = tpu.memref_squeeze %dma_start3A_51 : memref<1x512x128xbf16, #tpu.memory_space<vmem>> -> memref<512x128xbf16, #tpu.memory_space<vmem>>
      %dma_start3A_53 = arith.constant 0 : i32
      %dma_start3A_54 = tpu.memref_slice %arg8[%dma_start3A, %dma_start3A_47, %dma_start3A_53] : memref<2x20x512xi32, #tpu.memory_space<vmem>> -> memref<1x1x512xi32, #tpu.memory_space<vmem>>
      %dma_start3A_55 = tpu.memref_squeeze %dma_start3A_54 : memref<1x1x512xi32, #tpu.memory_space<vmem>> -> memref<512xi32, #tpu.memory_space<vmem>>
      %dma_start3A_56 = arith.constant 0 : i32
      %dma_start3A_57 = arith.constant 0 : i32
      %dma_start3A_58 = tpu.memref_slice %arg2[%dma_start3A_56, %dma_start3A_57] : memref<10000x128xbf16, #tpu.memory_space<hbm>> -> memref<10000x128xbf16, #tpu.memory_space<hbm>>
      tpu.enqueue_indirect_dma source(%dma_start3A_58 : memref<10000x128xbf16, #tpu.memory_space<hbm>>) target(%dma_start3A_52 : memref<512x128xbf16, #tpu.memory_space<vmem>>) offsets(%dma_start3A_55 : memref<512xi32, #tpu.memory_space<vmem>>) semaphore(%arg10 : memref<!tpu.dma_semaphore, #tpu.memory_space<semaphore_mem>>)
      %dma_start3A_59 = arith.constant 0 : i32
      %dma_start3A_60 = arith.constant 1 : i32
      %dma_start3A_61 = arith.constant 1 : i32
      %dma_start3A_62 = arith.constant 0 : i32
      %dma_start3A_63 = arith.constant 0 : i32
      %dma_start3A_64 = tpu.memref_slice %arg9[%dma_start3A_61, %dma_start3A_62, %dma_start3A_63] : memref<2x512x128xbf16, #tpu.memory_space<vmem>> -> memref<1x512x128xbf16, #tpu.memory_space<vmem>>
      %dma_start3A_65 = tpu.memref_squeeze %dma_start3A_64 : memref<1x512x128xbf16, #tpu.memory_space<vmem>> -> memref<512x128xbf16, #tpu.memory_space<vmem>>
      %dma_start3A_66 = arith.constant 0 : i32
      %dma_start3A_67 = tpu.memref_slice %arg8[%dma_start3A_59, %dma_start3A_60, %dma_start3A_66] : memref<2x20x512xi32, #tpu.memory_space<vmem>> -> memref<1x1x512xi32, #tpu.memory_space<vmem>>
      %dma_start3A_68 = tpu.memref_squeeze %dma_start3A_67 : memref<1x1x512xi32, #tpu.memory_space<vmem>> -> memref<512xi32, #tpu.memory_space<vmem>>
      %dma_start3A_69 = arith.constant 0 : i32
      %dma_start3A_70 = arith.constant 0 : i32
      %dma_start3A_71 = tpu.memref_slice %arg2[%dma_start3A_69, %dma_start3A_70] : memref<10000x128xbf16, #tpu.memory_space<hbm>> -> memref<10000x128xbf16, #tpu.memory_space<hbm>>
      tpu.enqueue_indirect_dma source(%dma_start3A_71 : memref<10000x128xbf16, #tpu.memory_space<hbm>>) target(%dma_start3A_65 : memref<512x128xbf16, #tpu.memory_space<vmem>>) offsets(%dma_start3A_68 : memref<512xi32, #tpu.memory_space<vmem>>) semaphore(%arg11 : memref<!tpu.dma_semaphore, #tpu.memory_space<semaphore_mem>>)
      %scan3A_72 = arith.constant 0 : i32
      %scan3A_73 = arith.constant 0 : i32
      %scan3A_74 = arith.constant 1 : i32
      %scan3A_75 = arith.constant 0 : i32
      %scan3A_76 = arith.constant 10 : i32
      %scan3A_77 = arith.addi %scan3A_75, %scan3A_76 : i32
      %scan3A_78 = arith.constant 1 : i32
      scf.for %scan3A_105 = %scan3A_75 to %scan3A_77 step %scan3A_78  : i32 {
        %mul3A_106 = arith.constant 2 : i32
        %mul3A_107 = arith.muli %mul3A_106, %scan3A_105 : i32
        %dma_wait3A_108 = arith.constant 0 : i32
        %dma_wait3A_109 = arith.constant 0 : i32
        %dma_wait3A_110 = arith.constant 0 : i32
        %dma_wait3A_111 = arith.constant 0 : i32
        %dma_wait3A_112 = tpu.memref_slice %arg9[%scan3A_73, %dma_wait3A_110, %dma_wait3A_111] : memref<2x512x128xbf16, #tpu.memory_space<vmem>> -> memref<1x512x128xbf16, #tpu.memory_space<vmem>>
        %dma_wait3A_113 = tpu.memref_squeeze %dma_wait3A_112 : memref<1x512x128xbf16, #tpu.memory_space<vmem>> -> memref<512x128xbf16, #tpu.memory_space<vmem>>
        %dma_wait3A_114 = arith.constant 0 : i32
        %dma_wait3A_115 = tpu.memref_slice %arg8[%dma_wait3A_108, %dma_wait3A_109, %dma_wait3A_114] : memref<2x20x512xi32, #tpu.memory_space<vmem>> -> memref<1x1x512xi32, #tpu.memory_space<vmem>>
        %dma_wait3A_116 = tpu.memref_squeeze %dma_wait3A_115 : memref<1x1x512xi32, #tpu.memory_space<vmem>> -> memref<512xi32, #tpu.memory_space<vmem>>
        %dma_wait3A_117 = arith.constant 0 : i32
        %dma_wait3A_118 = arith.constant 0 : i32
        %dma_wait3A_119 = tpu.memref_slice %arg2[%dma_wait3A_117, %dma_wait3A_118] : memref<10000x128xbf16, #tpu.memory_space<hbm>> -> memref<10000x128xbf16, #tpu.memory_space<hbm>>
        tpu.wait_indirect_dma semaphore(%arg10 : memref<!tpu.dma_semaphore, #tpu.memory_space<semaphore_mem>>) src(%dma_wait3A_119 : memref<10000x128xbf16, #tpu.memory_space<hbm>>) dst(%dma_wait3A_113 : memref<512x128xbf16, #tpu.memory_space<vmem>>)
        %dma_start3A_120 = arith.constant 1 : i32
        %dma_start3A_121 = arith.constant 0 : i32
        %dma_start3A_122 = arith.constant 0 : i32
        %dma_start3A_123 = tpu.memref_slice %arg9[%scan3A_73, %dma_start3A_121, %dma_start3A_122] : memref<2x512x128xbf16, #tpu.memory_space<vmem>> -> memref<1x512x128xbf16, #tpu.memory_space<vmem>>
        %dma_start3A_124 = tpu.memref_squeeze %dma_start3A_123 : memref<1x512x128xbf16, #tpu.memory_space<vmem>> -> memref<512x128xbf16, #tpu.memory_space<vmem>>
        %dma_start3A_125 = arith.constant 0 : i32
        %dma_start3A_126 = tpu.memref_slice %arg8[%dma_start3A_120, %mul3A_107, %dma_start3A_125] : memref<2x20x512xi32, #tpu.memory_space<vmem>> -> memref<1x1x512xi32, #tpu.memory_space<vmem>>
        %dma_start3A_127 = tpu.memref_squeeze %dma_start3A_126 : memref<1x1x512xi32, #tpu.memory_space<vmem>> -> memref<512xi32, #tpu.memory_space<vmem>>
        %dma_start3A_128 = arith.constant 0 : i32
        %dma_start3A_129 = arith.constant 0 : i32
        %dma_start3A_130 = tpu.memref_slice %arg14[%dma_start3A_128, %dma_start3A_129] : memref<10008x128xbf16, #tpu.memory_space<vmem_shared>> -> memref<10008x128xbf16, #tpu.memory_space<vmem_shared>>
        tpu.enqueue_indirect_dma source(%dma_start3A_124 : memref<512x128xbf16, #tpu.memory_space<vmem>>) target(%dma_start3A_130 : memref<10008x128xbf16, #tpu.memory_space<vmem_shared>>) offsets(%dma_start3A_127 : memref<512xi32, #tpu.memory_space<vmem>>) semaphore(%arg12 : memref<!tpu.dma_semaphore, #tpu.memory_space<semaphore_mem>>) {add = true}
        %dma_wait3A_131 = arith.constant 0 : i32
        %dma_wait3A_132 = arith.constant 0 : i32
        %dma_wait3A_133 = arith.constant 0 : i32
        %dma_wait3A_134 = arith.constant 0 : i32
        %dma_wait3A_135 = tpu.memref_slice %arg9[%scan3A_74, %dma_wait3A_133, %dma_wait3A_134] : memref<2x512x128xbf16, #tpu.memory_space<vmem>> -> memref<1x512x128xbf16, #tpu.memory_space<vmem>>
        %dma_wait3A_136 = tpu.memref_squeeze %dma_wait3A_135 : memref<1x512x128xbf16, #tpu.memory_space<vmem>> -> memref<512x128xbf16, #tpu.memory_space<vmem>>
        %dma_wait3A_137 = arith.constant 0 : i32
        %dma_wait3A_138 = tpu.memref_slice %arg8[%dma_wait3A_131, %dma_wait3A_132, %dma_wait3A_137] : memref<2x20x512xi32, #tpu.memory_space<vmem>> -> memref<1x1x512xi32, #tpu.memory_space<vmem>>
        %dma_wait3A_139 = tpu.memref_squeeze %dma_wait3A_138 : memref<1x1x512xi32, #tpu.memory_space<vmem>> -> memref<512xi32, #tpu.memory_space<vmem>>
        %dma_wait3A_140 = arith.constant 0 : i32
        %dma_wait3A_141 = arith.constant 0 : i32
        %dma_wait3A_142 = tpu.memref_slice %arg2[%dma_wait3A_140, %dma_wait3A_141] : memref<10000x128xbf16, #tpu.memory_space<hbm>> -> memref<10000x128xbf16, #tpu.memory_space<hbm>>
        tpu.wait_indirect_dma semaphore(%arg11 : memref<!tpu.dma_semaphore, #tpu.memory_space<semaphore_mem>>) src(%dma_wait3A_142 : memref<10000x128xbf16, #tpu.memory_space<hbm>>) dst(%dma_wait3A_136 : memref<512x128xbf16, #tpu.memory_space<vmem>>)
        %add3A_143 = arith.constant 1 : i32
        %add3A_144 = arith.addi %mul3A_107, %add3A_143 : i32
        %dma_start3A_145 = arith.constant 1 : i32
        %dma_start3A_146 = arith.constant 0 : i32
        %dma_start3A_147 = arith.constant 0 : i32
        %dma_start3A_148 = tpu.memref_slice %arg9[%scan3A_74, %dma_start3A_146, %dma_start3A_147] : memref<2x512x128xbf16, #tpu.memory_space<vmem>> -> memref<1x512x128xbf16, #tpu.memory_space<vmem>>
        %dma_start3A_149 = tpu.memref_squeeze %dma_start3A_148 : memref<1x512x128xbf16, #tpu.memory_space<vmem>> -> memref<512x128xbf16, #tpu.memory_space<vmem>>
        %dma_start3A_150 = arith.constant 0 : i32
        %dma_start3A_151 = tpu.memref_slice %arg8[%dma_start3A_145, %add3A_144, %dma_start3A_150] : memref<2x20x512xi32, #tpu.memory_space<vmem>> -> memref<1x1x512xi32, #tpu.memory_space<vmem>>
        %dma_start3A_152 = tpu.memref_squeeze %dma_start3A_151 : memref<1x1x512xi32, #tpu.memory_space<vmem>> -> memref<512xi32, #tpu.memory_space<vmem>>
        %dma_start3A_153 = arith.constant 0 : i32
        %dma_start3A_154 = arith.constant 0 : i32
        %dma_start3A_155 = tpu.memref_slice %arg14[%dma_start3A_153, %dma_start3A_154] : memref<10008x128xbf16, #tpu.memory_space<vmem_shared>> -> memref<10008x128xbf16, #tpu.memory_space<vmem_shared>>
        tpu.enqueue_indirect_dma source(%dma_start3A_149 : memref<512x128xbf16, #tpu.memory_space<vmem>>) target(%dma_start3A_155 : memref<10008x128xbf16, #tpu.memory_space<vmem_shared>>) offsets(%dma_start3A_152 : memref<512xi32, #tpu.memory_space<vmem>>) semaphore(%arg13 : memref<!tpu.dma_semaphore, #tpu.memory_space<semaphore_mem>>) {add = true}
        %add3A_156 = arith.constant 2 : i32
        %add3A_157 = arith.addi %mul3A_107, %add3A_156 : i32
        %lt3A = arith.constant 20 : i32
        %lt3A_158 = arith.cmpi slt, %add3A_157, %lt3A : i32
        %convert_element_type3A_159 = arith.extui %lt3A_158 : i1 to i32
        %cond3A_160 = arith.constant 0 : i32
        %cond3A_161 = arith.cmpi ne, %convert_element_type3A_159, %cond3A_160 : i32
        scf.if %cond3A_161 {
          %dma_wait3A_169 = arith.constant 1 : i32
          %dma_wait3A_170 = arith.constant 0 : i32
          %dma_wait3A_171 = arith.constant 0 : i32
          %dma_wait3A_172 = arith.constant 0 : i32
          %dma_wait3A_173 = tpu.memref_slice %arg9[%scan3A_73, %dma_wait3A_171, %dma_wait3A_172] : memref<2x512x128xbf16, #tpu.memory_space<vmem>> -> memref<1x512x128xbf16, #tpu.memory_space<vmem>>
          %dma_wait3A_174 = tpu.memref_squeeze %dma_wait3A_173 : memref<1x512x128xbf16, #tpu.memory_space<vmem>> -> memref<512x128xbf16, #tpu.memory_space<vmem>>
          %dma_wait3A_175 = arith.constant 0 : i32
          %dma_wait3A_176 = tpu.memref_slice %arg8[%dma_wait3A_169, %dma_wait3A_170, %dma_wait3A_175] : memref<2x20x512xi32, #tpu.memory_space<vmem>> -> memref<1x1x512xi32, #tpu.memory_space<vmem>>
          %dma_wait3A_177 = tpu.memref_squeeze %dma_wait3A_176 : memref<1x1x512xi32, #tpu.memory_space<vmem>> -> memref<512xi32, #tpu.memory_space<vmem>>
          %dma_wait3A_178 = arith.constant 0 : i32
          %dma_wait3A_179 = arith.constant 0 : i32
          %dma_wait3A_180 = tpu.memref_slice %arg14[%dma_wait3A_178, %dma_wait3A_179] : memref<10008x128xbf16, #tpu.memory_space<vmem_shared>> -> memref<10008x128xbf16, #tpu.memory_space<vmem_shared>>
          tpu.wait_indirect_dma semaphore(%arg12 : memref<!tpu.dma_semaphore, #tpu.memory_space<semaphore_mem>>) src(%dma_wait3A_174 : memref<512x128xbf16, #tpu.memory_space<vmem>>) dst(%dma_wait3A_180 : memref<10008x128xbf16, #tpu.memory_space<vmem_shared>>)
          %add3A_181 = arith.constant 2 : i32
          %add3A_182 = arith.addi %mul3A_107, %add3A_181 : i32
          %dma_start3A_183 = arith.constant 0 : i32
          %dma_start3A_184 = arith.constant 0 : i32
          %dma_start3A_185 = arith.constant 0 : i32
          %dma_start3A_186 = tpu.memref_slice %arg9[%scan3A_73, %dma_start3A_184, %dma_start3A_185] : memref<2x512x128xbf16, #tpu.memory_space<vmem>> -> memref<1x512x128xbf16, #tpu.memory_space<vmem>>
          %dma_start3A_187 = tpu.memref_squeeze %dma_start3A_186 : memref<1x512x128xbf16, #tpu.memory_space<vmem>> -> memref<512x128xbf16, #tpu.memory_space<vmem>>
          %dma_start3A_188 = arith.constant 0 : i32
          %dma_start3A_189 = tpu.memref_slice %arg8[%dma_start3A_183, %add3A_182, %dma_start3A_188] : memref<2x20x512xi32, #tpu.memory_space<vmem>> -> memref<1x1x512xi32, #tpu.memory_space<vmem>>
          %dma_start3A_190 = tpu.memref_squeeze %dma_start3A_189 : memref<1x1x512xi32, #tpu.memory_space<vmem>> -> memref<512xi32, #tpu.memory_space<vmem>>
          %dma_start3A_191 = arith.constant 0 : i32
          %dma_start3A_192 = arith.constant 0 : i32
          %dma_start3A_193 = tpu.memref_slice %arg2[%dma_start3A_191, %dma_start3A_192] : memref<10000x128xbf16, #tpu.memory_space<hbm>> -> memref<10000x128xbf16, #tpu.memory_space<hbm>>
          tpu.enqueue_indirect_dma source(%dma_start3A_193 : memref<10000x128xbf16, #tpu.memory_space<hbm>>) target(%dma_start3A_187 : memref<512x128xbf16, #tpu.memory_space<vmem>>) offsets(%dma_start3A_190 : memref<512xi32, #tpu.memory_space<vmem>>) semaphore(%arg10 : memref<!tpu.dma_semaphore, #tpu.memory_space<semaphore_mem>>)
        } else {
        }
        %add3A_162 = arith.constant 3 : i32
        %add3A_163 = arith.addi %mul3A_107, %add3A_162 : i32
        %lt3A_164 = arith.constant 20 : i32
        %lt3A_165 = arith.cmpi slt, %add3A_163, %lt3A_164 : i32
        %convert_element_type3A_166 = arith.extui %lt3A_165 : i1 to i32
        %cond3A_167 = arith.constant 0 : i32
        %cond3A_168 = arith.cmpi ne, %convert_element_type3A_166, %cond3A_167 : i32
        scf.if %cond3A_168 {
          %dma_wait3A_169 = arith.constant 1 : i32
          %dma_wait3A_170 = arith.constant 0 : i32
          %dma_wait3A_171 = arith.constant 0 : i32
          %dma_wait3A_172 = arith.constant 0 : i32
          %dma_wait3A_173 = tpu.memref_slice %arg9[%scan3A_74, %dma_wait3A_171, %dma_wait3A_172] : memref<2x512x128xbf16, #tpu.memory_space<vmem>> -> memref<1x512x128xbf16, #tpu.memory_space<vmem>>
          %dma_wait3A_174 = tpu.memref_squeeze %dma_wait3A_173 : memref<1x512x128xbf16, #tpu.memory_space<vmem>> -> memref<512x128xbf16, #tpu.memory_space<vmem>>
          %dma_wait3A_175 = arith.constant 0 : i32
          %dma_wait3A_176 = tpu.memref_slice %arg8[%dma_wait3A_169, %dma_wait3A_170, %dma_wait3A_175] : memref<2x20x512xi32, #tpu.memory_space<vmem>> -> memref<1x1x512xi32, #tpu.memory_space<vmem>>
          %dma_wait3A_177 = tpu.memref_squeeze %dma_wait3A_176 : memref<1x1x512xi32, #tpu.memory_space<vmem>> -> memref<512xi32, #tpu.memory_space<vmem>>
          %dma_wait3A_178 = arith.constant 0 : i32
          %dma_wait3A_179 = arith.constant 0 : i32
          %dma_wait3A_180 = tpu.memref_slice %arg14[%dma_wait3A_178, %dma_wait3A_179] : memref<10008x128xbf16, #tpu.memory_space<vmem_shared>> -> memref<10008x128xbf16, #tpu.memory_space<vmem_shared>>
          tpu.wait_indirect_dma semaphore(%arg13 : memref<!tpu.dma_semaphore, #tpu.memory_space<semaphore_mem>>) src(%dma_wait3A_174 : memref<512x128xbf16, #tpu.memory_space<vmem>>) dst(%dma_wait3A_180 : memref<10008x128xbf16, #tpu.memory_space<vmem_shared>>)
          %add3A_181 = arith.constant 3 : i32
          %add3A_182 = arith.addi %mul3A_107, %add3A_181 : i32
          %dma_start3A_183 = arith.constant 0 : i32
          %dma_start3A_184 = arith.constant 0 : i32
          %dma_start3A_185 = arith.constant 0 : i32
          %dma_start3A_186 = tpu.memref_slice %arg9[%scan3A_74, %dma_start3A_184, %dma_start3A_185] : memref<2x512x128xbf16, #tpu.memory_space<vmem>> -> memref<1x512x128xbf16, #tpu.memory_space<vmem>>
          %dma_start3A_187 = tpu.memref_squeeze %dma_start3A_186 : memref<1x512x128xbf16, #tpu.memory_space<vmem>> -> memref<512x128xbf16, #tpu.memory_space<vmem>>
          %dma_start3A_188 = arith.constant 0 : i32
          %dma_start3A_189 = tpu.memref_slice %arg8[%dma_start3A_183, %add3A_182, %dma_start3A_188] : memref<2x20x512xi32, #tpu.memory_space<vmem>> -> memref<1x1x512xi32, #tpu.memory_space<vmem>>
          %dma_start3A_190 = tpu.memref_squeeze %dma_start3A_189 : memref<1x1x512xi32, #tpu.memory_space<vmem>> -> memref<512xi32, #tpu.memory_space<vmem>>
          %dma_start3A_191 = arith.constant 0 : i32
          %dma_start3A_192 = arith.constant 0 : i32
          %dma_start3A_193 = tpu.memref_slice %arg2[%dma_start3A_191, %dma_start3A_192] : memref<10000x128xbf16, #tpu.memory_space<hbm>> -> memref<10000x128xbf16, #tpu.memory_space<hbm>>
          tpu.enqueue_indirect_dma source(%dma_start3A_193 : memref<10000x128xbf16, #tpu.memory_space<hbm>>) target(%dma_start3A_187 : memref<512x128xbf16, #tpu.memory_space<vmem>>) offsets(%dma_start3A_190 : memref<512xi32, #tpu.memory_space<vmem>>) semaphore(%arg11 : memref<!tpu.dma_semaphore, #tpu.memory_space<semaphore_mem>>)
        } else {
        }
      }
      %scan3A_79 = arith.constant 10 : i32
      %dma_wait3A = arith.constant 0 : i32
      %dma_wait3A_80 = arith.constant 1 : i32
      %dma_wait3A_81 = arith.constant 0 : i32
      %dma_wait3A_82 = arith.constant 0 : i32
      %dma_wait3A_83 = arith.constant 0 : i32
      %dma_wait3A_84 = tpu.memref_slice %arg9[%dma_wait3A, %dma_wait3A_82, %dma_wait3A_83] : memref<2x512x128xbf16, #tpu.memory_space<vmem>> -> memref<1x512x128xbf16, #tpu.memory_space<vmem>>
      %dma_wait3A_85 = tpu.memref_squeeze %dma_wait3A_84 : memref<1x512x128xbf16, #tpu.memory_space<vmem>> -> memref<512x128xbf16, #tpu.memory_space<vmem>>
      %dma_wait3A_86 = arith.constant 0 : i32
      %dma_wait3A_87 = tpu.memref_slice %arg8[%dma_wait3A_80, %dma_wait3A_81, %dma_wait3A_86] : memref<2x20x512xi32, #tpu.memory_space<vmem>> -> memref<1x1x512xi32, #tpu.memory_space<vmem>>
      %dma_wait3A_88 = tpu.memref_squeeze %dma_wait3A_87 : memref<1x1x512xi32, #tpu.memory_space<vmem>> -> memref<512xi32, #tpu.memory_space<vmem>>
      %dma_wait3A_89 = arith.constant 0 : i32
      %dma_wait3A_90 = arith.constant 0 : i32
      %dma_wait3A_91 = tpu.memref_slice %arg14[%dma_wait3A_89, %dma_wait3A_90] : memref<10008x128xbf16, #tpu.memory_space<vmem_shared>> -> memref<10008x128xbf16, #tpu.memory_space<vmem_shared>>
      tpu.wait_indirect_dma semaphore(%arg12 : memref<!tpu.dma_semaphore, #tpu.memory_space<semaphore_mem>>) src(%dma_wait3A_85 : memref<512x128xbf16, #tpu.memory_space<vmem>>) dst(%dma_wait3A_91 : memref<10008x128xbf16, #tpu.memory_space<vmem_shared>>)
      %dma_wait3A_92 = arith.constant 1 : i32
      %dma_wait3A_93 = arith.constant 1 : i32
      %dma_wait3A_94 = arith.constant 0 : i32
      %dma_wait3A_95 = arith.constant 0 : i32
      %dma_wait3A_96 = arith.constant 0 : i32
      %dma_wait3A_97 = tpu.memref_slice %arg9[%dma_wait3A_92, %dma_wait3A_95, %dma_wait3A_96] : memref<2x512x128xbf16, #tpu.memory_space<vmem>> -> memref<1x512x128xbf16, #tpu.memory_space<vmem>>
      %dma_wait3A_98 = tpu.memref_squeeze %dma_wait3A_97 : memref<1x512x128xbf16, #tpu.memory_space<vmem>> -> memref<512x128xbf16, #tpu.memory_space<vmem>>
      %dma_wait3A_99 = arith.constant 0 : i32
      %dma_wait3A_100 = tpu.memref_slice %arg8[%dma_wait3A_93, %dma_wait3A_94, %dma_wait3A_99] : memref<2x20x512xi32, #tpu.memory_space<vmem>> -> memref<1x1x512xi32, #tpu.memory_space<vmem>>
      %dma_wait3A_101 = tpu.memref_squeeze %dma_wait3A_100 : memref<1x1x512xi32, #tpu.memory_space<vmem>> -> memref<512xi32, #tpu.memory_space<vmem>>
      %dma_wait3A_102 = arith.constant 0 : i32
      %dma_wait3A_103 = arith.constant 0 : i32
      %dma_wait3A_104 = tpu.memref_slice %arg14[%dma_wait3A_102, %dma_wait3A_103] : memref<10008x128xbf16, #tpu.memory_space<vmem_shared>> -> memref<10008x128xbf16, #tpu.memory_space<vmem_shared>>
      tpu.wait_indirect_dma semaphore(%arg13 : memref<!tpu.dma_semaphore, #tpu.memory_space<semaphore_mem>>) src(%dma_wait3A_98 : memref<512x128xbf16, #tpu.memory_space<vmem>>) dst(%dma_wait3A_104 : memref<10008x128xbf16, #tpu.memory_space<vmem_shared>>)
    } else {
    }
    %eq3A_31 = arith.constant 1 : i32
    %eq3A_32 = arith.cmpi eq, %arg0, %eq3A_31 : i32
    %convert_element_type3A_33 = arith.extui %eq3A_32 : i1 to i32
    %cond3A_34 = arith.constant 0 : i32
    %cond3A_35 = arith.cmpi ne, %convert_element_type3A_33, %cond3A_34 : i32
    scf.if %cond3A_35 {
      %dma_start3A = arith.constant 0 : i32
      %dma_start3A_47 = arith.constant 0 : i32
      %dma_start3A_48 = arith.constant 0 : i32
      %dma_start3A_49 = arith.constant 0 : i32
      %dma_start3A_50 = arith.constant 0 : i32
      %dma_start3A_51 = tpu.memref_slice %arg9[%dma_start3A_48, %dma_start3A_49, %dma_start3A_50] : memref<2x512x128xbf16, #tpu.memory_space<vmem>> -> memref<1x512x128xbf16, #tpu.memory_space<vmem>>
      %dma_start3A_52 = tpu.memref_squeeze %dma_start3A_51 : memref<1x512x128xbf16, #tpu.memory_space<vmem>> -> memref<512x128xbf16, #tpu.memory_space<vmem>>
      %dma_start3A_53 = arith.constant 0 : i32
      %dma_start3A_54 = tpu.memref_slice %arg8[%dma_start3A, %dma_start3A_47, %dma_start3A_53] : memref<2x20x512xi32, #tpu.memory_space<vmem>> -> memref<1x1x512xi32, #tpu.memory_space<vmem>>
      %dma_start3A_55 = tpu.memref_squeeze %dma_start3A_54 : memref<1x1x512xi32, #tpu.memory_space<vmem>> -> memref<512xi32, #tpu.memory_space<vmem>>
      %dma_start3A_56 = arith.constant 0 : i32
      %dma_start3A_57 = arith.constant 0 : i32
      %dma_start3A_58 = tpu.memref_slice %arg3[%dma_start3A_56, %dma_start3A_57] : memref<10000x128xbf16, #tpu.memory_space<hbm>> -> memref<10000x128xbf16, #tpu.memory_space<hbm>>
      tpu.enqueue_indirect_dma source(%dma_start3A_58 : memref<10000x128xbf16, #tpu.memory_space<hbm>>) target(%dma_start3A_52 : memref<512x128xbf16, #tpu.memory_space<vmem>>) offsets(%dma_start3A_55 : memref<512xi32, #tpu.memory_space<vmem>>) semaphore(%arg10 : memref<!tpu.dma_semaphore, #tpu.memory_space<semaphore_mem>>)
      %dma_start3A_59 = arith.constant 0 : i32
      %dma_start3A_60 = arith.constant 1 : i32
      %dma_start3A_61 = arith.constant 1 : i32
      %dma_start3A_62 = arith.constant 0 : i32
      %dma_start3A_63 = arith.constant 0 : i32
      %dma_start3A_64 = tpu.memref_slice %arg9[%dma_start3A_61, %dma_start3A_62, %dma_start3A_63] : memref<2x512x128xbf16, #tpu.memory_space<vmem>> -> memref<1x512x128xbf16, #tpu.memory_space<vmem>>
      %dma_start3A_65 = tpu.memref_squeeze %dma_start3A_64 : memref<1x512x128xbf16, #tpu.memory_space<vmem>> -> memref<512x128xbf16, #tpu.memory_space<vmem>>
      %dma_start3A_66 = arith.constant 0 : i32
      %dma_start3A_67 = tpu.memref_slice %arg8[%dma_start3A_59, %dma_start3A_60, %dma_start3A_66] : memref<2x20x512xi32, #tpu.memory_space<vmem>> -> memref<1x1x512xi32, #tpu.memory_space<vmem>>
      %dma_start3A_68 = tpu.memref_squeeze %dma_start3A_67 : memref<1x1x512xi32, #tpu.memory_space<vmem>> -> memref<512xi32, #tpu.memory_space<vmem>>
      %dma_start3A_69 = arith.constant 0 : i32
      %dma_start3A_70 = arith.constant 0 : i32
      %dma_start3A_71 = tpu.memref_slice %arg3[%dma_start3A_69, %dma_start3A_70] : memref<10000x128xbf16, #tpu.memory_space<hbm>> -> memref<10000x128xbf16, #tpu.memory_space<hbm>>
      tpu.enqueue_indirect_dma source(%dma_start3A_71 : memref<10000x128xbf16, #tpu.memory_space<hbm>>) target(%dma_start3A_65 : memref<512x128xbf16, #tpu.memory_space<vmem>>) offsets(%dma_start3A_68 : memref<512xi32, #tpu.memory_space<vmem>>) semaphore(%arg11 : memref<!tpu.dma_semaphore, #tpu.memory_space<semaphore_mem>>)
      %scan3A_72 = arith.constant 0 : i32
      %scan3A_73 = arith.constant 0 : i32
      %scan3A_74 = arith.constant 1 : i32
      %scan3A_75 = arith.constant 0 : i32
      %scan3A_76 = arith.constant 10 : i32
      %scan3A_77 = arith.addi %scan3A_75, %scan3A_76 : i32
      %scan3A_78 = arith.constant 1 : i32
      scf.for %scan3A_105 = %scan3A_75 to %scan3A_77 step %scan3A_78  : i32 {
        %mul3A_106 = arith.constant 2 : i32
        %mul3A_107 = arith.muli %mul3A_106, %scan3A_105 : i32
        %dma_wait3A_108 = arith.constant 0 : i32
        %dma_wait3A_109 = arith.constant 0 : i32
        %dma_wait3A_110 = arith.constant 0 : i32
        %dma_wait3A_111 = arith.constant 0 : i32
        %dma_wait3A_112 = tpu.memref_slice %arg9[%scan3A_73, %dma_wait3A_110, %dma_wait3A_111] : memref<2x512x128xbf16, #tpu.memory_space<vmem>> -> memref<1x512x128xbf16, #tpu.memory_space<vmem>>
        %dma_wait3A_113 = tpu.memref_squeeze %dma_wait3A_112 : memref<1x512x128xbf16, #tpu.memory_space<vmem>> -> memref<512x128xbf16, #tpu.memory_space<vmem>>
        %dma_wait3A_114 = arith.constant 0 : i32
        %dma_wait3A_115 = tpu.memref_slice %arg8[%dma_wait3A_108, %dma_wait3A_109, %dma_wait3A_114] : memref<2x20x512xi32, #tpu.memory_space<vmem>> -> memref<1x1x512xi32, #tpu.memory_space<vmem>>
        %dma_wait3A_116 = tpu.memref_squeeze %dma_wait3A_115 : memref<1x1x512xi32, #tpu.memory_space<vmem>> -> memref<512xi32, #tpu.memory_space<vmem>>
        %dma_wait3A_117 = arith.constant 0 : i32
        %dma_wait3A_118 = arith.constant 0 : i32
        %dma_wait3A_119 = tpu.memref_slice %arg3[%dma_wait3A_117, %dma_wait3A_118] : memref<10000x128xbf16, #tpu.memory_space<hbm>> -> memref<10000x128xbf16, #tpu.memory_space<hbm>>
        tpu.wait_indirect_dma semaphore(%arg10 : memref<!tpu.dma_semaphore, #tpu.memory_space<semaphore_mem>>) src(%dma_wait3A_119 : memref<10000x128xbf16, #tpu.memory_space<hbm>>) dst(%dma_wait3A_113 : memref<512x128xbf16, #tpu.memory_space<vmem>>)
        %dma_start3A_120 = arith.constant 1 : i32
        %dma_start3A_121 = arith.constant 0 : i32
        %dma_start3A_122 = arith.constant 0 : i32
        %dma_start3A_123 = tpu.memref_slice %arg9[%scan3A_73, %dma_start3A_121, %dma_start3A_122] : memref<2x512x128xbf16, #tpu.memory_space<vmem>> -> memref<1x512x128xbf16, #tpu.memory_space<vmem>>
        %dma_start3A_124 = tpu.memref_squeeze %dma_start3A_123 : memref<1x512x128xbf16, #tpu.memory_space<vmem>> -> memref<512x128xbf16, #tpu.memory_space<vmem>>
        %dma_start3A_125 = arith.constant 0 : i32
        %dma_start3A_126 = tpu.memref_slice %arg8[%dma_start3A_120, %mul3A_107, %dma_start3A_125] : memref<2x20x512xi32, #tpu.memory_space<vmem>> -> memref<1x1x512xi32, #tpu.memory_space<vmem>>
        %dma_start3A_127 = tpu.memref_squeeze %dma_start3A_126 : memref<1x1x512xi32, #tpu.memory_space<vmem>> -> memref<512xi32, #tpu.memory_space<vmem>>
        %dma_start3A_128 = arith.constant 0 : i32
        %dma_start3A_129 = arith.constant 0 : i32
        %dma_start3A_130 = tpu.memref_slice %arg14[%dma_start3A_128, %dma_start3A_129] : memref<10008x128xbf16, #tpu.memory_space<vmem_shared>> -> memref<10008x128xbf16, #tpu.memory_space<vmem_shared>>
        tpu.enqueue_indirect_dma source(%dma_start3A_124 : memref<512x128xbf16, #tpu.memory_space<vmem>>) target(%dma_start3A_130 : memref<10008x128xbf16, #tpu.memory_space<vmem_shared>>) offsets(%dma_start3A_127 : memref<512xi32, #tpu.memory_space<vmem>>) semaphore(%arg12 : memref<!tpu.dma_semaphore, #tpu.memory_space<semaphore_mem>>) {add = true}
        %dma_wait3A_131 = arith.constant 0 : i32
        %dma_wait3A_132 = arith.constant 0 : i32
        %dma_wait3A_133 = arith.constant 0 : i32
        %dma_wait3A_134 = arith.constant 0 : i32
        %dma_wait3A_135 = tpu.memref_slice %arg9[%scan3A_74, %dma_wait3A_133, %dma_wait3A_134] : memref<2x512x128xbf16, #tpu.memory_space<vmem>> -> memref<1x512x128xbf16, #tpu.memory_space<vmem>>
        %dma_wait3A_136 = tpu.memref_squeeze %dma_wait3A_135 : memref<1x512x128xbf16, #tpu.memory_space<vmem>> -> memref<512x128xbf16, #tpu.memory_space<vmem>>
        %dma_wait3A_137 = arith.constant 0 : i32
        %dma_wait3A_138 = tpu.memref_slice %arg8[%dma_wait3A_131, %dma_wait3A_132, %dma_wait3A_137] : memref<2x20x512xi32, #tpu.memory_space<vmem>> -> memref<1x1x512xi32, #tpu.memory_space<vmem>>
        %dma_wait3A_139 = tpu.memref_squeeze %dma_wait3A_138 : memref<1x1x512xi32, #tpu.memory_space<vmem>> -> memref<512xi32, #tpu.memory_space<vmem>>
        %dma_wait3A_140 = arith.constant 0 : i32
        %dma_wait3A_141 = arith.constant 0 : i32
        %dma_wait3A_142 = tpu.memref_slice %arg3[%dma_wait3A_140, %dma_wait3A_141] : memref<10000x128xbf16, #tpu.memory_space<hbm>> -> memref<10000x128xbf16, #tpu.memory_space<hbm>>
        tpu.wait_indirect_dma semaphore(%arg11 : memref<!tpu.dma_semaphore, #tpu.memory_space<semaphore_mem>>) src(%dma_wait3A_142 : memref<10000x128xbf16, #tpu.memory_space<hbm>>) dst(%dma_wait3A_136 : memref<512x128xbf16, #tpu.memory_space<vmem>>)
        %add3A_143 = arith.constant 1 : i32
        %add3A_144 = arith.addi %mul3A_107, %add3A_143 : i32
        %dma_start3A_145 = arith.constant 1 : i32
        %dma_start3A_146 = arith.constant 0 : i32
        %dma_start3A_147 = arith.constant 0 : i32
        %dma_start3A_148 = tpu.memref_slice %arg9[%scan3A_74, %dma_start3A_146, %dma_start3A_147] : memref<2x512x128xbf16, #tpu.memory_space<vmem>> -> memref<1x512x128xbf16, #tpu.memory_space<vmem>>
        %dma_start3A_149 = tpu.memref_squeeze %dma_start3A_148 : memref<1x512x128xbf16, #tpu.memory_space<vmem>> -> memref<512x128xbf16, #tpu.memory_space<vmem>>
        %dma_start3A_150 = arith.constant 0 : i32
        %dma_start3A_151 = tpu.memref_slice %arg8[%dma_start3A_145, %add3A_144, %dma_start3A_150] : memref<2x20x512xi32, #tpu.memory_space<vmem>> -> memref<1x1x512xi32, #tpu.memory_space<vmem>>
        %dma_start3A_152 = tpu.memref_squeeze %dma_start3A_151 : memref<1x1x512xi32, #tpu.memory_space<vmem>> -> memref<512xi32, #tpu.memory_space<vmem>>
        %dma_start3A_153 = arith.constant 0 : i32
        %dma_start3A_154 = arith.constant 0 : i32
        %dma_start3A_155 = tpu.memref_slice %arg14[%dma_start3A_153, %dma_start3A_154] : memref<10008x128xbf16, #tpu.memory_space<vmem_shared>> -> memref<10008x128xbf16, #tpu.memory_space<vmem_shared>>
        tpu.enqueue_indirect_dma source(%dma_start3A_149 : memref<512x128xbf16, #tpu.memory_space<vmem>>) target(%dma_start3A_155 : memref<10008x128xbf16, #tpu.memory_space<vmem_shared>>) offsets(%dma_start3A_152 : memref<512xi32, #tpu.memory_space<vmem>>) semaphore(%arg13 : memref<!tpu.dma_semaphore, #tpu.memory_space<semaphore_mem>>) {add = true}
        %add3A_156 = arith.constant 2 : i32
        %add3A_157 = arith.addi %mul3A_107, %add3A_156 : i32
        %lt3A = arith.constant 20 : i32
        %lt3A_158 = arith.cmpi slt, %add3A_157, %lt3A : i32
        %convert_element_type3A_159 = arith.extui %lt3A_158 : i1 to i32
        %cond3A_160 = arith.constant 0 : i32
        %cond3A_161 = arith.cmpi ne, %convert_element_type3A_159, %cond3A_160 : i32
        scf.if %cond3A_161 {
          %dma_wait3A_169 = arith.constant 1 : i32
          %dma_wait3A_170 = arith.constant 0 : i32
          %dma_wait3A_171 = arith.constant 0 : i32
          %dma_wait3A_172 = arith.constant 0 : i32
          %dma_wait3A_173 = tpu.memref_slice %arg9[%scan3A_73, %dma_wait3A_171, %dma_wait3A_172] : memref<2x512x128xbf16, #tpu.memory_space<vmem>> -> memref<1x512x128xbf16, #tpu.memory_space<vmem>>
          %dma_wait3A_174 = tpu.memref_squeeze %dma_wait3A_173 : memref<1x512x128xbf16, #tpu.memory_space<vmem>> -> memref<512x128xbf16, #tpu.memory_space<vmem>>
          %dma_wait3A_175 = arith.constant 0 : i32
          %dma_wait3A_176 = tpu.memref_slice %arg8[%dma_wait3A_169, %dma_wait3A_170, %dma_wait3A_175] : memref<2x20x512xi32, #tpu.memory_space<vmem>> -> memref<1x1x512xi32, #tpu.memory_space<vmem>>
          %dma_wait3A_177 = tpu.memref_squeeze %dma_wait3A_176 : memref<1x1x512xi32, #tpu.memory_space<vmem>> -> memref<512xi32, #tpu.memory_space<vmem>>
          %dma_wait3A_178 = arith.constant 0 : i32
          %dma_wait3A_179 = arith.constant 0 : i32
          %dma_wait3A_180 = tpu.memref_slice %arg14[%dma_wait3A_178, %dma_wait3A_179] : memref<10008x128xbf16, #tpu.memory_space<vmem_shared>> -> memref<10008x128xbf16, #tpu.memory_space<vmem_shared>>
          tpu.wait_indirect_dma semaphore(%arg12 : memref<!tpu.dma_semaphore, #tpu.memory_space<semaphore_mem>>) src(%dma_wait3A_174 : memref<512x128xbf16, #tpu.memory_space<vmem>>) dst(%dma_wait3A_180 : memref<10008x128xbf16, #tpu.memory_space<vmem_shared>>)
          %add3A_181 = arith.constant 2 : i32
          %add3A_182 = arith.addi %mul3A_107, %add3A_181 : i32
          %dma_start3A_183 = arith.constant 0 : i32
          %dma_start3A_184 = arith.constant 0 : i32
          %dma_start3A_185 = arith.constant 0 : i32
          %dma_start3A_186 = tpu.memref_slice %arg9[%scan3A_73, %dma_start3A_184, %dma_start3A_185] : memref<2x512x128xbf16, #tpu.memory_space<vmem>> -> memref<1x512x128xbf16, #tpu.memory_space<vmem>>
          %dma_start3A_187 = tpu.memref_squeeze %dma_start3A_186 : memref<1x512x128xbf16, #tpu.memory_space<vmem>> -> memref<512x128xbf16, #tpu.memory_space<vmem>>
          %dma_start3A_188 = arith.constant 0 : i32
          %dma_start3A_189 = tpu.memref_slice %arg8[%dma_start3A_183, %add3A_182, %dma_start3A_188] : memref<2x20x512xi32, #tpu.memory_space<vmem>> -> memref<1x1x512xi32, #tpu.memory_space<vmem>>
          %dma_start3A_190 = tpu.memref_squeeze %dma_start3A_189 : memref<1x1x512xi32, #tpu.memory_space<vmem>> -> memref<512xi32, #tpu.memory_space<vmem>>
          %dma_start3A_191 = arith.constant 0 : i32
          %dma_start3A_192 = arith.constant 0 : i32
          %dma_start3A_193 = tpu.memref_slice %arg3[%dma_start3A_191, %dma_start3A_192] : memref<10000x128xbf16, #tpu.memory_space<hbm>> -> memref<10000x128xbf16, #tpu.memory_space<hbm>>
          tpu.enqueue_indirect_dma source(%dma_start3A_193 : memref<10000x128xbf16, #tpu.memory_space<hbm>>) target(%dma_start3A_187 : memref<512x128xbf16, #tpu.memory_space<vmem>>) offsets(%dma_start3A_190 : memref<512xi32, #tpu.memory_space<vmem>>) semaphore(%arg10 : memref<!tpu.dma_semaphore, #tpu.memory_space<semaphore_mem>>)
        } else {
        }
        %add3A_162 = arith.constant 3 : i32
        %add3A_163 = arith.addi %mul3A_107, %add3A_162 : i32
        %lt3A_164 = arith.constant 20 : i32
        %lt3A_165 = arith.cmpi slt, %add3A_163, %lt3A_164 : i32
        %convert_element_type3A_166 = arith.extui %lt3A_165 : i1 to i32
        %cond3A_167 = arith.constant 0 : i32
        %cond3A_168 = arith.cmpi ne, %convert_element_type3A_166, %cond3A_167 : i32
        scf.if %cond3A_168 {
          %dma_wait3A_169 = arith.constant 1 : i32
          %dma_wait3A_170 = arith.constant 0 : i32
          %dma_wait3A_171 = arith.constant 0 : i32
          %dma_wait3A_172 = arith.constant 0 : i32
          %dma_wait3A_173 = tpu.memref_slice %arg9[%scan3A_74, %dma_wait3A_171, %dma_wait3A_172] : memref<2x512x128xbf16, #tpu.memory_space<vmem>> -> memref<1x512x128xbf16, #tpu.memory_space<vmem>>
          %dma_wait3A_174 = tpu.memref_squeeze %dma_wait3A_173 : memref<1x512x128xbf16, #tpu.memory_space<vmem>> -> memref<512x128xbf16, #tpu.memory_space<vmem>>
          %dma_wait3A_175 = arith.constant 0 : i32
          %dma_wait3A_176 = tpu.memref_slice %arg8[%dma_wait3A_169, %dma_wait3A_170, %dma_wait3A_175] : memref<2x20x512xi32, #tpu.memory_space<vmem>> -> memref<1x1x512xi32, #tpu.memory_space<vmem>>
          %dma_wait3A_177 = tpu.memref_squeeze %dma_wait3A_176 : memref<1x1x512xi32, #tpu.memory_space<vmem>> -> memref<512xi32, #tpu.memory_space<vmem>>
          %dma_wait3A_178 = arith.constant 0 : i32
          %dma_wait3A_179 = arith.constant 0 : i32
          %dma_wait3A_180 = tpu.memref_slice %arg14[%dma_wait3A_178, %dma_wait3A_179] : memref<10008x128xbf16, #tpu.memory_space<vmem_shared>> -> memref<10008x128xbf16, #tpu.memory_space<vmem_shared>>
          tpu.wait_indirect_dma semaphore(%arg13 : memref<!tpu.dma_semaphore, #tpu.memory_space<semaphore_mem>>) src(%dma_wait3A_174 : memref<512x128xbf16, #tpu.memory_space<vmem>>) dst(%dma_wait3A_180 : memref<10008x128xbf16, #tpu.memory_space<vmem_shared>>)
          %add3A_181 = arith.constant 3 : i32
          %add3A_182 = arith.addi %mul3A_107, %add3A_181 : i32
          %dma_start3A_183 = arith.constant 0 : i32
          %dma_start3A_184 = arith.constant 0 : i32
          %dma_start3A_185 = arith.constant 0 : i32
          %dma_start3A_186 = tpu.memref_slice %arg9[%scan3A_74, %dma_start3A_184, %dma_start3A_185] : memref<2x512x128xbf16, #tpu.memory_space<vmem>> -> memref<1x512x128xbf16, #tpu.memory_space<vmem>>
          %dma_start3A_187 = tpu.memref_squeeze %dma_start3A_186 : memref<1x512x128xbf16, #tpu.memory_space<vmem>> -> memref<512x128xbf16, #tpu.memory_space<vmem>>
          %dma_start3A_188 = arith.constant 0 : i32
          %dma_start3A_189 = tpu.memref_slice %arg8[%dma_start3A_183, %add3A_182, %dma_start3A_188] : memref<2x20x512xi32, #tpu.memory_space<vmem>> -> memref<1x1x512xi32, #tpu.memory_space<vmem>>
          %dma_start3A_190 = tpu.memref_squeeze %dma_start3A_189 : memref<1x1x512xi32, #tpu.memory_space<vmem>> -> memref<512xi32, #tpu.memory_space<vmem>>
          %dma_start3A_191 = arith.constant 0 : i32
          %dma_start3A_192 = arith.constant 0 : i32
          %dma_start3A_193 = tpu.memref_slice %arg3[%dma_start3A_191, %dma_start3A_192] : memref<10000x128xbf16, #tpu.memory_space<hbm>> -> memref<10000x128xbf16, #tpu.memory_space<hbm>>
          tpu.enqueue_indirect_dma source(%dma_start3A_193 : memref<10000x128xbf16, #tpu.memory_space<hbm>>) target(%dma_start3A_187 : memref<512x128xbf16, #tpu.memory_space<vmem>>) offsets(%dma_start3A_190 : memref<512xi32, #tpu.memory_space<vmem>>) semaphore(%arg11 : memref<!tpu.dma_semaphore, #tpu.memory_space<semaphore_mem>>)
        } else {
        }
      }
      %scan3A_79 = arith.constant 10 : i32
      %dma_wait3A = arith.constant 0 : i32
      %dma_wait3A_80 = arith.constant 1 : i32
      %dma_wait3A_81 = arith.constant 0 : i32
      %dma_wait3A_82 = arith.constant 0 : i32
      %dma_wait3A_83 = arith.constant 0 : i32
      %dma_wait3A_84 = tpu.memref_slice %arg9[%dma_wait3A, %dma_wait3A_82, %dma_wait3A_83] : memref<2x512x128xbf16, #tpu.memory_space<vmem>> -> memref<1x512x128xbf16, #tpu.memory_space<vmem>>
      %dma_wait3A_85 = tpu.memref_squeeze %dma_wait3A_84 : memref<1x512x128xbf16, #tpu.memory_space<vmem>> -> memref<512x128xbf16, #tpu.memory_space<vmem>>
      %dma_wait3A_86 = arith.constant 0 : i32
      %dma_wait3A_87 = tpu.memref_slice %arg8[%dma_wait3A_80, %dma_wait3A_81, %dma_wait3A_86] : memref<2x20x512xi32, #tpu.memory_space<vmem>> -> memref<1x1x512xi32, #tpu.memory_space<vmem>>
      %dma_wait3A_88 = tpu.memref_squeeze %dma_wait3A_87 : memref<1x1x512xi32, #tpu.memory_space<vmem>> -> memref<512xi32, #tpu.memory_space<vmem>>
      %dma_wait3A_89 = arith.constant 0 : i32
      %dma_wait3A_90 = arith.constant 0 : i32
      %dma_wait3A_91 = tpu.memref_slice %arg14[%dma_wait3A_89, %dma_wait3A_90] : memref<10008x128xbf16, #tpu.memory_space<vmem_shared>> -> memref<10008x128xbf16, #tpu.memory_space<vmem_shared>>
      tpu.wait_indirect_dma semaphore(%arg12 : memref<!tpu.dma_semaphore, #tpu.memory_space<semaphore_mem>>) src(%dma_wait3A_85 : memref<512x128xbf16, #tpu.memory_space<vmem>>) dst(%dma_wait3A_91 : memref<10008x128xbf16, #tpu.memory_space<vmem_shared>>)
      %dma_wait3A_92 = arith.constant 1 : i32
      %dma_wait3A_93 = arith.constant 1 : i32
      %dma_wait3A_94 = arith.constant 0 : i32
      %dma_wait3A_95 = arith.constant 0 : i32
      %dma_wait3A_96 = arith.constant 0 : i32
      %dma_wait3A_97 = tpu.memref_slice %arg9[%dma_wait3A_92, %dma_wait3A_95, %dma_wait3A_96] : memref<2x512x128xbf16, #tpu.memory_space<vmem>> -> memref<1x512x128xbf16, #tpu.memory_space<vmem>>
      %dma_wait3A_98 = tpu.memref_squeeze %dma_wait3A_97 : memref<1x512x128xbf16, #tpu.memory_space<vmem>> -> memref<512x128xbf16, #tpu.memory_space<vmem>>
      %dma_wait3A_99 = arith.constant 0 : i32
      %dma_wait3A_100 = tpu.memref_slice %arg8[%dma_wait3A_93, %dma_wait3A_94, %dma_wait3A_99] : memref<2x20x512xi32, #tpu.memory_space<vmem>> -> memref<1x1x512xi32, #tpu.memory_space<vmem>>
      %dma_wait3A_101 = tpu.memref_squeeze %dma_wait3A_100 : memref<1x1x512xi32, #tpu.memory_space<vmem>> -> memref<512xi32, #tpu.memory_space<vmem>>
      %dma_wait3A_102 = arith.constant 0 : i32
      %dma_wait3A_103 = arith.constant 0 : i32
      %dma_wait3A_104 = tpu.memref_slice %arg14[%dma_wait3A_102, %dma_wait3A_103] : memref<10008x128xbf16, #tpu.memory_space<vmem_shared>> -> memref<10008x128xbf16, #tpu.memory_space<vmem_shared>>
      tpu.wait_indirect_dma semaphore(%arg13 : memref<!tpu.dma_semaphore, #tpu.memory_space<semaphore_mem>>) src(%dma_wait3A_98 : memref<512x128xbf16, #tpu.memory_space<vmem>>) dst(%dma_wait3A_104 : memref<10008x128xbf16, #tpu.memory_space<vmem_shared>>)
    } else {
    }
    %barrier3A_36 = arith.constant 0 : index
    tpu.barrier barrier_id(%barrier3A_36)
    %eq3A_37 = arith.constant 0 : i32
    %eq3A_38 = arith.cmpi eq, %arg0, %eq3A_37 : i32
    %convert_element_type3A_39 = arith.extui %eq3A_38 : i1 to i32
    %cond3A_40 = arith.constant 0 : i32
    %cond3A_41 = arith.cmpi ne, %convert_element_type3A_39, %cond3A_40 : i32
    scf.if %cond3A_41 {
      "tpu.region"() ({
        %run_scoped3A_52 = tpu.sem_alloc : memref<!tpu.dma_semaphore, #tpu.memory_space<semaphore_mem>>
        %dma_start3A = arith.constant 0 : i32
        %dma_start3A_53 = tpu.memref_slice %arg6[%mul3A_0, %dma_start3A] : memref<10000x128xbf16, #tpu.memory_space<hbm>> -> memref<624x128xbf16, #tpu.memory_space<hbm>>
        %dma_start3A_54 = arith.constant 0 : i32
        %dma_start3A_55 = tpu.memref_slice %arg14[%mul3A_0, %dma_start3A_54] : memref<10008x128xbf16, #tpu.memory_space<vmem_shared>> -> memref<624x128xbf16, #tpu.memory_space<vmem_shared>>
        tpu.enqueue_dma source(%dma_start3A_55 : memref<624x128xbf16, #tpu.memory_space<vmem_shared>>) target(%dma_start3A_53 : memref<624x128xbf16, #tpu.memory_space<hbm>>) target_semaphore(%run_scoped3A_52 : memref<!tpu.dma_semaphore, #tpu.memory_space<semaphore_mem>>)
        %dma_wait3A = arith.constant 0 : i32
        %dma_wait3A_56 = tpu.memref_slice %arg6[%mul3A_0, %dma_wait3A] : memref<10000x128xbf16, #tpu.memory_space<hbm>> -> memref<624x128xbf16, #tpu.memory_space<hbm>>
        %dma_wait3A_57 = arith.constant 0 : i32
        %dma_wait3A_58 = tpu.memref_slice %arg14[%mul3A_0, %dma_wait3A_57] : memref<10008x128xbf16, #tpu.memory_space<vmem_shared>> -> memref<624x128xbf16, #tpu.memory_space<vmem_shared>>
        tpu.wait_dma2 semaphore(%run_scoped3A_52 : memref<!tpu.dma_semaphore, #tpu.memory_space<semaphore_mem>>) src(%dma_wait3A_58 : memref<624x128xbf16, #tpu.memory_space<vmem_shared>>) dst(%dma_wait3A_56 : memref<624x128xbf16, #tpu.memory_space<hbm>>)
        tpu.yield
      }) : () -> ()
      %eq3A_47 = arith.constant 15 : i32
      %eq3A_48 = arith.cmpi eq, %arg1, %eq3A_47 : i32
      %convert_element_type3A_49 = arith.extui %eq3A_48 : i1 to i32
      %cond3A_50 = arith.constant 0 : i32
      %cond3A_51 = arith.cmpi ne, %convert_element_type3A_49, %cond3A_50 : i32
      scf.if %cond3A_51 {
        "tpu.region"() ({
          %run_scoped3A_52 = tpu.sem_alloc : memref<!tpu.dma_semaphore, #tpu.memory_space<semaphore_mem>>
          %dma_start3A = arith.constant 9984 : i32
          %dma_start3A_53 = arith.constant 0 : i32
          %dma_start3A_54 = tpu.memref_slice %arg6[%dma_start3A, %dma_start3A_53] : memref<10000x128xbf16, #tpu.memory_space<hbm>> -> memref<16x128xbf16, #tpu.memory_space<hbm>>
          %dma_start3A_55 = arith.constant 9984 : i32
          %dma_start3A_56 = arith.constant 0 : i32
          %dma_start3A_57 = tpu.memref_slice %arg14[%dma_start3A_55, %dma_start3A_56] : memref<10008x128xbf16, #tpu.memory_space<vmem_shared>> -> memref<16x128xbf16, #tpu.memory_space<vmem_shared>>
          tpu.enqueue_dma source(%dma_start3A_57 : memref<16x128xbf16, #tpu.memory_space<vmem_shared>>) target(%dma_start3A_54 : memref<16x128xbf16, #tpu.memory_space<hbm>>) target_semaphore(%run_scoped3A_52 : memref<!tpu.dma_semaphore, #tpu.memory_space<semaphore_mem>>)
          %dma_wait3A = arith.constant 9984 : i32
          %dma_wait3A_58 = arith.constant 0 : i32
          %dma_wait3A_59 = tpu.memref_slice %arg6[%dma_wait3A, %dma_wait3A_58] : memref<10000x128xbf16, #tpu.memory_space<hbm>> -> memref<16x128xbf16, #tpu.memory_space<hbm>>
          %dma_wait3A_60 = arith.constant 9984 : i32
          %dma_wait3A_61 = arith.constant 0 : i32
          %dma_wait3A_62 = tpu.memref_slice %arg14[%dma_wait3A_60, %dma_wait3A_61] : memref<10008x128xbf16, #tpu.memory_space<vmem_shared>> -> memref<16x128xbf16, #tpu.memory_space<vmem_shared>>
          tpu.wait_dma2 semaphore(%run_scoped3A_52 : memref<!tpu.dma_semaphore, #tpu.memory_space<semaphore_mem>>) src(%dma_wait3A_62 : memref<16x128xbf16, #tpu.memory_space<vmem_shared>>) dst(%dma_wait3A_59 : memref<16x128xbf16, #tpu.memory_space<hbm>>)
          tpu.yield
        }) : () -> ()
      } else {
      }
    } else {
    }
    %eq3A_42 = arith.constant 1 : i32
    %eq3A_43 = arith.cmpi eq, %arg0, %eq3A_42 : i32
    %convert_element_type3A_44 = arith.extui %eq3A_43 : i1 to i32
    %cond3A_45 = arith.constant 0 : i32
    %cond3A_46 = arith.cmpi ne, %convert_element_type3A_44, %cond3A_45 : i32
    scf.if %cond3A_46 {
      "tpu.region"() ({
        %run_scoped3A_52 = tpu.sem_alloc : memref<!tpu.dma_semaphore, #tpu.memory_space<semaphore_mem>>
        %dma_start3A = arith.constant 0 : i32
        %dma_start3A_53 = tpu.memref_slice %arg7[%mul3A_0, %dma_start3A] : memref<10000x128xbf16, #tpu.memory_space<hbm>> -> memref<624x128xbf16, #tpu.memory_space<hbm>>
        %dma_start3A_54 = arith.constant 0 : i32
        %dma_start3A_55 = tpu.memref_slice %arg14[%mul3A_0, %dma_start3A_54] : memref<10008x128xbf16, #tpu.memory_space<vmem_shared>> -> memref<624x128xbf16, #tpu.memory_space<vmem_shared>>
        tpu.enqueue_dma source(%dma_start3A_55 : memref<624x128xbf16, #tpu.memory_space<vmem_shared>>) target(%dma_start3A_53 : memref<624x128xbf16, #tpu.memory_space<hbm>>) target_semaphore(%run_scoped3A_52 : memref<!tpu.dma_semaphore, #tpu.memory_space<semaphore_mem>>)
        %dma_wait3A = arith.constant 0 : i32
        %dma_wait3A_56 = tpu.memref_slice %arg7[%mul3A_0, %dma_wait3A] : memref<10000x128xbf16, #tpu.memory_space<hbm>> -> memref<624x128xbf16, #tpu.memory_space<hbm>>
        %dma_wait3A_57 = arith.constant 0 : i32
        %dma_wait3A_58 = tpu.memref_slice %arg14[%mul3A_0, %dma_wait3A_57] : memref<10008x128xbf16, #tpu.memory_space<vmem_shared>> -> memref<624x128xbf16, #tpu.memory_space<vmem_shared>>
        tpu.wait_dma2 semaphore(%run_scoped3A_52 : memref<!tpu.dma_semaphore, #tpu.memory_space<semaphore_mem>>) src(%dma_wait3A_58 : memref<624x128xbf16, #tpu.memory_space<vmem_shared>>) dst(%dma_wait3A_56 : memref<624x128xbf16, #tpu.memory_space<hbm>>)
        tpu.yield
      }) : () -> ()
      %eq3A_47 = arith.constant 15 : i32
      %eq3A_48 = arith.cmpi eq, %arg1, %eq3A_47 : i32
      %convert_element_type3A_49 = arith.extui %eq3A_48 : i1 to i32
      %cond3A_50 = arith.constant 0 : i32
      %cond3A_51 = arith.cmpi ne, %convert_element_type3A_49, %cond3A_50 : i32
      scf.if %cond3A_51 {
        "tpu.region"() ({
          %run_scoped3A_52 = tpu.sem_alloc : memref<!tpu.dma_semaphore, #tpu.memory_space<semaphore_mem>>
          %dma_start3A = arith.constant 9984 : i32
          %dma_start3A_53 = arith.constant 0 : i32
          %dma_start3A_54 = tpu.memref_slice %arg7[%dma_start3A, %dma_start3A_53] : memref<10000x128xbf16, #tpu.memory_space<hbm>> -> memref<16x128xbf16, #tpu.memory_space<hbm>>
          %dma_start3A_55 = arith.constant 9984 : i32
          %dma_start3A_56 = arith.constant 0 : i32
          %dma_start3A_57 = tpu.memref_slice %arg14[%dma_start3A_55, %dma_start3A_56] : memref<10008x128xbf16, #tpu.memory_space<vmem_shared>> -> memref<16x128xbf16, #tpu.memory_space<vmem_shared>>
          tpu.enqueue_dma source(%dma_start3A_57 : memref<16x128xbf16, #tpu.memory_space<vmem_shared>>) target(%dma_start3A_54 : memref<16x128xbf16, #tpu.memory_space<hbm>>) target_semaphore(%run_scoped3A_52 : memref<!tpu.dma_semaphore, #tpu.memory_space<semaphore_mem>>)
          %dma_wait3A = arith.constant 9984 : i32
          %dma_wait3A_58 = arith.constant 0 : i32
          %dma_wait3A_59 = tpu.memref_slice %arg7[%dma_wait3A, %dma_wait3A_58] : memref<10000x128xbf16, #tpu.memory_space<hbm>> -> memref<16x128xbf16, #tpu.memory_space<hbm>>
          %dma_wait3A_60 = arith.constant 9984 : i32
          %dma_wait3A_61 = arith.constant 0 : i32
          %dma_wait3A_62 = tpu.memref_slice %arg14[%dma_wait3A_60, %dma_wait3A_61] : memref<10008x128xbf16, #tpu.memory_space<vmem_shared>> -> memref<16x128xbf16, #tpu.memory_space<vmem_shared>>
          tpu.wait_dma2 semaphore(%run_scoped3A_52 : memref<!tpu.dma_semaphore, #tpu.memory_space<semaphore_mem>>) src(%dma_wait3A_62 : memref<16x128xbf16, #tpu.memory_space<vmem_shared>>) dst(%dma_wait3A_59 : memref<16x128xbf16, #tpu.memory_space<hbm>>)
          tpu.yield
        }) : () -> ()
      } else {
      }
    } else {
    }
    return
  }
}

module attributes {stable_mosaic.version = 14 : i64} {
  func.func @_k1a_body(%arg0: i32, %arg1: memref<400x10000xf32, #tpu.memory_space<vmem>>, %arg2: memref<10000x256xf32, #tpu.memory_space<vmem>>, %arg3: memref<1x256xf32, #tpu.memory_space<vmem>>, %arg4: memref<400x256xf32, #tpu.memory_space<vmem>>) attributes {dimension_semantics = [#tpu.dimension_semantics<arbitrary>], iteration_bounds = array<i64: 25>, scalar_prefetch = 0 : i64, scratch_operands = 0 : i64, tpu.core_type = #tpu.core_type<tc>, window_params = [{transform_indices = @transform_0, window_bounds = array<i64: 400, 10000>}, {pipeline_mode = #tpu.pipeline_mode<synchronous>, transform_indices = @transform_1, window_bounds = array<i64: 10000, 256>}, {pipeline_mode = #tpu.pipeline_mode<synchronous>, transform_indices = @transform_2, window_bounds = array<i64: 1, 256>}, {transform_indices = @transform_3, window_bounds = array<i64: 400, 256>}]} {
    %get3A = arith.constant 0 : index
    %get3A_0 = arith.constant 0 : index
    %get3A_1 = vector.load %arg1[%get3A, %get3A_0] : memref<400x10000xf32, #tpu.memory_space<vmem>>, vector<400x10000xf32>
    %convert_element_type3A = arith.truncf %get3A_1 : vector<400x10000xf32> to vector<400x10000xbf16>
    %get3A_2 = arith.constant 0 : index
    %get3A_3 = arith.constant 0 : index
    %get3A_4 = vector.load %arg2[%get3A_2, %get3A_3] : memref<10000x256xf32, #tpu.memory_space<vmem>>, vector<10000x256xf32>
    %convert_element_type3A_5 = arith.truncf %get3A_4 : vector<10000x256xf32> to vector<10000x256xbf16>
    %dot_general3A = arith.constant dense<0.000000e+00> : vector<400x256xf32>
    %dot_general3A_6 = tpu.matmul %convert_element_type3A, %convert_element_type3A_5, %dot_general3A {dimension_numbers = #tpu.dot_dimension_numbers<[1], [0], [0], [1], [0, 0, 1, 1], [], []>, transpose_lhs_hint = false} : vector<400x10000xbf16>, vector<10000x256xbf16>, vector<400x256xf32> -> vector<400x256xf32>
    %get3A_7 = arith.constant 0 : index
    %get3A_8 = arith.constant 0 : index
    %get3A_9 = vector.load %arg3[%get3A_7, %get3A_8] : memref<1x256xf32, #tpu.memory_space<vmem>>, vector<1x256xf32>
    %add3A = vector.broadcast %get3A_9 : vector<1x256xf32> to vector<400x256xf32>
    %add3A_10 = arith.addf %dot_general3A_6, %add3A : vector<400x256xf32>
    %swap3A = arith.constant 0 : index
    %swap3A_11 = arith.constant 0 : index
    %swap3A_12 = vector.load %arg4[%swap3A, %swap3A_11] : memref<400x256xf32, #tpu.memory_space<vmem>>, vector<400x256xf32>
    tpu.vector_store %arg4[%swap3A, %swap3A_11], %add3A_10 {strides = array<i32>} : memref<400x256xf32, #tpu.memory_space<vmem>>, vector<400x256xf32>,
    return
  }
  func.func @transform_0(%arg0: i32) -> (i32, i32) {
    %c0_i32 = arith.constant 0 : i32
    %c0_i32_0 = arith.constant 0 : i32
    return %arg0, %c0_i32 : i32, i32
  }
  func.func @transform_1(%arg0: i32) -> (i32, i32) {
    %c0_i32 = arith.constant 0 : i32
    %c0_i32_0 = arith.constant 0 : i32
    %c0_i32_1 = arith.constant 0 : i32
    return %c0_i32, %c0_i32_0 : i32, i32
  }
  func.func @transform_2(%arg0: i32) -> (i32, i32) {
    %c0_i32 = arith.constant 0 : i32
    %c0_i32_0 = arith.constant 0 : i32
    %c0_i32_1 = arith.constant 0 : i32
    return %c0_i32, %c0_i32_0 : i32, i32
  }
  func.func @transform_3(%arg0: i32) -> (i32, i32) {
    %c0_i32 = arith.constant 0 : i32
    %c0_i32_0 = arith.constant 0 : i32
    return %arg0, %c0_i32 : i32, i32
  }
}

module attributes {stable_mosaic.version = 14 : i64} {
  func.func @_k1b_body(%arg0: i32, %arg1: memref<1000x256xf32, #tpu.memory_space<vmem>>, %arg2: memref<256x256xf32, #tpu.memory_space<vmem>>, %arg3: memref<1000x1xf32, #tpu.memory_space<vmem>>, %arg4: memref<1000x128xbf16, #tpu.memory_space<vmem>>, %arg5: memref<1000x128xbf16, #tpu.memory_space<vmem>>) attributes {dimension_semantics = [#tpu.dimension_semantics<arbitrary>], iteration_bounds = array<i64: 10>, scalar_prefetch = 0 : i64, scratch_operands = 0 : i64, tpu.core_type = #tpu.core_type<tc>, window_params = [{transform_indices = @transform_0, window_bounds = array<i64: 1000, 256>}, {pipeline_mode = #tpu.pipeline_mode<synchronous>, transform_indices = @transform_1, window_bounds = array<i64: 256, 256>}, {transform_indices = @transform_2, window_bounds = array<i64: 1000, 1>}, {transform_indices = @transform_3, window_bounds = array<i64: 1000, 128>}, {transform_indices = @transform_4, window_bounds = array<i64: 1000, 128>}]} {
    %get3A = arith.constant 0 : index
    %get3A_0 = arith.constant 0 : index
    %get3A_1 = vector.load %arg1[%get3A, %get3A_0] : memref<1000x256xf32, #tpu.memory_space<vmem>>, vector<1000x256xf32>
    %get3A_2 = arith.constant 0 : index
    %get3A_3 = arith.constant 0 : index
    %get3A_4 = vector.load %arg2[%get3A_2, %get3A_3] : memref<256x256xf32, #tpu.memory_space<vmem>>, vector<256x256xf32>
    %dot_general3A = arith.constant dense<0.000000e+00> : vector<1000x256xf32>
    %dot_general3A_5 = tpu.matmul %get3A_1, %get3A_4, %dot_general3A {dimension_numbers = #tpu.dot_dimension_numbers<[1], [0], [0], [1], [0, 0, 1, 1], [], []>, transpose_lhs_hint = false} : vector<1000x256xf32>, vector<256x256xf32>, vector<1000x256xf32> -> vector<1000x256xf32>
    %get3A_6 = arith.constant 0 : index
    %get3A_7 = arith.constant 0 : index
    %get3A_8 = vector.load %arg3[%get3A_6, %get3A_7] : memref<1000x1xf32, #tpu.memory_space<vmem>>, vector<1000x1xf32>
    %mul3A = vector.broadcast %get3A_8 : vector<1000x1xf32> to vector<1000x256xf32>
    %mul3A_9 = arith.mulf %dot_general3A_5, %mul3A : vector<1000x256xf32>
    %slice3A = vector.extract_strided_slice %mul3A_9 {offsets = [0, 0], sizes = [1000, 128], strides = [1, 1]} : vector<1000x256xf32> to vector<1000x128xf32>
    %convert_element_type3A = arith.truncf %slice3A : vector<1000x128xf32> to vector<1000x128xbf16>
    %swap3A = arith.constant 0 : index
    %swap3A_10 = arith.constant 0 : index
    %swap3A_11 = vector.load %arg4[%swap3A, %swap3A_10] : memref<1000x128xbf16, #tpu.memory_space<vmem>>, vector<1000x128xbf16>
    tpu.vector_store %arg4[%swap3A, %swap3A_10], %convert_element_type3A {strides = array<i32>} : memref<1000x128xbf16, #tpu.memory_space<vmem>>, vector<1000x128xbf16>,
    %slice3A_12 = vector.extract_strided_slice %mul3A_9 {offsets = [0, 128], sizes = [1000, 128], strides = [1, 1]} : vector<1000x256xf32> to vector<1000x128xf32>
    %convert_element_type3A_13 = arith.truncf %slice3A_12 : vector<1000x128xf32> to vector<1000x128xbf16>
    %swap3A_14 = arith.constant 0 : index
    %swap3A_15 = arith.constant 0 : index
    %swap3A_16 = vector.load %arg5[%swap3A_14, %swap3A_15] : memref<1000x128xbf16, #tpu.memory_space<vmem>>, vector<1000x128xbf16>
    tpu.vector_store %arg5[%swap3A_14, %swap3A_15], %convert_element_type3A_13 {strides = array<i32>} : memref<1000x128xbf16, #tpu.memory_space<vmem>>, vector<1000x128xbf16>,
    return
  }
  func.func @transform_0(%arg0: i32) -> (i32, i32) {
    %c0_i32 = arith.constant 0 : i32
    %c0_i32_0 = arith.constant 0 : i32
    return %arg0, %c0_i32 : i32, i32
  }
  func.func @transform_1(%arg0: i32) -> (i32, i32) {
    %c0_i32 = arith.constant 0 : i32
    %c0_i32_0 = arith.constant 0 : i32
    %c0_i32_1 = arith.constant 0 : i32
    return %c0_i32, %c0_i32_0 : i32, i32
  }
  func.func @transform_2(%arg0: i32) -> (i32, i32) {
    %c0_i32 = arith.constant 0 : i32
    %c0_i32_0 = arith.constant 0 : i32
    return %arg0, %c0_i32 : i32, i32
  }
  func.func @transform_3(%arg0: i32) -> (i32, i32) {
    %c0_i32 = arith.constant 0 : i32
    %c0_i32_0 = arith.constant 0 : i32
    return %arg0, %c0_i32 : i32, i32
  }
  func.func @transform_4(%arg0: i32) -> (i32, i32) {
    %c0_i32 = arith.constant 0 : i32
    %c0_i32_0 = arith.constant 0 : i32
    return %arg0, %c0_i32 : i32, i32
  }
}

module attributes {stable_mosaic.version = 14 : i64} {
  func.func @_k3_body(%arg0: i32, %arg1: memref<1000x128xbf16, #tpu.memory_space<vmem>>, %arg2: memref<1000x128xbf16, #tpu.memory_space<vmem>>, %arg3: memref<1000x128xbf16, #tpu.memory_space<vmem>>, %arg4: memref<1000x128xbf16, #tpu.memory_space<vmem>>, %arg5: memref<1000x1xf32, #tpu.memory_space<vmem>>, %arg6: memref<1x256xf32, #tpu.memory_space<vmem>>, %arg7: memref<256x256xf32, #tpu.memory_space<vmem>>, %arg8: memref<1000x128xbf16, #tpu.memory_space<vmem>>, %arg9: memref<1000x128xbf16, #tpu.memory_space<vmem>>) attributes {dimension_semantics = [#tpu.dimension_semantics<arbitrary>], iteration_bounds = array<i64: 10>, scalar_prefetch = 0 : i64, scratch_operands = 0 : i64, tpu.core_type = #tpu.core_type<tc>, window_params = [{transform_indices = @transform_0, window_bounds = array<i64: 1000, 128>}, {transform_indices = @transform_1, window_bounds = array<i64: 1000, 128>}, {transform_indices = @transform_2, window_bounds = array<i64: 1000, 128>}, {transform_indices = @transform_3, window_bounds = array<i64: 1000, 128>}, {transform_indices = @transform_4, window_bounds = array<i64: 1000, 1>}, {pipeline_mode = #tpu.pipeline_mode<synchronous>, transform_indices = @transform_5, window_bounds = array<i64: 1, 256>}, {pipeline_mode = #tpu.pipeline_mode<synchronous>, transform_indices = @transform_6, window_bounds = array<i64: 256, 256>}, {transform_indices = @transform_7, window_bounds = array<i64: 1000, 128>}, {transform_indices = @transform_8, window_bounds = array<i64: 1000, 128>}]} {
    %get3A = arith.constant 0 : index
    %get3A_0 = arith.constant 0 : index
    %get3A_1 = vector.load %arg5[%get3A, %get3A_0] : memref<1000x1xf32, #tpu.memory_space<vmem>>, vector<1000x1xf32>
    %get3A_2 = arith.constant 0 : index
    %get3A_3 = arith.constant 0 : index
    %get3A_4 = vector.load %arg1[%get3A_2, %get3A_3] : memref<1000x128xbf16, #tpu.memory_space<vmem>>, vector<1000x128xbf16>
    %convert_element_type3A = arith.extf %get3A_4 : vector<1000x128xbf16> to vector<1000x128xf32>
    %get3A_5 = arith.constant 0 : index
    %get3A_6 = arith.constant 0 : index
    %get3A_7 = vector.load %arg3[%get3A_5, %get3A_6] : memref<1000x128xbf16, #tpu.memory_space<vmem>>, vector<1000x128xbf16>
    %convert_element_type3A_8 = arith.extf %get3A_7 : vector<1000x128xbf16> to vector<1000x128xf32>
    %add3A = arith.addf %convert_element_type3A, %convert_element_type3A_8 : vector<1000x128xf32>
    %mul3A = vector.broadcast %get3A_1 : vector<1000x1xf32> to vector<1000x128xf32>
    %mul3A_9 = arith.mulf %add3A, %mul3A : vector<1000x128xf32>
    %get3A_10 = arith.constant 0 : index
    %get3A_11 = arith.constant 0 : index
    %get3A_12 = vector.load %arg2[%get3A_10, %get3A_11] : memref<1000x128xbf16, #tpu.memory_space<vmem>>, vector<1000x128xbf16>
    %convert_element_type3A_13 = arith.extf %get3A_12 : vector<1000x128xbf16> to vector<1000x128xf32>
    %get3A_14 = arith.constant 0 : index
    %get3A_15 = arith.constant 0 : index
    %get3A_16 = vector.load %arg4[%get3A_14, %get3A_15] : memref<1000x128xbf16, #tpu.memory_space<vmem>>, vector<1000x128xbf16>
    %convert_element_type3A_17 = arith.extf %get3A_16 : vector<1000x128xbf16> to vector<1000x128xf32>
    %add3A_18 = arith.addf %convert_element_type3A_13, %convert_element_type3A_17 : vector<1000x128xf32>
    %mul3A_19 = vector.broadcast %get3A_1 : vector<1000x1xf32> to vector<1000x128xf32>
    %mul3A_20 = arith.mulf %add3A_18, %mul3A_19 : vector<1000x128xf32>
    %concatenate3A = tpu.concatenate %mul3A_9, %mul3A_20 in 1 : vector<1000x128xf32>, vector<1000x128xf32> -> vector<1000x256xf32>
    %get3A_21 = arith.constant 0 : index
    %get3A_22 = arith.constant 0 : index
    %get3A_23 = vector.load %arg6[%get3A_21, %get3A_22] : memref<1x256xf32, #tpu.memory_space<vmem>>, vector<1x256xf32>
    %add3A_24 = vector.broadcast %get3A_23 : vector<1x256xf32> to vector<1000x256xf32>
    %add3A_25 = arith.addf %concatenate3A, %add3A_24 : vector<1000x256xf32>
    %max3A = arith.constant 0.000000e+00 : f32
    %max3A_26 = vector.broadcast %max3A : f32 to vector<1000x256xf32>
    %max3A_27 = arith.maximumf %add3A_25, %max3A_26 : vector<1000x256xf32>
    %get3A_28 = arith.constant 0 : index
    %get3A_29 = arith.constant 0 : index
    %get3A_30 = vector.load %arg7[%get3A_28, %get3A_29] : memref<256x256xf32, #tpu.memory_space<vmem>>, vector<256x256xf32>
    %dot_general3A = arith.constant dense<0.000000e+00> : vector<1000x256xf32>
    %dot_general3A_31 = tpu.matmul %max3A_27, %get3A_30, %dot_general3A {dimension_numbers = #tpu.dot_dimension_numbers<[1], [0], [0], [1], [0, 0, 1, 1], [], []>, transpose_lhs_hint = false} : vector<1000x256xf32>, vector<256x256xf32>, vector<1000x256xf32> -> vector<1000x256xf32>
    %mul3A_32 = vector.broadcast %get3A_1 : vector<1000x1xf32> to vector<1000x256xf32>
    %mul3A_33 = arith.mulf %dot_general3A_31, %mul3A_32 : vector<1000x256xf32>
    %slice3A = vector.extract_strided_slice %mul3A_33 {offsets = [0, 0], sizes = [1000, 128], strides = [1, 1]} : vector<1000x256xf32> to vector<1000x128xf32>
    %convert_element_type3A_34 = arith.truncf %slice3A : vector<1000x128xf32> to vector<1000x128xbf16>
    %swap3A = arith.constant 0 : index
    %swap3A_35 = arith.constant 0 : index
    %swap3A_36 = vector.load %arg8[%swap3A, %swap3A_35] : memref<1000x128xbf16, #tpu.memory_space<vmem>>, vector<1000x128xbf16>
    tpu.vector_store %arg8[%swap3A, %swap3A_35], %convert_element_type3A_34 {strides = array<i32>} : memref<1000x128xbf16, #tpu.memory_space<vmem>>, vector<1000x128xbf16>,
    %slice3A_37 = vector.extract_strided_slice %mul3A_33 {offsets = [0, 128], sizes = [1000, 128], strides = [1, 1]} : vector<1000x256xf32> to vector<1000x128xf32>
    %convert_element_type3A_38 = arith.truncf %slice3A_37 : vector<1000x128xf32> to vector<1000x128xbf16>
    %swap3A_39 = arith.constant 0 : index
    %swap3A_40 = arith.constant 0 : index
    %swap3A_41 = vector.load %arg9[%swap3A_39, %swap3A_40] : memref<1000x128xbf16, #tpu.memory_space<vmem>>, vector<1000x128xbf16>
    tpu.vector_store %arg9[%swap3A_39, %swap3A_40], %convert_element_type3A_38 {strides = array<i32>} : memref<1000x128xbf16, #tpu.memory_space<vmem>>, vector<1000x128xbf16>,
    return
  }
  func.func @transform_0(%arg0: i32) -> (i32, i32) {
    %c0_i32 = arith.constant 0 : i32
    %c0_i32_0 = arith.constant 0 : i32
    return %arg0, %c0_i32 : i32, i32
  }
  func.func @transform_1(%arg0: i32) -> (i32, i32) {
    %c0_i32 = arith.constant 0 : i32
    %c0_i32_0 = arith.constant 0 : i32
    return %arg0, %c0_i32 : i32, i32
  }
  func.func @transform_2(%arg0: i32) -> (i32, i32) {
    %c0_i32 = arith.constant 0 : i32
    %c0_i32_0 = arith.constant 0 : i32
    return %arg0, %c0_i32 : i32, i32
  }
  func.func @transform_3(%arg0: i32) -> (i32, i32) {
    %c0_i32 = arith.constant 0 : i32
    %c0_i32_0 = arith.constant 0 : i32
    return %arg0, %c0_i32 : i32, i32
  }
  func.func @transform_4(%arg0: i32) -> (i32, i32) {
    %c0_i32 = arith.constant 0 : i32
    %c0_i32_0 = arith.constant 0 : i32
    return %arg0, %c0_i32 : i32, i32
  }
  func.func @transform_5(%arg0: i32) -> (i32, i32) {
    %c0_i32 = arith.constant 0 : i32
    %c0_i32_0 = arith.constant 0 : i32
    %c0_i32_1 = arith.constant 0 : i32
    return %c0_i32, %c0_i32_0 : i32, i32
  }
  func.func @transform_6(%arg0: i32) -> (i32, i32) {
    %c0_i32 = arith.constant 0 : i32
    %c0_i32_0 = arith.constant 0 : i32
    %c0_i32_1 = arith.constant 0 : i32
    return %c0_i32, %c0_i32_0 : i32, i32
  }
  func.func @transform_7(%arg0: i32) -> (i32, i32) {
    %c0_i32 = arith.constant 0 : i32
    %c0_i32_0 = arith.constant 0 : i32
    return %arg0, %c0_i32 : i32, i32
  }
  func.func @transform_8(%arg0: i32) -> (i32, i32) {
    %c0_i32 = arith.constant 0 : i32
    %c0_i32_0 = arith.constant 0 : i32
    return %arg0, %c0_i32 : i32, i32
  }
}

module attributes {stable_mosaic.version = 14 : i64} {
  func.func @_k5_body(%arg0: i32, %arg1: memref<1000x128xbf16, #tpu.memory_space<vmem>>, %arg2: memref<1000x128xbf16, #tpu.memory_space<vmem>>, %arg3: memref<1000x128xbf16, #tpu.memory_space<vmem>>, %arg4: memref<1000x128xbf16, #tpu.memory_space<vmem>>, %arg5: memref<1000x1xf32, #tpu.memory_space<vmem>>, %arg6: memref<1x256xf32, #tpu.memory_space<vmem>>, %arg7: memref<1000x256xf32, #tpu.memory_space<vmem>>, %arg8: memref<1000x256xf32, #tpu.memory_space<vmem>>) attributes {dimension_semantics = [#tpu.dimension_semantics<arbitrary>], iteration_bounds = array<i64: 10>, scalar_prefetch = 0 : i64, scratch_operands = 0 : i64, tpu.core_type = #tpu.core_type<tc>, window_params = [{transform_indices = @transform_0, window_bounds = array<i64: 1000, 128>}, {transform_indices = @transform_1, window_bounds = array<i64: 1000, 128>}, {transform_indices = @transform_2, window_bounds = array<i64: 1000, 128>}, {transform_indices = @transform_3, window_bounds = array<i64: 1000, 128>}, {transform_indices = @transform_4, window_bounds = array<i64: 1000, 1>}, {pipeline_mode = #tpu.pipeline_mode<synchronous>, transform_indices = @transform_5, window_bounds = array<i64: 1, 256>}, {transform_indices = @transform_6, window_bounds = array<i64: 1000, 256>}, {transform_indices = @transform_7, window_bounds = array<i64: 1000, 256>}]} {
    %get3A = arith.constant 0 : index
    %get3A_0 = arith.constant 0 : index
    %get3A_1 = vector.load %arg5[%get3A, %get3A_0] : memref<1000x1xf32, #tpu.memory_space<vmem>>, vector<1000x1xf32>
    %get3A_2 = arith.constant 0 : index
    %get3A_3 = arith.constant 0 : index
    %get3A_4 = vector.load %arg1[%get3A_2, %get3A_3] : memref<1000x128xbf16, #tpu.memory_space<vmem>>, vector<1000x128xbf16>
    %convert_element_type3A = arith.extf %get3A_4 : vector<1000x128xbf16> to vector<1000x128xf32>
    %get3A_5 = arith.constant 0 : index
    %get3A_6 = arith.constant 0 : index
    %get3A_7 = vector.load %arg3[%get3A_5, %get3A_6] : memref<1000x128xbf16, #tpu.memory_space<vmem>>, vector<1000x128xbf16>
    %convert_element_type3A_8 = arith.extf %get3A_7 : vector<1000x128xbf16> to vector<1000x128xf32>
    %add3A = arith.addf %convert_element_type3A, %convert_element_type3A_8 : vector<1000x128xf32>
    %mul3A = vector.broadcast %get3A_1 : vector<1000x1xf32> to vector<1000x128xf32>
    %mul3A_9 = arith.mulf %add3A, %mul3A : vector<1000x128xf32>
    %get3A_10 = arith.constant 0 : index
    %get3A_11 = arith.constant 0 : index
    %get3A_12 = vector.load %arg2[%get3A_10, %get3A_11] : memref<1000x128xbf16, #tpu.memory_space<vmem>>, vector<1000x128xbf16>
    %convert_element_type3A_13 = arith.extf %get3A_12 : vector<1000x128xbf16> to vector<1000x128xf32>
    %get3A_14 = arith.constant 0 : index
    %get3A_15 = arith.constant 0 : index
    %get3A_16 = vector.load %arg4[%get3A_14, %get3A_15] : memref<1000x128xbf16, #tpu.memory_space<vmem>>, vector<1000x128xbf16>
    %convert_element_type3A_17 = arith.extf %get3A_16 : vector<1000x128xbf16> to vector<1000x128xf32>
    %add3A_18 = arith.addf %convert_element_type3A_13, %convert_element_type3A_17 : vector<1000x128xf32>
    %mul3A_19 = vector.broadcast %get3A_1 : vector<1000x1xf32> to vector<1000x128xf32>
    %mul3A_20 = arith.mulf %add3A_18, %mul3A_19 : vector<1000x128xf32>
    %concatenate3A = tpu.concatenate %mul3A_9, %mul3A_20 in 1 : vector<1000x128xf32>, vector<1000x128xf32> -> vector<1000x256xf32>
    %get3A_21 = arith.constant 0 : index
    %get3A_22 = arith.constant 0 : index
    %get3A_23 = vector.load %arg6[%get3A_21, %get3A_22] : memref<1x256xf32, #tpu.memory_space<vmem>>, vector<1x256xf32>
    %add3A_24 = vector.broadcast %get3A_23 : vector<1x256xf32> to vector<1000x256xf32>
    %add3A_25 = arith.addf %concatenate3A, %add3A_24 : vector<1000x256xf32>
    %get3A_26 = arith.constant 0 : index
    %get3A_27 = arith.constant 0 : index
    %get3A_28 = vector.load %arg7[%get3A_26, %get3A_27] : memref<1000x256xf32, #tpu.memory_space<vmem>>, vector<1000x256xf32>
    %add3A_29 = arith.addf %add3A_25, %get3A_28 : vector<1000x256xf32>
    %swap3A = arith.constant 0 : index
    %swap3A_30 = arith.constant 0 : index
    %swap3A_31 = vector.load %arg8[%swap3A, %swap3A_30] : memref<1000x256xf32, #tpu.memory_space<vmem>>, vector<1000x256xf32>
    tpu.vector_store %arg8[%swap3A, %swap3A_30], %add3A_29 {strides = array<i32>} : memref<1000x256xf32, #tpu.memory_space<vmem>>, vector<1000x256xf32>,
    return
  }
  func.func @transform_0(%arg0: i32) -> (i32, i32) {
    %c0_i32 = arith.constant 0 : i32
    %c0_i32_0 = arith.constant 0 : i32
    return %arg0, %c0_i32 : i32, i32
  }
  func.func @transform_1(%arg0: i32) -> (i32, i32) {
    %c0_i32 = arith.constant 0 : i32
    %c0_i32_0 = arith.constant 0 : i32
    return %arg0, %c0_i32 : i32, i32
  }
  func.func @transform_2(%arg0: i32) -> (i32, i32) {
    %c0_i32 = arith.constant 0 : i32
    %c0_i32_0 = arith.constant 0 : i32
    return %arg0, %c0_i32 : i32, i32
  }
  func.func @transform_3(%arg0: i32) -> (i32, i32) {
    %c0_i32 = arith.constant 0 : i32
    %c0_i32_0 = arith.constant 0 : i32
    return %arg0, %c0_i32 : i32, i32
  }
  func.func @transform_4(%arg0: i32) -> (i32, i32) {
    %c0_i32 = arith.constant 0 : i32
    %c0_i32_0 = arith.constant 0 : i32
    return %arg0, %c0_i32 : i32, i32
  }
  func.func @transform_5(%arg0: i32) -> (i32, i32) {
    %c0_i32 = arith.constant 0 : i32
    %c0_i32_0 = arith.constant 0 : i32
    %c0_i32_1 = arith.constant 0 : i32
    return %c0_i32, %c0_i32_0 : i32, i32
  }
  func.func @transform_6(%arg0: i32) -> (i32, i32) {
    %c0_i32 = arith.constant 0 : i32
    %c0_i32_0 = arith.constant 0 : i32
    return %arg0, %c0_i32 : i32, i32
  }
  func.func @transform_7(%arg0: i32) -> (i32, i32) {
    %c0_i32 = arith.constant 0 : i32
    %c0_i32_0 = arith.constant 0 : i32
    return %arg0, %c0_i32 : i32, i32
  }
}

</mosaic_0001>

<sc_bundles>
// kernel: kernel.11.cloned.1.call-start
scs
__scs_entry_jumppad:
0x0: {  	(pc) =	sbr.rel $0x88, $3  }
0x1: {  	(tag) =	ssettag $0x0;
	lr =	simm.s32 $0x1  }
0x2: {  	[smem:$0x3F99] =	sst lr;
	_ =	strace $0xD0000000  }
0x3: {  	_ = 	snop  }
0x4: {  	_ = 	snop  }
0x5: {  	_ = 	snop  }
0x6: {  	_ = 	snop  }
0x7: {  	_ = 	snop  }
__scs_overlays_trampoline_lowered:
0x8: {  	[smem:$0x3FA8] =	sst s0  }
0x9: {  	[smem:$0x3FA9] =	sst s1  }
0xa: {  	[smem:$0x3FAA] =	sst s2  }
0xb: {  	[smem:$0x3FAB] =	sst s3  }
0xc: {  	[smem:$0x3FAC] =	sst s4  }
0xd: {  	[smem:$0x3FAD] =	sst s5  }
0xe: {  	[smem:$0x3FAE] =	sst s6  }
0xf: {  	[smem:$0x3FAF] =	sst s7  }
0x10: {  	[smem:$0x3FB0] =	sst s8  }
0x11: {  	[smem:$0x3FB1] =	sst s9;
	s0 =	simm.s32 @!p0 $0x0  }
0x12: {  	s1 =	sld [smem:$0x3F97];
	s0 =	simm.s32 @p0 $0x1  }
0x13: {  	[smem:$0x3FB2] =	sst s0;
	s0 =	simm.s32 @!p1 $0x0  }
0x14: {  	s2 =	sld [smem:$0x3F96];
	s0 =	simm.s32 @p1 $0x1  }
0x15: {  	[smem:$0x3FB3] =	sst s0;
	s0 =	simm.s32 @!p2 $0x0  }
0x16: {  	s3 =	sld [smem:$0x3FDB];
	s0 =	simm.s32 @p2 $0x1  }
0x17: {  	s4 =	simm.s32 $0x1BF5;
	[smem:$0x3FB5] =	sst s0  }
0x18: {  	s0 =	sld [smem:$0x3F98];
	_ =	swait.ge [sflag:s4], $0x0  }
0x19: {  	s7 =	sld [smem:$0x3F99]  }
0x1a: {  	s8 =	sadd.s32 $0xFFFFE003, lr  }
0x1b: {  	s9 =	sadd.s32 $0xFFFFFEF7, lr;
	s5 =	simm.s32 $0xFFFFFFFF;
	p2 =	slt.u32 s8, $0xFFFFF086  }
0x1c: {  	p1 =	slt.u32 s9, $0xF7A;
	s5 =	simm.s32 @!p2 $0x0  }
0x1d: {  	s5 =	simm.s32 @p1 $0x1;
	p0 =	seq.s32 s7, s2  }
0x1e: {  	s7 =	smul.u32 @!p0 $0xF7A, s2;
	p2 =	seq.s32 @!p0 s5, $0x0  }
0x1f: {  	s9 =	smul.u32 $0xF7A, s1;
	s8 =	simm.s32 @!p0 $0x1BF5;
	p2 =	por !p2, p0  }
0x20: {  	[sflag:s8] =	ssyncset.s32 @!p0 $0xFFFFF086;
	s6 =	sadd.s32 @!p0 s3, s7;
	s7 =	simm.s32 @!p0 $0x108  }
0x21: {  	s3 =	sadd.s32 s3, s9;
	s6 =	sadd.s32 @!p0 $0x88, s6;
	s7 =	simm.s32 @p2 $0x1082  }
0x22: {  	[simem:s7], [sflag:s8] =	dma.local @!p0 [hbm:s6], $0xF7A  }
0x23: {  	s9 =	sor.u32 $0xD0000000, s2;
	s6 =	simm.s32 $0x108;
	_ =	swait.ge @!p0 [sflag:s8], $0x0  }
0x24: {  	s3 =	sadd.s32 $0x88, s3;
	s6 =	simm.s32 @!p1 $0x1082;
	[sflag:s4] =	ssyncset.s32 $0xFFFFF086  }
0x25: {  	[simem:s6], [sflag:s4] =	dma.local [hbm:s3], $0xF7A  }
0x26: {  	[smem:$0x3F99] =	sst s1;
	(tag) =	ssettag s2;
	_ =	strace s9  }
0x27: {  	s1 =	sld [smem:$0x3FA9]  }
0x28: {  	s2 =	sld [smem:$0x3FAA]  }
0x29: {  	s4 =	sld [smem:$0x3FAC]  }
0x2a: {  	p0 =	seq.s32 s5, $0x0;
	s5 =	sld [smem:$0x3FAD]  }
0x2b: {  	s6 =	sld [smem:$0x3FAE]  }
0x2c: {  	s7 =	sld [smem:$0x3FAF]  }
0x2d: {  	s3 =	simm.s32 $0x108;
	s8 =	sld [smem:$0x3FB0]  }
0x2e: {  	s3 =	simm.s32 @!p0 $0x1082;
	s9 =	sld [smem:$0x3FB1]  }
0x2f: {  	lr =	sadd.s32 s0, s3;
	s0 =	sld [smem:$0x3FA8]  }
0x30: {  	s3 =	sld [smem:$0x3FAB]  }
0x31: {  	[smem:$0x3FB4] =	sst s10  }
0x32: {  	s10 =	sld [smem:$0x3FB2];
	_ =	sdelay $0x3  }
0x33: {  	p0 =	seq.s32 s10, $0x1;
	s10 =	sld [smem:$0x3FB4];
	_ =	sdelay $0x3  }
0x34: {  	[smem:$0x3FB4] =	sst s10  }
0x35: {  	s10 =	sld [smem:$0x3FB3];
	_ =	sdelay $0x3  }
0x36: {  	p1 =	seq.s32 s10, $0x1;
	s10 =	sld [smem:$0x3FB4];
	_ =	sdelay $0x3  }
0x37: {  	[smem:$0x3FB4] =	sst s10  }
0x38: {  	s10 =	sld [smem:$0x3FB5]  }
0x39: {  	_ = 	snop;
	(pc) =	sbr.ind lr, $3  }
0x3a: {  	_ = 	snop  }
0x3b: {  	_ = 	snop  }
0x3c: {  	p2 =	seq.s32 s10, $0x1;
	s10 =	sld [smem:$0x3FB4]  }
0x3d: {  	_ =	shalt  }
0x3e: {  	_ =	shalt  }
0x3f: {  	_ =	shalt  }
0x40: {  	_ =	shalt  }
0x41: {  	_ =	shalt  }
0x42: {  	_ =	shalt  }
0x43: {  	_ =	shalt  }
0x44: {  	_ =	shalt  }
0x45: {  	_ =	shalt  }
0x46: {  	_ =	shalt  }
0x47: {  	_ =	shalt  }
0x48: {  	_ =	shalt  }
0x49: {  	_ =	shalt  }
0x4a: {  	_ =	shalt  }
0x4b: {  	_ =	shalt  }
0x4c: {  	_ =	shalt  }
0x4d: {  	_ =	shalt  }
0x4e: {  	_ =	shalt  }
0x4f: {  	_ =	shalt  }
0x50: {  	_ =	shalt  }
0x51: {  	_ =	shalt  }
0x52: {  	_ =	shalt  }
0x53: {  	_ =	shalt  }
0x54: {  	_ =	shalt  }
0x55: {  	_ =	shalt  }
0x56: {  	_ =	shalt  }
0x57: {  	_ =	shalt  }
0x58: {  	_ =	shalt  }
0x59: {  	_ =	shalt  }
0x5a: {  	_ =	shalt  }
0x5b: {  	_ =	shalt  }
0x5c: {  	_ =	shalt  }
0x5d: {  	_ =	shalt  }
0x5e: {  	_ =	shalt  }
0x5f: {  	_ =	shalt  }
0x60: {  	_ =	shalt  }
0x61: {  	_ =	shalt  }
0x62: {  	_ =	shalt  }
0x63: {  	_ =	shalt  }
0x64: {  	_ =	shalt  }
0x65: {  	_ =	shalt  }
0x66: {  	_ =	shalt  }
0x67: {  	_ =	shalt  }
0x68: {  	_ =	shalt  }
0x69: {  	_ =	shalt  }
0x6a: {  	_ =	shalt  }
0x6b: {  	_ =	shalt  }
0x6c: {  	_ =	shalt  }
0x6d: {  	_ =	shalt  }
0x6e: {  	_ =	shalt  }
0x6f: {  	_ =	shalt  }
0x70: {  	_ =	shalt  }
0x71: {  	_ =	shalt  }
0x72: {  	_ =	shalt  }
0x73: {  	_ =	shalt  }
0x74: {  	_ =	shalt  }
0x75: {  	_ =	shalt  }
0x76: {  	_ =	shalt  }
0x77: {  	_ =	shalt  }
0x78: {  	_ =	shalt  }
0x79: {  	_ =	shalt  }
0x7a: {  	_ =	shalt  }
0x7b: {  	_ =	shalt  }
0x7c: {  	_ =	shalt  }
0x7d: {  	_ =	shalt  }
0x7e: {  	_ =	shalt  }
0x7f: {  	_ =	shalt  }
0x80: {  	_ =	shalt  }
0x81: {  	_ =	shalt  }
0x82: {  	_ =	shalt  }
0x83: {  	_ =	shalt  }
0x84: {  	_ =	shalt  }
0x85: {  	_ =	shalt  }
0x86: {  	_ =	shalt  }
0x87: {  	_ =	shalt  }
.Lfunc_end0:
.L_simem_size_0:
called_computation.2_lowered:
.L_overlay_start_0:
0x88: {  	s2 =	sld [smem:$0x3FD9]  }
0x89: {  	s3 =	sld [smem:$0x3FFE];
	_ =	sdelay $0x1  }
0x8a: {  	s1 =	srdreg.scid  }
0x8b: {  	s0 =	sand.u32 $0x1, s1  }
0x8c: {  	s17 =	sshll.u32 s0, $0xA;
	s2 =	sadd.s32 s3, s2  }
0x8d: {  	s2 =	sadd.s32 s2, s17  }
0x8e: {  	[smem:$0x3FC0] =	sst s2  }
0x8f: {  	_ = 	snop  }
0x90: {  	s2 =	sld [smem:$0x3FD0];
	(tm) =	ssettm $0x1  }
0x91: {  	s18 =	sld [smem:$0x3FFB];
	_ =	sdelay $0x3  }
0x92: {  	_ =	strace s18  }
0x93: {  	s3 =	sld [smem:$0x3FFC];
	_ =	sdelay $0x3  }
0x94: {  	_ =	strace s3  }
0x95: {  	s3 =	sld [smem:$0x3FFD];
	_ =	sdelay $0x3  }
0x96: {  	_ =	strace s3  }
0x97: {  	_ =	strace $0x8FFFFFFF  }
0x98: {  	s19 =	sld [smem:$0x3FDB];
	_ =	sdelay $0x1  }
0x99: {  	s4 =	simm.s32 $_scs_section_size  }
0x9a: {  	s5 =	simm.s32 $_size__tile_overlayer_lowered;
	s6 =	simm.s32 $_tile_overlayer_lowered  }
0x9b: {  	s22 =	simm.s32 $0x1BFF;
	s21 =	sshll.u32 s6, $0x1;
	s3 =	sadd.s32 s4, s19  }
0x9c: {  	s7 =	simm.s32 $0x0;
	s20 =	sshll.u32 s5, $0x1;
	s5 =	sadd.s32 s21, s3  }
0x9d: {  	[timem:s7], [sflag:s22] =	dma.local [hbm:s5], s20  }
0x9e: {  	_ =	swait.ge [sflag:s22], s20  }
0x9f: {  	s4 =	ssub.s32 $0x0, s20;
	[sflag:s22] =	ssyncset.done $0x0  }
0xa0: {  	[sflag:s22] =	ssyncadd.s32 s4;
	_ =	sdelay $0x1  }
0xa1: {  	s23 =	simm.s32 $0x1B8B  }
0xa2: {  	_ =	swait.ge [sflag:s23], $0x1  }
0xa3: {  	[sflag:s23] =	ssyncset.done $0x0  }
0xa4: {  	s25 =	simm.s32 $0x1B8E;
	s24 =	sld [smem:$0x3FFE];
	[sflag:s23] =	ssyncadd.s32 $0xFFFFFFFF  }
0xa5: {  	s26 =	simm.s32 $execute0_lowered;
	[smem:$0x3FD2] =	sst s25  }
0xa6: {  	s5 =	sshll.u32 s26, $0x1;
	_ =	strace $0x8000004C;
	[dreg:$0x1] =	wrdreg $0xFFFFFFFF  }
0xa7: {  	s28 =	simm.s32 $_size_execute0_lowered;
	s3 =	sadd.s32 s3, s5;
	[dreg:$0x0] =	wrdreg $0x0  }
0xa8: {  	s5 =	sshll.u32 s28, $0x1;
	[dreg:$0x2] =	wrdreg s3  }
0xa9: {  	[dreg:$0x3] =	wrdreg s5  }
0xaa: {  	[dreg:$0x4] =	wrdreg $0xC0  }
0xab: {  	_ =	task [dreg:s7], $0x5FFFF  }
0xac: {  	[dreg:$0x1] =	wrdreg $0xFFFFFFFF  }
0xad: {  	[dreg:$0x0] =	wrdreg $0x60  }
0xae: {  	[dreg:$0x2] =	wrdreg s2  }
0xaf: {  	[dreg:$0x3] =	wrdreg s24  }
0xb0: {  	[dreg:$0x4] =	wrdreg $0x150000  }
0xb1: {  	[dreg:$0x5] =	wrdreg $0x9  }
0xb2: {  	_ =	task.clear_ibuf [dreg:s7], $0x6FFFF;
	_ =	strace $0x9000004C  }
0xb3: {  	s29 =	simm.s32 $0x9;
	_ =	strace $0x8000004E  }
0xb4: {  	_ =	swait.ge [sflag:s29], $0x1  }
0xb5: {  	[sflag:s29] =	ssyncadd.s32 $0xFFFFFFFF  }
0xb6: {  	_ =	strace $0x9000004E  }
0xb7: {  	_ =	sfence  }
0xb8: {  	s30 =	sld [smem:$0x0];
	_ =	sdelay $0x2  }
0xb9: {  	s31 =	sshll.u32 s1, $0xD;
	s1 =	sshrl.u32 s1, $0x2  }
0xba: {  	s3 =	sand.u32 $0x4000, s31;
	s1 =	sadd.s32 s1, s30  }
0xbb: {  	s0 =	sor.u32 s3, s0;
	s1 =	sshll.u32 s1, $0x11  }
0xbc: {  	s0 =	sor.u32 s1, s0  }
0xbd: {  	s0 =	sadd.s32 $0x8F2B, s0  }
0xbe: {  	[sflag:s0] =	ssyncadd.remote.s32 $0x1  }
0xbf: {  	_ =	sfence.sel $0xFFFF  }
0xc0: {  	[dreg:$0x0] =	wrdreg $0xFFFFFFFF;
	(pc) =	sbr.abs _section_cstart, $3  }
0xc1: {  	[dreg:$0x1] =	wrdreg $0xFFFFFFFF  }
0xc2: {  	_ =	task.clear_ibuf [dreg:s7], $0x2FFFF;
	_ =	strace $0x9FFFFFFF  }
0xc3: {  	(tm) =	ssettm $0x7FFFFFFF  }
tec
execute0_lowered:
.L_overlay_start_1:
0x0: {  	(tag) =	ssettag $0x1  }
0x1: {  	s1 =	rddreg [dreg:$0x0]  }
0x2: {  	s0 =	rddreg [dreg:$0x1]  }
0x3: {  	s3 =	rddreg [dreg:$0x2];
	s4 =	simm.s32 $0x0;
	s2 =	stileid.u32  }
0x4: {  	s5 =	srdreg.scid;
	s20 =	simm.s32 $0x5;
	s21 =	simm.s32 $0x2800  }
0x5: {  	s22 =	simm.s32 $0x5000;
	s23 =	simm.s32 $0x200;
	s24 =	simm.s32 $0xD000  }
0x6: {  	s29 =	simm.s32 $0x3;
	s31 =	simm.s32 $0x4;
	s6 =	smul.u32 $0x500, s2  }
0x7: {  	s30 =	simm.s32 $0x2600;
	[smem:$0x7FF] =	sst s4;
	s16 =	smul.u32 $0x13800, s2  }
0x8: {  	s7 =	sand.u32 $0x1, s5;
	s5 =	sadd.s32 $0x59A00, s0;
	s10 =	smul.u32 $0x27000, s2  }
0x9: {  	s17 =	sadd.s32 $0x6D400, s0;
	s18 =	sadd.s32 $0x80E00, s0;
	p0 =	sne.s32 s2, $0xF  }
0xa: {  	p2 =	seq.s32 s2, $0xF;
	_ =	strace $0x8000004D;
	[dreg:$0x5] =	wrdreg s18  }
0xb: {  	s8 =	ssub.s32 $0x2, s7;
	[dreg:$0x4] =	wrdreg s17;
	p1 =	sne.s32 s7, $0x0  }
0xc: {  	s6 =	sadd.s32 s6, s0;
	s9 =	sshrl.u32 s8, $0x1;
	s11 =	sshrl.u32 s16, $0x1  }
0xd: {  	s12 =	sshrl.u32 s10, $0x2;
	s28 =	sshrl.u32 s16, $0x4;
	s16 =	sadd.s32 $0x9C000, s3  }
0xe: {  	s0 =	simm.s32 $0x0;
	s25 =	ssub.s32 s8, s9;
	s8 =	sadd.s32 $0x6800, s6  }
0xf: {  	s9 =	sadd.s32 $0x1800, s6;
	s10 =	sadd.s32 s11, s3;
	s26 =	sadd.s32 s12, s3  }
.Ltmp0:
0x10: {  	s18 =	sadd.s32 s18, s28;
	s6 =	sadd.s32 s17, s28;
	(pc) =	sbr.rel .LBB2_1-.Ltmp0, $4  }
0x11: {  	s11 =	sadd.s32 $0x1A00, s26;
	s12 =	sadd.s32 $0x3400, s26;
	s13 =	sadd.s32 $0x4E00, s26  }
0x12: {  	s14 =	sadd.s32 $0x6800, s26;
	s15 =	sadd.s32 $0x8200, s26;
	[dreg:$0x6] =	wrdreg s18  }
0x13: {  	[dreg:$0x7] =	wrdreg s6;
	s19 =	smax.u32 s25, $0x1;
	s25 =	simm.s32 $0x1  }
0x14: {  	v0 =	vimm.bf16 $0.0e+00;
	s26 =	simm.s32 $0x2;
	s18 =	simm.s32 $0x4C00;
	s6 =	simm.s32 $0x4E00  }
.LBB2_6:
0x15: {  	s17 =	sadd.s32 $0x13800, s28;
	s28 =	sshrl.u32 s16, $0x3  }
0x16: {  	[hbm:s17], [sflag:s7] =	dma.local [spmem:s28], $0x80  }
0x17: {  	_ =	swait.ge [sflag:s20], $0x80  }
0x18: {  	[sflag:s20] =	ssyncset.done $0x0  }
0x19: {  	[sflag:s20] =	ssyncadd.s32 $0xFFFFFF80  }
.LBB2_7:
0x1a: {  	s0 =	sadd.s32 $0x1, s0  }
0x1b: {  	p3 =	sne.s32 s0, s19  }
.Ltmp1:
0x1c: {  	_ = 	snop;
	(pc) =	sbr.rel @!p3 .LBB2_8-.Ltmp1, $1  }
0x1d: {  	_ =	sdelay $0x3  }
.LBB2_1:
0x1e: {  	[tilespmem:s4], [sflag:$0x5] =	stream.linear.gather [hbm4b:s8+s4], $0x2800, $0x38;
	[tilespmem:$0x1EC60] =	vst v63  }
0x1f: {  	_ =	swait.ge [sflag:s20], $0x2800  }
0x20: {  	[sflag:s20] =	ssyncset.done $0x0  }
0x21: {  	[sflag:s20] =	ssyncadd.s32 $0xFFFFD800  }
0x22: {  	[tilespmem:s21], [sflag:$0x5] =	stream.linear.gather [hbm4b:s9+s4], $0x2800, $0x38;
	[tilespmem:$0x1EC60] =	vst v63  }
0x23: {  	_ =	swait.ge [sflag:s20], $0x2800  }
0x24: {  	[sflag:s20] =	ssyncset.done $0x0  }
0x25: {  	s28 =	simm.s32 $0x100;
	s7 =	simm.s32 $0x0;
	[sflag:s20] =	ssyncadd.s32 $0xFFFFD800  }
.LBB2_2:
0x26: {  	p3 =	sne.s32 s28, $0x6700;
	[tilespmem:s7+$0x5030] =	vst v0;
	s17 =	smov.u32 s28;
	s28 =	sadd.s32 $0x100, s28  }
.Ltmp2:
0x27: {  	[tilespmem:s7+$0x5020] =	vst v0;
	(pc) =	sbr.rel @p3 .LBB2_2-.Ltmp2, $3  }
0x28: {  	[tilespmem:s7+$0x5000] =	vst v0  }
0x29: {  	[tilespmem:s7+$0x5010] =	vst v0;
	_ =	sdelay $0x1  }
0x2a: {  	s7 =	sshra.s32 s17, $0x2  }
0x2b: {  	[tilespmem:s7+$0x5030] =	vst v0  }
0x2c: {  	[tilespmem:s7+$0x5020] =	vst v0  }
0x2d: {  	[tilespmem:s7+$0x5000] =	vst v0  }
0x2e: {  	[tilespmem:s7+$0x5010] =	vst v0  }
0x2f: {  	[spmem:s10] =	stream.linear.scatter [tilespmem:s22], [sflag:$0x5], $0x1A00, $0x38;
	[tilespmem:$0x1EC60] =	vst v63  }
0x30: {  	_ =	swait.ge [sflag:s20], $0x1A00  }
0x31: {  	[sflag:s20] =	ssyncset.done $0x0  }
0x32: {  	[sflag:s20] =	ssyncadd.s32 $0xFFFFE600  }
0x33: {  	[spmem:s11] =	stream.linear.scatter [tilespmem:s22], [sflag:$0x5], $0x1A00, $0x38;
	[tilespmem:$0x1EC60] =	vst v63  }
0x34: {  	_ =	swait.ge [sflag:s20], $0x1A00  }
0x35: {  	[sflag:s20] =	ssyncset.done $0x0  }
0x36: {  	[sflag:s20] =	ssyncadd.s32 $0xFFFFE600  }
0x37: {  	[spmem:s12] =	stream.linear.scatter [tilespmem:s22], [sflag:$0x5], $0x1A00, $0x38;
	[tilespmem:$0x1EC60] =	vst v63  }
0x38: {  	_ =	swait.ge [sflag:s20], $0x1A00  }
0x39: {  	[sflag:s20] =	ssyncset.done $0x0  }
0x3a: {  	[sflag:s20] =	ssyncadd.s32 $0xFFFFE600  }
0x3b: {  	[spmem:s13] =	stream.linear.scatter [tilespmem:s22], [sflag:$0x5], $0x1A00, $0x38;
	[tilespmem:$0x1EC60] =	vst v63  }
0x3c: {  	_ =	swait.ge [sflag:s20], $0x1A00  }
0x3d: {  	[sflag:s20] =	ssyncset.done $0x0  }
0x3e: {  	[sflag:s20] =	ssyncadd.s32 $0xFFFFE600  }
0x3f: {  	[spmem:s14] =	stream.linear.scatter [tilespmem:s22], [sflag:$0x5], $0x1A00, $0x38;
	[tilespmem:$0x1EC60] =	vst v63  }
0x40: {  	_ =	swait.ge [sflag:s20], $0x1A00  }
0x41: {  	[sflag:s20] =	ssyncset.done $0x0  }
0x42: {  	[sflag:s20] =	ssyncadd.s32 $0xFFFFE600  }
0x43: {  	[spmem:s15] =	stream.linear.scatter [tilespmem:s22], [sflag:$0x5], $0x1A00, $0x38;
	[tilespmem:$0x1EC60] =	vst v63  }
0x44: {  	_ =	swait.ge [sflag:s20], $0x1A00  }
0x45: {  	[sflag:s20] =	ssyncset.done $0x0  }
0x46: {  	s7 =	simm.s32 @!p0 $0x5000;
	[sflag:s20] =	ssyncadd.s32 $0xFFFFE600  }
0x47: {  	[spmem:s16] =	stream.linear.scatter @!p0 [tilespmem:s7], [sflag:$0x5], $0x600, $0x38;
	[tilespmem:$0x1EC60] =	vst v63  }
0x48: {  	s7 =	simm.s32 @!p0 $0x5  }
.Ltmp3:
0x49: {  	_ =	swait.ge @!p0 [sflag:s7], $0x600;
	(pc) =	sbr.rel @p1 .LBB2_5-.Ltmp3, $3  }
0x4a: {  	[sflag:s7] =	ssyncset.done @!p0 $0x0  }
0x4b: {  	[sflag:s7] =	ssyncadd.s32 @!p0 $0xFFFFFA00  }
0x4c: {  	[bflag:$0x0] =	sbarrier.arrive $0xFFFF;
	_ =	sdelay $0x1  }
0x4d: {  	[tilespmem:s22], [sflag:$0x1] =	stream.indirect.gather [hbm4b:s1+s23], $0x40, s4, s23, $0xb8;
	[tilespmem:$0x1EC60] =	vst v63  }
0x4e: {  	_ = 	snop  }
0x4f: {  	[tilespmem:s24], [sflag:$0x2] =	stream.indirect.gather [hbm4b:s1+s23], $0x40, s23, s23, $0xb8;
	[tilespmem:$0x1EC60] =	vst v63  }
0x50: {  	_ =	swait.ge [sflag:s25], $0x8000  }
0x51: {  	[sflag:s25] =	ssyncset.done $0x0  }
0x52: {  	[sflag:s25] =	ssyncadd.s32 $0xFFFF8000  }
0x53: {  	[spmem:s3] =	stream.indirect.scatter.add.bf16 [tilespmem:s22], [sflag:$0x3], $0x40, s21, s23, $0xb8;
	[tilespmem:$0x1EC60] =	vst v63  }
0x54: {  	_ =	swait.ge [sflag:s26], $0x8000  }
0x55: {  	[sflag:s26] =	ssyncset.done $0x0  }
0x56: {  	s7 =	simm.s32 $0x2A00;
	[sflag:s26] =	ssyncadd.s32 $0xFFFF8000  }
0x57: {  	[spmem:s3] =	stream.indirect.scatter.add.bf16 [tilespmem:s24], [sflag:$0x4], $0x40, s7, s23, $0xb8;
	[tilespmem:$0x1EC60] =	vst v63  }
0x58: {  	_ =	swait.ge [sflag:s29], $0x8000  }
0x59: {  	[sflag:s29] =	ssyncset.done $0x0  }
0x5a: {  	s17 =	simm.s32 $0x400;
	[sflag:s29] =	ssyncadd.s32 $0xFFFF8000  }
0x5b: {  	[tilespmem:s22], [sflag:$0x1] =	stream.indirect.gather [hbm4b:s1+s23], $0x40, s17, s23, $0xb8;
	[tilespmem:$0x1EC60] =	vst v63  }
0x5c: {  	_ =	swait.ge [sflag:s31], $0x8000  }
0x5d: {  	[sflag:s31] =	ssyncset.done $0x0  }
0x5e: {  	s17 =	simm.s32 $0x600;
	[sflag:s31] =	ssyncadd.s32 $0xFFFF8000  }
0x5f: {  	[tilespmem:s24], [sflag:$0x2] =	stream.indirect.gather [hbm4b:s1+s23], $0x40, s17, s23, $0xb8;
	[tilespmem:$0x1EC60] =	vst v63  }
0x60: {  	_ =	swait.ge [sflag:s25], $0x8000  }
0x61: {  	[sflag:s25] =	ssyncset.done $0x0  }
0x62: {  	s17 =	simm.s32 $0x2C00;
	[sflag:s25] =	ssyncadd.s32 $0xFFFF8000  }
0x63: {  	[spmem:s3] =	stream.indirect.scatter.add.bf16 [tilespmem:s22], [sflag:$0x3], $0x40, s17, s23, $0xb8;
	[tilespmem:$0x1EC60] =	vst v63  }
0x64: {  	_ =	swait.ge [sflag:s26], $0x8000  }
0x65: {  	[sflag:s26] =	ssyncset.done $0x0  }
0x66: {  	s17 =	simm.s32 $0x2E00;
	[sflag:s26] =	ssyncadd.s32 $0xFFFF8000  }
0x67: {  	[spmem:s3] =	stream.indirect.scatter.add.bf16 [tilespmem:s24], [sflag:$0x4], $0x40, s17, s23, $0xb8;
	[tilespmem:$0x1EC60] =	vst v63  }
0x68: {  	_ =	swait.ge [sflag:s29], $0x8000  }
0x69: {  	[sflag:s29] =	ssyncset.done $0x0  }
0x6a: {  	s17 =	simm.s32 $0x800;
	[sflag:s29] =	ssyncadd.s32 $0xFFFF8000  }
0x6b: {  	[tilespmem:s22], [sflag:$0x1] =	stream.indirect.gather [hbm4b:s1+s23], $0x40, s17, s23, $0xb8;
	[tilespmem:$0x1EC60] =	vst v63  }
0x6c: {  	_ =	swait.ge [sflag:s31], $0x8000  }
0x6d: {  	[sflag:s31] =	ssyncset.done $0x0  }
0x6e: {  	s17 =	simm.s32 $0xA00;
	[sflag:s31] =	ssyncadd.s32 $0xFFFF8000  }
0x6f: {  	[tilespmem:s24], [sflag:$0x2] =	stream.indirect.gather [hbm4b:s1+s23], $0x40, s17, s23, $0xb8;
	[tilespmem:$0x1EC60] =	vst v63  }
0x70: {  	_ =	swait.ge [sflag:s25], $0x8000  }
0x71: {  	[sflag:s25] =	ssyncset.done $0x0  }
0x72: {  	s17 =	simm.s32 $0x3000;
	[sflag:s25] =	ssyncadd.s32 $0xFFFF8000  }
0x73: {  	[spmem:s3] =	stream.indirect.scatter.add.bf16 [tilespmem:s22], [sflag:$0x3], $0x40, s17, s23, $0xb8;
	[tilespmem:$0x1EC60] =	vst v63  }
0x74: {  	_ =	swait.ge [sflag:s26], $0x8000  }
0x75: {  	[sflag:s26] =	ssyncset.done $0x0  }
0x76: {  	s17 =	simm.s32 $0x3200;
	[sflag:s26] =	ssyncadd.s32 $0xFFFF8000  }
0x77: {  	[spmem:s3] =	stream.indirect.scatter.add.bf16 [tilespmem:s24], [sflag:$0x4], $0x40, s17, s23, $0xb8;
	[tilespmem:$0x1EC60] =	vst v63  }
0x78: {  	_ =	swait.ge [sflag:s29], $0x8000  }
0x79: {  	[sflag:s29] =	ssyncset.done $0x0  }
0x7a: {  	s17 =	simm.s32 $0xC00;
	[sflag:s29] =	ssyncadd.s32 $0xFFFF8000  }
0x7b: {  	[tilespmem:s22], [sflag:$0x1] =	stream.indirect.gather [hbm4b:s1+s23], $0x40, s17, s23, $0xb8;
	[tilespmem:$0x1EC60] =	vst v63  }
0x7c: {  	_ =	swait.ge [sflag:s31], $0x8000  }
0x7d: {  	[sflag:s31] =	ssyncset.done $0x0  }
0x7e: {  	s17 =	simm.s32 $0xE00;
	[sflag:s31] =	ssyncadd.s32 $0xFFFF8000  }
0x7f: {  	[tilespmem:s24], [sflag:$0x2] =	stream.indirect.gather [hbm4b:s1+s23], $0x40, s17, s23, $0xb8;
	[tilespmem:$0x1EC60] =	vst v63  }
0x80: {  	_ =	swait.ge [sflag:s25], $0x8000  }
0x81: {  	[sflag:s25] =	ssyncset.done $0x0  }
0x82: {  	s17 =	simm.s32 $0x3400;
	[sflag:s25] =	ssyncadd.s32 $0xFFFF8000  }
0x83: {  	[spmem:s3] =	stream.indirect.scatter.add.bf16 [tilespmem:s22], [sflag:$0x3], $0x40, s17, s23, $0xb8;
	[tilespmem:$0x1EC60] =	vst v63  }
0x84: {  	_ =	swait.ge [sflag:s26], $0x8000  }
0x85: {  	[sflag:s26] =	ssyncset.done $0x0  }
0x86: {  	s17 =	simm.s32 $0x3600;
	[sflag:s26] =	ssyncadd.s32 $0xFFFF8000  }
0x87: {  	[spmem:s3] =	stream.indirect.scatter.add.bf16 [tilespmem:s24], [sflag:$0x4], $0x40, s17, s23, $0xb8;
	[tilespmem:$0x1EC60] =	vst v63  }
0x88: {  	_ =	swait.ge [sflag:s29], $0x8000  }
0x89: {  	[sflag:s29] =	ssyncset.done $0x0  }
0x8a: {  	s17 =	simm.s32 $0x1000;
	[sflag:s29] =	ssyncadd.s32 $0xFFFF8000  }
0x8b: {  	[tilespmem:s22], [sflag:$0x1] =	stream.indirect.gather [hbm4b:s1+s23], $0x40, s17, s23, $0xb8;
	[tilespmem:$0x1EC60] =	vst v63  }
0x8c: {  	_ =	swait.ge [sflag:s31], $0x8000  }
0x8d: {  	[sflag:s31] =	ssyncset.done $0x0  }
0x8e: {  	s17 =	simm.s32 $0x1200;
	[sflag:s31] =	ssyncadd.s32 $0xFFFF8000  }
0x8f: {  	[tilespmem:s24], [sflag:$0x2] =	stream.indirect.gather [hbm4b:s1+s23], $0x40, s17, s23, $0xb8;
	[tilespmem:$0x1EC60] =	vst v63  }
0x90: {  	_ =	swait.ge [sflag:s25], $0x8000  }
0x91: {  	[sflag:s25] =	ssyncset.done $0x0  }
0x92: {  	s17 =	simm.s32 $0x3800;
	[sflag:s25] =	ssyncadd.s32 $0xFFFF8000  }
0x93: {  	[spmem:s3] =	stream.indirect.scatter.add.bf16 [tilespmem:s22], [sflag:$0x3], $0x40, s17, s23, $0xb8;
	[tilespmem:$0x1EC60] =	vst v63  }
0x94: {  	_ =	swait.ge [sflag:s26], $0x8000  }
0x95: {  	[sflag:s26] =	ssyncset.done $0x0  }
0x96: {  	s17 =	simm.s32 $0x3A00;
	[sflag:s26] =	ssyncadd.s32 $0xFFFF8000  }
0x97: {  	[spmem:s3] =	stream.indirect.scatter.add.bf16 [tilespmem:s24], [sflag:$0x4], $0x40, s17, s23, $0xb8;
	[tilespmem:$0x1EC60] =	vst v63  }
0x98: {  	_ =	swait.ge [sflag:s29], $0x8000  }
0x99: {  	[sflag:s29] =	ssyncset.done $0x0  }
0x9a: {  	s17 =	simm.s32 $0x1400;
	[sflag:s29] =	ssyncadd.s32 $0xFFFF8000  }
0x9b: {  	[tilespmem:s22], [sflag:$0x1] =	stream.indirect.gather [hbm4b:s1+s23], $0x40, s17, s23, $0xb8;
	[tilespmem:$0x1EC60] =	vst v63  }
0x9c: {  	_ =	swait.ge [sflag:s31], $0x8000  }
0x9d: {  	[sflag:s31] =	ssyncset.done $0x0  }
0x9e: {  	s17 =	simm.s32 $0x1600;
	[sflag:s31] =	ssyncadd.s32 $0xFFFF8000  }
0x9f: {  	[tilespmem:s24], [sflag:$0x2] =	stream.indirect.gather [hbm4b:s1+s23], $0x40, s17, s23, $0xb8;
	[tilespmem:$0x1EC60] =	vst v63  }
0xa0: {  	_ =	swait.ge [sflag:s25], $0x8000  }
0xa1: {  	[sflag:s25] =	ssyncset.done $0x0  }
0xa2: {  	s17 =	simm.s32 $0x3C00;
	[sflag:s25] =	ssyncadd.s32 $0xFFFF8000  }
0xa3: {  	[spmem:s3] =	stream.indirect.scatter.add.bf16 [tilespmem:s22], [sflag:$0x3], $0x40, s17, s23, $0xb8;
	[tilespmem:$0x1EC60] =	vst v63  }
0xa4: {  	_ =	swait.ge [sflag:s26], $0x8000  }
0xa5: {  	[sflag:s26] =	ssyncset.done $0x0  }
0xa6: {  	s17 =	simm.s32 $0x3E00;
	[sflag:s26] =	ssyncadd.s32 $0xFFFF8000  }
0xa7: {  	[spmem:s3] =	stream.indirect.scatter.add.bf16 [tilespmem:s24], [sflag:$0x4], $0x40, s17, s23, $0xb8;
	[tilespmem:$0x1EC60] =	vst v63  }
0xa8: {  	_ =	swait.ge [sflag:s29], $0x8000  }
0xa9: {  	[sflag:s29] =	ssyncset.done $0x0  }
0xaa: {  	s17 =	simm.s32 $0x1800;
	[sflag:s29] =	ssyncadd.s32 $0xFFFF8000  }
0xab: {  	[tilespmem:s22], [sflag:$0x1] =	stream.indirect.gather [hbm4b:s1+s23], $0x40, s17, s23, $0xb8;
	[tilespmem:$0x1EC60] =	vst v63  }
0xac: {  	_ =	swait.ge [sflag:s31], $0x8000  }
0xad: {  	[sflag:s31] =	ssyncset.done $0x0  }
0xae: {  	s17 =	simm.s32 $0x1A00;
	[sflag:s31] =	ssyncadd.s32 $0xFFFF8000  }
0xaf: {  	[tilespmem:s24], [sflag:$0x2] =	stream.indirect.gather [hbm4b:s1+s23], $0x40, s17, s23, $0xb8;
	[tilespmem:$0x1EC60] =	vst v63  }
0xb0: {  	_ =	swait.ge [sflag:s25], $0x8000  }
0xb1: {  	[sflag:s25] =	ssyncset.done $0x0  }
0xb2: {  	s17 =	simm.s32 $0x4000;
	[sflag:s25] =	ssyncadd.s32 $0xFFFF8000  }
0xb3: {  	[spmem:s3] =	stream.indirect.scatter.add.bf16 [tilespmem:s22], [sflag:$0x3], $0x40, s17, s23, $0xb8;
	[tilespmem:$0x1EC60] =	vst v63  }
0xb4: {  	_ =	swait.ge [sflag:s26], $0x8000  }
0xb5: {  	[sflag:s26] =	ssyncset.done $0x0  }
0xb6: {  	s17 =	simm.s32 $0x4200;
	[sflag:s26] =	ssyncadd.s32 $0xFFFF8000  }
0xb7: {  	[spmem:s3] =	stream.indirect.scatter.add.bf16 [tilespmem:s24], [sflag:$0x4], $0x40, s17, s23, $0xb8;
	[tilespmem:$0x1EC60] =	vst v63  }
0xb8: {  	_ =	swait.ge [sflag:s29], $0x8000  }
0xb9: {  	[sflag:s29] =	ssyncset.done $0x0  }
0xba: {  	s17 =	simm.s32 $0x1C00;
	[sflag:s29] =	ssyncadd.s32 $0xFFFF8000  }
0xbb: {  	[tilespmem:s22], [sflag:$0x1] =	stream.indirect.gather [hbm4b:s1+s23], $0x40, s17, s23, $0xb8;
	[tilespmem:$0x1EC60] =	vst v63  }
0xbc: {  	_ =	swait.ge [sflag:s31], $0x8000  }
0xbd: {  	[sflag:s31] =	ssyncset.done $0x0  }
0xbe: {  	s17 =	simm.s32 $0x1E00;
	[sflag:s31] =	ssyncadd.s32 $0xFFFF8000  }
0xbf: {  	[tilespmem:s24], [sflag:$0x2] =	stream.indirect.gather [hbm4b:s1+s23], $0x40, s17, s23, $0xb8;
	[tilespmem:$0x1EC60] =	vst v63  }
0xc0: {  	_ =	swait.ge [sflag:s25], $0x8000  }
0xc1: {  	[sflag:s25] =	ssyncset.done $0x0  }
0xc2: {  	s17 =	simm.s32 $0x4400;
	[sflag:s25] =	ssyncadd.s32 $0xFFFF8000  }
0xc3: {  	[spmem:s3] =	stream.indirect.scatter.add.bf16 [tilespmem:s22], [sflag:$0x3], $0x40, s17, s23, $0xb8;
	[tilespmem:$0x1EC60] =	vst v63  }
0xc4: {  	_ =	swait.ge [sflag:s26], $0x8000  }
0xc5: {  	[sflag:s26] =	ssyncset.done $0x0  }
0xc6: {  	s17 =	simm.s32 $0x4600;
	[sflag:s26] =	ssyncadd.s32 $0xFFFF8000  }
0xc7: {  	[spmem:s3] =	stream.indirect.scatter.add.bf16 [tilespmem:s24], [sflag:$0x4], $0x40, s17, s23, $0xb8;
	[tilespmem:$0x1EC60] =	vst v63  }
0xc8: {  	_ =	swait.ge [sflag:s29], $0x8000  }
0xc9: {  	[sflag:s29] =	ssyncset.done $0x0  }
0xca: {  	s17 =	simm.s32 $0x2000;
	[sflag:s29] =	ssyncadd.s32 $0xFFFF8000  }
0xcb: {  	[tilespmem:s22], [sflag:$0x1] =	stream.indirect.gather [hbm4b:s1+s23], $0x40, s17, s23, $0xb8;
	[tilespmem:$0x1EC60] =	vst v63  }
0xcc: {  	_ =	swait.ge [sflag:s31], $0x8000  }
0xcd: {  	[sflag:s31] =	ssyncset.done $0x0  }
0xce: {  	s17 =	simm.s32 $0x2200;
	[sflag:s31] =	ssyncadd.s32 $0xFFFF8000  }
0xcf: {  	[tilespmem:s24], [sflag:$0x2] =	stream.indirect.gather [hbm4b:s1+s23], $0x40, s17, s23, $0xb8;
	[tilespmem:$0x1EC60] =	vst v63  }
0xd0: {  	_ =	swait.ge [sflag:s25], $0x8000  }
0xd1: {  	[sflag:s25] =	ssyncset.done $0x0  }
0xd2: {  	s17 =	simm.s32 $0x4800;
	[sflag:s25] =	ssyncadd.s32 $0xFFFF8000  }
0xd3: {  	[spmem:s3] =	stream.indirect.scatter.add.bf16 [tilespmem:s22], [sflag:$0x3], $0x40, s17, s23, $0xb8;
	[tilespmem:$0x1EC60] =	vst v63  }
0xd4: {  	_ =	swait.ge [sflag:s26], $0x8000  }
0xd5: {  	[sflag:s26] =	ssyncset.done $0x0  }
0xd6: {  	s17 =	simm.s32 $0x4A00;
	[sflag:s26] =	ssyncadd.s32 $0xFFFF8000  }
0xd7: {  	[spmem:s3] =	stream.indirect.scatter.add.bf16 [tilespmem:s24], [sflag:$0x4], $0x40, s17, s23, $0xb8;
	[tilespmem:$0x1EC60] =	vst v63  }
0xd8: {  	_ =	swait.ge [sflag:s29], $0x8000  }
0xd9: {  	[sflag:s29] =	ssyncset.done $0x0  }
0xda: {  	s17 =	simm.s32 $0x2400;
	[sflag:s29] =	ssyncadd.s32 $0xFFFF8000  }
0xdb: {  	[tilespmem:s22], [sflag:$0x1] =	stream.indirect.gather [hbm4b:s1+s23], $0x40, s17, s23, $0xb8;
	[tilespmem:$0x1EC60] =	vst v63  }
0xdc: {  	_ =	swait.ge [sflag:s31], $0x8000  }
0xdd: {  	[sflag:s31] =	ssyncset.done $0x0  }
0xde: {  	[sflag:s31] =	ssyncadd.s32 $0xFFFF8000  }
0xdf: {  	[tilespmem:s24], [sflag:$0x2] =	stream.indirect.gather [hbm4b:s1+s23], $0x40, s30, s23, $0xb8;
	[tilespmem:$0x1EC60] =	vst v63  }
0xe0: {  	_ =	swait.ge [sflag:s25], $0x8000  }
0xe1: {  	[sflag:s25] =	ssyncset.done $0x0  }
0xe2: {  	[sflag:s25] =	ssyncadd.s32 $0xFFFF8000  }
0xe3: {  	[spmem:s3] =	stream.indirect.scatter.add.bf16 [tilespmem:s22], [sflag:$0x3], $0x40, s18, s23, $0xb8;
	[tilespmem:$0x1EC60] =	vst v63  }
0xe4: {  	_ =	swait.ge [sflag:s26], $0x8000  }
0xe5: {  	[sflag:s26] =	ssyncset.done $0x0  }
0xe6: {  	[sflag:s26] =	ssyncadd.s32 $0xFFFF8000  }
0xe7: {  	[spmem:s3] =	stream.indirect.scatter.add.bf16 [tilespmem:s24], [sflag:$0x4], $0x40, s6, s23, $0xb8;
	[tilespmem:$0x1EC60] =	vst v63  }
0xe8: {  	_ =	swait.ge [sflag:s29], $0x8000  }
0xe9: {  	[sflag:s29] =	ssyncset.done $0x0  }
0xea: {  	[sflag:s29] =	ssyncadd.s32 $0xFFFF8000  }
0xeb: {  	_ =	swait.ge [sflag:s31], $0x8000  }
0xec: {  	[sflag:s31] =	ssyncset.done $0x0  }
0xed: {  	[sflag:s31] =	ssyncadd.s32 $0xFFFF8000  }
0xee: {  	s17 =	sshll.u32 s2, $0x6;
	[bflag:$0x0] =	sbarrier.arrive $0xFFFF  }
0xef: {  	s7 =	sor.u32 $0x1C05, s17;
	s17 =	sshrl.u32 s10, $0x3;
	s28 =	rddreg [dreg:$0x7]  }
0xf0: {  	[hbm:s28], [sflag:s7] =	dma.local [spmem:s17], $0x1380  }
.Ltmp4:
0xf1: {  	_ = 	snop;
	(pc) =	sbr.rel @p2 .LBB2_6-.Ltmp4, $4  }
.Ltmp5:
0xf2: {  	_ = 	snop;
	(pc) =	sbr.rel @!p2 .LBB2_7-.Ltmp5, $4  }
0xf3: {  	_ =	swait.ge [sflag:s20], $0x1380  }
0xf4: {  	[sflag:s20] =	ssyncset.done $0x0  }
0xf5: {  	s28 =	rddreg [dreg:$0x4];
	[sflag:s20] =	ssyncadd.s32 $0xFFFFEC80  }
0xf6: {  	_ = 	snop  }
.LBB2_5:
0xf7: {  	[tilespmem:s22], [sflag:$0x1] =	stream.indirect.gather [hbm4b:s5+s23], $0x40, s4, s23, $0xb8;
	[tilespmem:$0x1EC60] =	vst v63  }
0xf8: {  	_ = 	snop  }
0xf9: {  	[tilespmem:s24], [sflag:$0x2] =	stream.indirect.gather [hbm4b:s5+s23], $0x40, s23, s23, $0xb8;
	[tilespmem:$0x1EC60] =	vst v63  }
0xfa: {  	_ =	swait.ge [sflag:s25], $0x8000  }
0xfb: {  	[sflag:s25] =	ssyncset.done $0x0  }
0xfc: {  	[sflag:s25] =	ssyncadd.s32 $0xFFFF8000  }
0xfd: {  	[spmem:s3] =	stream.indirect.scatter.add.bf16 [tilespmem:s22], [sflag:$0x3], $0x40, s21, s23, $0xb8;
	[tilespmem:$0x1EC60] =	vst v63  }
0xfe: {  	_ =	swait.ge [sflag:s26], $0x8000  }
0xff: {  	[sflag:s26] =	ssyncset.done $0x0  }
0x100: {  	s7 =	simm.s32 $0x2A00;
	[sflag:s26] =	ssyncadd.s32 $0xFFFF8000  }
0x101: {  	[spmem:s3] =	stream.indirect.scatter.add.bf16 [tilespmem:s24], [sflag:$0x4], $0x40, s7, s23, $0xb8;
	[tilespmem:$0x1EC60] =	vst v63  }
0x102: {  	_ =	swait.ge [sflag:s29], $0x8000  }
0x103: {  	[sflag:s29] =	ssyncset.done $0x0  }
0x104: {  	s17 =	simm.s32 $0x400;
	[sflag:s29] =	ssyncadd.s32 $0xFFFF8000  }
0x105: {  	[tilespmem:s22], [sflag:$0x1] =	stream.indirect.gather [hbm4b:s5+s23], $0x40, s17, s23, $0xb8;
	[tilespmem:$0x1EC60] =	vst v63  }
0x106: {  	_ =	swait.ge [sflag:s31], $0x8000  }
0x107: {  	[sflag:s31] =	ssyncset.done $0x0  }
0x108: {  	s17 =	simm.s32 $0x600;
	[sflag:s31] =	ssyncadd.s32 $0xFFFF8000  }
0x109: {  	[tilespmem:s24], [sflag:$0x2] =	stream.indirect.gather [hbm4b:s5+s23], $0x40, s17, s23, $0xb8;
	[tilespmem:$0x1EC60] =	vst v63  }
0x10a: {  	_ =	swait.ge [sflag:s25], $0x8000  }
0x10b: {  	[sflag:s25] =	ssyncset.done $0x0  }
0x10c: {  	s17 =	simm.s32 $0x2C00;
	[sflag:s25] =	ssyncadd.s32 $0xFFFF8000  }
0x10d: {  	[spmem:s3] =	stream.indirect.scatter.add.bf16 [tilespmem:s22], [sflag:$0x3], $0x40, s17, s23, $0xb8;
	[tilespmem:$0x1EC60] =	vst v63  }
0x10e: {  	_ =	swait.ge [sflag:s26], $0x8000  }
0x10f: {  	[sflag:s26] =	ssyncset.done $0x0  }
0x110: {  	s17 =	simm.s32 $0x2E00;
	[sflag:s26] =	ssyncadd.s32 $0xFFFF8000  }
0x111: {  	[spmem:s3] =	stream.indirect.scatter.add.bf16 [tilespmem:s24], [sflag:$0x4], $0x40, s17, s23, $0xb8;
	[tilespmem:$0x1EC60] =	vst v63  }
0x112: {  	_ =	swait.ge [sflag:s29], $0x8000  }
0x113: {  	[sflag:s29] =	ssyncset.done $0x0  }
0x114: {  	s17 =	simm.s32 $0x800;
	[sflag:s29] =	ssyncadd.s32 $0xFFFF8000  }
0x115: {  	[tilespmem:s22], [sflag:$0x1] =	stream.indirect.gather [hbm4b:s5+s23], $0x40, s17, s23, $0xb8;
	[tilespmem:$0x1EC60] =	vst v63  }
0x116: {  	_ =	swait.ge [sflag:s31], $0x8000  }
0x117: {  	[sflag:s31] =	ssyncset.done $0x0  }
0x118: {  	s17 =	simm.s32 $0xA00;
	[sflag:s31] =	ssyncadd.s32 $0xFFFF8000  }
0x119: {  	[tilespmem:s24], [sflag:$0x2] =	stream.indirect.gather [hbm4b:s5+s23], $0x40, s17, s23, $0xb8;
	[tilespmem:$0x1EC60] =	vst v63  }
0x11a: {  	_ =	swait.ge [sflag:s25], $0x8000  }
0x11b: {  	[sflag:s25] =	ssyncset.done $0x0  }
0x11c: {  	s17 =	simm.s32 $0x3000;
	[sflag:s25] =	ssyncadd.s32 $0xFFFF8000  }
0x11d: {  	[spmem:s3] =	stream.indirect.scatter.add.bf16 [tilespmem:s22], [sflag:$0x3], $0x40, s17, s23, $0xb8;
	[tilespmem:$0x1EC60] =	vst v63  }
0x11e: {  	_ =	swait.ge [sflag:s26], $0x8000  }
0x11f: {  	[sflag:s26] =	ssyncset.done $0x0  }
0x120: {  	s17 =	simm.s32 $0x3200;
	[sflag:s26] =	ssyncadd.s32 $0xFFFF8000  }
0x121: {  	[spmem:s3] =	stream.indirect.scatter.add.bf16 [tilespmem:s24], [sflag:$0x4], $0x40, s17, s23, $0xb8;
	[tilespmem:$0x1EC60] =	vst v63  }
0x122: {  	_ =	swait.ge [sflag:s29], $0x8000  }
0x123: {  	[sflag:s29] =	ssyncset.done $0x0  }
0x124: {  	s17 =	simm.s32 $0xC00;
	[sflag:s29] =	ssyncadd.s32 $0xFFFF8000  }
0x125: {  	[tilespmem:s22], [sflag:$0x1] =	stream.indirect.gather [hbm4b:s5+s23], $0x40, s17, s23, $0xb8;
	[tilespmem:$0x1EC60] =	vst v63  }
0x126: {  	_ =	swait.ge [sflag:s31], $0x8000  }
0x127: {  	[sflag:s31] =	ssyncset.done $0x0  }
0x128: {  	s17 =	simm.s32 $0xE00;
	[sflag:s31] =	ssyncadd.s32 $0xFFFF8000  }
0x129: {  	[tilespmem:s24], [sflag:$0x2] =	stream.indirect.gather [hbm4b:s5+s23], $0x40, s17, s23, $0xb8;
	[tilespmem:$0x1EC60] =	vst v63  }
0x12a: {  	_ =	swait.ge [sflag:s25], $0x8000  }
0x12b: {  	[sflag:s25] =	ssyncset.done $0x0  }
0x12c: {  	s17 =	simm.s32 $0x3400;
	[sflag:s25] =	ssyncadd.s32 $0xFFFF8000  }
0x12d: {  	[spmem:s3] =	stream.indirect.scatter.add.bf16 [tilespmem:s22], [sflag:$0x3], $0x40, s17, s23, $0xb8;
	[tilespmem:$0x1EC60] =	vst v63  }
0x12e: {  	_ =	swait.ge [sflag:s26], $0x8000  }
0x12f: {  	[sflag:s26] =	ssyncset.done $0x0  }
0x130: {  	s17 =	simm.s32 $0x3600;
	[sflag:s26] =	ssyncadd.s32 $0xFFFF8000  }
0x131: {  	[spmem:s3] =	stream.indirect.scatter.add.bf16 [tilespmem:s24], [sflag:$0x4], $0x40, s17, s23, $0xb8;
	[tilespmem:$0x1EC60] =	vst v63  }
0x132: {  	_ =	swait.ge [sflag:s29], $0x8000  }
0x133: {  	[sflag:s29] =	ssyncset.done $0x0  }
0x134: {  	s17 =	simm.s32 $0x1000;
	[sflag:s29] =	ssyncadd.s32 $0xFFFF8000  }
0x135: {  	[tilespmem:s22], [sflag:$0x1] =	stream.indirect.gather [hbm4b:s5+s23], $0x40, s17, s23, $0xb8;
	[tilespmem:$0x1EC60] =	vst v63  }
0x136: {  	_ =	swait.ge [sflag:s31], $0x8000  }
0x137: {  	[sflag:s31] =	ssyncset.done $0x0  }
0x138: {  	s17 =	simm.s32 $0x1200;
	[sflag:s31] =	ssyncadd.s32 $0xFFFF8000  }
0x139: {  	[tilespmem:s24], [sflag:$0x2] =	stream.indirect.gather [hbm4b:s5+s23], $0x40, s17, s23, $0xb8;
	[tilespmem:$0x1EC60] =	vst v63  }
0x13a: {  	_ =	swait.ge [sflag:s25], $0x8000  }
0x13b: {  	[sflag:s25] =	ssyncset.done $0x0  }
0x13c: {  	s17 =	simm.s32 $0x3800;
	[sflag:s25] =	ssyncadd.s32 $0xFFFF8000  }
0x13d: {  	[spmem:s3] =	stream.indirect.scatter.add.bf16 [tilespmem:s22], [sflag:$0x3], $0x40, s17, s23, $0xb8;
	[tilespmem:$0x1EC60] =	vst v63  }
0x13e: {  	_ =	swait.ge [sflag:s26], $0x8000  }
0x13f: {  	[sflag:s26] =	ssyncset.done $0x0  }
0x140: {  	s17 =	simm.s32 $0x3A00;
	[sflag:s26] =	ssyncadd.s32 $0xFFFF8000  }
0x141: {  	[spmem:s3] =	stream.indirect.scatter.add.bf16 [tilespmem:s24], [sflag:$0x4], $0x40, s17, s23, $0xb8;
	[tilespmem:$0x1EC60] =	vst v63  }
0x142: {  	_ =	swait.ge [sflag:s29], $0x8000  }
0x143: {  	[sflag:s29] =	ssyncset.done $0x0  }
0x144: {  	s17 =	simm.s32 $0x1400;
	[sflag:s29] =	ssyncadd.s32 $0xFFFF8000  }
0x145: {  	[tilespmem:s22], [sflag:$0x1] =	stream.indirect.gather [hbm4b:s5+s23], $0x40, s17, s23, $0xb8;
	[tilespmem:$0x1EC60] =	vst v63  }
0x146: {  	_ =	swait.ge [sflag:s31], $0x8000  }
0x147: {  	[sflag:s31] =	ssyncset.done $0x0  }
0x148: {  	s17 =	simm.s32 $0x1600;
	[sflag:s31] =	ssyncadd.s32 $0xFFFF8000  }
0x149: {  	[tilespmem:s24], [sflag:$0x2] =	stream.indirect.gather [hbm4b:s5+s23], $0x40, s17, s23, $0xb8;
	[tilespmem:$0x1EC60] =	vst v63  }
0x14a: {  	_ =	swait.ge [sflag:s25], $0x8000  }
0x14b: {  	[sflag:s25] =	ssyncset.done $0x0  }
0x14c: {  	s17 =	simm.s32 $0x3C00;
	[sflag:s25] =	ssyncadd.s32 $0xFFFF8000  }
0x14d: {  	[spmem:s3] =	stream.indirect.scatter.add.bf16 [tilespmem:s22], [sflag:$0x3], $0x40, s17, s23, $0xb8;
	[tilespmem:$0x1EC60] =	vst v63  }
0x14e: {  	_ =	swait.ge [sflag:s26], $0x8000  }
0x14f: {  	[sflag:s26] =	ssyncset.done $0x0  }
0x150: {  	s17 =	simm.s32 $0x3E00;
	[sflag:s26] =	ssyncadd.s32 $0xFFFF8000  }
0x151: {  	[spmem:s3] =	stream.indirect.scatter.add.bf16 [tilespmem:s24], [sflag:$0x4], $0x40, s17, s23, $0xb8;
	[tilespmem:$0x1EC60] =	vst v63  }
0x152: {  	_ =	swait.ge [sflag:s29], $0x8000  }
0x153: {  	[sflag:s29] =	ssyncset.done $0x0  }
0x154: {  	s17 =	simm.s32 $0x1800;
	[sflag:s29] =	ssyncadd.s32 $0xFFFF8000  }
0x155: {  	[tilespmem:s22], [sflag:$0x1] =	stream.indirect.gather [hbm4b:s5+s23], $0x40, s17, s23, $0xb8;
	[tilespmem:$0x1EC60] =	vst v63  }
0x156: {  	_ =	swait.ge [sflag:s31], $0x8000  }
0x157: {  	[sflag:s31] =	ssyncset.done $0x0  }
0x158: {  	s17 =	simm.s32 $0x1A00;
	[sflag:s31] =	ssyncadd.s32 $0xFFFF8000  }
0x159: {  	[tilespmem:s24], [sflag:$0x2] =	stream.indirect.gather [hbm4b:s5+s23], $0x40, s17, s23, $0xb8;
	[tilespmem:$0x1EC60] =	vst v63  }
0x15a: {  	_ =	swait.ge [sflag:s25], $0x8000  }
0x15b: {  	[sflag:s25] =	ssyncset.done $0x0  }
0x15c: {  	s17 =	simm.s32 $0x4000;
	[sflag:s25] =	ssyncadd.s32 $0xFFFF8000  }
0x15d: {  	[spmem:s3] =	stream.indirect.scatter.add.bf16 [tilespmem:s22], [sflag:$0x3], $0x40, s17, s23, $0xb8;
	[tilespmem:$0x1EC60] =	vst v63  }
0x15e: {  	_ =	swait.ge [sflag:s26], $0x8000  }
0x15f: {  	[sflag:s26] =	ssyncset.done $0x0  }
0x160: {  	s17 =	simm.s32 $0x4200;
	[sflag:s26] =	ssyncadd.s32 $0xFFFF8000  }
0x161: {  	[spmem:s3] =	stream.indirect.scatter.add.bf16 [tilespmem:s24], [sflag:$0x4], $0x40, s17, s23, $0xb8;
	[tilespmem:$0x1EC60] =	vst v63  }
0x162: {  	_ =	swait.ge [sflag:s29], $0x8000  }
0x163: {  	[sflag:s29] =	ssyncset.done $0x0  }
0x164: {  	s17 =	simm.s32 $0x1C00;
	[sflag:s29] =	ssyncadd.s32 $0xFFFF8000  }
0x165: {  	[tilespmem:s22], [sflag:$0x1] =	stream.indirect.gather [hbm4b:s5+s23], $0x40, s17, s23, $0xb8;
	[tilespmem:$0x1EC60] =	vst v63  }
0x166: {  	_ =	swait.ge [sflag:s31], $0x8000  }
0x167: {  	[sflag:s31] =	ssyncset.done $0x0  }
0x168: {  	s17 =	simm.s32 $0x1E00;
	[sflag:s31] =	ssyncadd.s32 $0xFFFF8000  }
0x169: {  	[tilespmem:s24], [sflag:$0x2] =	stream.indirect.gather [hbm4b:s5+s23], $0x40, s17, s23, $0xb8;
	[tilespmem:$0x1EC60] =	vst v63  }
0x16a: {  	_ =	swait.ge [sflag:s25], $0x8000  }
0x16b: {  	[sflag:s25] =	ssyncset.done $0x0  }
0x16c: {  	s17 =	simm.s32 $0x4400;
	[sflag:s25] =	ssyncadd.s32 $0xFFFF8000  }
0x16d: {  	[spmem:s3] =	stream.indirect.scatter.add.bf16 [tilespmem:s22], [sflag:$0x3], $0x40, s17, s23, $0xb8;
	[tilespmem:$0x1EC60] =	vst v63  }
0x16e: {  	_ =	swait.ge [sflag:s26], $0x8000  }
0x16f: {  	[sflag:s26] =	ssyncset.done $0x0  }
0x170: {  	s17 =	simm.s32 $0x4600;
	[sflag:s26] =	ssyncadd.s32 $0xFFFF8000  }
0x171: {  	[spmem:s3] =	stream.indirect.scatter.add.bf16 [tilespmem:s24], [sflag:$0x4], $0x40, s17, s23, $0xb8;
	[tilespmem:$0x1EC60] =	vst v63  }
0x172: {  	_ =	swait.ge [sflag:s29], $0x8000  }
0x173: {  	[sflag:s29] =	ssyncset.done $0x0  }
0x174: {  	s17 =	simm.s32 $0x2000;
	[sflag:s29] =	ssyncadd.s32 $0xFFFF8000  }
0x175: {  	[tilespmem:s22], [sflag:$0x1] =	stream.indirect.gather [hbm4b:s5+s23], $0x40, s17, s23, $0xb8;
	[tilespmem:$0x1EC60] =	vst v63  }
0x176: {  	_ =	swait.ge [sflag:s31], $0x8000  }
0x177: {  	[sflag:s31] =	ssyncset.done $0x0  }
0x178: {  	s17 =	simm.s32 $0x2200;
	[sflag:s31] =	ssyncadd.s32 $0xFFFF8000  }
0x179: {  	[tilespmem:s24], [sflag:$0x2] =	stream.indirect.gather [hbm4b:s5+s23], $0x40, s17, s23, $0xb8;
	[tilespmem:$0x1EC60] =	vst v63  }
0x17a: {  	_ =	swait.ge [sflag:s25], $0x8000  }
0x17b: {  	[sflag:s25] =	ssyncset.done $0x0  }
0x17c: {  	s17 =	simm.s32 $0x4800;
	[sflag:s25] =	ssyncadd.s32 $0xFFFF8000  }
0x17d: {  	[spmem:s3] =	stream.indirect.scatter.add.bf16 [tilespmem:s22], [sflag:$0x3], $0x40, s17, s23, $0xb8;
	[tilespmem:$0x1EC60] =	vst v63  }
0x17e: {  	_ =	swait.ge [sflag:s26], $0x8000  }
0x17f: {  	[sflag:s26] =	ssyncset.done $0x0  }
0x180: {  	s17 =	simm.s32 $0x4A00;
	[sflag:s26] =	ssyncadd.s32 $0xFFFF8000  }
0x181: {  	[spmem:s3] =	stream.indirect.scatter.add.bf16 [tilespmem:s24], [sflag:$0x4], $0x40, s17, s23, $0xb8;
	[tilespmem:$0x1EC60] =	vst v63  }
0x182: {  	_ =	swait.ge [sflag:s29], $0x8000  }
0x183: {  	[sflag:s29] =	ssyncset.done $0x0  }
0x184: {  	s17 =	simm.s32 $0x2400;
	[sflag:s29] =	ssyncadd.s32 $0xFFFF8000  }
0x185: {  	[tilespmem:s22], [sflag:$0x1] =	stream.indirect.gather [hbm4b:s5+s23], $0x40, s17, s23, $0xb8;
	[tilespmem:$0x1EC60] =	vst v63  }
0x186: {  	_ =	swait.ge [sflag:s31], $0x8000  }
0x187: {  	[sflag:s31] =	ssyncset.done $0x0  }
0x188: {  	[sflag:s31] =	ssyncadd.s32 $0xFFFF8000  }
0x189: {  	[tilespmem:s24], [sflag:$0x2] =	stream.indirect.gather [hbm4b:s5+s23], $0x40, s30, s23, $0xb8;
	[tilespmem:$0x1EC60] =	vst v63  }
0x18a: {  	_ =	swait.ge [sflag:s25], $0x8000  }
0x18b: {  	[sflag:s25] =	ssyncset.done $0x0  }
0x18c: {  	[sflag:s25] =	ssyncadd.s32 $0xFFFF8000  }
0x18d: {  	[spmem:s3] =	stream.indirect.scatter.add.bf16 [tilespmem:s22], [sflag:$0x3], $0x40, s18, s23, $0xb8;
	[tilespmem:$0x1EC60] =	vst v63  }
0x18e: {  	_ =	swait.ge [sflag:s26], $0x8000  }
0x18f: {  	[sflag:s26] =	ssyncset.done $0x0  }
0x190: {  	[sflag:s26] =	ssyncadd.s32 $0xFFFF8000  }
0x191: {  	[spmem:s3] =	stream.indirect.scatter.add.bf16 [tilespmem:s24], [sflag:$0x4], $0x40, s6, s23, $0xb8;
	[tilespmem:$0x1EC60] =	vst v63  }
0x192: {  	_ =	swait.ge [sflag:s29], $0x8000  }
0x193: {  	[sflag:s29] =	ssyncset.done $0x0  }
0x194: {  	[sflag:s29] =	ssyncadd.s32 $0xFFFF8000  }
0x195: {  	_ =	swait.ge [sflag:s31], $0x8000  }
0x196: {  	[sflag:s31] =	ssyncset.done $0x0  }
0x197: {  	[sflag:s31] =	ssyncadd.s32 $0xFFFF8000  }
0x198: {  	s17 =	sshll.u32 s2, $0x6;
	[bflag:$0x0] =	sbarrier.arrive $0xFFFF  }
0x199: {  	s7 =	sor.u32 $0x1C05, s17;
	s17 =	sshrl.u32 s10, $0x3;
	s28 =	rddreg [dreg:$0x6]  }
0x19a: {  	[hbm:s28], [sflag:s7] =	dma.local [spmem:s17], $0x1380  }
.Ltmp6:
0x19b: {  	_ = 	snop;
	(pc) =	sbr.rel @p0 .LBB2_7-.Ltmp6, $4  }
.Ltmp7:
0x19c: {  	_ = 	snop;
	(pc) =	sbr.rel @!p0 .LBB2_6-.Ltmp7, $4  }
0x19d: {  	_ =	swait.ge [sflag:s20], $0x1380  }
0x19e: {  	[sflag:s20] =	ssyncset.done $0x0  }
0x19f: {  	s28 =	rddreg [dreg:$0x5];
	[sflag:s20] =	ssyncadd.s32 $0xFFFFEC80  }
0x1a0: {  	_ = 	snop  }
.LBB2_8:
0x1a1: {  	_ =	sfence.sel $0x180000  }
0x1a2: {  	[bflag:$0x0] =	sbarrier.arrive $0xFFFF  }
0x1a3: {  	_ =	strace $0x9000004D  }
0x1a4: {  	[bflag:$0x2] =	sbarrier.arrive $0xFFFF  }
0x1a5: {  	p0 =	sne.s32 s2, $0x0;
	s0 =	rddreg [dreg:$0x3]  }
0x1a6: {  	s0 =	sadd.s32 @!p0 $0x100000, s0  }
0x1a7: {  	[sflag:s0] =	ssyncadd.tile.s32 @!p0 $0x1;
	_ =	shalt  }
.Lfunc_end2:
_tile_overlayer_lowered:
.L_overlay_start_2:
0x1a8: {  	(tag) =	ssettag $0x2  }
0x1a9: {  	s0 =	rddreg [dreg:$0x0];
	s2 =	stileid.u32  }
0x1aa: {  	s1 =	rddreg [dreg:$0x1];
	p0 =	sne.s32 s2, $0x0  }
0x1ab: {  	s3 =	rddreg [dreg:$0x2];
	[bflag:$0x3] =	sbarrier.arrive $0xFFFF;
	s2 =	simm.s32 @!p0 $0x1C05  }
0x1ac: {  	[timem:s3], [sflag:s2] =	dma.local @!p0 [hbm:s0], s1  }
0x1ad: {  	s0 =	simm.s32 @!p0 $0x5  }
0x1ae: {  	_ =	swait.ge @!p0 [sflag:s0], s1  }
0x1af: {  	s1 =	ssub.s32 @!p0 $0x0, s1;
	[sflag:s0] =	ssyncset.done @!p0 $0x0  }
0x1b0: {  	[sflag:s0] =	ssyncadd.s32 @!p0 s1  }
0x1b1: {  	[bflag:$0x3] =	sbarrier.arrive $0xFFFF  }
0x1b2: {  	_ =	shalt  }

// kernel: kernel.8.cloned.1.call-start
scs
__scs_entry_jumppad:
0x0: {  	(pc) =	sbr.rel $0x88, $3  }
0x1: {  	(tag) =	ssettag $0x0;
	lr =	simm.s32 $0x1  }
0x2: {  	[smem:$0x3F99] =	sst lr;
	_ =	strace $0xD0000000  }
0x3: {  	_ = 	snop  }
0x4: {  	_ = 	snop  }
0x5: {  	_ = 	snop  }
0x6: {  	_ = 	snop  }
0x7: {  	_ = 	snop  }
__scs_overlays_trampoline_lowered:
0x8: {  	[smem:$0x3FA8] =	sst s0  }
0x9: {  	[smem:$0x3FA9] =	sst s1  }
0xa: {  	[smem:$0x3FAA] =	sst s2  }
0xb: {  	[smem:$0x3FAB] =	sst s3  }
0xc: {  	[smem:$0x3FAC] =	sst s4  }
0xd: {  	[smem:$0x3FAD] =	sst s5  }
0xe: {  	[smem:$0x3FAE] =	sst s6  }
0xf: {  	[smem:$0x3FAF] =	sst s7  }
0x10: {  	[smem:$0x3FB0] =	sst s8  }
0x11: {  	[smem:$0x3FB1] =	sst s9;
	s0 =	simm.s32 @!p0 $0x0  }
0x12: {  	s1 =	sld [smem:$0x3F97];
	s0 =	simm.s32 @p0 $0x1  }
0x13: {  	[smem:$0x3FB2] =	sst s0;
	s0 =	simm.s32 @!p1 $0x0  }
0x14: {  	s2 =	sld [smem:$0x3F96];
	s0 =	simm.s32 @p1 $0x1  }
0x15: {  	[smem:$0x3FB3] =	sst s0;
	s0 =	simm.s32 @!p2 $0x0  }
0x16: {  	s3 =	sld [smem:$0x3FDB];
	s0 =	simm.s32 @p2 $0x1  }
0x17: {  	s4 =	simm.s32 $0x1BF5;
	[smem:$0x3FB5] =	sst s0  }
0x18: {  	s0 =	sld [smem:$0x3F98];
	_ =	swait.ge [sflag:s4], $0x0  }
0x19: {  	s7 =	sld [smem:$0x3F99]  }
0x1a: {  	s8 =	sadd.s32 $0xFFFFE003, lr  }
0x1b: {  	s9 =	sadd.s32 $0xFFFFFEF7, lr;
	s5 =	simm.s32 $0xFFFFFFFF;
	p2 =	slt.u32 s8, $0xFFFFF086  }
0x1c: {  	p1 =	slt.u32 s9, $0xF7A;
	s5 =	simm.s32 @!p2 $0x0  }
0x1d: {  	s5 =	simm.s32 @p1 $0x1;
	p0 =	seq.s32 s7, s2  }
0x1e: {  	s7 =	smul.u32 @!p0 $0xF7A, s2;
	p2 =	seq.s32 @!p0 s5, $0x0  }
0x1f: {  	s9 =	smul.u32 $0xF7A, s1;
	s8 =	simm.s32 @!p0 $0x1BF5;
	p2 =	por !p2, p0  }
0x20: {  	[sflag:s8] =	ssyncset.s32 @!p0 $0xFFFFF086;
	s6 =	sadd.s32 @!p0 s3, s7;
	s7 =	simm.s32 @!p0 $0x108  }
0x21: {  	s3 =	sadd.s32 s3, s9;
	s6 =	sadd.s32 @!p0 $0x88, s6;
	s7 =	simm.s32 @p2 $0x1082  }
0x22: {  	[simem:s7], [sflag:s8] =	dma.local @!p0 [hbm:s6], $0xF7A  }
0x23: {  	s9 =	sor.u32 $0xD0000000, s2;
	s6 =	simm.s32 $0x108;
	_ =	swait.ge @!p0 [sflag:s8], $0x0  }
0x24: {  	s3 =	sadd.s32 $0x88, s3;
	s6 =	simm.s32 @!p1 $0x1082;
	[sflag:s4] =	ssyncset.s32 $0xFFFFF086  }
0x25: {  	[simem:s6], [sflag:s4] =	dma.local [hbm:s3], $0xF7A  }
0x26: {  	[smem:$0x3F99] =	sst s1;
	(tag) =	ssettag s2;
	_ =	strace s9  }
0x27: {  	s1 =	sld [smem:$0x3FA9]  }
0x28: {  	s2 =	sld [smem:$0x3FAA]  }
0x29: {  	s4 =	sld [smem:$0x3FAC]  }
0x2a: {  	p0 =	seq.s32 s5, $0x0;
	s5 =	sld [smem:$0x3FAD]  }
0x2b: {  	s6 =	sld [smem:$0x3FAE]  }
0x2c: {  	s7 =	sld [smem:$0x3FAF]  }
0x2d: {  	s3 =	simm.s32 $0x108;
	s8 =	sld [smem:$0x3FB0]  }
0x2e: {  	s3 =	simm.s32 @!p0 $0x1082;
	s9 =	sld [smem:$0x3FB1]  }
0x2f: {  	lr =	sadd.s32 s0, s3;
	s0 =	sld [smem:$0x3FA8]  }
0x30: {  	s3 =	sld [smem:$0x3FAB]  }
0x31: {  	[smem:$0x3FB4] =	sst s10  }
0x32: {  	s10 =	sld [smem:$0x3FB2];
	_ =	sdelay $0x3  }
0x33: {  	p0 =	seq.s32 s10, $0x1;
	s10 =	sld [smem:$0x3FB4];
	_ =	sdelay $0x3  }
0x34: {  	[smem:$0x3FB4] =	sst s10  }
0x35: {  	s10 =	sld [smem:$0x3FB3];
	_ =	sdelay $0x3  }
0x36: {  	p1 =	seq.s32 s10, $0x1;
	s10 =	sld [smem:$0x3FB4];
	_ =	sdelay $0x3  }
0x37: {  	[smem:$0x3FB4] =	sst s10  }
0x38: {  	s10 =	sld [smem:$0x3FB5]  }
0x39: {  	_ = 	snop;
	(pc) =	sbr.ind lr, $3  }
0x3a: {  	_ = 	snop  }
0x3b: {  	_ = 	snop  }
0x3c: {  	p2 =	seq.s32 s10, $0x1;
	s10 =	sld [smem:$0x3FB4]  }
0x3d: {  	_ =	shalt  }
0x3e: {  	_ =	shalt  }
0x3f: {  	_ =	shalt  }
0x40: {  	_ =	shalt  }
0x41: {  	_ =	shalt  }
0x42: {  	_ =	shalt  }
0x43: {  	_ =	shalt  }
0x44: {  	_ =	shalt  }
0x45: {  	_ =	shalt  }
0x46: {  	_ =	shalt  }
0x47: {  	_ =	shalt  }
0x48: {  	_ =	shalt  }
0x49: {  	_ =	shalt  }
0x4a: {  	_ =	shalt  }
0x4b: {  	_ =	shalt  }
0x4c: {  	_ =	shalt  }
0x4d: {  	_ =	shalt  }
0x4e: {  	_ =	shalt  }
0x4f: {  	_ =	shalt  }
0x50: {  	_ =	shalt  }
0x51: {  	_ =	shalt  }
0x52: {  	_ =	shalt  }
0x53: {  	_ =	shalt  }
0x54: {  	_ =	shalt  }
0x55: {  	_ =	shalt  }
0x56: {  	_ =	shalt  }
0x57: {  	_ =	shalt  }
0x58: {  	_ =	shalt  }
0x59: {  	_ =	shalt  }
0x5a: {  	_ =	shalt  }
0x5b: {  	_ =	shalt  }
0x5c: {  	_ =	shalt  }
0x5d: {  	_ =	shalt  }
0x5e: {  	_ =	shalt  }
0x5f: {  	_ =	shalt  }
0x60: {  	_ =	shalt  }
0x61: {  	_ =	shalt  }
0x62: {  	_ =	shalt  }
0x63: {  	_ =	shalt  }
0x64: {  	_ =	shalt  }
0x65: {  	_ =	shalt  }
0x66: {  	_ =	shalt  }
0x67: {  	_ =	shalt  }
0x68: {  	_ =	shalt  }
0x69: {  	_ =	shalt  }
0x6a: {  	_ =	shalt  }
0x6b: {  	_ =	shalt  }
0x6c: {  	_ =	shalt  }
0x6d: {  	_ =	shalt  }
0x6e: {  	_ =	shalt  }
0x6f: {  	_ =	shalt  }
0x70: {  	_ =	shalt  }
0x71: {  	_ =	shalt  }
0x72: {  	_ =	shalt  }
0x73: {  	_ =	shalt  }
0x74: {  	_ =	shalt  }
0x75: {  	_ =	shalt  }
0x76: {  	_ =	shalt  }
0x77: {  	_ =	shalt  }
0x78: {  	_ =	shalt  }
0x79: {  	_ =	shalt  }
0x7a: {  	_ =	shalt  }
0x7b: {  	_ =	shalt  }
0x7c: {  	_ =	shalt  }
0x7d: {  	_ =	shalt  }
0x7e: {  	_ =	shalt  }
0x7f: {  	_ =	shalt  }
0x80: {  	_ =	shalt  }
0x81: {  	_ =	shalt  }
0x82: {  	_ =	shalt  }
0x83: {  	_ =	shalt  }
0x84: {  	_ =	shalt  }
0x85: {  	_ =	shalt  }
0x86: {  	_ =	shalt  }
0x87: {  	_ =	shalt  }
.Lfunc_end0:
.L_simem_size_0:
called_computation.1_lowered:
.L_overlay_start_0:
0x88: {  	s2 =	sld [smem:$0x3FD9]  }
0x89: {  	s3 =	sld [smem:$0x3FFE];
	_ =	sdelay $0x1  }
0x8a: {  	s1 =	srdreg.scid  }
0x8b: {  	s0 =	sand.u32 $0x1, s1  }
0x8c: {  	s16 =	sshll.u32 s0, $0xA;
	s2 =	sadd.s32 s3, s2  }
0x8d: {  	s2 =	sadd.s32 s2, s16  }
0x8e: {  	[smem:$0x3FC0] =	sst s2  }
0x8f: {  	_ = 	snop  }
0x90: {  	(tm) =	ssettm $0x1  }
0x91: {  	s17 =	sld [smem:$0x3FFB];
	_ =	sdelay $0x3  }
0x92: {  	_ =	strace s17  }
0x93: {  	s2 =	sld [smem:$0x3FFC];
	_ =	sdelay $0x3  }
0x94: {  	_ =	strace s2  }
0x95: {  	s2 =	sld [smem:$0x3FFD];
	_ =	sdelay $0x3  }
0x96: {  	_ =	strace s2  }
0x97: {  	_ =	strace $0x8FFFFFFF  }
0x98: {  	s18 =	sld [smem:$0x3FDB];
	_ =	sdelay $0x1  }
0x99: {  	s19 =	simm.s32 $_scs_section_size  }
0x9a: {  	s4 =	simm.s32 $_size__tile_overlayer_lowered;
	s5 =	simm.s32 $_tile_overlayer_lowered  }
0x9b: {  	s22 =	simm.s32 $0x1BFF;
	s21 =	sshll.u32 s5, $0x1;
	s2 =	sadd.s32 s19, s18  }
0x9c: {  	s6 =	simm.s32 $0x0;
	s20 =	sshll.u32 s4, $0x1;
	s4 =	sadd.s32 s21, s2  }
0x9d: {  	[timem:s6], [sflag:s22] =	dma.local [hbm:s4], s20  }
0x9e: {  	_ =	swait.ge [sflag:s22], s20  }
0x9f: {  	s3 =	ssub.s32 $0x0, s20;
	[sflag:s22] =	ssyncset.done $0x0  }
0xa0: {  	[sflag:s22] =	ssyncadd.s32 s3;
	_ =	sdelay $0x1  }
0xa1: {  	s23 =	simm.s32 $0x1B8B  }
0xa2: {  	_ =	swait.ge [sflag:s23], $0x1  }
0xa3: {  	[sflag:s23] =	ssyncset.done $0x0  }
0xa4: {  	s25 =	simm.s32 $0x1B8E;
	s24 =	sld [smem:$0x3FFE];
	[sflag:s23] =	ssyncadd.s32 $0xFFFFFFFF  }
0xa5: {  	s26 =	simm.s32 $execute0_lowered;
	[smem:$0x3FD2] =	sst s25  }
0xa6: {  	s4 =	sshll.u32 s26, $0x1;
	_ =	strace $0x80000049;
	[dreg:$0x1] =	wrdreg $0xFFFFFFFF  }
0xa7: {  	s28 =	simm.s32 $_size_execute0_lowered;
	s2 =	sadd.s32 s2, s4;
	[dreg:$0x0] =	wrdreg $0x0  }
0xa8: {  	s4 =	sshll.u32 s28, $0x1;
	[dreg:$0x2] =	wrdreg s2  }
0xa9: {  	[dreg:$0x3] =	wrdreg s4  }
0xaa: {  	[dreg:$0x4] =	wrdreg $0xC0  }
0xab: {  	_ =	task [dreg:s6], $0x5FFFF  }
0xac: {  	[dreg:$0x1] =	wrdreg $0xFFFFFFFF  }
0xad: {  	[dreg:$0x0] =	wrdreg $0x60  }
0xae: {  	[dreg:$0x2] =	wrdreg s24  }
0xaf: {  	[dreg:$0x3] =	wrdreg $0x150000  }
0xb0: {  	[dreg:$0x4] =	wrdreg $0x9  }
0xb1: {  	_ =	task.clear_ibuf [dreg:s6], $0x5FFFF;
	_ =	strace $0x90000049  }
0xb2: {  	s29 =	simm.s32 $0x9;
	_ =	strace $0x8000004B  }
0xb3: {  	_ =	swait.ge [sflag:s29], $0x1  }
0xb4: {  	[sflag:s29] =	ssyncadd.s32 $0xFFFFFFFF  }
0xb5: {  	_ =	strace $0x9000004B  }
0xb6: {  	_ =	sfence  }
0xb7: {  	s30 =	sld [smem:$0x0];
	_ =	sdelay $0x2  }
0xb8: {  	s31 =	sshll.u32 s1, $0xD;
	s1 =	sshrl.u32 s1, $0x2  }
0xb9: {  	s3 =	sand.u32 $0x4000, s31;
	s1 =	sadd.s32 s1, s30  }
0xba: {  	s0 =	sor.u32 s3, s0;
	s1 =	sshll.u32 s1, $0x11  }
0xbb: {  	s0 =	sor.u32 s1, s0  }
0xbc: {  	s0 =	sadd.s32 $0x8F2B, s0  }
0xbd: {  	[sflag:s0] =	ssyncadd.remote.s32 $0x1  }
0xbe: {  	_ =	sfence.sel $0xFFFF  }
0xbf: {  	[dreg:$0x0] =	wrdreg $0xFFFFFFFF;
	(pc) =	sbr.abs _section_cstart, $3  }
0xc0: {  	[dreg:$0x1] =	wrdreg $0xFFFFFFFF  }
0xc1: {  	_ =	task.clear_ibuf [dreg:s6], $0x2FFFF;
	_ =	strace $0x9FFFFFFF  }
0xc2: {  	(tm) =	ssettm $0x7FFFFFFF  }
0xc3: {  	_ =	shalt  }
tec
execute0_lowered:
.L_overlay_start_1:
0x0: {  	(tag) =	ssettag $0x1  }
0x1: {  	s0 =	rddreg [dreg:$0x0]  }
0x2: {  	s1 =	rddreg [dreg:$0x1]  }
0x3: {  	s3 =	simm.s32 $0x0;
	s2 =	stileid.u32;
	s5 =	srdreg.scid  }
0x4: {  	s20 =	simm.s32 $0x5;
	s21 =	simm.s32 $0x2800;
	s22 =	simm.s32 $0x5000  }
0x5: {  	s23 =	simm.s32 $0x200;
	s24 =	simm.s32 $0xD000;
	s29 =	simm.s32 $0x3  }
0x6: {  	s31 =	simm.s32 $0x4;
	s30 =	simm.s32 $0x2600;
	s6 =	smul.u32 $0x500, s2  }
0x7: {  	[smem:$0x7FF] =	sst s3;
	s4 =	sadd.s32 $0x6D400, s0;
	s16 =	smul.u32 $0x13800, s2  }
0x8: {  	s7 =	sand.u32 $0x1, s5;
	s5 =	sadd.s32 $0x59A00, s0;
	s10 =	smul.u32 $0x27000, s2  }
0x9: {  	s17 =	sadd.s32 $0x80E00, s0;
	s18 =	sadd.s32 $0x94800, s0;
	p0 =	sne.s32 s2, $0xF  }
0xa: {  	p2 =	seq.s32 s2, $0xF;
	_ =	strace $0x8000004A;
	[dreg:$0x4] =	wrdreg s18  }
0xb: {  	s8 =	ssub.s32 $0x2, s7;
	[dreg:$0x3] =	wrdreg s17;
	p1 =	sne.s32 s7, $0x0  }
0xc: {  	s6 =	sadd.s32 s6, s0;
	s9 =	sshrl.u32 s8, $0x1;
	s11 =	sshrl.u32 s16, $0x1  }
0xd: {  	s12 =	sshrl.u32 s10, $0x2;
	s28 =	sshrl.u32 s16, $0x4;
	s16 =	sadd.s32 $0x9C000, s1  }
0xe: {  	s0 =	simm.s32 $0x0;
	s25 =	ssub.s32 s8, s9;
	s8 =	sadd.s32 $0x6800, s6  }
0xf: {  	s9 =	sadd.s32 $0x1800, s6;
	s10 =	sadd.s32 s11, s1;
	s26 =	sadd.s32 s12, s1  }
.Ltmp0:
0x10: {  	s18 =	sadd.s32 s18, s28;
	s6 =	sadd.s32 s17, s28;
	(pc) =	sbr.rel .LBB2_1-.Ltmp0, $4  }
0x11: {  	s11 =	sadd.s32 $0x1A00, s26;
	s12 =	sadd.s32 $0x3400, s26;
	s13 =	sadd.s32 $0x4E00, s26  }
0x12: {  	s14 =	sadd.s32 $0x6800, s26;
	s15 =	sadd.s32 $0x8200, s26;
	[dreg:$0x5] =	wrdreg s18  }
0x13: {  	[dreg:$0x6] =	wrdreg s6;
	s19 =	smax.u32 s25, $0x1;
	s25 =	simm.s32 $0x1  }
0x14: {  	v0 =	vimm.bf16 $0.0e+00;
	s26 =	simm.s32 $0x2;
	s18 =	simm.s32 $0x4C00;
	s6 =	simm.s32 $0x4E00  }
.LBB2_6:
0x15: {  	s17 =	sadd.s32 $0x13800, s28;
	s28 =	sshrl.u32 s16, $0x3  }
0x16: {  	[hbm:s17], [sflag:s7] =	dma.local [spmem:s28], $0x80  }
0x17: {  	_ =	swait.ge [sflag:s20], $0x80  }
0x18: {  	[sflag:s20] =	ssyncset.done $0x0  }
0x19: {  	[sflag:s20] =	ssyncadd.s32 $0xFFFFFF80  }
.LBB2_7:
0x1a: {  	s0 =	sadd.s32 $0x1, s0  }
0x1b: {  	p3 =	sne.s32 s0, s19  }
.Ltmp1:
0x1c: {  	_ = 	snop;
	(pc) =	sbr.rel @!p3 .LBB2_8-.Ltmp1, $1  }
0x1d: {  	_ =	sdelay $0x3  }
.LBB2_1:
0x1e: {  	[tilespmem:s3], [sflag:$0x5] =	stream.linear.gather [hbm4b:s8+s3], $0x2800, $0x38;
	[tilespmem:$0x1EC60] =	vst v63  }
0x1f: {  	_ =	swait.ge [sflag:s20], $0x2800  }
0x20: {  	[sflag:s20] =	ssyncset.done $0x0  }
0x21: {  	[sflag:s20] =	ssyncadd.s32 $0xFFFFD800  }
0x22: {  	[tilespmem:s21], [sflag:$0x5] =	stream.linear.gather [hbm4b:s9+s3], $0x2800, $0x38;
	[tilespmem:$0x1EC60] =	vst v63  }
0x23: {  	_ =	swait.ge [sflag:s20], $0x2800  }
0x24: {  	[sflag:s20] =	ssyncset.done $0x0  }
0x25: {  	s28 =	simm.s32 $0x100;
	s7 =	simm.s32 $0x0;
	[sflag:s20] =	ssyncadd.s32 $0xFFFFD800  }
.LBB2_2:
0x26: {  	p3 =	sne.s32 s28, $0x6700;
	[tilespmem:s7+$0x5030] =	vst v0;
	s17 =	smov.u32 s28;
	s28 =	sadd.s32 $0x100, s28  }
.Ltmp2:
0x27: {  	[tilespmem:s7+$0x5020] =	vst v0;
	(pc) =	sbr.rel @p3 .LBB2_2-.Ltmp2, $3  }
0x28: {  	[tilespmem:s7+$0x5000] =	vst v0  }
0x29: {  	[tilespmem:s7+$0x5010] =	vst v0;
	_ =	sdelay $0x1  }
0x2a: {  	s7 =	sshra.s32 s17, $0x2  }
0x2b: {  	[tilespmem:s7+$0x5030] =	vst v0  }
0x2c: {  	[tilespmem:s7+$0x5020] =	vst v0  }
0x2d: {  	[tilespmem:s7+$0x5000] =	vst v0  }
0x2e: {  	[tilespmem:s7+$0x5010] =	vst v0  }
0x2f: {  	[spmem:s10] =	stream.linear.scatter [tilespmem:s22], [sflag:$0x5], $0x1A00, $0x38;
	[tilespmem:$0x1EC60] =	vst v63  }
0x30: {  	_ =	swait.ge [sflag:s20], $0x1A00  }
0x31: {  	[sflag:s20] =	ssyncset.done $0x0  }
0x32: {  	[sflag:s20] =	ssyncadd.s32 $0xFFFFE600  }
0x33: {  	[spmem:s11] =	stream.linear.scatter [tilespmem:s22], [sflag:$0x5], $0x1A00, $0x38;
	[tilespmem:$0x1EC60] =	vst v63  }
0x34: {  	_ =	swait.ge [sflag:s20], $0x1A00  }
0x35: {  	[sflag:s20] =	ssyncset.done $0x0  }
0x36: {  	[sflag:s20] =	ssyncadd.s32 $0xFFFFE600  }
0x37: {  	[spmem:s12] =	stream.linear.scatter [tilespmem:s22], [sflag:$0x5], $0x1A00, $0x38;
	[tilespmem:$0x1EC60] =	vst v63  }
0x38: {  	_ =	swait.ge [sflag:s20], $0x1A00  }
0x39: {  	[sflag:s20] =	ssyncset.done $0x0  }
0x3a: {  	[sflag:s20] =	ssyncadd.s32 $0xFFFFE600  }
0x3b: {  	[spmem:s13] =	stream.linear.scatter [tilespmem:s22], [sflag:$0x5], $0x1A00, $0x38;
	[tilespmem:$0x1EC60] =	vst v63  }
0x3c: {  	_ =	swait.ge [sflag:s20], $0x1A00  }
0x3d: {  	[sflag:s20] =	ssyncset.done $0x0  }
0x3e: {  	[sflag:s20] =	ssyncadd.s32 $0xFFFFE600  }
0x3f: {  	[spmem:s14] =	stream.linear.scatter [tilespmem:s22], [sflag:$0x5], $0x1A00, $0x38;
	[tilespmem:$0x1EC60] =	vst v63  }
0x40: {  	_ =	swait.ge [sflag:s20], $0x1A00  }
0x41: {  	[sflag:s20] =	ssyncset.done $0x0  }
0x42: {  	[sflag:s20] =	ssyncadd.s32 $0xFFFFE600  }
0x43: {  	[spmem:s15] =	stream.linear.scatter [tilespmem:s22], [sflag:$0x5], $0x1A00, $0x38;
	[tilespmem:$0x1EC60] =	vst v63  }
0x44: {  	_ =	swait.ge [sflag:s20], $0x1A00  }
0x45: {  	[sflag:s20] =	ssyncset.done $0x0  }
0x46: {  	s7 =	simm.s32 @!p0 $0x5000;
	[sflag:s20] =	ssyncadd.s32 $0xFFFFE600  }
0x47: {  	[spmem:s16] =	stream.linear.scatter @!p0 [tilespmem:s7], [sflag:$0x5], $0x600, $0x38;
	[tilespmem:$0x1EC60] =	vst v63  }
0x48: {  	s7 =	simm.s32 @!p0 $0x5  }
.Ltmp3:
0x49: {  	_ =	swait.ge @!p0 [sflag:s7], $0x600;
	(pc) =	sbr.rel @p1 .LBB2_5-.Ltmp3, $3  }
0x4a: {  	[sflag:s7] =	ssyncset.done @!p0 $0x0  }
0x4b: {  	[sflag:s7] =	ssyncadd.s32 @!p0 $0xFFFFFA00  }
0x4c: {  	[bflag:$0x0] =	sbarrier.arrive $0xFFFF;
	_ =	sdelay $0x1  }
0x4d: {  	[tilespmem:s22], [sflag:$0x1] =	stream.indirect.gather [hbm4b:s4+s23], $0x40, s3, s23, $0xb8;
	[tilespmem:$0x1EC60] =	vst v63  }
0x4e: {  	_ = 	snop  }
0x4f: {  	[tilespmem:s24], [sflag:$0x2] =	stream.indirect.gather [hbm4b:s4+s23], $0x40, s23, s23, $0xb8;
	[tilespmem:$0x1EC60] =	vst v63  }
0x50: {  	_ =	swait.ge [sflag:s25], $0x8000  }
0x51: {  	[sflag:s25] =	ssyncset.done $0x0  }
0x52: {  	[sflag:s25] =	ssyncadd.s32 $0xFFFF8000  }
0x53: {  	[spmem:s1] =	stream.indirect.scatter.add.bf16 [tilespmem:s22], [sflag:$0x3], $0x40, s21, s23, $0xb8;
	[tilespmem:$0x1EC60] =	vst v63  }
0x54: {  	_ =	swait.ge [sflag:s26], $0x8000  }
0x55: {  	[sflag:s26] =	ssyncset.done $0x0  }
0x56: {  	s7 =	simm.s32 $0x2A00;
	[sflag:s26] =	ssyncadd.s32 $0xFFFF8000  }
0x57: {  	[spmem:s1] =	stream.indirect.scatter.add.bf16 [tilespmem:s24], [sflag:$0x4], $0x40, s7, s23, $0xb8;
	[tilespmem:$0x1EC60] =	vst v63  }
0x58: {  	_ =	swait.ge [sflag:s29], $0x8000  }
0x59: {  	[sflag:s29] =	ssyncset.done $0x0  }
0x5a: {  	s17 =	simm.s32 $0x400;
	[sflag:s29] =	ssyncadd.s32 $0xFFFF8000  }
0x5b: {  	[tilespmem:s22], [sflag:$0x1] =	stream.indirect.gather [hbm4b:s4+s23], $0x40, s17, s23, $0xb8;
	[tilespmem:$0x1EC60] =	vst v63  }
0x5c: {  	_ =	swait.ge [sflag:s31], $0x8000  }
0x5d: {  	[sflag:s31] =	ssyncset.done $0x0  }
0x5e: {  	s17 =	simm.s32 $0x600;
	[sflag:s31] =	ssyncadd.s32 $0xFFFF8000  }
0x5f: {  	[tilespmem:s24], [sflag:$0x2] =	stream.indirect.gather [hbm4b:s4+s23], $0x40, s17, s23, $0xb8;
	[tilespmem:$0x1EC60] =	vst v63  }
0x60: {  	_ =	swait.ge [sflag:s25], $0x8000  }
0x61: {  	[sflag:s25] =	ssyncset.done $0x0  }
0x62: {  	s17 =	simm.s32 $0x2C00;
	[sflag:s25] =	ssyncadd.s32 $0xFFFF8000  }
0x63: {  	[spmem:s1] =	stream.indirect.scatter.add.bf16 [tilespmem:s22], [sflag:$0x3], $0x40, s17, s23, $0xb8;
	[tilespmem:$0x1EC60] =	vst v63  }
0x64: {  	_ =	swait.ge [sflag:s26], $0x8000  }
0x65: {  	[sflag:s26] =	ssyncset.done $0x0  }
0x66: {  	s17 =	simm.s32 $0x2E00;
	[sflag:s26] =	ssyncadd.s32 $0xFFFF8000  }
0x67: {  	[spmem:s1] =	stream.indirect.scatter.add.bf16 [tilespmem:s24], [sflag:$0x4], $0x40, s17, s23, $0xb8;
	[tilespmem:$0x1EC60] =	vst v63  }
0x68: {  	_ =	swait.ge [sflag:s29], $0x8000  }
0x69: {  	[sflag:s29] =	ssyncset.done $0x0  }
0x6a: {  	s17 =	simm.s32 $0x800;
	[sflag:s29] =	ssyncadd.s32 $0xFFFF8000  }
0x6b: {  	[tilespmem:s22], [sflag:$0x1] =	stream.indirect.gather [hbm4b:s4+s23], $0x40, s17, s23, $0xb8;
	[tilespmem:$0x1EC60] =	vst v63  }
0x6c: {  	_ =	swait.ge [sflag:s31], $0x8000  }
0x6d: {  	[sflag:s31] =	ssyncset.done $0x0  }
0x6e: {  	s17 =	simm.s32 $0xA00;
	[sflag:s31] =	ssyncadd.s32 $0xFFFF8000  }
0x6f: {  	[tilespmem:s24], [sflag:$0x2] =	stream.indirect.gather [hbm4b:s4+s23], $0x40, s17, s23, $0xb8;
	[tilespmem:$0x1EC60] =	vst v63  }
0x70: {  	_ =	swait.ge [sflag:s25], $0x8000  }
0x71: {  	[sflag:s25] =	ssyncset.done $0x0  }
0x72: {  	s17 =	simm.s32 $0x3000;
	[sflag:s25] =	ssyncadd.s32 $0xFFFF8000  }
0x73: {  	[spmem:s1] =	stream.indirect.scatter.add.bf16 [tilespmem:s22], [sflag:$0x3], $0x40, s17, s23, $0xb8;
	[tilespmem:$0x1EC60] =	vst v63  }
0x74: {  	_ =	swait.ge [sflag:s26], $0x8000  }
0x75: {  	[sflag:s26] =	ssyncset.done $0x0  }
0x76: {  	s17 =	simm.s32 $0x3200;
	[sflag:s26] =	ssyncadd.s32 $0xFFFF8000  }
0x77: {  	[spmem:s1] =	stream.indirect.scatter.add.bf16 [tilespmem:s24], [sflag:$0x4], $0x40, s17, s23, $0xb8;
	[tilespmem:$0x1EC60] =	vst v63  }
0x78: {  	_ =	swait.ge [sflag:s29], $0x8000  }
0x79: {  	[sflag:s29] =	ssyncset.done $0x0  }
0x7a: {  	s17 =	simm.s32 $0xC00;
	[sflag:s29] =	ssyncadd.s32 $0xFFFF8000  }
0x7b: {  	[tilespmem:s22], [sflag:$0x1] =	stream.indirect.gather [hbm4b:s4+s23], $0x40, s17, s23, $0xb8;
	[tilespmem:$0x1EC60] =	vst v63  }
0x7c: {  	_ =	swait.ge [sflag:s31], $0x8000  }
0x7d: {  	[sflag:s31] =	ssyncset.done $0x0  }
0x7e: {  	s17 =	simm.s32 $0xE00;
	[sflag:s31] =	ssyncadd.s32 $0xFFFF8000  }
0x7f: {  	[tilespmem:s24], [sflag:$0x2] =	stream.indirect.gather [hbm4b:s4+s23], $0x40, s17, s23, $0xb8;
	[tilespmem:$0x1EC60] =	vst v63  }
0x80: {  	_ =	swait.ge [sflag:s25], $0x8000  }
0x81: {  	[sflag:s25] =	ssyncset.done $0x0  }
0x82: {  	s17 =	simm.s32 $0x3400;
	[sflag:s25] =	ssyncadd.s32 $0xFFFF8000  }
0x83: {  	[spmem:s1] =	stream.indirect.scatter.add.bf16 [tilespmem:s22], [sflag:$0x3], $0x40, s17, s23, $0xb8;
	[tilespmem:$0x1EC60] =	vst v63  }
0x84: {  	_ =	swait.ge [sflag:s26], $0x8000  }
0x85: {  	[sflag:s26] =	ssyncset.done $0x0  }
0x86: {  	s17 =	simm.s32 $0x3600;
	[sflag:s26] =	ssyncadd.s32 $0xFFFF8000  }
0x87: {  	[spmem:s1] =	stream.indirect.scatter.add.bf16 [tilespmem:s24], [sflag:$0x4], $0x40, s17, s23, $0xb8;
	[tilespmem:$0x1EC60] =	vst v63  }
0x88: {  	_ =	swait.ge [sflag:s29], $0x8000  }
0x89: {  	[sflag:s29] =	ssyncset.done $0x0  }
0x8a: {  	s17 =	simm.s32 $0x1000;
	[sflag:s29] =	ssyncadd.s32 $0xFFFF8000  }
0x8b: {  	[tilespmem:s22], [sflag:$0x1] =	stream.indirect.gather [hbm4b:s4+s23], $0x40, s17, s23, $0xb8;
	[tilespmem:$0x1EC60] =	vst v63  }
0x8c: {  	_ =	swait.ge [sflag:s31], $0x8000  }
0x8d: {  	[sflag:s31] =	ssyncset.done $0x0  }
0x8e: {  	s17 =	simm.s32 $0x1200;
	[sflag:s31] =	ssyncadd.s32 $0xFFFF8000  }
0x8f: {  	[tilespmem:s24], [sflag:$0x2] =	stream.indirect.gather [hbm4b:s4+s23], $0x40, s17, s23, $0xb8;
	[tilespmem:$0x1EC60] =	vst v63  }
0x90: {  	_ =	swait.ge [sflag:s25], $0x8000  }
0x91: {  	[sflag:s25] =	ssyncset.done $0x0  }
0x92: {  	s17 =	simm.s32 $0x3800;
	[sflag:s25] =	ssyncadd.s32 $0xFFFF8000  }
0x93: {  	[spmem:s1] =	stream.indirect.scatter.add.bf16 [tilespmem:s22], [sflag:$0x3], $0x40, s17, s23, $0xb8;
	[tilespmem:$0x1EC60] =	vst v63  }
0x94: {  	_ =	swait.ge [sflag:s26], $0x8000  }
0x95: {  	[sflag:s26] =	ssyncset.done $0x0  }
0x96: {  	s17 =	simm.s32 $0x3A00;
	[sflag:s26] =	ssyncadd.s32 $0xFFFF8000  }
0x97: {  	[spmem:s1] =	stream.indirect.scatter.add.bf16 [tilespmem:s24], [sflag:$0x4], $0x40, s17, s23, $0xb8;
	[tilespmem:$0x1EC60] =	vst v63  }
0x98: {  	_ =	swait.ge [sflag:s29], $0x8000  }
0x99: {  	[sflag:s29] =	ssyncset.done $0x0  }
0x9a: {  	s17 =	simm.s32 $0x1400;
	[sflag:s29] =	ssyncadd.s32 $0xFFFF8000  }
0x9b: {  	[tilespmem:s22], [sflag:$0x1] =	stream.indirect.gather [hbm4b:s4+s23], $0x40, s17, s23, $0xb8;
	[tilespmem:$0x1EC60] =	vst v63  }
0x9c: {  	_ =	swait.ge [sflag:s31], $0x8000  }
0x9d: {  	[sflag:s31] =	ssyncset.done $0x0  }
0x9e: {  	s17 =	simm.s32 $0x1600;
	[sflag:s31] =	ssyncadd.s32 $0xFFFF8000  }
0x9f: {  	[tilespmem:s24], [sflag:$0x2] =	stream.indirect.gather [hbm4b:s4+s23], $0x40, s17, s23, $0xb8;
	[tilespmem:$0x1EC60] =	vst v63  }
0xa0: {  	_ =	swait.ge [sflag:s25], $0x8000  }
0xa1: {  	[sflag:s25] =	ssyncset.done $0x0  }
0xa2: {  	s17 =	simm.s32 $0x3C00;
	[sflag:s25] =	ssyncadd.s32 $0xFFFF8000  }
0xa3: {  	[spmem:s1] =	stream.indirect.scatter.add.bf16 [tilespmem:s22], [sflag:$0x3], $0x40, s17, s23, $0xb8;
	[tilespmem:$0x1EC60] =	vst v63  }
0xa4: {  	_ =	swait.ge [sflag:s26], $0x8000  }
0xa5: {  	[sflag:s26] =	ssyncset.done $0x0  }
0xa6: {  	s17 =	simm.s32 $0x3E00;
	[sflag:s26] =	ssyncadd.s32 $0xFFFF8000  }
0xa7: {  	[spmem:s1] =	stream.indirect.scatter.add.bf16 [tilespmem:s24], [sflag:$0x4], $0x40, s17, s23, $0xb8;
	[tilespmem:$0x1EC60] =	vst v63  }
0xa8: {  	_ =	swait.ge [sflag:s29], $0x8000  }
0xa9: {  	[sflag:s29] =	ssyncset.done $0x0  }
0xaa: {  	s17 =	simm.s32 $0x1800;
	[sflag:s29] =	ssyncadd.s32 $0xFFFF8000  }
0xab: {  	[tilespmem:s22], [sflag:$0x1] =	stream.indirect.gather [hbm4b:s4+s23], $0x40, s17, s23, $0xb8;
	[tilespmem:$0x1EC60] =	vst v63  }
0xac: {  	_ =	swait.ge [sflag:s31], $0x8000  }
0xad: {  	[sflag:s31] =	ssyncset.done $0x0  }
0xae: {  	s17 =	simm.s32 $0x1A00;
	[sflag:s31] =	ssyncadd.s32 $0xFFFF8000  }
0xaf: {  	[tilespmem:s24], [sflag:$0x2] =	stream.indirect.gather [hbm4b:s4+s23], $0x40, s17, s23, $0xb8;
	[tilespmem:$0x1EC60] =	vst v63  }
0xb0: {  	_ =	swait.ge [sflag:s25], $0x8000  }
0xb1: {  	[sflag:s25] =	ssyncset.done $0x0  }
0xb2: {  	s17 =	simm.s32 $0x4000;
	[sflag:s25] =	ssyncadd.s32 $0xFFFF8000  }
0xb3: {  	[spmem:s1] =	stream.indirect.scatter.add.bf16 [tilespmem:s22], [sflag:$0x3], $0x40, s17, s23, $0xb8;
	[tilespmem:$0x1EC60] =	vst v63  }
0xb4: {  	_ =	swait.ge [sflag:s26], $0x8000  }
0xb5: {  	[sflag:s26] =	ssyncset.done $0x0  }
0xb6: {  	s17 =	simm.s32 $0x4200;
	[sflag:s26] =	ssyncadd.s32 $0xFFFF8000  }
0xb7: {  	[spmem:s1] =	stream.indirect.scatter.add.bf16 [tilespmem:s24], [sflag:$0x4], $0x40, s17, s23, $0xb8;
	[tilespmem:$0x1EC60] =	vst v63  }
0xb8: {  	_ =	swait.ge [sflag:s29], $0x8000  }
0xb9: {  	[sflag:s29] =	ssyncset.done $0x0  }
0xba: {  	s17 =	simm.s32 $0x1C00;
	[sflag:s29] =	ssyncadd.s32 $0xFFFF8000  }
0xbb: {  	[tilespmem:s22], [sflag:$0x1] =	stream.indirect.gather [hbm4b:s4+s23], $0x40, s17, s23, $0xb8;
	[tilespmem:$0x1EC60] =	vst v63  }
0xbc: {  	_ =	swait.ge [sflag:s31], $0x8000  }
0xbd: {  	[sflag:s31] =	ssyncset.done $0x0  }
0xbe: {  	s17 =	simm.s32 $0x1E00;
	[sflag:s31] =	ssyncadd.s32 $0xFFFF8000  }
0xbf: {  	[tilespmem:s24], [sflag:$0x2] =	stream.indirect.gather [hbm4b:s4+s23], $0x40, s17, s23, $0xb8;
	[tilespmem:$0x1EC60] =	vst v63  }
0xc0: {  	_ =	swait.ge [sflag:s25], $0x8000  }
0xc1: {  	[sflag:s25] =	ssyncset.done $0x0  }
0xc2: {  	s17 =	simm.s32 $0x4400;
	[sflag:s25] =	ssyncadd.s32 $0xFFFF8000  }
0xc3: {  	[spmem:s1] =	stream.indirect.scatter.add.bf16 [tilespmem:s22], [sflag:$0x3], $0x40, s17, s23, $0xb8;
	[tilespmem:$0x1EC60] =	vst v63  }
0xc4: {  	_ =	swait.ge [sflag:s26], $0x8000  }
0xc5: {  	[sflag:s26] =	ssyncset.done $0x0  }
0xc6: {  	s17 =	simm.s32 $0x4600;
	[sflag:s26] =	ssyncadd.s32 $0xFFFF8000  }
0xc7: {  	[spmem:s1] =	stream.indirect.scatter.add.bf16 [tilespmem:s24], [sflag:$0x4], $0x40, s17, s23, $0xb8;
	[tilespmem:$0x1EC60] =	vst v63  }
0xc8: {  	_ =	swait.ge [sflag:s29], $0x8000  }
0xc9: {  	[sflag:s29] =	ssyncset.done $0x0  }
0xca: {  	s17 =	simm.s32 $0x2000;
	[sflag:s29] =	ssyncadd.s32 $0xFFFF8000  }
0xcb: {  	[tilespmem:s22], [sflag:$0x1] =	stream.indirect.gather [hbm4b:s4+s23], $0x40, s17, s23, $0xb8;
	[tilespmem:$0x1EC60] =	vst v63  }
0xcc: {  	_ =	swait.ge [sflag:s31], $0x8000  }
0xcd: {  	[sflag:s31] =	ssyncset.done $0x0  }
0xce: {  	s17 =	simm.s32 $0x2200;
	[sflag:s31] =	ssyncadd.s32 $0xFFFF8000  }
0xcf: {  	[tilespmem:s24], [sflag:$0x2] =	stream.indirect.gather [hbm4b:s4+s23], $0x40, s17, s23, $0xb8;
	[tilespmem:$0x1EC60] =	vst v63  }
0xd0: {  	_ =	swait.ge [sflag:s25], $0x8000  }
0xd1: {  	[sflag:s25] =	ssyncset.done $0x0  }
0xd2: {  	s17 =	simm.s32 $0x4800;
	[sflag:s25] =	ssyncadd.s32 $0xFFFF8000  }
0xd3: {  	[spmem:s1] =	stream.indirect.scatter.add.bf16 [tilespmem:s22], [sflag:$0x3], $0x40, s17, s23, $0xb8;
	[tilespmem:$0x1EC60] =	vst v63  }
0xd4: {  	_ =	swait.ge [sflag:s26], $0x8000  }
0xd5: {  	[sflag:s26] =	ssyncset.done $0x0  }
0xd6: {  	s17 =	simm.s32 $0x4A00;
	[sflag:s26] =	ssyncadd.s32 $0xFFFF8000  }
0xd7: {  	[spmem:s1] =	stream.indirect.scatter.add.bf16 [tilespmem:s24], [sflag:$0x4], $0x40, s17, s23, $0xb8;
	[tilespmem:$0x1EC60] =	vst v63  }
0xd8: {  	_ =	swait.ge [sflag:s29], $0x8000  }
0xd9: {  	[sflag:s29] =	ssyncset.done $0x0  }
0xda: {  	s17 =	simm.s32 $0x2400;
	[sflag:s29] =	ssyncadd.s32 $0xFFFF8000  }
0xdb: {  	[tilespmem:s22], [sflag:$0x1] =	stream.indirect.gather [hbm4b:s4+s23], $0x40, s17, s23, $0xb8;
	[tilespmem:$0x1EC60] =	vst v63  }
0xdc: {  	_ =	swait.ge [sflag:s31], $0x8000  }
0xdd: {  	[sflag:s31] =	ssyncset.done $0x0  }
0xde: {  	[sflag:s31] =	ssyncadd.s32 $0xFFFF8000  }
0xdf: {  	[tilespmem:s24], [sflag:$0x2] =	stream.indirect.gather [hbm4b:s4+s23], $0x40, s30, s23, $0xb8;
	[tilespmem:$0x1EC60] =	vst v63  }
0xe0: {  	_ =	swait.ge [sflag:s25], $0x8000  }
0xe1: {  	[sflag:s25] =	ssyncset.done $0x0  }
0xe2: {  	[sflag:s25] =	ssyncadd.s32 $0xFFFF8000  }
0xe3: {  	[spmem:s1] =	stream.indirect.scatter.add.bf16 [tilespmem:s22], [sflag:$0x3], $0x40, s18, s23, $0xb8;
	[tilespmem:$0x1EC60] =	vst v63  }
0xe4: {  	_ =	swait.ge [sflag:s26], $0x8000  }
0xe5: {  	[sflag:s26] =	ssyncset.done $0x0  }
0xe6: {  	[sflag:s26] =	ssyncadd.s32 $0xFFFF8000  }
0xe7: {  	[spmem:s1] =	stream.indirect.scatter.add.bf16 [tilespmem:s24], [sflag:$0x4], $0x40, s6, s23, $0xb8;
	[tilespmem:$0x1EC60] =	vst v63  }
0xe8: {  	_ =	swait.ge [sflag:s29], $0x8000  }
0xe9: {  	[sflag:s29] =	ssyncset.done $0x0  }
0xea: {  	[sflag:s29] =	ssyncadd.s32 $0xFFFF8000  }
0xeb: {  	_ =	swait.ge [sflag:s31], $0x8000  }
0xec: {  	[sflag:s31] =	ssyncset.done $0x0  }
0xed: {  	[sflag:s31] =	ssyncadd.s32 $0xFFFF8000  }
0xee: {  	s17 =	sshll.u32 s2, $0x6;
	[bflag:$0x0] =	sbarrier.arrive $0xFFFF  }
0xef: {  	s7 =	sor.u32 $0x1C05, s17;
	s17 =	sshrl.u32 s10, $0x3;
	s28 =	rddreg [dreg:$0x6]  }
0xf0: {  	[hbm:s28], [sflag:s7] =	dma.local [spmem:s17], $0x1380  }
.Ltmp4:
0xf1: {  	_ = 	snop;
	(pc) =	sbr.rel @p2 .LBB2_6-.Ltmp4, $4  }
.Ltmp5:
0xf2: {  	_ = 	snop;
	(pc) =	sbr.rel @!p2 .LBB2_7-.Ltmp5, $4  }
0xf3: {  	_ =	swait.ge [sflag:s20], $0x1380  }
0xf4: {  	[sflag:s20] =	ssyncset.done $0x0  }
0xf5: {  	s28 =	rddreg [dreg:$0x3];
	[sflag:s20] =	ssyncadd.s32 $0xFFFFEC80  }
0xf6: {  	_ = 	snop  }
.LBB2_5:
0xf7: {  	[tilespmem:s22], [sflag:$0x1] =	stream.indirect.gather [hbm4b:s5+s23], $0x40, s3, s23, $0xb8;
	[tilespmem:$0x1EC60] =	vst v63  }
0xf8: {  	_ = 	snop  }
0xf9: {  	[tilespmem:s24], [sflag:$0x2] =	stream.indirect.gather [hbm4b:s5+s23], $0x40, s23, s23, $0xb8;
	[tilespmem:$0x1EC60] =	vst v63  }
0xfa: {  	_ =	swait.ge [sflag:s25], $0x8000  }
0xfb: {  	[sflag:s25] =	ssyncset.done $0x0  }
0xfc: {  	[sflag:s25] =	ssyncadd.s32 $0xFFFF8000  }
0xfd: {  	[spmem:s1] =	stream.indirect.scatter.add.bf16 [tilespmem:s22], [sflag:$0x3], $0x40, s21, s23, $0xb8;
	[tilespmem:$0x1EC60] =	vst v63  }
0xfe: {  	_ =	swait.ge [sflag:s26], $0x8000  }
0xff: {  	[sflag:s26] =	ssyncset.done $0x0  }
0x100: {  	s7 =	simm.s32 $0x2A00;
	[sflag:s26] =	ssyncadd.s32 $0xFFFF8000  }
0x101: {  	[spmem:s1] =	stream.indirect.scatter.add.bf16 [tilespmem:s24], [sflag:$0x4], $0x40, s7, s23, $0xb8;
	[tilespmem:$0x1EC60] =	vst v63  }
0x102: {  	_ =	swait.ge [sflag:s29], $0x8000  }
0x103: {  	[sflag:s29] =	ssyncset.done $0x0  }
0x104: {  	s17 =	simm.s32 $0x400;
	[sflag:s29] =	ssyncadd.s32 $0xFFFF8000  }
0x105: {  	[tilespmem:s22], [sflag:$0x1] =	stream.indirect.gather [hbm4b:s5+s23], $0x40, s17, s23, $0xb8;
	[tilespmem:$0x1EC60] =	vst v63  }
0x106: {  	_ =	swait.ge [sflag:s31], $0x8000  }
0x107: {  	[sflag:s31] =	ssyncset.done $0x0  }
0x108: {  	s17 =	simm.s32 $0x600;
	[sflag:s31] =	ssyncadd.s32 $0xFFFF8000  }
0x109: {  	[tilespmem:s24], [sflag:$0x2] =	stream.indirect.gather [hbm4b:s5+s23], $0x40, s17, s23, $0xb8;
	[tilespmem:$0x1EC60] =	vst v63  }
0x10a: {  	_ =	swait.ge [sflag:s25], $0x8000  }
0x10b: {  	[sflag:s25] =	ssyncset.done $0x0  }
0x10c: {  	s17 =	simm.s32 $0x2C00;
	[sflag:s25] =	ssyncadd.s32 $0xFFFF8000  }
0x10d: {  	[spmem:s1] =	stream.indirect.scatter.add.bf16 [tilespmem:s22], [sflag:$0x3], $0x40, s17, s23, $0xb8;
	[tilespmem:$0x1EC60] =	vst v63  }
0x10e: {  	_ =	swait.ge [sflag:s26], $0x8000  }
0x10f: {  	[sflag:s26] =	ssyncset.done $0x0  }
0x110: {  	s17 =	simm.s32 $0x2E00;
	[sflag:s26] =	ssyncadd.s32 $0xFFFF8000  }
0x111: {  	[spmem:s1] =	stream.indirect.scatter.add.bf16 [tilespmem:s24], [sflag:$0x4], $0x40, s17, s23, $0xb8;
	[tilespmem:$0x1EC60] =	vst v63  }
0x112: {  	_ =	swait.ge [sflag:s29], $0x8000  }
0x113: {  	[sflag:s29] =	ssyncset.done $0x0  }
0x114: {  	s17 =	simm.s32 $0x800;
	[sflag:s29] =	ssyncadd.s32 $0xFFFF8000  }
0x115: {  	[tilespmem:s22], [sflag:$0x1] =	stream.indirect.gather [hbm4b:s5+s23], $0x40, s17, s23, $0xb8;
	[tilespmem:$0x1EC60] =	vst v63  }
0x116: {  	_ =	swait.ge [sflag:s31], $0x8000  }
0x117: {  	[sflag:s31] =	ssyncset.done $0x0  }
0x118: {  	s17 =	simm.s32 $0xA00;
	[sflag:s31] =	ssyncadd.s32 $0xFFFF8000  }
0x119: {  	[tilespmem:s24], [sflag:$0x2] =	stream.indirect.gather [hbm4b:s5+s23], $0x40, s17, s23, $0xb8;
	[tilespmem:$0x1EC60] =	vst v63  }
0x11a: {  	_ =	swait.ge [sflag:s25], $0x8000  }
0x11b: {  	[sflag:s25] =	ssyncset.done $0x0  }
0x11c: {  	s17 =	simm.s32 $0x3000;
	[sflag:s25] =	ssyncadd.s32 $0xFFFF8000  }
0x11d: {  	[spmem:s1] =	stream.indirect.scatter.add.bf16 [tilespmem:s22], [sflag:$0x3], $0x40, s17, s23, $0xb8;
	[tilespmem:$0x1EC60] =	vst v63  }
0x11e: {  	_ =	swait.ge [sflag:s26], $0x8000  }
0x11f: {  	[sflag:s26] =	ssyncset.done $0x0  }
0x120: {  	s17 =	simm.s32 $0x3200;
	[sflag:s26] =	ssyncadd.s32 $0xFFFF8000  }
0x121: {  	[spmem:s1] =	stream.indirect.scatter.add.bf16 [tilespmem:s24], [sflag:$0x4], $0x40, s17, s23, $0xb8;
	[tilespmem:$0x1EC60] =	vst v63  }
0x122: {  	_ =	swait.ge [sflag:s29], $0x8000  }
0x123: {  	[sflag:s29] =	ssyncset.done $0x0  }
0x124: {  	s17 =	simm.s32 $0xC00;
	[sflag:s29] =	ssyncadd.s32 $0xFFFF8000  }
0x125: {  	[tilespmem:s22], [sflag:$0x1] =	stream.indirect.gather [hbm4b:s5+s23], $0x40, s17, s23, $0xb8;
	[tilespmem:$0x1EC60] =	vst v63  }
0x126: {  	_ =	swait.ge [sflag:s31], $0x8000  }
0x127: {  	[sflag:s31] =	ssyncset.done $0x0  }
0x128: {  	s17 =	simm.s32 $0xE00;
	[sflag:s31] =	ssyncadd.s32 $0xFFFF8000  }
0x129: {  	[tilespmem:s24], [sflag:$0x2] =	stream.indirect.gather [hbm4b:s5+s23], $0x40, s17, s23, $0xb8;
	[tilespmem:$0x1EC60] =	vst v63  }
0x12a: {  	_ =	swait.ge [sflag:s25], $0x8000  }
0x12b: {  	[sflag:s25] =	ssyncset.done $0x0  }
0x12c: {  	s17 =	simm.s32 $0x3400;
	[sflag:s25] =	ssyncadd.s32 $0xFFFF8000  }
0x12d: {  	[spmem:s1] =	stream.indirect.scatter.add.bf16 [tilespmem:s22], [sflag:$0x3], $0x40, s17, s23, $0xb8;
	[tilespmem:$0x1EC60] =	vst v63  }
0x12e: {  	_ =	swait.ge [sflag:s26], $0x8000  }
0x12f: {  	[sflag:s26] =	ssyncset.done $0x0  }
0x130: {  	s17 =	simm.s32 $0x3600;
	[sflag:s26] =	ssyncadd.s32 $0xFFFF8000  }
0x131: {  	[spmem:s1] =	stream.indirect.scatter.add.bf16 [tilespmem:s24], [sflag:$0x4], $0x40, s17, s23, $0xb8;
	[tilespmem:$0x1EC60] =	vst v63  }
0x132: {  	_ =	swait.ge [sflag:s29], $0x8000  }
0x133: {  	[sflag:s29] =	ssyncset.done $0x0  }
0x134: {  	s17 =	simm.s32 $0x1000;
	[sflag:s29] =	ssyncadd.s32 $0xFFFF8000  }
0x135: {  	[tilespmem:s22], [sflag:$0x1] =	stream.indirect.gather [hbm4b:s5+s23], $0x40, s17, s23, $0xb8;
	[tilespmem:$0x1EC60] =	vst v63  }
0x136: {  	_ =	swait.ge [sflag:s31], $0x8000  }
0x137: {  	[sflag:s31] =	ssyncset.done $0x0  }
0x138: {  	s17 =	simm.s32 $0x1200;
	[sflag:s31] =	ssyncadd.s32 $0xFFFF8000  }
0x139: {  	[tilespmem:s24], [sflag:$0x2] =	stream.indirect.gather [hbm4b:s5+s23], $0x40, s17, s23, $0xb8;
	[tilespmem:$0x1EC60] =	vst v63  }
0x13a: {  	_ =	swait.ge [sflag:s25], $0x8000  }
0x13b: {  	[sflag:s25] =	ssyncset.done $0x0  }
0x13c: {  	s17 =	simm.s32 $0x3800;
	[sflag:s25] =	ssyncadd.s32 $0xFFFF8000  }
0x13d: {  	[spmem:s1] =	stream.indirect.scatter.add.bf16 [tilespmem:s22], [sflag:$0x3], $0x40, s17, s23, $0xb8;
	[tilespmem:$0x1EC60] =	vst v63  }
0x13e: {  	_ =	swait.ge [sflag:s26], $0x8000  }
0x13f: {  	[sflag:s26] =	ssyncset.done $0x0  }
0x140: {  	s17 =	simm.s32 $0x3A00;
	[sflag:s26] =	ssyncadd.s32 $0xFFFF8000  }
0x141: {  	[spmem:s1] =	stream.indirect.scatter.add.bf16 [tilespmem:s24], [sflag:$0x4], $0x40, s17, s23, $0xb8;
	[tilespmem:$0x1EC60] =	vst v63  }
0x142: {  	_ =	swait.ge [sflag:s29], $0x8000  }
0x143: {  	[sflag:s29] =	ssyncset.done $0x0  }
0x144: {  	s17 =	simm.s32 $0x1400;
	[sflag:s29] =	ssyncadd.s32 $0xFFFF8000  }
0x145: {  	[tilespmem:s22], [sflag:$0x1] =	stream.indirect.gather [hbm4b:s5+s23], $0x40, s17, s23, $0xb8;
	[tilespmem:$0x1EC60] =	vst v63  }
0x146: {  	_ =	swait.ge [sflag:s31], $0x8000  }
0x147: {  	[sflag:s31] =	ssyncset.done $0x0  }
0x148: {  	s17 =	simm.s32 $0x1600;
	[sflag:s31] =	ssyncadd.s32 $0xFFFF8000  }
0x149: {  	[tilespmem:s24], [sflag:$0x2] =	stream.indirect.gather [hbm4b:s5+s23], $0x40, s17, s23, $0xb8;
	[tilespmem:$0x1EC60] =	vst v63  }
0x14a: {  	_ =	swait.ge [sflag:s25], $0x8000  }
0x14b: {  	[sflag:s25] =	ssyncset.done $0x0  }
0x14c: {  	s17 =	simm.s32 $0x3C00;
	[sflag:s25] =	ssyncadd.s32 $0xFFFF8000  }
0x14d: {  	[spmem:s1] =	stream.indirect.scatter.add.bf16 [tilespmem:s22], [sflag:$0x3], $0x40, s17, s23, $0xb8;
	[tilespmem:$0x1EC60] =	vst v63  }
0x14e: {  	_ =	swait.ge [sflag:s26], $0x8000  }
0x14f: {  	[sflag:s26] =	ssyncset.done $0x0  }
0x150: {  	s17 =	simm.s32 $0x3E00;
	[sflag:s26] =	ssyncadd.s32 $0xFFFF8000  }
0x151: {  	[spmem:s1] =	stream.indirect.scatter.add.bf16 [tilespmem:s24], [sflag:$0x4], $0x40, s17, s23, $0xb8;
	[tilespmem:$0x1EC60] =	vst v63  }
0x152: {  	_ =	swait.ge [sflag:s29], $0x8000  }
0x153: {  	[sflag:s29] =	ssyncset.done $0x0  }
0x154: {  	s17 =	simm.s32 $0x1800;
	[sflag:s29] =	ssyncadd.s32 $0xFFFF8000  }
0x155: {  	[tilespmem:s22], [sflag:$0x1] =	stream.indirect.gather [hbm4b:s5+s23], $0x40, s17, s23, $0xb8;
	[tilespmem:$0x1EC60] =	vst v63  }
0x156: {  	_ =	swait.ge [sflag:s31], $0x8000  }
0x157: {  	[sflag:s31] =	ssyncset.done $0x0  }
0x158: {  	s17 =	simm.s32 $0x1A00;
	[sflag:s31] =	ssyncadd.s32 $0xFFFF8000  }
0x159: {  	[tilespmem:s24], [sflag:$0x2] =	stream.indirect.gather [hbm4b:s5+s23], $0x40, s17, s23, $0xb8;
	[tilespmem:$0x1EC60] =	vst v63  }
0x15a: {  	_ =	swait.ge [sflag:s25], $0x8000  }
0x15b: {  	[sflag:s25] =	ssyncset.done $0x0  }
0x15c: {  	s17 =	simm.s32 $0x4000;
	[sflag:s25] =	ssyncadd.s32 $0xFFFF8000  }
0x15d: {  	[spmem:s1] =	stream.indirect.scatter.add.bf16 [tilespmem:s22], [sflag:$0x3], $0x40, s17, s23, $0xb8;
	[tilespmem:$0x1EC60] =	vst v63  }
0x15e: {  	_ =	swait.ge [sflag:s26], $0x8000  }
0x15f: {  	[sflag:s26] =	ssyncset.done $0x0  }
0x160: {  	s17 =	simm.s32 $0x4200;
	[sflag:s26] =	ssyncadd.s32 $0xFFFF8000  }
0x161: {  	[spmem:s1] =	stream.indirect.scatter.add.bf16 [tilespmem:s24], [sflag:$0x4], $0x40, s17, s23, $0xb8;
	[tilespmem:$0x1EC60] =	vst v63  }
0x162: {  	_ =	swait.ge [sflag:s29], $0x8000  }
0x163: {  	[sflag:s29] =	ssyncset.done $0x0  }
0x164: {  	s17 =	simm.s32 $0x1C00;
	[sflag:s29] =	ssyncadd.s32 $0xFFFF8000  }
0x165: {  	[tilespmem:s22], [sflag:$0x1] =	stream.indirect.gather [hbm4b:s5+s23], $0x40, s17, s23, $0xb8;
	[tilespmem:$0x1EC60] =	vst v63  }
0x166: {  	_ =	swait.ge [sflag:s31], $0x8000  }
0x167: {  	[sflag:s31] =	ssyncset.done $0x0  }
0x168: {  	s17 =	simm.s32 $0x1E00;
	[sflag:s31] =	ssyncadd.s32 $0xFFFF8000  }
0x169: {  	[tilespmem:s24], [sflag:$0x2] =	stream.indirect.gather [hbm4b:s5+s23], $0x40, s17, s23, $0xb8;
	[tilespmem:$0x1EC60] =	vst v63  }
0x16a: {  	_ =	swait.ge [sflag:s25], $0x8000  }
0x16b: {  	[sflag:s25] =	ssyncset.done $0x0  }
0x16c: {  	s17 =	simm.s32 $0x4400;
	[sflag:s25] =	ssyncadd.s32 $0xFFFF8000  }
0x16d: {  	[spmem:s1] =	stream.indirect.scatter.add.bf16 [tilespmem:s22], [sflag:$0x3], $0x40, s17, s23, $0xb8;
	[tilespmem:$0x1EC60] =	vst v63  }
0x16e: {  	_ =	swait.ge [sflag:s26], $0x8000  }
0x16f: {  	[sflag:s26] =	ssyncset.done $0x0  }
0x170: {  	s17 =	simm.s32 $0x4600;
	[sflag:s26] =	ssyncadd.s32 $0xFFFF8000  }
0x171: {  	[spmem:s1] =	stream.indirect.scatter.add.bf16 [tilespmem:s24], [sflag:$0x4], $0x40, s17, s23, $0xb8;
	[tilespmem:$0x1EC60] =	vst v63  }
0x172: {  	_ =	swait.ge [sflag:s29], $0x8000  }
0x173: {  	[sflag:s29] =	ssyncset.done $0x0  }
0x174: {  	s17 =	simm.s32 $0x2000;
	[sflag:s29] =	ssyncadd.s32 $0xFFFF8000  }
0x175: {  	[tilespmem:s22], [sflag:$0x1] =	stream.indirect.gather [hbm4b:s5+s23], $0x40, s17, s23, $0xb8;
	[tilespmem:$0x1EC60] =	vst v63  }
0x176: {  	_ =	swait.ge [sflag:s31], $0x8000  }
0x177: {  	[sflag:s31] =	ssyncset.done $0x0  }
0x178: {  	s17 =	simm.s32 $0x2200;
	[sflag:s31] =	ssyncadd.s32 $0xFFFF8000  }
0x179: {  	[tilespmem:s24], [sflag:$0x2] =	stream.indirect.gather [hbm4b:s5+s23], $0x40, s17, s23, $0xb8;
	[tilespmem:$0x1EC60] =	vst v63  }
0x17a: {  	_ =	swait.ge [sflag:s25], $0x8000  }
0x17b: {  	[sflag:s25] =	ssyncset.done $0x0  }
0x17c: {  	s17 =	simm.s32 $0x4800;
	[sflag:s25] =	ssyncadd.s32 $0xFFFF8000  }
0x17d: {  	[spmem:s1] =	stream.indirect.scatter.add.bf16 [tilespmem:s22], [sflag:$0x3], $0x40, s17, s23, $0xb8;
	[tilespmem:$0x1EC60] =	vst v63  }
0x17e: {  	_ =	swait.ge [sflag:s26], $0x8000  }
0x17f: {  	[sflag:s26] =	ssyncset.done $0x0  }
0x180: {  	s17 =	simm.s32 $0x4A00;
	[sflag:s26] =	ssyncadd.s32 $0xFFFF8000  }
0x181: {  	[spmem:s1] =	stream.indirect.scatter.add.bf16 [tilespmem:s24], [sflag:$0x4], $0x40, s17, s23, $0xb8;
	[tilespmem:$0x1EC60] =	vst v63  }
0x182: {  	_ =	swait.ge [sflag:s29], $0x8000  }
0x183: {  	[sflag:s29] =	ssyncset.done $0x0  }
0x184: {  	s17 =	simm.s32 $0x2400;
	[sflag:s29] =	ssyncadd.s32 $0xFFFF8000  }
0x185: {  	[tilespmem:s22], [sflag:$0x1] =	stream.indirect.gather [hbm4b:s5+s23], $0x40, s17, s23, $0xb8;
	[tilespmem:$0x1EC60] =	vst v63  }
0x186: {  	_ =	swait.ge [sflag:s31], $0x8000  }
0x187: {  	[sflag:s31] =	ssyncset.done $0x0  }
0x188: {  	[sflag:s31] =	ssyncadd.s32 $0xFFFF8000  }
0x189: {  	[tilespmem:s24], [sflag:$0x2] =	stream.indirect.gather [hbm4b:s5+s23], $0x40, s30, s23, $0xb8;
	[tilespmem:$0x1EC60] =	vst v63  }
0x18a: {  	_ =	swait.ge [sflag:s25], $0x8000  }
0x18b: {  	[sflag:s25] =	ssyncset.done $0x0  }
0x18c: {  	[sflag:s25] =	ssyncadd.s32 $0xFFFF8000  }
0x18d: {  	[spmem:s1] =	stream.indirect.scatter.add.bf16 [tilespmem:s22], [sflag:$0x3], $0x40, s18, s23, $0xb8;
	[tilespmem:$0x1EC60] =	vst v63  }
0x18e: {  	_ =	swait.ge [sflag:s26], $0x8000  }
0x18f: {  	[sflag:s26] =	ssyncset.done $0x0  }
0x190: {  	[sflag:s26] =	ssyncadd.s32 $0xFFFF8000  }
0x191: {  	[spmem:s1] =	stream.indirect.scatter.add.bf16 [tilespmem:s24], [sflag:$0x4], $0x40, s6, s23, $0xb8;
	[tilespmem:$0x1EC60] =	vst v63  }
0x192: {  	_ =	swait.ge [sflag:s29], $0x8000  }
0x193: {  	[sflag:s29] =	ssyncset.done $0x0  }
0x194: {  	[sflag:s29] =	ssyncadd.s32 $0xFFFF8000  }
0x195: {  	_ =	swait.ge [sflag:s31], $0x8000  }
0x196: {  	[sflag:s31] =	ssyncset.done $0x0  }
0x197: {  	[sflag:s31] =	ssyncadd.s32 $0xFFFF8000  }
0x198: {  	s17 =	sshll.u32 s2, $0x6;
	[bflag:$0x0] =	sbarrier.arrive $0xFFFF  }
0x199: {  	s7 =	sor.u32 $0x1C05, s17;
	s17 =	sshrl.u32 s10, $0x3;
	s28 =	rddreg [dreg:$0x5]  }
0x19a: {  	[hbm:s28], [sflag:s7] =	dma.local [spmem:s17], $0x1380  }
.Ltmp6:
0x19b: {  	_ = 	snop;
	(pc) =	sbr.rel @p0 .LBB2_7-.Ltmp6, $4  }
.Ltmp7:
0x19c: {  	_ = 	snop;
	(pc) =	sbr.rel @!p0 .LBB2_6-.Ltmp7, $4  }
0x19d: {  	_ =	swait.ge [sflag:s20], $0x1380  }
0x19e: {  	[sflag:s20] =	ssyncset.done $0x0  }
0x19f: {  	s28 =	rddreg [dreg:$0x4];
	[sflag:s20] =	ssyncadd.s32 $0xFFFFEC80  }
0x1a0: {  	_ = 	snop  }
.LBB2_8:
0x1a1: {  	_ =	sfence.sel $0x180000  }
0x1a2: {  	[bflag:$0x0] =	sbarrier.arrive $0xFFFF  }
0x1a3: {  	_ =	strace $0x9000004A  }
0x1a4: {  	[bflag:$0x2] =	sbarrier.arrive $0xFFFF  }
0x1a5: {  	p0 =	sne.s32 s2, $0x0;
	s0 =	rddreg [dreg:$0x2]  }
0x1a6: {  	s0 =	sadd.s32 @!p0 $0x100000, s0  }
0x1a7: {  	[sflag:s0] =	ssyncadd.tile.s32 @!p0 $0x1;
	_ =	shalt  }
.Lfunc_end2:
_tile_overlayer_lowered:
.L_overlay_start_2:
0x1a8: {  	(tag) =	ssettag $0x2  }
0x1a9: {  	s0 =	rddreg [dreg:$0x0];
	s2 =	stileid.u32  }
0x1aa: {  	s1 =	rddreg [dreg:$0x1];
	p0 =	sne.s32 s2, $0x0  }
0x1ab: {  	s3 =	rddreg [dreg:$0x2];
	[bflag:$0x3] =	sbarrier.arrive $0xFFFF;
	s2 =	simm.s32 @!p0 $0x1C05  }
0x1ac: {  	[timem:s3], [sflag:s2] =	dma.local @!p0 [hbm:s0], s1  }
0x1ad: {  	s0 =	simm.s32 @!p0 $0x5  }
0x1ae: {  	_ =	swait.ge @!p0 [sflag:s0], s1  }
0x1af: {  	s1 =	ssub.s32 @!p0 $0x0, s1;
	[sflag:s0] =	ssyncset.done @!p0 $0x0  }
0x1b0: {  	[sflag:s0] =	ssyncadd.s32 @!p0 s1  }
0x1b1: {  	[bflag:$0x3] =	sbarrier.arrive $0xFFFF  }
0x1b2: {  	_ =	shalt  }

// kernel: scatter_offload_async_start
scs
__scs_entry_jumppad:
0x0: {  	(pc) =	sbr.rel $0x88, $3  }
0x1: {  	(tag) =	ssettag $0x0;
	lr =	simm.s32 $0x1  }
0x2: {  	[smem:$0x3F99] =	sst lr;
	_ =	strace $0xD0000000  }
0x3: {  	_ = 	snop  }
0x4: {  	_ = 	snop  }
0x5: {  	_ = 	snop  }
0x6: {  	_ = 	snop  }
0x7: {  	_ = 	snop  }
__scs_overlays_trampoline_lowered:
0x8: {  	[smem:$0x3FA8] =	sst s0  }
0x9: {  	[smem:$0x3FA9] =	sst s1  }
0xa: {  	[smem:$0x3FAA] =	sst s2  }
0xb: {  	[smem:$0x3FAB] =	sst s3  }
0xc: {  	[smem:$0x3FAC] =	sst s4  }
0xd: {  	[smem:$0x3FAD] =	sst s5  }
0xe: {  	[smem:$0x3FAE] =	sst s6  }
0xf: {  	[smem:$0x3FAF] =	sst s7  }
0x10: {  	[smem:$0x3FB0] =	sst s8  }
0x11: {  	[smem:$0x3FB1] =	sst s9;
	s0 =	simm.s32 @!p0 $0x0  }
0x12: {  	s1 =	sld [smem:$0x3F97];
	s0 =	simm.s32 @p0 $0x1  }
0x13: {  	[smem:$0x3FB2] =	sst s0;
	s0 =	simm.s32 @!p1 $0x0  }
0x14: {  	s2 =	sld [smem:$0x3F96];
	s0 =	simm.s32 @p1 $0x1  }
0x15: {  	[smem:$0x3FB3] =	sst s0;
	s0 =	simm.s32 @!p2 $0x0  }
0x16: {  	s3 =	sld [smem:$0x3FDB];
	s0 =	simm.s32 @p2 $0x1  }
0x17: {  	s4 =	simm.s32 $0x1BF5;
	[smem:$0x3FB5] =	sst s0  }
0x18: {  	s0 =	sld [smem:$0x3F98];
	_ =	swait.ge [sflag:s4], $0x0  }
0x19: {  	s7 =	sld [smem:$0x3F99]  }
0x1a: {  	s8 =	sadd.s32 $0xFFFFE003, lr  }
0x1b: {  	s9 =	sadd.s32 $0xFFFFFEF7, lr;
	s5 =	simm.s32 $0xFFFFFFFF;
	p2 =	slt.u32 s8, $0xFFFFF086  }
0x1c: {  	p1 =	slt.u32 s9, $0xF7A;
	s5 =	simm.s32 @!p2 $0x0  }
0x1d: {  	s5 =	simm.s32 @p1 $0x1;
	p0 =	seq.s32 s7, s2  }
0x1e: {  	s7 =	smul.u32 @!p0 $0xF7A, s2;
	p2 =	seq.s32 @!p0 s5, $0x0  }
0x1f: {  	s9 =	smul.u32 $0xF7A, s1;
	s8 =	simm.s32 @!p0 $0x1BF5;
	p2 =	por !p2, p0  }
0x20: {  	[sflag:s8] =	ssyncset.s32 @!p0 $0xFFFFF086;
	s6 =	sadd.s32 @!p0 s3, s7;
	s7 =	simm.s32 @!p0 $0x108  }
0x21: {  	s3 =	sadd.s32 s3, s9;
	s6 =	sadd.s32 @!p0 $0x88, s6;
	s7 =	simm.s32 @p2 $0x1082  }
0x22: {  	[simem:s7], [sflag:s8] =	dma.local @!p0 [hbm:s6], $0xF7A  }
0x23: {  	s9 =	sor.u32 $0xD0000000, s2;
	s6 =	simm.s32 $0x108;
	_ =	swait.ge @!p0 [sflag:s8], $0x0  }
0x24: {  	s3 =	sadd.s32 $0x88, s3;
	s6 =	simm.s32 @!p1 $0x1082;
	[sflag:s4] =	ssyncset.s32 $0xFFFFF086  }
0x25: {  	[simem:s6], [sflag:s4] =	dma.local [hbm:s3], $0xF7A  }
0x26: {  	[smem:$0x3F99] =	sst s1;
	(tag) =	ssettag s2;
	_ =	strace s9  }
0x27: {  	s1 =	sld [smem:$0x3FA9]  }
0x28: {  	s2 =	sld [smem:$0x3FAA]  }
0x29: {  	s4 =	sld [smem:$0x3FAC]  }
0x2a: {  	p0 =	seq.s32 s5, $0x0;
	s5 =	sld [smem:$0x3FAD]  }
0x2b: {  	s6 =	sld [smem:$0x3FAE]  }
0x2c: {  	s7 =	sld [smem:$0x3FAF]  }
0x2d: {  	s3 =	simm.s32 $0x108;
	s8 =	sld [smem:$0x3FB0]  }
0x2e: {  	s3 =	simm.s32 @!p0 $0x1082;
	s9 =	sld [smem:$0x3FB1]  }
0x2f: {  	lr =	sadd.s32 s0, s3;
	s0 =	sld [smem:$0x3FA8]  }
0x30: {  	s3 =	sld [smem:$0x3FAB]  }
0x31: {  	[smem:$0x3FB4] =	sst s10  }
0x32: {  	s10 =	sld [smem:$0x3FB2];
	_ =	sdelay $0x3  }
0x33: {  	p0 =	seq.s32 s10, $0x1;
	s10 =	sld [smem:$0x3FB4];
	_ =	sdelay $0x3  }
0x34: {  	[smem:$0x3FB4] =	sst s10  }
0x35: {  	s10 =	sld [smem:$0x3FB3];
	_ =	sdelay $0x3  }
0x36: {  	p1 =	seq.s32 s10, $0x1;
	s10 =	sld [smem:$0x3FB4];
	_ =	sdelay $0x3  }
0x37: {  	[smem:$0x3FB4] =	sst s10  }
0x38: {  	s10 =	sld [smem:$0x3FB5]  }
0x39: {  	_ = 	snop;
	(pc) =	sbr.ind lr, $3  }
0x3a: {  	_ = 	snop  }
0x3b: {  	_ = 	snop  }
0x3c: {  	p2 =	seq.s32 s10, $0x1;
	s10 =	sld [smem:$0x3FB4]  }
0x3d: {  	_ =	shalt  }
0x3e: {  	_ =	shalt  }
0x3f: {  	_ =	shalt  }
0x40: {  	_ =	shalt  }
0x41: {  	_ =	shalt  }
0x42: {  	_ =	shalt  }
0x43: {  	_ =	shalt  }
0x44: {  	_ =	shalt  }
0x45: {  	_ =	shalt  }
0x46: {  	_ =	shalt  }
0x47: {  	_ =	shalt  }
0x48: {  	_ =	shalt  }
0x49: {  	_ =	shalt  }
0x4a: {  	_ =	shalt  }
0x4b: {  	_ =	shalt  }
0x4c: {  	_ =	shalt  }
0x4d: {  	_ =	shalt  }
0x4e: {  	_ =	shalt  }
0x4f: {  	_ =	shalt  }
0x50: {  	_ =	shalt  }
0x51: {  	_ =	shalt  }
0x52: {  	_ =	shalt  }
0x53: {  	_ =	shalt  }
0x54: {  	_ =	shalt  }
0x55: {  	_ =	shalt  }
0x56: {  	_ =	shalt  }
0x57: {  	_ =	shalt  }
0x58: {  	_ =	shalt  }
0x59: {  	_ =	shalt  }
0x5a: {  	_ =	shalt  }
0x5b: {  	_ =	shalt  }
0x5c: {  	_ =	shalt  }
0x5d: {  	_ =	shalt  }
0x5e: {  	_ =	shalt  }
0x5f: {  	_ =	shalt  }
0x60: {  	_ =	shalt  }
0x61: {  	_ =	shalt  }
0x62: {  	_ =	shalt  }
0x63: {  	_ =	shalt  }
0x64: {  	_ =	shalt  }
0x65: {  	_ =	shalt  }
0x66: {  	_ =	shalt  }
0x67: {  	_ =	shalt  }
0x68: {  	_ =	shalt  }
0x69: {  	_ =	shalt  }
0x6a: {  	_ =	shalt  }
0x6b: {  	_ =	shalt  }
0x6c: {  	_ =	shalt  }
0x6d: {  	_ =	shalt  }
0x6e: {  	_ =	shalt  }
0x6f: {  	_ =	shalt  }
0x70: {  	_ =	shalt  }
0x71: {  	_ =	shalt  }
0x72: {  	_ =	shalt  }
0x73: {  	_ =	shalt  }
0x74: {  	_ =	shalt  }
0x75: {  	_ =	shalt  }
0x76: {  	_ =	shalt  }
0x77: {  	_ =	shalt  }
0x78: {  	_ =	shalt  }
0x79: {  	_ =	shalt  }
0x7a: {  	_ =	shalt  }
0x7b: {  	_ =	shalt  }
0x7c: {  	_ =	shalt  }
0x7d: {  	_ =	shalt  }
0x7e: {  	_ =	shalt  }
0x7f: {  	_ =	shalt  }
0x80: {  	_ =	shalt  }
0x81: {  	_ =	shalt  }
0x82: {  	_ =	shalt  }
0x83: {  	_ =	shalt  }
0x84: {  	_ =	shalt  }
0x85: {  	_ =	shalt  }
0x86: {  	_ =	shalt  }
0x87: {  	_ =	shalt  }
.Lfunc_end0:
.L_simem_size_0:
called_computation_lowered:
.L_overlay_start_0:
0x88: {  	s0 =	sld [smem:$0x3FD9]  }
0x89: {  	s1 =	sld [smem:$0x3FFE];
	_ =	sdelay $0x3  }
0x8a: {  	s0 =	sadd.s32 s1, s0  }
0x8b: {  	[smem:$0x3FC0] =	sst s0  }
0x8c: {  	_ = 	snop  }
0x8d: {  	s0 =	sld [smem:$0x3FD0];
	(tm) =	ssettm $0x1  }
0x8e: {  	s16 =	sld [smem:$0x3FFB];
	_ =	sdelay $0x3  }
0x8f: {  	_ =	strace s16  }
0x90: {  	s1 =	sld [smem:$0x3FFC];
	_ =	sdelay $0x3  }
0x91: {  	_ =	strace s1  }
0x92: {  	s1 =	sld [smem:$0x3FFD];
	_ =	sdelay $0x3  }
0x93: {  	_ =	strace s1  }
0x94: {  	_ =	strace $0x8FFFFFFF  }
0x95: {  	s17 =	sld [smem:$0x3FDB];
	_ =	sdelay $0x1  }
0x96: {  	s2 =	simm.s32 $_scs_section_size  }
0x97: {  	s3 =	simm.s32 $_size__tile_overlayer_lowered;
	s4 =	simm.s32 $_tile_overlayer_lowered  }
0x98: {  	s20 =	simm.s32 $0x1BFF;
	s19 =	sshll.u32 s4, $0x1;
	s1 =	sadd.s32 s2, s17  }
0x99: {  	s5 =	simm.s32 $0x0;
	s18 =	sshll.u32 s3, $0x1;
	s3 =	sadd.s32 s19, s1  }
0x9a: {  	[timem:s5], [sflag:s20] =	dma.local [hbm:s3], s18  }
0x9b: {  	_ =	swait.ge [sflag:s20], s18  }
0x9c: {  	s2 =	ssub.s32 $0x0, s18;
	[sflag:s20] =	ssyncset.done $0x0  }
0x9d: {  	[sflag:s20] =	ssyncadd.s32 s2;
	_ =	sdelay $0x1  }
0x9e: {  	s21 =	simm.s32 $0x1B8B  }
0x9f: {  	_ =	swait.ge [sflag:s21], $0x1  }
0xa0: {  	[sflag:s21] =	ssyncset.done $0x0  }
0xa1: {  	s23 =	simm.s32 $0x1B8E;
	s22 =	sld [smem:$0x3FFE];
	[sflag:s21] =	ssyncadd.s32 $0xFFFFFFFF  }
0xa2: {  	s24 =	simm.s32 $execute0_lowered;
	[smem:$0x3FD2] =	sst s23  }
0xa3: {  	s3 =	sshll.u32 s24, $0x1;
	_ =	strace $0x80000046;
	[dreg:$0x1] =	wrdreg $0xFFFFFFFF  }
0xa4: {  	s25 =	simm.s32 $_size_execute0_lowered;
	s1 =	sadd.s32 s1, s3;
	[dreg:$0x0] =	wrdreg $0x0  }
0xa5: {  	s3 =	sshll.u32 s25, $0x1;
	[dreg:$0x2] =	wrdreg s1  }
0xa6: {  	[dreg:$0x3] =	wrdreg s3  }
0xa7: {  	[dreg:$0x4] =	wrdreg $0xC0  }
0xa8: {  	_ =	task [dreg:s5], $0x5FFFF  }
0xa9: {  	[dreg:$0x1] =	wrdreg $0xFFFFFFFF  }
0xaa: {  	[dreg:$0x0] =	wrdreg $0x60  }
0xab: {  	[dreg:$0x2] =	wrdreg s22  }
0xac: {  	[dreg:$0x3] =	wrdreg s0  }
0xad: {  	[dreg:$0x4] =	wrdreg $0x9  }
0xae: {  	_ =	task.clear_ibuf [dreg:s5], $0x5FFFF;
	_ =	strace $0x90000046  }
0xaf: {  	s26 =	simm.s32 $0x9;
	_ =	strace $0x80000048  }
0xb0: {  	_ =	swait.ge [sflag:s26], $0x1  }
0xb1: {  	[sflag:s26] =	ssyncadd.s32 $0xFFFFFFFF  }
0xb2: {  	_ =	strace $0x90000048  }
0xb3: {  	_ =	sfence  }
0xb4: {  	s28 =	sld [smem:$0x0];
	_ =	sdelay $0x1  }
0xb5: {  	s29 =	srdreg.scid  }
0xb6: {  	s30 =	sshll.u32 s29, $0xD;
	s31 =	sshrl.u32 s29, $0x2  }
0xb7: {  	s2 =	sand.u32 $0x4000, s30;
	s1 =	sand.u32 $0x1, s29;
	s0 =	sadd.s32 s31, s28  }
0xb8: {  	s1 =	sor.u32 s2, s1;
	s0 =	sshll.u32 s0, $0x11  }
0xb9: {  	s0 =	sor.u32 s0, s1  }
0xba: {  	s0 =	sadd.s32 $0x8F2B, s0  }
0xbb: {  	[sflag:s0] =	ssyncadd.remote.s32 $0x1  }
0xbc: {  	_ =	sfence.sel $0xFFFF  }
0xbd: {  	[dreg:$0x0] =	wrdreg $0xFFFFFFFF;
	(pc) =	sbr.abs _section_cstart, $3  }
0xbe: {  	[dreg:$0x1] =	wrdreg $0xFFFFFFFF  }
0xbf: {  	_ =	task.clear_ibuf [dreg:s5], $0x2FFFF;
	_ =	strace $0x9FFFFFFF  }
0xc0: {  	(tm) =	ssettm $0x7FFFFFFF  }
0xc1: {  	_ =	shalt  }
tec
execute0_lowered:
.L_overlay_start_1:
0x0: {  	(tag) =	ssettag $0x1  }
0x1: {  	s0 =	rddreg [dreg:$0x0]  }
0x2: {  	s3 =	rddreg [dreg:$0x1];
	s14 =	stileid.u32  }
0x3: {  	_ =	strace $0x80000047;
	s2 =	simm.s32 $0x1;
	s1 =	smin.u32 s14, $0x4  }
0x4: {  	v1 =	vimm.s32 $0xFFFFFFFF;
	[sflag:s2] =	ssyncpa.u1 $0x0;
	s1 =	sadd.s32 s14, s1  }
0x5: {  	p0 =	slt.u32 s14, $0x4;
	[tilespmem:$0x10] =	vst v1;
	s4 =	smul.u32 $0x1F40, s1;
	s1 =	simm.s32 $0x3E80  }
0x6: {  	v0 =	vimm.f32 $0.0e+00;
	[tilespmem:$0x20] =	vst v1;
	s1 =	simm.s32 @!p0 $0x1F40  }
0x7: {  	[tilespmem:$0x30] =	vst v0;
	s1 =	sadd.s32 s1, s4  }
0x8: {  	[tilespmem:$0x40] =	vst v0;
	s5 =	smin.u32 s1, $0x27100  }
0x9: {  	[tilespmem:$0x50] =	vst v0;
	s9 =	ssub.s32 s5, s4  }
0xa: {  	s7 =	simm.s32 $0x2;
	[tilespmem:$0x60] =	vst v1;
	p0 =	sgt.s32 s9, $0x0  }
0xb: {  	s8 =	simm.s32 $0x8;
	s31 =	simm.s32 $0x9;
	[tilespmem:$0x70] =	vst v1;
	s9 =	simm.s32 @!p0 $0x0  }
0xc: {  	s16 =	simm.s32 $0x0;
	s17 =	simm.s32 $0xF0;
	[tilespmem:$0x80] =	vst v1;
	s30 =	smulhi.u32 $0x10624DD3, s9  }
0xd: {  	s18 =	simm.s32 $0xFFFFFFFF;
	s19 =	simm.s32 $0xFFFFC280;
	s20 =	simm.s32 $0xFFFFFFFE;
	v1 =	vimm.s32 $0x0;
	[tilespmem:$0xB0] =	vst v0  }
0xe: {  	s21 =	simm.s32 $0xF;
	s25 =	simm.s32 $0x0;
	[tilespmem:$0x90] =	vst v1;
	s10 =	sshrl.u32 s30, $0x9  }
0xf: {  	[tilespmem:$0xA0] =	vst v1;
	[sflag:s7] =	ssyncpa.u1 $0x0;
	s7 =	simm.s32 $0x7;
	s11 =	smul.u32 $0x1F40, s10  }
0x10: {  	s24 =	simm.s32 $0x0;
	s6 =	sadd.s32 $0xB800, s0;
	[sflag:s7] =	ssyncpa.u1 $0x0  }
.Ltmp0:
0x11: {  	[sflag:s8] =	ssyncpa.u1 $0x0;
	p0 =	sne.s32 s9, s11;
	(pc) =	sbr.rel .LBB2_1-.Ltmp0, $4  }
0x12: {  	s23 =	smov.u32 s4;
	s1 =	sadd.s32 $0x10800, s0;
	s2 =	simm.s32 @!p0 $0x0  }
0x13: {  	[sflag:s31] =	ssyncpa.u1 $0x0;
	p0 =	por $0x0, $0x0;
	s9 =	sadd.s32 s2, s10  }
0x14: {  	vm0 =	vmmov $0xffff;
	v2 =	vlaneseq.u32;
	s10 =	sshll.u32 s14, $0x1;
	s14 =	sshllo.u32 s14, $0x1;
	s11 =	sadd.s32 $0x1, s9  }
0x15: {  	vm1 =	vmxor vm1, vm1;
	vm2 =	vmmov $0x1;
	vm3 =	vcmask $0x3F3C;
	s12 =	sadd.s32 $0x2, s9;
	s13 =	sor.u32 $0x81, s10;
	s15 =	sor.u32 $0x80, s10  }
.LBB2_9:
0x16: {  	p1 =	slt.u32 s24, $0x3  }
0x17: {  	s0 =	simm.s32 @!p1 $0x2  }
0x18: {  	_ =	swait.ge @!p1 [sflag:s0], $0x1F40  }
0x19: {  	[sflag:s0] =	ssyncset.done @!p1 $0x0  }
0x1a: {  	[sflag:s0] =	ssyncadd.s32 @!p1 $0xFFFFE0C0;
	s0 =	simm.s32 @!p1 $0x9  }
0x1b: {  	_ =	swait.ge @!p1 [sflag:s0], $0x10  }
0x1c: {  	[sflag:s0] =	ssyncset.done @!p1 $0x0  }
0x1d: {  	[sflag:s0] =	ssyncadd.s32 @!p1 $0xFFFFFFF0;
	p1 =	sne.s32 s24, s12  }
.Ltmp1:
0x1e: {  	s2 =	sadd.s32 $0x1F40, s23;
	(pc) =	sbr.rel @!p1 .LBB2_10-.Ltmp1, $4  }
0x1f: {  	s22 =	smov.u32 s4;
	s31 =	sadd.s32 $0x1, s24;
	s17 =	sadd.s32 $0x1F40, s17  }
0x20: {  	s18 =	sadd.s32 $0x1, s18;
	s25 =	smov.u32 s23;
	p2 =	slt.s32 s2, s5  }
0x21: {  	p0 =	por !p0, !p0;
	s19 =	sadd.s32 $0x1F40, s19;
	s22 =	smov.u32 @p2 s2  }
0x22: {  	s20 =	sadd.s32 $0x1, s20;
	s23 =	smov.u32 s22;
	s24 =	smov.u32 s31  }
.LBB2_1:
0x23: {  	p1 =	sge.u32 s24, s9  }
0x24: {  	s0 =	smulhi.u32 @!p1 $0xAAAAAAAB, s24;
	_ =	sdelay $0x1  }
0x25: {  	s0 =	sshrl.u32 @!p1 s0, $0x1  }
0x26: {  	s0 =	smul.u32 @!p1 $0x3, s0;
	_ =	sdelay $0x1  }
0x27: {  	s0 =	ssub.s32 @!p1 s24, s0  }
0x28: {  	s0 =	smul.u32 @!p1 $0x7D00, s0;
	_ =	sdelay $0x1  }
0x29: {  	s2 =	sshrl.u32 @!p1 s23, $0x3;
	s0 =	sshrl.u32 @!p1 s0, $0x2  }
0x2a: {  	s22 =	sand.u32 @!p1 $0x7, s23;
	s2 =	sadd.s32 @!p1 s3, s2;
	s0 =	sadd.s32 @!p1 $0x100, s0  }
0x2b: {  	[tilespmem:s0], [sflag:$0x7] =	stream.linear.gather @!p1 [hbm4b:s2+s22], $0x1F40, $0x38;
	[tilespmem:$0x11A60] =	vst v63  }
0x2c: {  	s0 =	sadd.s32 $0xFFFFFFFF, s24  }
0x2d: {  	p1 =	sge.u32 s0, s9  }
.Ltmp2:
0x2e: {  	_ = 	snop;
	(pc) =	sbr.rel @p1 .LBB2_5-.Ltmp2, $1  }
0x2f: {  	_ =	sdelay $0x3  }
0x30: {  	s2 =	smulhi.u32 $0xAAAAAAAB, s0;
	_ =	sdelay $0x1  }
0x31: {  	s2 =	sshrl.u32 s2, $0x1  }
0x32: {  	s2 =	smul.u32 $0x3, s2;
	_ =	sdelay $0x1  }
0x33: {  	s2 =	ssub.s32 s0, s2  }
0x34: {  	s2 =	smul.u32 $0x7D00, s2  }
0x35: {  	_ =	swait.ge [sflag:s7], $0x1F40  }
0x36: {  	[sflag:s7] =	ssyncset.done $0x0;
	s2 =	sshrl.u32 s2, $0x2  }
0x37: {  	[sflag:s7] =	ssyncadd.s32 $0xFFFFE0C0;
	(ifvalue) =	ssetifvalue $0xFFFFFFFF;
	v3 =	vld.msk [tilespmem:s2+$0x100 ss:$0x1], $0xffff;
	_ =	sdelay $0x2  }
0x38: {  	s30 =	smulhi.u32 $0xAAAAAAAB, s18;
	p1 =	sne.s32 s24, $0x1  }
0x39: {  	v4 =	vimm.s32 @!p1 $0x0  }
0x3a: {  	s2 =	sshrl.u32 s30, $0x1;
	v4 =	vperm.xlane @!p1 v3, v4  }
0x3b: {  	s22 =	sshll.u32 s24, $0x4;
	s2 =	smul.u32 $0xFFFE8900, s2;
	vm4 =	vlt.u32 v3, $0x2800  }
0x3c: {  	s22 =	sand.u32 $0x10, s22;
	v3 =	vnsel vm4, $0xFFFFFFFE, v3;
	vm4 =	vlt.u32 @!p1 v4, $0x2800  }
0x3d: {  	s2 =	sshra.s32 s2, $0x2;
	[tilespmem:s22+$0x60] =	vst v3;
	v3 =	vnsel @!p1 vm4, $0xFFFFFFFE, v4  }
0x3e: {  	s28 =	sadd.s32 s2, s17;
	[tilespmem:$0x80] =	vst @!p1 v3  }
0x3f: {  	v3 =	vld.msk [tilespmem:s28+$0x0 ss:$0x1], $0xffff;
	_ =	sdelay $0x4  }
0x40: {  	(xrf1) =	vunique.msk.u32 $0xffff, v3;
	_ =	sdelay $0xd  }
0x41: {  	v4 =	vimm.s32 $0xFFFFFFFF;
	v5, _, _ =	vpop (xrf1)  }
0x42: {  	vm5 =	vne.s32 v3, v4;
	vm4 =	veq.s32 v5, v2  }
0x43: {  	vm6 =	vlt.u32 v3, $0x2800;
	vm4 =	vmand vm5, vm4  }
0x44: {  	vm4 =	vmand vm6, vm4  }
0x45: {  	v4 =	vnsel vm4, $0xFFFFFFFF, v3  }
0x46: {  	s31 =	sand.u32 $0x1, s0  }
0x47: {  	s0 =	simm.s32 $0x1F40;
	p1 =	seq.s32 s31, $0x1  }
0x48: {  	s0 =	simm.s32 @!p1 $0x0  }
0x49: {  	s26 =	sadd.s32 $0x7DF0, s0;
	(ifvalue) =	ssetifvalue $0xFFFFFFFF  }
0x4a: {  	v3 =	vperm.xlane v3, v1;
	[tilespmem:s26], [sflag:$0x8] =	stream.indirect_vreg.gather [hbm4b:s1+s16], $0x1, v4, vm0, $0x4038;
	v4 =	vnsel vm6, $0xFFFFFFFE, v4;
	[tilespmem:$0x11A60] =	vst v63  }
0x4b: {  	s2 =	simm.s32 $0x0;
	s22 =	sadd.s32 $0xFFFFFFF0, s28;
	[tilespmem:s28+$0x0] =	vst v4  }
.LBB2_3:
0x4c: {  	v4 =	vld.msk [tilespmem:s22+$0x0 ss:$0x1], $0xffff;
	s2 =	sadd.s32 $0x10, s2;
	v5 =	vmov v3;
	s28 =	smov.u32 s22  }
0x4d: {  	p1 =	slt.u32 s2, $0x1F30;
	_ =	sdelay $0x4  }
0x4e: {  	v3 =	vperm.xlane v4, v1;
	(xrf1) =	vunique.msk.u32 $0xffff, v4;
	_ =	sdelay $0xd  }
0x4f: {  	v6, _, _ =	vpop (xrf1)  }
0x50: {  	vm5 =	vne.s32 v4, v5;
	vm4 =	veq.s32 v6, v2  }
0x51: {  	vm6 =	vlt.u32 v4, $0x2800;
	vm4 =	vmand vm5, vm4  }
0x52: {  	vm4 =	vmand vm6, vm4  }
0x53: {  	v4 =	vnsel vm4, $0xFFFFFFFF, v4  }
.Ltmp3:
0x54: {  	v5 =	vnsel vm6, $0xFFFFFFFE, v4;
	(pc) =	sbr.rel @p1 .LBB2_3-.Ltmp3, $3  }
0x55: {  	_ =	sdelay $0x1  }
0x56: {  	s22 =	sadd.s32 $0xFFFFFFF0, s22;
	s26 =	sadd.s32 $0xFFFFFFF0, s26;
	(ifvalue) =	ssetifvalue $0xFFFFFFFF  }
0x57: {  	[tilespmem:s26], [sflag:$0x8] =	stream.indirect_vreg.gather [hbm4b:s1+s16], $0x1, v4, vm0, $0x4038;
	[tilespmem:s28+$0x0] =	vst v5  }
0x58: {  	s2 =	sshrl.u32 s25, $0x3  }
0x59: {  	s0 =	sadd.s32 $0x9D40, s0;
	s2 =	sadd.s32 s6, s2  }
0x5a: {  	[tilespmem:s0], [sflag:$0x8] =	stream.linear.gather [hbm:s2], $0x1F40, $0x38;
	[tilespmem:$0x11A60] =	vst v63  }
.LBB2_5:
0x5b: {  	p1 =	slt.u32 s24, $0x2  }
0x5c: {  	p2 =	sge.u32 @!p1 s24, s12  }
0x5d: {  	p1 =	por p1, p2  }
.Ltmp4:
0x5e: {  	_ = 	snop;
	(pc) =	sbr.rel @p1 .LBB2_9-.Ltmp4, $1  }
0x5f: {  	_ =	sdelay $0x3  }
0x60: {  	s0 =	sadd.s32 $0xFFFFFFFE, s24  }
0x61: {  	s2 =	smulhi.u32 $0xAAAAAAAB, s0;
	_ =	sdelay $0x1  }
0x62: {  	s2 =	sshrl.u32 s2, $0x1  }
0x63: {  	s2 =	smul.u32 $0x3, s2;
	_ =	sdelay $0x1  }
0x64: {  	s0 =	ssub.s32 s0, s2  }
0x65: {  	_ =	swait.ge [sflag:s8], $0x3E80;
	s0 =	smul.u32 $0x1F40, s0  }
0x66: {  	p1 =	sne.s32 s24, s11;
	[sflag:s8] =	ssyncset.done $0x0  }
0x67: {  	[sflag:s8] =	ssyncadd.s32 $0xFFFFC180;
	s2 =	sadd.s32 @!p1 $0x203F, s0  }
0x68: {  	[spmem:s13] =	stream.linear.scatter @!p1 [tilespmem:s2], [sflag:$0x1], $0x1, $0x38;
	[tilespmem:$0x11A60] =	vst v63  }
0x69: {  	s2 =	simm.s32 @!p1 $0x1  }
0x6a: {  	_ =	swait.ge @!p1 [sflag:s2], $0x1  }
0x6b: {  	s22 =	sshll.u32 s24, $0x4;
	[sflag:s2] =	ssyncset.done @!p1 $0x0  }
0x6c: {  	s25 =	sand.u32 $0x10, s22;
	[sflag:s2] =	ssyncadd.s32 @!p1 $0xFFFFFFFF  }
0x6d: {  	s2 =	sxor.u32 $0x10, s25;
	v4 =	vld [tilespmem:s25+$0x10]  }
0x6e: {  	v5 =	vld [tilespmem:s2+$0x60]  }
0x6f: {  	v3 =	vld [tilespmem:$0x80];
	_ =	sdelay $0x2  }
0x70: {  	(v2sf) =	vpush v4, $0x0  }
0x71: {  	(v2sf) =	vpush v5, $0x0  }
0x72: {  	(v2sf) =	vpush v3, $0x0;
	_ =	sdelay $0xc  }
0x73: {  	s22 =	spop (v2sf)  }
0x74: {  	s26 =	spop (v2sf)  }
0x75: {  	s28 =	spop (v2sf)  }
0x76: {  	p2 =	seq.s32 s22, s26;
	p3 =	seq.s32 s28, s22  }
0x77: {  	p3 =	por p2, p3  }
0x78: {  	s26 =	sand.u32 $0x1, s24;
	v4 =	vpsel p3, $0xFFFFFFFF, v4  }
0x79: {  	s29 =	smul.u32 $0x1F40, s26;
	[tilespmem:s25+$0x10] =	vst.msk $0x1, v4  }
0x7a: {  	v4 =	vld [tilespmem:$0x30]  }
0x7b: {  	v5 =	vld [tilespmem:s29+$0x9D40]  }
0x7c: {  	v6 =	vld [tilespmem:s25+$0x40];
	_ =	sdelay $0x3  }
0x7d: {  	vm4 =	vmmov vm1;
	v5 =	vadd.f32 v5, v4  }
0x7e: {  	vm5 =	vmmov vm2;
	vm4 =	vmmov @p2 vm2;
	s22 =	sshll.u32 s26, $0x4;
	v4 =	vadd.f32 v6, v4  }
0x7f: {  	s26 =	sor.u32 $0x11A40, s22;
	vm5 =	vmmov @p3 vm1;
	[tilespmem:s29+$0x9D40] =	vst.msk vm4, v5  }
0x80: {  	[tilespmem:s26+$0x0] =	vst.msk vm5, v4  }
0x81: {  	v4 =	vld [tilespmem:s29+$0x7DF0];
	_ =	sdelay $0x3  }
0x82: {  	v5 =	vimm.f32 $0.0e+00  }
0x83: {  	v4 =	vshift.insert v4, v5, s21  }
0x84: {  	s22 =	sor.u32 $0x40, s2  }
0x85: {  	[tilespmem:s22+$0x0] =	vst.msk $0x1, v4  }
0x86: {  	[tilespmem:s29+$0x7DFF] =	vst.msk $0x1, v5  }
0x87: {  	v4 =	vld [tilespmem:s0+$0x2030];
	_ =	sdelay $0x1  }
0x88: {  	s22 =	smulhi.u32 $0xAAAAAAAB, s20;
	s0 =	simm.s32 $0x1  }
0x89: {  	s0 =	simm.s32 @!p0 $0x0  }
0x8a: {  	s22 =	sshrl.u32 s22, $0x1;
	s0 =	smul.u32 $0x7D00, s0  }
0x8b: {  	s22 =	smul.u32 $0xFFFE8900, s22;
	v4 =	vshift.insert v4, v1, s21  }
0x8c: {  	s0 =	sshrl.u32 s0, $0x2  }
0x8d: {  	s22 =	sshra.s32 s22, $0x2;
	s30 =	sadd.s32 $0x9D40, s0;
	[tilespmem:s2+$0x10] =	vst.msk $0x1, v4  }
0x8e: {  	s22 =	sadd.s32 s22, s19;
	v6 =	vld [tilespmem:s30+$0x0]  }
0x8f: {  	v7 =	vld [tilespmem:s22+$0x0];
	_ =	sdelay $0x3  }
0x90: {  	v5 =	vadd.f32 v6, v5  }
0x91: {  	vm4 =	vne.s32 v7, $0xFFFFFFFF  }
0x92: {  	(xrf2) =	vadd.seg.scan.f32 vm4, v5;
	_ =	sdelay $0x3  }
0x93: {  	s31 =	sadd.s32 $0x5EC0, s0;
	v5 =	vperm.xlane v4, v1  }
0x94: {  	v6 =	vld [tilespmem:s31+$0x0]  }
0x95: {  	vm5 =	veq.s32 v7, v3;
	vm6 =	veq.s32 v7, v5  }
0x96: {  	vm7 =	vgt.u32 v7, $0xFFFFFFFD;
	vm6 =	vmor vm6, vm5  }
0x97: {  	vm6 =	vmor vm6, vm7  }
0x98: {  	v9 =	vld [tilespmem:$0xA0];
	v7 =	vsel vm6, $0xFFFFFFFF, v7  }
0x99: {  	v10 =	vld [tilespmem:$0x90];
	v6 =	vsel vm5, $0x0, v6;
	v8, _, _ =	vpop (xrf2)  }
0x9a: {  	v6 =	vadd.f32 v8, v6  }
0x9b: {  	s0 =	sadd.s32 $0xDBC0, s0  }
0x9c: {  	vm4 =	vmand vm4, vm3;
	[tilespmem:s0+$0x0] =	vst v6;
	(ifvalue) =	ssetifvalue $0xFFFFFFFF  }
0x9d: {  	vm6 =	veq.s32 v9, $0x1;
	[hbm4b:s1+s16] =	stream.indirect_vreg.scatter [tilespmem:s0], [sflag:$0x2], $0x1, v7, vm0, $0x4038;
	v7 =	vsel vm4, $0x0, v8;
	[tilespmem:$0x11A60] =	vst v63  }
0x9e: {  	s2 =	simm.s32 $0x0;
	s22 =	sadd.s32 $0x10, s22;
	vm4 =	vmor vm6, vm5;
	v6 =	vsel vm5, v8, v10;
	v7 =	vshift.insert v7, v0, s21  }
.LBB2_7:
0x9f: {  	v8 =	vld [tilespmem:s22+$0x0];
	s30 =	sadd.s32 $0x10, s30  }
0xa0: {  	s31 =	sadd.s32 $0x10, s31;
	v9 =	vld [tilespmem:s30+$0x0]  }
0xa1: {  	s2 =	sadd.s32 $0x10, s2;
	v10 =	vld [tilespmem:s31+$0x0]  }
0xa2: {  	p2 =	slt.u32 s2, $0x1F30;
	_ =	sdelay $0x2  }
0xa3: {  	v7 =	vadd.f32 v9, v7  }
0xa4: {  	vm5 =	vne.s32 v8, $0xFFFFFFFF  }
0xa5: {  	vm6 =	vmand vm5, vm3;
	(xrf2) =	vadd.seg.scan.f32 vm5, v7;
	_ =	sdelay $0x5  }
0xa6: {  	vm7 =	veq.s32 v8, v5;
	vm5 =	veq.s32 v8, v3  }
0xa7: {  	vm8 =	vgt.u32 v8, $0xFFFFFFFD;
	vm4 =	vmor vm4, vm5;
	vm7 =	vmor vm7, vm5  }
0xa8: {  	vm7 =	vmor vm7, vm8  }
0xa9: {  	v8 =	vsel vm7, $0xFFFFFFFF, v8  }
.Ltmp5:
0xaa: {  	v7 =	vsel vm5, $0x0, v10;
	v9, _, _ =	vpop (xrf2);
	(pc) =	sbr.rel @p2 .LBB2_7-.Ltmp5, $4  }
0xab: {  	v6 =	vsel vm5, v9, v6;
	v10 =	vadd.f32 v9, v7;
	v7 =	vsel vm6, $0x0, v9  }
0xac: {  	s0 =	sadd.s32 $0x10, s0;
	v7 =	vshift.insert v7, v0, s21  }
0xad: {  	s22 =	sadd.s32 $0x10, s22;
	[tilespmem:s0+$0x0] =	vst v10;
	(ifvalue) =	ssetifvalue $0xFFFFFFFF  }
0xae: {  	[hbm4b:s1+s16] =	stream.indirect_vreg.scatter [tilespmem:s0], [sflag:$0x2], $0x1, v8, vm0, $0x4038;
	[tilespmem:$0x11A60] =	vst v63  }
0xaf: {  	v3 =	vld [tilespmem:s29+$0xFAF0];
	_ =	sdelay $0x4  }
0xb0: {  	v3 =	vshift.insert v3, v0, s21  }
0xb1: {  	s0 =	simm.s32 $0x30  }
0xb2: {  	[tilespmem:s0+$0x0] =	vst.msk $0x1, v3  }
0xb3: {  	v3 =	vsel vm4, $0x1, v1;
	[tilespmem:$0x90] =	vst v6  }
0xb4: {  	s0 =	sadd.s32 @!p1 $0xFAFF, s29;
	[tilespmem:$0xA0] =	vst v3  }
0xb5: {  	[spmem:s14] =	stream.linear.scatter @!p1 [tilespmem:s0], [sflag:$0x1], $0x1, $0x38;
	[tilespmem:$0x11A60] =	vst v63  }
0xb6: {  	s0 =	simm.s32 @!p1 $0x1  }
0xb7: {  	v3 =	vmctz.xlane @!p1 vm4;
	_ =	swait.ge @!p1 [sflag:s0], $0x1  }
0xb8: {  	(v2sf) =	vpush @!p1 v4, $0x0  }
0xb9: {  	(v2sf) =	vpush @!p1 v3, $0x0;
	_ =	sdelay $0xd  }
0xba: {  	s2 =	spop @!p1 (v2sf)  }
0xbb: {  	s22 =	spop @!p1 (v2sf)  }
0xbc: {  	p2 =	sne.s32 @!p1 s28, s2;
	p3 =	slt.s32 @!p1 s22, $0xF  }
0xbd: {  	[sflag:s0] =	ssyncset.done @!p1 $0x0;
	p2 =	por p2, p1;
	p3 =	por !p3, p1  }
0xbe: {  	[sflag:s0] =	ssyncadd.s32 @!p1 $0xFFFFFFFF;
	v3 =	vimm.s32 @!p2 $0xFFFFFFFF;
	s22 =	simm.s32 @p3 $0xF  }
0xbf: {  	[tilespmem:$0x80] =	vst @!p2 v3;
	s2 =	sadd.s32 @!p1 $0x90, s22  }
0xc0: {  	[spmem:s10] =	stream.linear.scatter @!p1 [tilespmem:s2], [sflag:$0x1], $0x1, $0x38;
	[tilespmem:$0x11A60] =	vst v63  }
0xc1: {  	_ =	swait.ge @!p1 [sflag:s0], $0x1  }
0xc2: {  	[sflag:s0] =	ssyncset.done @!p1 $0x0  }
0xc3: {  	s2 =	simm.s32 @!p1 $0x80;
	[sflag:s0] =	ssyncadd.s32 @!p1 $0xFFFFFFFF  }
0xc4: {  	[spmem:s15] =	stream.linear.scatter @!p1 [tilespmem:s2], [sflag:$0x1], $0x1, $0x38;
	[tilespmem:$0x11A60] =	vst v63  }
0xc5: {  	_ =	swait.ge @!p1 [sflag:s0], $0x1  }
0xc6: {  	[sflag:s0] =	ssyncset.done @!p1 $0x0  }
0xc7: {  	[sflag:s0] =	ssyncadd.s32 @!p1 $0xFFFFFFFF;
	(ifvalue) =	ssetifvalue $0xFFFFFFFF;
	v3 =	vld [tilespmem:s25+$0x10];
	_ =	sdelay $0x3  }
.Ltmp6:
0xc8: {  	_ = 	snop;
	(pc) =	sbr.rel .LBB2_9-.Ltmp6, $3  }
0xc9: {  	_ =	sdelay $0x1  }
0xca: {  	(ifvalue) =	ssetifvalue $0xFFFFFFFF  }
0xcb: {  	[hbm4b:s1+s16] =	stream.indirect_vreg.scatter [tilespmem:s26], [sflag:$0x9], $0x1, v3, vm0, $0x4038;
	[tilespmem:$0x11A60] =	vst v63  }
.LBB2_10:
0xcc: {  	_ =	sfence.sel $0x180000  }
0xcd: {  	s0 =	simm.s32 $0x7;
	[bflag:$0x0] =	sbarrier.arrive $0xFFFF  }
0xce: {  	s26 =	simm.s32 $0x8;
	[sflag:s0] =	ssyncpa.u1 $0x1  }
0xcf: {  	s28 =	simm.s32 $0x9;
	[sflag:s26] =	ssyncpa.u1 $0x1  }
0xd0: {  	[sflag:s28] =	ssyncpa.u1 $0x1  }
0xd1: {  	_ =	sfence.stream.spmem  }
0xd2: {  	s29 =	simm.s32 $0x3;
	[bflag:$0x0] =	sbarrier.arrive $0xFFFF  }
0xd3: {  	s30 =	simm.s32 $0x4;
	[sflag:s29] =	ssyncpa.u1 $0x1  }
0xd4: {  	s31 =	simm.s32 $0x3C;
	s2 =	stileid.u32;
	[sflag:s30] =	ssyncpa.u1 $0x1  }
0xd5: {  	p0 =	sne.s32 s2, $0x0;
	[sflag:s31] =	ssyncpa.u1 $0x1  }
0xd6: {  	s0 =	simm.s32 @p0 $0x1;
	_ =	sfence @p0  }
0xd7: {  	[sflag:s0] =	ssyncpa.u1 @p0 $0x1;
	s0 =	simm.s32 @p0 $0x2  }
0xd8: {  	[sflag:s0] =	ssyncpa.u1 @p0 $0x1  }
0xd9: {  	_ =	strace @p0 $0x90000047  }
0xda: {  	[bflag:$0x2] =	sbarrier.arrive @p0 $0xFFFF  }
0xdb: {  	_ =	shalt @p0  }
.LBB2_11:
0xdc: {  	_ =	sfence.stream.spmem;
	s0 =	simm.s32 $0x5  }
0xdd: {  	s2 =	simm.s32 $0x80;
	s3 =	simm.s32 $0xC0;
	[sflag:s0] =	ssyncpa.u1 $0x0  }
0xde: {  	[tilespmem:s3], [sflag:$0x5] =	stream.linear.gather [spmem:s2], $0x20, $0x38;
	[tilespmem:$0x11A60] =	vst v63  }
0xdf: {  	s2 =	simm.s32 $0x0;
	s3 =	simm.s32 $0xE0  }
0xe0: {  	[tilespmem:s3], [sflag:$0x5] =	stream.linear.gather [spmem:s2], $0x20, $0x38;
	[tilespmem:$0x11A60] =	vst v63  }
.Ltmp7:
0xe1: {  	_ = 	snop;
	(pc) =	sbr.rel .LBB2_12-.Ltmp7, $4  }
0xe2: {  	_ =	swait.ge [sflag:s0], $0x40  }
0xe3: {  	[sflag:s0] =	ssyncset.done $0x0  }
0xe4: {  	s31 =	simm.s32 $0x6;
	[sflag:s0] =	ssyncadd.s32 $0xFFFFFFC0  }
0xe5: {  	s4 =	simm.s32 $0x0;
	[sflag:s31] =	ssyncpa.u1 $0x0  }
.LBB2_17:
0xe6: {  	p0 =	sgt.u32 s5, $0x27FF  }
0xe7: {  	s0 =	sshrl.u32 @!p0 s5, $0x3  }
0xe8: {  	s5 =	sand.u32 @!p0 $0x7, s5;
	s6 =	simm.s32 @!p0 $0xB0;
	s0 =	sadd.s32 @!p0 s1, s0  }
0xe9: {  	[tilespmem:s6], [sflag:$0x6] =	stream.linear.gather @!p0 [hbm4b:s0+s5], $0x1, $0x38;
	[tilespmem:$0x11A60] =	vst v63  }
0xea: {  	s0 =	simm.s32 @!p0 $0x6  }
0xeb: {  	_ =	swait.ge @!p0 [sflag:s0], $0x1  }
0xec: {  	[sflag:s0] =	ssyncset.done @!p0 $0x0  }
0xed: {  	[sflag:s0] =	ssyncadd.s32 @!p0 $0xFFFFFFFF  }
0xee: {  	v2 =	vmov @!p0 s4;
	v1 =	vld.msk @!p0 [tilespmem:$0xB0], $0x1;
	_ =	sdelay $0x3  }
0xef: {  	s0 =	simm.s32 @!p0 $0xE0  }
0xf0: {  	[tilespmem:v2+s0+$0x0], v1 =	vst.idx.ret.add.f32.msk @!p0 $0x1, v1  }
0xf1: {  	[tilespmem:s2+$0xC0] =	vst.msk $0x1, v0  }
0xf2: {  	v0 =	vld.msk [tilespmem:s4+$0xE0], $0x1;
	_ =	sdelay $0x4  }
0xf3: {  	[tilespmem:s2+$0xE0] =	vst.msk $0x1, v0;
	s2 =	sadd.s32 $0x1, s2  }
.LBB2_19:
0xf4: {  	s4 =	sadd.s32 $0x1, s4  }
0xf5: {  	p0 =	sne.s32 s4, $0x20  }
.Ltmp8:
0xf6: {  	_ = 	snop;
	(pc) =	sbr.rel @!p0 .LBB2_20-.Ltmp8, $1  }
0xf7: {  	_ =	sdelay $0x3  }
.LBB2_12:
0xf8: {  	v0 =	vld.msk [tilespmem:s4+$0xC0], $0x1;
	_ =	sdelay $0x4  }
0xf9: {  	(v2sf) =	vpush v0, $0x0;
	_ =	sdelay $0xe  }
0xfa: {  	s5 =	spop (v2sf)  }
0xfb: {  	p0 =	seq.s32 s5, $0xFFFFFFFF  }
.Ltmp9:
0xfc: {  	_ = 	snop;
	(pc) =	sbr.rel @p0 .LBB2_19-.Ltmp9, $1  }
0xfd: {  	_ =	sdelay $0x3  }
0xfe: {  	p0 =	slt.s32 s2, $0x1  }
.Ltmp10:
0xff: {  	_ = 	snop;
	(pc) =	sbr.rel @p0 .LBB2_17-.Ltmp10, $1  }
0x100: {  	_ =	sdelay $0x3  }
0x101: {  	s0 =	simm.s32 $0xC0;
	p0 =	por $0x0, $0x0  }
0x102: {  	v1 =	vld.msk @!p0 [tilespmem:s0+$0x0], $0x1;
	_ =	sdelay $0x4  }
0x103: {  	(v2sf) =	vpush @!p0 v1, $0x0;
	_ =	sdelay $0xd  }
0x104: {  	p2 =	sne.s32 s2, $0x1  }
.Ltmp11:
0x105: {  	s6 =	spop @!p0 (v2sf);
	(pc) =	sbr.rel @!p2 .LBB2_16-.Ltmp11, $4  }
0x106: {  	p1 =	seq.s32 @!p0 s5, s6  }
0x107: {  	s6 =	simm.s32 $0x0;
	p1 =	por !p1, p0  }
0x108: {  	s8 =	simm.s32 $0xFFFFFFFF;
	s6 =	simm.s32 @p1 $0xFFFFFFFF  }
0x109: {  	s7 =	simm.s32 $0x1;
	s6 =	smov.u32 @p0 s8  }
.LBB2_15:
0x10a: {  	s8 =	smov.u32 s6;
	p0 =	sne.s32 s6, $0xFFFFFFFF  }
0x10b: {  	s0 =	sadd.s32 $0x1, s0;
	s6 =	smov.u32 s7;
	s7 =	sadd.s32 $0x1, s7  }
0x10c: {  	p1 =	sne.s32 s2, s7;
	v1 =	vld.msk @!p0 [tilespmem:s0+$0x0], $0x1;
	_ =	sdelay $0x4  }
0x10d: {  	(v2sf) =	vpush @!p0 v1, $0x0;
	_ =	sdelay $0xe  }
.Ltmp12:
0x10e: {  	s9 =	spop @!p0 (v2sf);
	(pc) =	sbr.rel @p1 .LBB2_15-.Ltmp12, $4  }
0x10f: {  	p2 =	seq.s32 @!p0 s5, s9  }
0x110: {  	p2 =	por !p2, p0  }
0x111: {  	s6 =	simm.s32 @p2 $0xFFFFFFFF  }
0x112: {  	s6 =	smov.u32 @p0 s8  }
.LBB2_16:
0x113: {  	p0 =	sne.s32 s6, $0xFFFFFFFF  }
.Ltmp13:
0x114: {  	_ = 	snop;
	(pc) =	sbr.rel @!p0 .LBB2_17-.Ltmp13, $1  }
0x115: {  	_ =	sdelay $0x3  }
0x116: {  	v0 =	vld.msk [tilespmem:s4+$0xE0], $0x1;
	v1 =	vmov s6  }
.Ltmp14:
0x117: {  	_ = 	snop;
	(pc) =	sbr.rel .LBB2_19-.Ltmp14, $2  }
0x118: {  	_ =	sdelay $0x2  }
0x119: {  	[tilespmem:v1+s3+$0x0], v0 =	vst.idx.ret.add.f32.msk $0x1, v0  }
.LBB2_20:
0x11a: {  	p0 =	slt.s32 s2, $0x1  }
.Ltmp15:
0x11b: {  	_ = 	snop;
	(pc) =	sbr.rel @p0 .LBB2_24-.Ltmp15, $3  }
0x11c: {  	_ =	sdelay $0x1  }
0x11d: {  	s0 =	simm.s32 $0x6  }
0x11e: {  	s3 =	simm.s32 $0x0;
	[sflag:s0] =	ssyncpa.u1 $0x1  }
0x11f: {  	s0 =	simm.s32 $0xC0  }
0x120: {  	v0 =	vld.msk [tilespmem:s0+$0x0], $0x1;
	_ =	sdelay $0x4  }
0x121: {  	(v2sf) =	vpush v0, $0x0;
	_ =	sdelay $0xe  }
0x122: {  	s2 =	sadd.s32 $0xFFFFFFFF, s2;
	s4 =	spop (v2sf)  }
0x123: {  	p1 =	sne.s32 s2, $0x0;
	p0 =	sgt.u32 s4, $0x27FF  }
.Ltmp16:
0x124: {  	s5 =	sshrl.u32 @!p0 s4, $0x3;
	(pc) =	sbr.rel @!p1 .LBB2_23-.Ltmp16, $4  }
0x125: {  	s0 =	simm.s32 $0xE0;
	s4 =	sand.u32 @!p0 $0x7, s4;
	s5 =	sadd.s32 @!p0 s1, s5  }
0x126: {  	[hbm4b:s5+s4] =	stream.linear.scatter @!p0 [tilespmem:s0], [sflag:$0x5], $0x1, $0x38;
	[tilespmem:$0x11A60] =	vst v63  }
0x127: {  	s5 =	simm.s32 $0x0  }
0x128: {  	s4 =	simm.s32 $0xC1;
	s5 =	simm.s32 @!p0 $0x4  }
.LBB2_22:
0x129: {  	v0 =	vld.msk [tilespmem:s4+$0x0], $0x1;
	s2 =	sadd.s32 $0xFFFFFFFF, s2;
	s3 =	sadd.s32 s3, s5  }
0x12a: {  	p0 =	sne.s32 s2, $0x0;
	_ =	sdelay $0x3  }
0x12b: {  	(v2sf) =	vpush v0, $0x0;
	_ =	sdelay $0xe  }
.Ltmp17:
0x12c: {  	s6 =	spop (v2sf);
	(pc) =	sbr.rel @p0 .LBB2_22-.Ltmp17, $4  }
0x12d: {  	s5 =	simm.s32 $0x0;
	p1 =	sgt.u32 s6, $0x27FF  }
0x12e: {  	s0 =	sadd.s32 $0x1, s0;
	s5 =	simm.s32 @!p1 $0x4;
	s7 =	sshrl.u32 @!p1 s6, $0x3  }
0x12f: {  	s4 =	sadd.s32 $0x1, s4;
	s6 =	sand.u32 @!p1 $0x7, s6;
	s7 =	sadd.s32 @!p1 s1, s7  }
0x130: {  	[hbm4b:s7+s6] =	stream.linear.scatter @!p1 [tilespmem:s0], [sflag:$0x5], $0x1, $0x38;
	[tilespmem:$0x11A60] =	vst v63  }
.LBB2_23:
0x131: {  	s0 =	sadd.s32 s3, s5  }
0x132: {  	s3 =	sshrl.u32 s0, $0x2  }
.LBB2_24:
0x133: {  	s0 =	simm.s32 $0x5  }
0x134: {  	_ =	swait.ge [sflag:s0], s3  }
0x135: {  	s1 =	ssub.s32 $0x0, s3;
	[sflag:s0] =	ssyncset.done $0x0  }
0x136: {  	[sflag:s0] =	ssyncadd.s32 s1  }
0x137: {  	[sflag:s0] =	ssyncpa.u1 $0x1  }
0x138: {  	s29 =	simm.s32 $0x1;
	_ =	sfence  }
0x139: {  	s30 =	simm.s32 $0x2;
	[sflag:s29] =	ssyncpa.u1 $0x1  }
0x13a: {  	[sflag:s30] =	ssyncpa.u1 $0x1  }
0x13b: {  	_ =	strace $0x90000047  }
0x13c: {  	[bflag:$0x2] =	sbarrier.arrive $0xFFFF  }
0x13d: {  	s31 =	rddreg [dreg:$0x2]  }
0x13e: {  	s0 =	sadd.s32 $0x100000, s31  }
0x13f: {  	[sflag:s0] =	ssyncadd.tile.s32 $0x1;
	_ =	shalt  }
.Lfunc_end2:
_tile_overlayer_lowered:
.L_overlay_start_2:
0x140: {  	(tag) =	ssettag $0x2  }
0x141: {  	s0 =	rddreg [dreg:$0x0];
	s2 =	stileid.u32  }
0x142: {  	s1 =	rddreg [dreg:$0x1];
	p0 =	sne.s32 s2, $0x0  }
0x143: {  	s3 =	rddreg [dreg:$0x2];
	[bflag:$0x3] =	sbarrier.arrive $0xFFFF;
	s2 =	simm.s32 @!p0 $0x1C01  }
0x144: {  	[timem:s3], [sflag:s2] =	dma.local @!p0 [hbm:s0], s1  }
0x145: {  	s0 =	simm.s32 @!p0 $0x1  }
0x146: {  	_ =	swait.ge @!p0 [sflag:s0], s1  }
0x147: {  	s1 =	ssub.s32 @!p0 $0x0, s1;
	[sflag:s0] =	ssyncset.done @!p0 $0x0  }
0x148: {  	[sflag:s0] =	ssyncadd.s32 @!p0 s1  }
0x149: {  	[bflag:$0x3] =	sbarrier.arrive $0xFFFF  }
0x14a: {  	_ =	shalt  }

</sc_bundles>
